<compile_context>
chip_gen: v7x
topology: tpu7x:2x2x1
jax: 0.10.2.dev20260603
libtpu: 0.0.44.dev20260713+nightly
codegen_flags: <defaults>
</compile_context>

<pallas_src>
import functools

import jax
import jax.numpy as jnp
from jax import lax
from jax.experimental import pallas as pl
from jax.experimental.pallas import tpu as pltpu
from jax.experimental.pallas import tpu_sc as plsc

N_SRC = 10000
N_TGT = 10000
E = 320000
D = 128
ALPHA = 0.2

NC = 2
NS = 16
NW = NC * NS
CH = 96
NCHUNK = 106
E_PER_W = CH * NCHUNK
E_PAD = NW * E_PER_W
S_PAD = 10048
ZP = 80
PADN = 10240
RZ = PADN // NS

ROW_BLK = 1000


def _proj_body(src_ref, tgt_ref, wsT_ref, wtT_ref, a_ref, hj_ref, s_ref, t_ref):
    a1 = a_ref[0:D, :]
    a2 = a_ref[D:2 * D, :]
    hj = jnp.dot(tgt_ref[...], wtT_ref[...], preferred_element_type=jnp.float32)
    hb = jax.lax.bitcast_convert_type(
        hj.astype(jnp.bfloat16).astype(jnp.float32), jnp.uint32) >> 16
    hj_ref[...] = hb[:, :D // 2] | (hb[:, D // 2:] << 16)
    hi = jnp.dot(src_ref[...], wsT_ref[...], preferred_element_type=jnp.float32)
    s_ref[...] = jnp.dot(hi, a1, preferred_element_type=jnp.float32)
    t_ref[...] = jnp.dot(hj, a2, preferred_element_type=jnp.float32)


def _sc_body(s_hbm, t_hbm, hj_hbm, si_hbm, ti_hbm, num_out, den_out,
             s_v, t_v, si_v0, si_v1, ti_v0, ti_v1, ev_v0, ev_v1,
             rows_v0, rows_v1, rows_f, num_sh, den_sh,
             sem_i0, sem_i1, sem_g0, sem_g1, sem_s0, sem_s1):
    cid = lax.axis_index("c")
    sid = lax.axis_index("s")
    wid = sid * NC + cid

    si_v = (si_v0, si_v1)
    ti_v = (ti_v0, ti_v1)
    ev_v = (ev_v0, ev_v1)
    rows_v = (rows_v0, rows_v1)
    sem_i = (sem_i0, sem_i1)
    sem_g = (sem_g0, sem_g1)
    sem_s = (sem_s0, sem_s1)

    zero16 = jnp.zeros((16,), jnp.float32)

    @pl.loop(0, CH)
    def _zrows(r):
        for g in range(D // 16):
            rows_f[r, pl.ds(g * 16, 16)] = zero16

    for g in range(CH // 16):
        ev_v0[pl.ds(g * 16, 16)] = zero16

    zbase = sid * RZ

    pltpu.async_copy(s_hbm, s_v, sem_i0)
    pltpu.async_copy(t_hbm, t_v, sem_i1)

    @pl.loop(0, RZ // ZP)
    def _zacc(j):
        pltpu.async_copy(rows_f.at[pl.ds(0, ZP)],
                         num_sh.at[pl.ds(zbase + j * ZP, ZP)], sem_g0)
        pltpu.async_copy(ev_v0.at[pl.ds(0, ZP)],
                         den_sh.at[pl.ds(zbase + j * ZP, ZP)], sem_g1)

    @pl.loop(0, RZ // ZP)
    def _zacc_drain(j):
        pltpu.make_async_copy(rows_f.at[pl.ds(0, ZP)],
                              num_sh.at[pl.ds(zbase + j * ZP, ZP)], sem_g0).wait()
        pltpu.make_async_copy(ev_v0.at[pl.ds(0, ZP)],
                              den_sh.at[pl.ds(zbase + j * ZP, ZP)], sem_g1).wait()

    pltpu.make_async_copy(s_hbm, s_v, sem_i0).wait()
    pltpu.make_async_copy(t_hbm, t_v, sem_i1).wait()

    plsc.subcore_barrier()

    ebase = wid * E_PER_W

    def idx_start(j, b):
        base = ebase + j * CH
        pltpu.async_copy(si_hbm.at[pl.ds(base, CH)], si_v[b], sem_i[b])
        pltpu.async_copy(ti_hbm.at[pl.ds(base, CH)], ti_v[b], sem_i[b])

    def idx_wait(j, b):
        base = ebase + j * CH
        pltpu.make_async_copy(si_hbm.at[pl.ds(base, CH)], si_v[b], sem_i[b]).wait()
        pltpu.make_async_copy(ti_hbm.at[pl.ds(base, CH)], ti_v[b], sem_i[b]).wait()

    def gat_start(b):
        return pltpu.async_copy(hj_hbm.at[ti_v[b]], rows_v[b], sem_g[b])

    def gat_wait(b):
        pltpu.make_async_copy(hj_hbm.at[ti_v[b]], rows_v[b], sem_g[b]).wait()

    def process(j, b, pf_gat, pf_idx):
        nb = 1 - b
        gat_wait(b)
        if pf_gat:
            idx_wait(j + 1, nb)
            gat_start(nb)

        @pl.loop(0, CH // 16)
        def _logits(g):
            sl = pl.ds(g * 16, 16)
            sv = plsc.load_gather(s_v, [si_v[b][sl]])
            tv = plsc.load_gather(t_v, [ti_v[b][sl]])
            e = sv + tv
            e = jnp.where(e > 0.0, e, e * ALPHA)
            e = jnp.clip(e, -30.0, 30.0)
            ev_v[b][sl] = jnp.exp(e)

        @pl.loop(0, CH, unroll=8)
        def _scale(i):
            ev = plsc.load_gather(ev_v[b], [jnp.full((16,), i, jnp.int32)])
            for g in range(D // 32):
                w = rows_v[b][i, pl.ds(g * 16, 16)]
                lo = plsc.bitcast(w << 16, jnp.float32)
                hi = plsc.bitcast(w & jnp.uint32(0xFFFF0000), jnp.float32)
                rows_f[i, pl.ds(g * 16, 16)] = lo * ev
                rows_f[i, pl.ds(D // 2 + g * 16, 16)] = hi * ev

        den_scat = pltpu.async_copy(ev_v[b], den_sh.at[si_v[b]], sem_s[b],
                                    add=True)
        pltpu.sync_copy(rows_f, num_sh.at[si_v[b]], add=True)
        den_scat.wait()
        if pf_idx:
            idx_start(j + 2, b)

    idx_start(0, 0)
    idx_wait(jnp.int32(0), 0)
    gat_start(0)
    idx_start(1, 1)

    @pl.loop(0, (NCHUNK - 2) // 2)
    def _pair(p):
        process(2 * p, 0, True, True)
        process(2 * p + 1, 1, True, True)

    process(jnp.int32(NCHUNK - 2), 0, True, False)
    process(jnp.int32(NCHUNK - 1), 1, False, False)

    plsc.subcore_barrier()

    def _copy_out(nrows):
        off = sid * RZ
        pltpu.async_copy(num_sh.at[pl.ds(off, nrows)],
                         num_out.at[cid, pl.ds(off, nrows)], sem_g0)
        pltpu.async_copy(den_sh.at[pl.ds(off, nrows)],
                         den_out.at[pl.ds(cid * N_SRC + off, nrows)], sem_g1)
        pltpu.make_async_copy(num_sh.at[pl.ds(off, nrows)],
                              num_out.at[cid, pl.ds(off, nrows)], sem_g0).wait()
        pltpu.make_async_copy(den_sh.at[pl.ds(off, nrows)],
                              den_out.at[pl.ds(cid * N_SRC + off, nrows)],
                              sem_g1).wait()

    @pl.when(sid < NS - 1)
    def _full():
        _copy_out(RZ)

    @pl.when(sid == NS - 1)
    def _tail():
        _copy_out(N_SRC - (NS - 1) * RZ)


def _combine_body(num_ref, den_ref, out_ref):
    den = den_ref[0] + den_ref[1] + 1e-8
    x = (num_ref[0] + num_ref[1]) / den
    out_ref[...] = jnp.where(x > 0.0, x, jnp.exp(x) - 1.0)


def kernel(src, tgt, adj, W_src, W_tgt, a):
    f32 = jnp.float32

    grid = N_SRC // ROW_BLK
    hj, s, t = pl.pallas_call(
        _proj_body,
        grid=(grid,),
        in_specs=[
            pl.BlockSpec((ROW_BLK, D), lambda i: (i, 0)),
            pl.BlockSpec((ROW_BLK, D), lambda i: (i, 0)),
            pl.BlockSpec((D, D), lambda i: (0, 0)),
            pl.BlockSpec((D, D), lambda i: (0, 0)),
            pl.BlockSpec((2 * D, 1), lambda i: (0, 0)),
        ],
        out_specs=[
            pl.BlockSpec((ROW_BLK, D // 2), lambda i: (i, 0)),
            pl.BlockSpec((ROW_BLK, 1), lambda i: (i, 0)),
            pl.BlockSpec((ROW_BLK, 1), lambda i: (i, 0)),
        ],
        out_shape=[
            jax.ShapeDtypeStruct((N_TGT, D // 2), jnp.uint32),
            jax.ShapeDtypeStruct((N_SRC, 1), f32),
            jax.ShapeDtypeStruct((N_TGT, 1), f32),
        ],
    )(src, tgt, W_src.T, W_tgt.T, a)

    s_pad = jnp.concatenate([s.reshape(N_SRC), jnp.zeros((S_PAD - N_SRC,), f32)])
    t_flat = t.reshape(N_TGT)
    adj_i = adj.astype(jnp.int32)
    npad = E_PAD - E
    src_p = jnp.concatenate([adj_i[0], jnp.full((npad,), N_SRC, jnp.int32)])
    tgt_p = jnp.concatenate([adj_i[1], jnp.zeros((npad,), jnp.int32)])

    mesh = plsc.VectorSubcoreMesh(core_axis_name="c", subcore_axis_name="s")
    sc_fn = functools.partial(
        pl.kernel,
        out_type=[
            jax.ShapeDtypeStruct((NC, N_SRC, D), f32),
            jax.ShapeDtypeStruct((NC * N_SRC,), f32),
        ],
        mesh=mesh,
        scratch_types=[
            pltpu.VMEM((S_PAD,), f32),
            pltpu.VMEM((N_TGT,), f32),
            pltpu.VMEM((CH,), jnp.int32),
            pltpu.VMEM((CH,), jnp.int32),
            pltpu.VMEM((CH,), jnp.int32),
            pltpu.VMEM((CH,), jnp.int32),
            pltpu.VMEM((CH,), f32),
            pltpu.VMEM((CH,), f32),
            pltpu.VMEM((CH, D // 2), jnp.uint32),
            pltpu.VMEM((CH, D // 2), jnp.uint32),
            pltpu.VMEM((CH, D), f32),
            pltpu.VMEM_SHARED((PADN, D), f32),
            pltpu.VMEM_SHARED((PADN,), f32),
            pltpu.SemaphoreType.DMA,
            pltpu.SemaphoreType.DMA,
            pltpu.SemaphoreType.DMA,
            pltpu.SemaphoreType.DMA,
            pltpu.SemaphoreType.DMA,
            pltpu.SemaphoreType.DMA,
        ],
        compiler_params=pltpu.CompilerParams(
            needs_layout_passes=False, use_tc_tiling_on_sc=False),
    )(_sc_body)
    num_p, den_p = sc_fn(s_pad, t_flat, hj, src_p, tgt_p)

    out = pl.pallas_call(
        _combine_body,
        grid=(grid,),
        in_specs=[
            pl.BlockSpec((NC, ROW_BLK, D), lambda i: (0, i, 0)),
            pl.BlockSpec((NC, ROW_BLK, 1), lambda i: (0, i, 0)),
        ],
        out_specs=pl.BlockSpec((ROW_BLK, D), lambda i: (i, 0)),
        out_shape=jax.ShapeDtypeStruct((N_SRC, D), f32),
    )(num_p, den_p.reshape(NC, N_SRC, 1))
    return out

# --- scband reference (transcript-rebuilt; emitter-appended) ---
"""Pipeline reference for scband-bipartite-graph-attention-layer-87668872446040 (READ-ONLY COPY).

The authoritative reference and input builder live on the scoring server;
editing this copy changes nothing except your own understanding.
"""

import jax, jax.numpy as jnp
import numpy as np

N_SRC = 10000
N_TGT = 10000
E = 320000
D_IN = 128
D_OUT = 128
ALPHA = 0.2

def setup_inputs(seed: int = 0) -> dict:
    key = jax.random.key(seed)
    k1, k2, k3, k4, k5, k6 = jax.random.split(key, 6)
    src = jax.random.normal(k1, (N_SRC, D_IN), dtype=jnp.float32)
    tgt = jax.random.normal(k2, (N_TGT, D_IN), dtype=jnp.float32)
    adj = jax.random.randint(k3, (2, E), 0, N_SRC, dtype=jnp.int64)
    # learned params (nn.Linear weight stored [out, in]; xavier-ish scale)
    W_src = jax.random.normal(k4, (D_OUT, D_IN), dtype=jnp.float32) * (1.0 / np.sqrt(D_IN))
    W_tgt = jax.random.normal(k5, (D_OUT, D_IN), dtype=jnp.float32) * (1.0 / np.sqrt(D_IN))
    a = jax.random.normal(k6, (2 * D_OUT, 1), dtype=jnp.float32) * (1.414 / np.sqrt(2 * D_OUT))
    return {"src": src, "tgt": tgt, "adj": adj, "W_src": W_src, "W_tgt": W_tgt, "a": a}

def reference(src, tgt, adj, W_src, W_tgt, a):
    h_i = src @ W_src.T                      # [N_src, out]
    h_j = tgt @ W_tgt.T                      # [N_tgt, out]
    src_id = adj[0]
    tgt_id = adj[1]
    feat = jnp.concatenate([h_i[src_id], h_j[tgt_id]], axis=1)   # gather: [E, 2*out]
    e = jax.nn.leaky_relu(feat @ a, negative_slope=ALPHA).squeeze(-1)  # [E]
    e = jnp.clip(e, -30.0, 30.0)
    exp_e = jnp.exp(e)
    denom = jax.ops.segment_sum(exp_e, src_id, num_segments=N_SRC)     # scatter-add
    alpha = exp_e / (denom[src_id] + 1e-08)
    # dropout p=0.0 in eval -> identity
    msgs = h_j[tgt_id] * alpha[:, None]                                 # [E, out]
    out = jnp.zeros_like(h_i).at[src_id].add(msgs)                      # scatter-add
    return jax.nn.elu(out)

if __name__ == "__main__":
    import jax
    _d = setup_inputs()
    print(jax.jit(kernel)(*tuple(_d.values())))

</pallas_src>

<mosaic_0001>
#map = affine_map<(d0, d1) -> (0)>
#map1 = affine_map<(d0, d1) -> (0, 0)>
#map2 = affine_map<(d0, d1) -> (0, 0, 0)>
module attributes {stable_mosaic.version = 14 : i64} {
  func.func @_sc_body(%arg0: i32, %arg1: i32, %arg2: memref<10048xf32, #tpu.memory_space<hbm>>, %arg3: memref<10000xf32, #tpu.memory_space<hbm>>, %arg4: memref<10000x64xi32, #tpu.memory_space<hbm>>, %arg5: memref<325632xi32, #tpu.memory_space<hbm>>, %arg6: memref<325632xi32, #tpu.memory_space<hbm>>, %arg7: memref<2x10000x128xf32, #tpu.memory_space<hbm>>, %arg8: memref<20000xf32, #tpu.memory_space<hbm>>, %arg9: memref<10048xf32, #tpu.memory_space<vmem>>, %arg10: memref<10000xf32, #tpu.memory_space<vmem>>, %arg11: memref<96xi32, #tpu.memory_space<vmem>>, %arg12: memref<96xi32, #tpu.memory_space<vmem>>, %arg13: memref<96xi32, #tpu.memory_space<vmem>>, %arg14: memref<96xi32, #tpu.memory_space<vmem>>, %arg15: memref<96xf32, #tpu.memory_space<vmem>>, %arg16: memref<96xf32, #tpu.memory_space<vmem>>, %arg17: memref<96x64xi32, #tpu.memory_space<vmem>>, %arg18: memref<96x64xi32, #tpu.memory_space<vmem>>, %arg19: memref<96x128xf32, #tpu.memory_space<vmem>>, %arg20: memref<10240x128xf32, #tpu.memory_space<vmem_shared>>, %arg21: memref<10240xf32, #tpu.memory_space<vmem_shared>>, %arg22: memref<!tpu.dma_semaphore, #tpu.memory_space<semaphore_mem>>, %arg23: memref<!tpu.dma_semaphore, #tpu.memory_space<semaphore_mem>>, %arg24: memref<!tpu.dma_semaphore, #tpu.memory_space<semaphore_mem>>, %arg25: memref<!tpu.dma_semaphore, #tpu.memory_space<semaphore_mem>>, %arg26: memref<!tpu.dma_semaphore, #tpu.memory_space<semaphore_mem>>, %arg27: memref<!tpu.dma_semaphore, #tpu.memory_space<semaphore_mem>>) attributes {dimension_semantics = [#tpu.dimension_semantics<core_parallel>, #tpu.dimension_semantics<subcore_parallel>], iteration_bounds = array<i64: 2, 16>, scalar_prefetch = 0 : i64, scratch_operands = 19 : i64, tpu.core_type = #tpu.core_type<sc_vector_subcore>, window_params = [{transform_indices = #map}, {transform_indices = #map}, {transform_indices = #map1}, {transform_indices = #map}, {transform_indices = #map}, {transform_indices = #map2}, {transform_indices = #map}]} {
    %mul3A = arith.constant 2 : i32
    %mul3A_0 = arith.muli %arg1, %mul3A : i32
    %add3A = arith.addi %mul3A_0, %arg0 : i32
    %broadcast_in_dim3A = arith.constant 0.000000e+00 : f32
    %broadcast_in_dim3A_1 = vector.broadcast %broadcast_in_dim3A : f32 to vector<16xf32>
    %scan3A = arith.constant 0 : i32
    %scan3A_2 = arith.constant 96 : i32
    %scan3A_3 = arith.addi %scan3A, %scan3A_2 : i32
    %scan3A_4 = arith.constant 1 : i32
    scf.for %scan3A_111 = %scan3A to %scan3A_3 step %scan3A_4  : i32 {
      %mul3A_112 = arith.constant 1 : i32
      %mul3A_113 = arith.muli %scan3A_111, %mul3A_112 : i32
      %add3A_114 = arith.constant 0 : i32
      %add3A_115 = arith.addi %add3A_114, %mul3A_113 : i32
      %swap3A_116 = arith.index_cast %add3A_115 : i32 to index
      %swap3A_117 = arith.constant 0 : index
      %swap3A_118 = tpu.vector_load %arg19[%swap3A_116, %swap3A_117] {strides = array<i32>} : memref<96x128xf32, #tpu.memory_space<vmem>>, vector<16xf32>,
      tpu.vector_store %arg19[%swap3A_116, %swap3A_117], %broadcast_in_dim3A_1 {strides = array<i32>} : memref<96x128xf32, #tpu.memory_space<vmem>>, vector<16xf32>,
      %swap3A_119 = arith.index_cast %add3A_115 : i32 to index
      %swap3A_120 = arith.constant 16 : index
      %swap3A_121 = tpu.vector_load %arg19[%swap3A_119, %swap3A_120] {strides = array<i32>} : memref<96x128xf32, #tpu.memory_space<vmem>>, vector<16xf32>,
      tpu.vector_store %arg19[%swap3A_119, %swap3A_120], %broadcast_in_dim3A_1 {strides = array<i32>} : memref<96x128xf32, #tpu.memory_space<vmem>>, vector<16xf32>,
      %swap3A_122 = arith.index_cast %add3A_115 : i32 to index
      %swap3A_123 = arith.constant 32 : index
      %swap3A_124 = tpu.vector_load %arg19[%swap3A_122, %swap3A_123] {strides = array<i32>} : memref<96x128xf32, #tpu.memory_space<vmem>>, vector<16xf32>,
      tpu.vector_store %arg19[%swap3A_122, %swap3A_123], %broadcast_in_dim3A_1 {strides = array<i32>} : memref<96x128xf32, #tpu.memory_space<vmem>>, vector<16xf32>,
      %swap3A_125 = arith.index_cast %add3A_115 : i32 to index
      %swap3A_126 = arith.constant 48 : index
      %swap3A_127 = tpu.vector_load %arg19[%swap3A_125, %swap3A_126] {strides = array<i32>} : memref<96x128xf32, #tpu.memory_space<vmem>>, vector<16xf32>,
      tpu.vector_store %arg19[%swap3A_125, %swap3A_126], %broadcast_in_dim3A_1 {strides = array<i32>} : memref<96x128xf32, #tpu.memory_space<vmem>>, vector<16xf32>,
      %swap3A_128 = arith.index_cast %add3A_115 : i32 to index
      %swap3A_129 = arith.constant 64 : index
      %swap3A_130 = tpu.vector_load %arg19[%swap3A_128, %swap3A_129] {strides = array<i32>} : memref<96x128xf32, #tpu.memory_space<vmem>>, vector<16xf32>,
      tpu.vector_store %arg19[%swap3A_128, %swap3A_129], %broadcast_in_dim3A_1 {strides = array<i32>} : memref<96x128xf32, #tpu.memory_space<vmem>>, vector<16xf32>,
      %swap3A_131 = arith.index_cast %add3A_115 : i32 to index
      %swap3A_132 = arith.constant 80 : index
      %swap3A_133 = tpu.vector_load %arg19[%swap3A_131, %swap3A_132] {strides = array<i32>} : memref<96x128xf32, #tpu.memory_space<vmem>>, vector<16xf32>,
      tpu.vector_store %arg19[%swap3A_131, %swap3A_132], %broadcast_in_dim3A_1 {strides = array<i32>} : memref<96x128xf32, #tpu.memory_space<vmem>>, vector<16xf32>,
      %swap3A_134 = arith.index_cast %add3A_115 : i32 to index
      %swap3A_135 = arith.constant 96 : index
      %swap3A_136 = tpu.vector_load %arg19[%swap3A_134, %swap3A_135] {strides = array<i32>} : memref<96x128xf32, #tpu.memory_space<vmem>>, vector<16xf32>,
      tpu.vector_store %arg19[%swap3A_134, %swap3A_135], %broadcast_in_dim3A_1 {strides = array<i32>} : memref<96x128xf32, #tpu.memory_space<vmem>>, vector<16xf32>,
      %swap3A_137 = arith.index_cast %add3A_115 : i32 to index
      %swap3A_138 = arith.constant 112 : index
      %swap3A_139 = tpu.vector_load %arg19[%swap3A_137, %swap3A_138] {strides = array<i32>} : memref<96x128xf32, #tpu.memory_space<vmem>>, vector<16xf32>,
      tpu.vector_store %arg19[%swap3A_137, %swap3A_138], %broadcast_in_dim3A_1 {strides = array<i32>} : memref<96x128xf32, #tpu.memory_space<vmem>>, vector<16xf32>,
    }
    %scan3A_5 = arith.constant 96 : i32
    %swap3A = arith.constant 0 : index
    %swap3A_6 = tpu.vector_load %arg15[%swap3A] {strides = array<i32>} : memref<96xf32, #tpu.memory_space<vmem>>, vector<16xf32>,
    tpu.vector_store %arg15[%swap3A], %broadcast_in_dim3A_1 {strides = array<i32>} : memref<96xf32, #tpu.memory_space<vmem>>, vector<16xf32>,
    %swap3A_7 = arith.constant 16 : index
    %swap3A_8 = tpu.vector_load %arg15[%swap3A_7] {strides = array<i32>} : memref<96xf32, #tpu.memory_space<vmem>>, vector<16xf32>,
    tpu.vector_store %arg15[%swap3A_7], %broadcast_in_dim3A_1 {strides = array<i32>} : memref<96xf32, #tpu.memory_space<vmem>>, vector<16xf32>,
    %swap3A_9 = arith.constant 32 : index
    %swap3A_10 = tpu.vector_load %arg15[%swap3A_9] {strides = array<i32>} : memref<96xf32, #tpu.memory_space<vmem>>, vector<16xf32>,
    tpu.vector_store %arg15[%swap3A_9], %broadcast_in_dim3A_1 {strides = array<i32>} : memref<96xf32, #tpu.memory_space<vmem>>, vector<16xf32>,
    %swap3A_11 = arith.constant 48 : index
    %swap3A_12 = tpu.vector_load %arg15[%swap3A_11] {strides = array<i32>} : memref<96xf32, #tpu.memory_space<vmem>>, vector<16xf32>,
    tpu.vector_store %arg15[%swap3A_11], %broadcast_in_dim3A_1 {strides = array<i32>} : memref<96xf32, #tpu.memory_space<vmem>>, vector<16xf32>,
    %swap3A_13 = arith.constant 64 : index
    %swap3A_14 = tpu.vector_load %arg15[%swap3A_13] {strides = array<i32>} : memref<96xf32, #tpu.memory_space<vmem>>, vector<16xf32>,
    tpu.vector_store %arg15[%swap3A_13], %broadcast_in_dim3A_1 {strides = array<i32>} : memref<96xf32, #tpu.memory_space<vmem>>, vector<16xf32>,
    %swap3A_15 = arith.constant 80 : index
    %swap3A_16 = tpu.vector_load %arg15[%swap3A_15] {strides = array<i32>} : memref<96xf32, #tpu.memory_space<vmem>>, vector<16xf32>,
    tpu.vector_store %arg15[%swap3A_15], %broadcast_in_dim3A_1 {strides = array<i32>} : memref<96xf32, #tpu.memory_space<vmem>>, vector<16xf32>,
    %mul3A_17 = arith.constant 640 : i32
    %mul3A_18 = arith.muli %arg1, %mul3A_17 : i32
    tpu.enqueue_dma source(%arg2 : memref<10048xf32, #tpu.memory_space<hbm>>) target(%arg9 : memref<10048xf32, #tpu.memory_space<vmem>>) target_semaphore(%arg22 : memref<!tpu.dma_semaphore, #tpu.memory_space<semaphore_mem>>)
    tpu.enqueue_dma source(%arg3 : memref<10000xf32, #tpu.memory_space<hbm>>) target(%arg10 : memref<10000xf32, #tpu.memory_space<vmem>>) target_semaphore(%arg23 : memref<!tpu.dma_semaphore, #tpu.memory_space<semaphore_mem>>)
    %scan3A_19 = arith.constant 0 : i32
    %scan3A_20 = arith.constant 8 : i32
    %scan3A_21 = arith.addi %scan3A_19, %scan3A_20 : i32
    %scan3A_22 = arith.constant 1 : i32
    scf.for %scan3A_111 = %scan3A_19 to %scan3A_21 step %scan3A_22  : i32 {
      %mul3A_112 = arith.constant 1 : i32
      %mul3A_113 = arith.muli %scan3A_111, %mul3A_112 : i32
      %add3A_114 = arith.constant 0 : i32
      %add3A_115 = arith.addi %add3A_114, %mul3A_113 : i32
      %mul3A_116 = arith.constant 80 : i32
      %mul3A_117 = arith.muli %add3A_115, %mul3A_116 : i32
      %add3A_118 = arith.addi %mul3A_18, %mul3A_117 : i32
      %dma_start3A_119 = arith.constant 0 : i32
      %dma_start3A_120 = arith.constant 0 : i32
      %dma_start3A_121 = tpu.memref_slice %arg19[%dma_start3A_119, %dma_start3A_120] : memref<96x128xf32, #tpu.memory_space<vmem>> -> memref<80x128xf32, #tpu.memory_space<vmem>>
      %dma_start3A_122 = arith.constant 0 : i32
      %dma_start3A_123 = tpu.memref_slice %arg20[%add3A_118, %dma_start3A_122] : memref<10240x128xf32, #tpu.memory_space<vmem_shared>> -> memref<80x128xf32, #tpu.memory_space<vmem_shared>>
      %dma_start3A_124 = arith.constant 0 : i32
      %dma_start3A_125 = tpu.memref_slice %arg20[%add3A_118, %dma_start3A_124] : memref<10240x128xf32, #tpu.memory_space<vmem_shared>> -> memref<80x128xf32, #tpu.memory_space<vmem_shared>>
      %dma_start3A_126 = arith.constant 0 : i32
      %dma_start3A_127 = arith.constant 0 : i32
      %dma_start3A_128 = tpu.memref_slice %arg19[%dma_start3A_126, %dma_start3A_127] : memref<96x128xf32, #tpu.memory_space<vmem>> -> memref<80x128xf32, #tpu.memory_space<vmem>>
      tpu.enqueue_dma source(%dma_start3A_128 : memref<80x128xf32, #tpu.memory_space<vmem>>) target(%dma_start3A_125 : memref<80x128xf32, #tpu.memory_space<vmem_shared>>) target_semaphore(%arg24 : memref<!tpu.dma_semaphore, #tpu.memory_space<semaphore_mem>>)
      %mul3A_129 = arith.constant 80 : i32
      %mul3A_130 = arith.muli %add3A_115, %mul3A_129 : i32
      %add3A_131 = arith.addi %mul3A_18, %mul3A_130 : i32
      %dma_start3A_132 = arith.constant 0 : i32
      %dma_start3A_133 = tpu.memref_slice %arg15[%dma_start3A_132] : memref<96xf32, #tpu.memory_space<vmem>> -> memref<80xf32, #tpu.memory_space<vmem>>
      %dma_start3A_134 = tpu.memref_slice %arg21[%add3A_131] : memref<10240xf32, #tpu.memory_space<vmem_shared>> -> memref<80xf32, #tpu.memory_space<vmem_shared>>
      %dma_start3A_135 = tpu.memref_slice %arg21[%add3A_131] : memref<10240xf32, #tpu.memory_space<vmem_shared>> -> memref<80xf32, #tpu.memory_space<vmem_shared>>
      %dma_start3A_136 = arith.constant 0 : i32
      %dma_start3A_137 = tpu.memref_slice %arg15[%dma_start3A_136] : memref<96xf32, #tpu.memory_space<vmem>> -> memref<80xf32, #tpu.memory_space<vmem>>
      tpu.enqueue_dma source(%dma_start3A_137 : memref<80xf32, #tpu.memory_space<vmem>>) target(%dma_start3A_135 : memref<80xf32, #tpu.memory_space<vmem_shared>>) target_semaphore(%arg25 : memref<!tpu.dma_semaphore, #tpu.memory_space<semaphore_mem>>)
    }
    %scan3A_23 = arith.constant 8 : i32
    %scan3A_24 = arith.constant 0 : i32
    %scan3A_25 = arith.constant 8 : i32
    %scan3A_26 = arith.addi %scan3A_24, %scan3A_25 : i32
    %scan3A_27 = arith.constant 1 : i32
    scf.for %scan3A_111 = %scan3A_24 to %scan3A_26 step %scan3A_27  : i32 {
      %mul3A_112 = arith.constant 1 : i32
      %mul3A_113 = arith.muli %scan3A_111, %mul3A_112 : i32
      %add3A_114 = arith.constant 0 : i32
      %add3A_115 = arith.addi %add3A_114, %mul3A_113 : i32
      %mul3A_116 = arith.constant 80 : i32
      %mul3A_117 = arith.muli %add3A_115, %mul3A_116 : i32
      %add3A_118 = arith.addi %mul3A_18, %mul3A_117 : i32
      %dma_wait3A_119 = arith.constant 0 : i32
      %dma_wait3A_120 = arith.constant 0 : i32
      %dma_wait3A_121 = tpu.memref_slice %arg19[%dma_wait3A_119, %dma_wait3A_120] : memref<96x128xf32, #tpu.memory_space<vmem>> -> memref<80x128xf32, #tpu.memory_space<vmem>>
      %dma_wait3A_122 = arith.constant 0 : i32
      %dma_wait3A_123 = tpu.memref_slice %arg20[%add3A_118, %dma_wait3A_122] : memref<10240x128xf32, #tpu.memory_space<vmem_shared>> -> memref<80x128xf32, #tpu.memory_space<vmem_shared>>
      %dma_wait3A_124 = arith.constant 0 : i32
      %dma_wait3A_125 = tpu.memref_slice %arg20[%add3A_118, %dma_wait3A_124] : memref<10240x128xf32, #tpu.memory_space<vmem_shared>> -> memref<80x128xf32, #tpu.memory_space<vmem_shared>>
      %dma_wait3A_126 = arith.constant 0 : i32
      %dma_wait3A_127 = arith.constant 0 : i32
      %dma_wait3A_128 = tpu.memref_slice %arg19[%dma_wait3A_126, %dma_wait3A_127] : memref<96x128xf32, #tpu.memory_space<vmem>> -> memref<80x128xf32, #tpu.memory_space<vmem>>
      tpu.wait_dma2 semaphore(%arg24 : memref<!tpu.dma_semaphore, #tpu.memory_space<semaphore_mem>>) src(%dma_wait3A_128 : memref<80x128xf32, #tpu.memory_space<vmem>>) dst(%dma_wait3A_125 : memref<80x128xf32, #tpu.memory_space<vmem_shared>>)
      %mul3A_129 = arith.constant 80 : i32
      %mul3A_130 = arith.muli %add3A_115, %mul3A_129 : i32
      %add3A_131 = arith.addi %mul3A_18, %mul3A_130 : i32
      %dma_wait3A_132 = arith.constant 0 : i32
      %dma_wait3A_133 = tpu.memref_slice %arg15[%dma_wait3A_132] : memref<96xf32, #tpu.memory_space<vmem>> -> memref<80xf32, #tpu.memory_space<vmem>>
      %dma_wait3A_134 = tpu.memref_slice %arg21[%add3A_131] : memref<10240xf32, #tpu.memory_space<vmem_shared>> -> memref<80xf32, #tpu.memory_space<vmem_shared>>
      %dma_wait3A_135 = tpu.memref_slice %arg21[%add3A_131] : memref<10240xf32, #tpu.memory_space<vmem_shared>> -> memref<80xf32, #tpu.memory_space<vmem_shared>>
      %dma_wait3A_136 = arith.constant 0 : i32
      %dma_wait3A_137 = tpu.memref_slice %arg15[%dma_wait3A_136] : memref<96xf32, #tpu.memory_space<vmem>> -> memref<80xf32, #tpu.memory_space<vmem>>
      tpu.wait_dma2 semaphore(%arg25 : memref<!tpu.dma_semaphore, #tpu.memory_space<semaphore_mem>>) src(%dma_wait3A_137 : memref<80xf32, #tpu.memory_space<vmem>>) dst(%dma_wait3A_135 : memref<80xf32, #tpu.memory_space<vmem_shared>>)
    }
    %scan3A_28 = arith.constant 8 : i32
    tpu.wait_dma2 semaphore(%arg22 : memref<!tpu.dma_semaphore, #tpu.memory_space<semaphore_mem>>) src(%arg2 : memref<10048xf32, #tpu.memory_space<hbm>>) dst(%arg9 : memref<10048xf32, #tpu.memory_space<vmem>>)
    tpu.wait_dma2 semaphore(%arg23 : memref<!tpu.dma_semaphore, #tpu.memory_space<semaphore_mem>>) src(%arg3 : memref<10000xf32, #tpu.memory_space<hbm>>) dst(%arg10 : memref<10000xf32, #tpu.memory_space<vmem>>)
    %barrier3A = arith.constant 0 : index
    tpu.barrier barrier_id(%barrier3A)
    %mul3A_29 = arith.constant 10176 : i32
    %mul3A_30 = arith.muli %add3A, %mul3A_29 : i32
    %add3A_31 = arith.constant 0 : i32
    %add3A_32 = arith.addi %mul3A_30, %add3A_31 : i32
    %dma_start3A = tpu.memref_slice %arg5[%add3A_32] : memref<325632xi32, #tpu.memory_space<hbm>> -> memref<96xi32, #tpu.memory_space<hbm>>
    %dma_start3A_33 = tpu.memref_slice %arg5[%add3A_32] : memref<325632xi32, #tpu.memory_space<hbm>> -> memref<96xi32, #tpu.memory_space<hbm>>
    tpu.enqueue_dma source(%dma_start3A_33 : memref<96xi32, #tpu.memory_space<hbm>>) target(%arg11 : memref<96xi32, #tpu.memory_space<vmem>>) target_semaphore(%arg22 : memref<!tpu.dma_semaphore, #tpu.memory_space<semaphore_mem>>)
    %dma_start3A_34 = tpu.memref_slice %arg6[%add3A_32] : memref<325632xi32, #tpu.memory_space<hbm>> -> memref<96xi32, #tpu.memory_space<hbm>>
    %dma_start3A_35 = tpu.memref_slice %arg6[%add3A_32] : memref<325632xi32, #tpu.memory_space<hbm>> -> memref<96xi32, #tpu.memory_space<hbm>>
    tpu.enqueue_dma source(%dma_start3A_35 : memref<96xi32, #tpu.memory_space<hbm>>) target(%arg13 : memref<96xi32, #tpu.memory_space<vmem>>) target_semaphore(%arg22 : memref<!tpu.dma_semaphore, #tpu.memory_space<semaphore_mem>>)
    %mul3A_36 = arith.constant 0 : i32
    %mul3A_37 = arith.constant 96 : i32
    %mul3A_38 = arith.muli %mul3A_36, %mul3A_37 : i32
    %add3A_39 = arith.addi %mul3A_30, %mul3A_38 : i32
    %dma_wait3A = tpu.memref_slice %arg5[%add3A_39] : memref<325632xi32, #tpu.memory_space<hbm>> -> memref<96xi32, #tpu.memory_space<hbm>>
    %dma_wait3A_40 = tpu.memref_slice %arg5[%add3A_39] : memref<325632xi32, #tpu.memory_space<hbm>> -> memref<96xi32, #tpu.memory_space<hbm>>
    tpu.wait_dma2 semaphore(%arg22 : memref<!tpu.dma_semaphore, #tpu.memory_space<semaphore_mem>>) src(%dma_wait3A_40 : memref<96xi32, #tpu.memory_space<hbm>>) dst(%arg11 : memref<96xi32, #tpu.memory_space<vmem>>)
    %dma_wait3A_41 = tpu.memref_slice %arg6[%add3A_39] : memref<325632xi32, #tpu.memory_space<hbm>> -> memref<96xi32, #tpu.memory_space<hbm>>
    %dma_wait3A_42 = tpu.memref_slice %arg6[%add3A_39] : memref<325632xi32, #tpu.memory_space<hbm>> -> memref<96xi32, #tpu.memory_space<hbm>>
    tpu.wait_dma2 semaphore(%arg22 : memref<!tpu.dma_semaphore, #tpu.memory_space<semaphore_mem>>) src(%dma_wait3A_42 : memref<96xi32, #tpu.memory_space<hbm>>) dst(%arg13 : memref<96xi32, #tpu.memory_space<vmem>>)
    %dma_start3A_43 = arith.constant 0 : i32
    %dma_start3A_44 = arith.constant 0 : i32
    %dma_start3A_45 = tpu.memref_slice %arg4[%dma_start3A_43, %dma_start3A_44] : memref<10000x64xi32, #tpu.memory_space<hbm>> -> memref<10000x64xi32, #tpu.memory_space<hbm>>
    tpu.enqueue_indirect_dma source(%dma_start3A_45 : memref<10000x64xi32, #tpu.memory_space<hbm>>) target(%arg17 : memref<96x64xi32, #tpu.memory_space<vmem>>) offsets(%arg13 : memref<96xi32, #tpu.memory_space<vmem>>) semaphore(%arg24 : memref<!tpu.dma_semaphore, #tpu.memory_space<semaphore_mem>>)
    %add3A_46 = arith.constant 96 : i32
    %add3A_47 = arith.addi %mul3A_30, %add3A_46 : i32
    %dma_start3A_48 = tpu.memref_slice %arg5[%add3A_47] : memref<325632xi32, #tpu.memory_space<hbm>> -> memref<96xi32, #tpu.memory_space<hbm>>
    %dma_start3A_49 = tpu.memref_slice %arg5[%add3A_47] : memref<325632xi32, #tpu.memory_space<hbm>> -> memref<96xi32, #tpu.memory_space<hbm>>
    tpu.enqueue_dma source(%dma_start3A_49 : memref<96xi32, #tpu.memory_space<hbm>>) target(%arg12 : memref<96xi32, #tpu.memory_space<vmem>>) target_semaphore(%arg23 : memref<!tpu.dma_semaphore, #tpu.memory_space<semaphore_mem>>)
    %dma_start3A_50 = tpu.memref_slice %arg6[%add3A_47] : memref<325632xi32, #tpu.memory_space<hbm>> -> memref<96xi32, #tpu.memory_space<hbm>>
    %dma_start3A_51 = tpu.memref_slice %arg6[%add3A_47] : memref<325632xi32, #tpu.memory_space<hbm>> -> memref<96xi32, #tpu.memory_space<hbm>>
    tpu.enqueue_dma source(%dma_start3A_51 : memref<96xi32, #tpu.memory_space<hbm>>) target(%arg14 : memref<96xi32, #tpu.memory_space<vmem>>) target_semaphore(%arg23 : memref<!tpu.dma_semaphore, #tpu.memory_space<semaphore_mem>>)
    %scan3A_52 = arith.constant 0 : i32
    %scan3A_53 = arith.constant 52 : i32
    %scan3A_54 = arith.addi %scan3A_52, %scan3A_53 : i32
    %scan3A_55 = arith.constant 1 : i32
    scf.for %scan3A_111 = %scan3A_52 to %scan3A_54 step %scan3A_55  : i32 {
      %mul3A_112 = arith.constant 1 : i32
      %mul3A_113 = arith.muli %scan3A_111, %mul3A_112 : i32
      %add3A_114 = arith.constant 0 : i32
      %add3A_115 = arith.addi %add3A_114, %mul3A_113 : i32
      %mul3A_116 = arith.constant 2 : i32
      %mul3A_117 = arith.muli %mul3A_116, %add3A_115 : i32
      %dma_wait3A_118 = arith.constant 0 : i32
      %dma_wait3A_119 = arith.constant 0 : i32
      %dma_wait3A_120 = tpu.memref_slice %arg4[%dma_wait3A_118, %dma_wait3A_119] : memref<10000x64xi32, #tpu.memory_space<hbm>> -> memref<10000x64xi32, #tpu.memory_space<hbm>>
      tpu.wait_indirect_dma semaphore(%arg24 : memref<!tpu.dma_semaphore, #tpu.memory_space<semaphore_mem>>) src(%dma_wait3A_120 : memref<10000x64xi32, #tpu.memory_space<hbm>>) dst(%arg17 : memref<96x64xi32, #tpu.memory_space<vmem>>)
      %add3A_121 = arith.constant 1 : i32
      %add3A_122 = arith.addi %mul3A_117, %add3A_121 : i32
      %mul3A_123 = arith.constant 96 : i32
      %mul3A_124 = arith.muli %add3A_122, %mul3A_123 : i32
      %add3A_125 = arith.addi %mul3A_30, %mul3A_124 : i32
      %dma_wait3A_126 = tpu.memref_slice %arg5[%add3A_125] : memref<325632xi32, #tpu.memory_space<hbm>> -> memref<96xi32, #tpu.memory_space<hbm>>
      %dma_wait3A_127 = tpu.memref_slice %arg5[%add3A_125] : memref<325632xi32, #tpu.memory_space<hbm>> -> memref<96xi32, #tpu.memory_space<hbm>>
      tpu.wait_dma2 semaphore(%arg23 : memref<!tpu.dma_semaphore, #tpu.memory_space<semaphore_mem>>) src(%dma_wait3A_127 : memref<96xi32, #tpu.memory_space<hbm>>) dst(%arg12 : memref<96xi32, #tpu.memory_space<vmem>>)
      %dma_wait3A_128 = tpu.memref_slice %arg6[%add3A_125] : memref<325632xi32, #tpu.memory_space<hbm>> -> memref<96xi32, #tpu.memory_space<hbm>>
      %dma_wait3A_129 = tpu.memref_slice %arg6[%add3A_125] : memref<325632xi32, #tpu.memory_space<hbm>> -> memref<96xi32, #tpu.memory_space<hbm>>
      tpu.wait_dma2 semaphore(%arg23 : memref<!tpu.dma_semaphore, #tpu.memory_space<semaphore_mem>>) src(%dma_wait3A_129 : memref<96xi32, #tpu.memory_space<hbm>>) dst(%arg14 : memref<96xi32, #tpu.memory_space<vmem>>)
      %dma_start3A_130 = arith.constant 0 : i32
      %dma_start3A_131 = arith.constant 0 : i32
      %dma_start3A_132 = tpu.memref_slice %arg4[%dma_start3A_130, %dma_start3A_131] : memref<10000x64xi32, #tpu.memory_space<hbm>> -> memref<10000x64xi32, #tpu.memory_space<hbm>>
      tpu.enqueue_indirect_dma source(%dma_start3A_132 : memref<10000x64xi32, #tpu.memory_space<hbm>>) target(%arg18 : memref<96x64xi32, #tpu.memory_space<vmem>>) offsets(%arg14 : memref<96xi32, #tpu.memory_space<vmem>>) semaphore(%arg25 : memref<!tpu.dma_semaphore, #tpu.memory_space<semaphore_mem>>)
      %scan3A_133 = arith.constant 0 : i32
      %scan3A_134 = arith.constant 6 : i32
      %scan3A_135 = arith.addi %scan3A_133, %scan3A_134 : i32
      %scan3A_136 = arith.constant 1 : i32
      scf.for %scan3A_198 = %scan3A_133 to %scan3A_135 step %scan3A_136  : i32 {
        %mul3A_199 = arith.constant 1 : i32
        %mul3A_200 = arith.muli %scan3A_198, %mul3A_199 : i32
        %add3A_201 = arith.constant 0 : i32
        %add3A_202 = arith.addi %add3A_201, %mul3A_200 : i32
        %mul3A_203 = arith.constant 16 : i32
        %mul3A_204 = arith.muli %add3A_202, %mul3A_203 : i32
        %get3A = arith.index_cast %mul3A_204 : i32 to index
        %get3A_205 = tpu.vector_load %arg11[%get3A] {strides = array<i32>} : memref<96xi32, #tpu.memory_space<vmem>>, vector<16xi32>,
        %gather3A = tpu.vector_load_idx %arg9[%get3A_205] : memref<10048xf32, #tpu.memory_space<vmem>>[vector<16xi32>], vector<16xf32>,
        %get3A_206 = arith.index_cast %mul3A_204 : i32 to index
        %get3A_207 = tpu.vector_load %arg13[%get3A_206] {strides = array<i32>} : memref<96xi32, #tpu.memory_space<vmem>>, vector<16xi32>,
        %gather3A_208 = tpu.vector_load_idx %arg10[%get3A_207] : memref<10000xf32, #tpu.memory_space<vmem>>[vector<16xi32>], vector<16xf32>,
        %add3A_209 = arith.addf %gather3A, %gather3A_208 : vector<16xf32>
        %gt3A = arith.constant 0.000000e+00 : f32
        %gt3A_210 = vector.broadcast %gt3A : f32 to vector<16xf32>
        %gt3A_211 = arith.cmpf ogt, %add3A_209, %gt3A_210 : vector<16xf32>
        %mul3A_212 = arith.constant 2.000000e-01 : f32
        %mul3A_213 = vector.broadcast %mul3A_212 : f32 to vector<16xf32>
        %mul3A_214 = arith.mulf %add3A_209, %mul3A_213 : vector<16xf32>
        %select_n3A = arith.select %gt3A_211, %add3A_209, %mul3A_214 : vector<16xi1>, vector<16xf32>
        %jit3A = arith.constant -3.000000e+01 : f32
        %jit3A_215 = arith.constant 3.000000e+01 : f32
        %max3A = vector.broadcast %jit3A : f32 to vector<16xf32>
        %max3A_216 = arith.maximumf %max3A, %select_n3A : vector<16xf32>
        %min3A = vector.broadcast %jit3A_215 : f32 to vector<16xf32>
        %min3A_217 = arith.minimumf %min3A, %max3A_216 : vector<16xf32>
        %exp3A = math.exp %min3A_217 : vector<16xf32>
        %swap3A_218 = arith.index_cast %mul3A_204 : i32 to index
        %swap3A_219 = tpu.vector_load %arg15[%swap3A_218] {strides = array<i32>} : memref<96xf32, #tpu.memory_space<vmem>>, vector<16xf32>,
        tpu.vector_store %arg15[%swap3A_218], %exp3A {strides = array<i32>} : memref<96xf32, #tpu.memory_space<vmem>>, vector<16xf32>,
      }
      %scan3A_137 = arith.constant 6 : i32
      %scan3A_138 = arith.constant 0 : i32
      %scan3A_139 = arith.constant 96 : i32
      %scan3A_140 = arith.addi %scan3A_138, %scan3A_139 : i32
      %scan3A_141 = arith.constant 8 : i32
      scf.for %scan3A_198 = %scan3A_138 to %scan3A_140 step %scan3A_141  : i32 {
        %mul3A_199 = arith.constant 1 : i32
        %mul3A_200 = arith.muli %scan3A_198, %mul3A_199 : i32
        %add3A_201 = arith.constant 0 : i32
        %add3A_202 = arith.addi %add3A_201, %mul3A_200 : i32
        %broadcast_in_dim3A_203 = vector.broadcast %add3A_202 : i32 to vector<16xi32>
        %gather3A = tpu.vector_load_idx %arg15[%broadcast_in_dim3A_203] : memref<96xf32, #tpu.memory_space<vmem>>[vector<16xi32>], vector<16xf32>,
        %get3A = arith.index_cast %add3A_202 : i32 to index
        %get3A_204 = arith.constant 0 : index
        %get3A_205 = tpu.vector_load %arg17[%get3A, %get3A_204] {strides = array<i32>} : memref<96x64xi32, #tpu.memory_space<vmem>>, vector<16xi32>,
        %shift_left3A = arith.constant 16 : i32
        %shift_left3A_206 = vector.broadcast %shift_left3A : i32 to vector<16xi32>
        %shift_left3A_207 = arith.shli %get3A_205, %shift_left3A_206 : vector<16xi32>
        %bitcast3A = vector.bitcast %shift_left3A_207 : vector<16xi32> to vector<16xf32>
        %and3A = arith.constant -65536 : i32
        %and3A_208 = vector.broadcast %and3A : i32 to vector<16xi32>
        %and3A_209 = arith.andi %get3A_205, %and3A_208 : vector<16xi32>
        %bitcast3A_210 = vector.bitcast %and3A_209 : vector<16xi32> to vector<16xf32>
        %mul3A_211 = arith.mulf %bitcast3A, %gather3A : vector<16xf32>
        %swap3A_212 = arith.index_cast %add3A_202 : i32 to index
        %swap3A_213 = arith.constant 0 : index
        %swap3A_214 = tpu.vector_load %arg19[%swap3A_212, %swap3A_213] {strides = array<i32>} : memref<96x128xf32, #tpu.memory_space<vmem>>, vector<16xf32>,
        tpu.vector_store %arg19[%swap3A_212, %swap3A_213], %mul3A_211 {strides = array<i32>} : memref<96x128xf32, #tpu.memory_space<vmem>>, vector<16xf32>,
        %mul3A_215 = arith.mulf %bitcast3A_210, %gather3A : vector<16xf32>
        %swap3A_216 = arith.index_cast %add3A_202 : i32 to index
        %swap3A_217 = arith.constant 64 : index
        %swap3A_218 = tpu.vector_load %arg19[%swap3A_216, %swap3A_217] {strides = array<i32>} : memref<96x128xf32, #tpu.memory_space<vmem>>, vector<16xf32>,
        tpu.vector_store %arg19[%swap3A_216, %swap3A_217], %mul3A_215 {strides = array<i32>} : memref<96x128xf32, #tpu.memory_space<vmem>>, vector<16xf32>,
        %get3A_219 = arith.index_cast %add3A_202 : i32 to index
        %get3A_220 = arith.constant 16 : index
        %get3A_221 = tpu.vector_load %arg17[%get3A_219, %get3A_220] {strides = array<i32>} : memref<96x64xi32, #tpu.memory_space<vmem>>, vector<16xi32>,
        %shift_left3A_222 = arith.constant 16 : i32
        %shift_left3A_223 = vector.broadcast %shift_left3A_222 : i32 to vector<16xi32>
        %shift_left3A_224 = arith.shli %get3A_221, %shift_left3A_223 : vector<16xi32>
        %bitcast3A_225 = vector.bitcast %shift_left3A_224 : vector<16xi32> to vector<16xf32>
        %and3A_226 = arith.constant -65536 : i32
        %and3A_227 = vector.broadcast %and3A_226 : i32 to vector<16xi32>
        %and3A_228 = arith.andi %get3A_221, %and3A_227 : vector<16xi32>
        %bitcast3A_229 = vector.bitcast %and3A_228 : vector<16xi32> to vector<16xf32>
        %mul3A_230 = arith.mulf %bitcast3A_225, %gather3A : vector<16xf32>
        %swap3A_231 = arith.index_cast %add3A_202 : i32 to index
        %swap3A_232 = arith.constant 16 : index
        %swap3A_233 = tpu.vector_load %arg19[%swap3A_231, %swap3A_232] {strides = array<i32>} : memref<96x128xf32, #tpu.memory_space<vmem>>, vector<16xf32>,
        tpu.vector_store %arg19[%swap3A_231, %swap3A_232], %mul3A_230 {strides = array<i32>} : memref<96x128xf32, #tpu.memory_space<vmem>>, vector<16xf32>,
        %mul3A_234 = arith.mulf %bitcast3A_229, %gather3A : vector<16xf32>
        %swap3A_235 = arith.index_cast %add3A_202 : i32 to index
        %swap3A_236 = arith.constant 80 : index
        %swap3A_237 = tpu.vector_load %arg19[%swap3A_235, %swap3A_236] {strides = array<i32>} : memref<96x128xf32, #tpu.memory_space<vmem>>, vector<16xf32>,
        tpu.vector_store %arg19[%swap3A_235, %swap3A_236], %mul3A_234 {strides = array<i32>} : memref<96x128xf32, #tpu.memory_space<vmem>>, vector<16xf32>,
        %get3A_238 = arith.index_cast %add3A_202 : i32 to index
        %get3A_239 = arith.constant 32 : index
        %get3A_240 = tpu.vector_load %arg17[%get3A_238, %get3A_239] {strides = array<i32>} : memref<96x64xi32, #tpu.memory_space<vmem>>, vector<16xi32>,
        %shift_left3A_241 = arith.constant 16 : i32
        %shift_left3A_242 = vector.broadcast %shift_left3A_241 : i32 to vector<16xi32>
        %shift_left3A_243 = arith.shli %get3A_240, %shift_left3A_242 : vector<16xi32>
        %bitcast3A_244 = vector.bitcast %shift_left3A_243 : vector<16xi32> to vector<16xf32>
        %and3A_245 = arith.constant -65536 : i32
        %and3A_246 = vector.broadcast %and3A_245 : i32 to vector<16xi32>
        %and3A_247 = arith.andi %get3A_240, %and3A_246 : vector<16xi32>
        %bitcast3A_248 = vector.bitcast %and3A_247 : vector<16xi32> to vector<16xf32>
        %mul3A_249 = arith.mulf %bitcast3A_244, %gather3A : vector<16xf32>
        %swap3A_250 = arith.index_cast %add3A_202 : i32 to index
        %swap3A_251 = arith.constant 32 : index
        %swap3A_252 = tpu.vector_load %arg19[%swap3A_250, %swap3A_251] {strides = array<i32>} : memref<96x128xf32, #tpu.memory_space<vmem>>, vector<16xf32>,
        tpu.vector_store %arg19[%swap3A_250, %swap3A_251], %mul3A_249 {strides = array<i32>} : memref<96x128xf32, #tpu.memory_space<vmem>>, vector<16xf32>,
        %mul3A_253 = arith.mulf %bitcast3A_248, %gather3A : vector<16xf32>
        %swap3A_254 = arith.index_cast %add3A_202 : i32 to index
        %swap3A_255 = arith.constant 96 : index
        %swap3A_256 = tpu.vector_load %arg19[%swap3A_254, %swap3A_255] {strides = array<i32>} : memref<96x128xf32, #tpu.memory_space<vmem>>, vector<16xf32>,
        tpu.vector_store %arg19[%swap3A_254, %swap3A_255], %mul3A_253 {strides = array<i32>} : memref<96x128xf32, #tpu.memory_space<vmem>>, vector<16xf32>,
        %get3A_257 = arith.index_cast %add3A_202 : i32 to index
        %get3A_258 = arith.constant 48 : index
        %get3A_259 = tpu.vector_load %arg17[%get3A_257, %get3A_258] {strides = array<i32>} : memref<96x64xi32, #tpu.memory_space<vmem>>, vector<16xi32>,
        %shift_left3A_260 = arith.constant 16 : i32
        %shift_left3A_261 = vector.broadcast %shift_left3A_260 : i32 to vector<16xi32>
        %shift_left3A_262 = arith.shli %get3A_259, %shift_left3A_261 : vector<16xi32>
        %bitcast3A_263 = vector.bitcast %shift_left3A_262 : vector<16xi32> to vector<16xf32>
        %and3A_264 = arith.constant -65536 : i32
        %and3A_265 = vector.broadcast %and3A_264 : i32 to vector<16xi32>
        %and3A_266 = arith.andi %get3A_259, %and3A_265 : vector<16xi32>
        %bitcast3A_267 = vector.bitcast %and3A_266 : vector<16xi32> to vector<16xf32>
        %mul3A_268 = arith.mulf %bitcast3A_263, %gather3A : vector<16xf32>
        %swap3A_269 = arith.index_cast %add3A_202 : i32 to index
        %swap3A_270 = arith.constant 48 : index
        %swap3A_271 = tpu.vector_load %arg19[%swap3A_269, %swap3A_270] {strides = array<i32>} : memref<96x128xf32, #tpu.memory_space<vmem>>, vector<16xf32>,
        tpu.vector_store %arg19[%swap3A_269, %swap3A_270], %mul3A_268 {strides = array<i32>} : memref<96x128xf32, #tpu.memory_space<vmem>>, vector<16xf32>,
        %mul3A_272 = arith.mulf %bitcast3A_267, %gather3A : vector<16xf32>
        %swap3A_273 = arith.index_cast %add3A_202 : i32 to index
        %swap3A_274 = arith.constant 112 : index
        %swap3A_275 = tpu.vector_load %arg19[%swap3A_273, %swap3A_274] {strides = array<i32>} : memref<96x128xf32, #tpu.memory_space<vmem>>, vector<16xf32>,
        tpu.vector_store %arg19[%swap3A_273, %swap3A_274], %mul3A_272 {strides = array<i32>} : memref<96x128xf32, #tpu.memory_space<vmem>>, vector<16xf32>,
        %scan3A_276 = arith.constant 1 : i32
        %scan3A_277 = arith.addi %scan3A_198, %scan3A_276 : i32
        %mul3A_278 = arith.constant 1 : i32
        %mul3A_279 = arith.muli %scan3A_277, %mul3A_278 : i32
        %add3A_280 = arith.constant 0 : i32
        %add3A_281 = arith.addi %add3A_280, %mul3A_279 : i32
        %broadcast_in_dim3A_282 = vector.broadcast %add3A_281 : i32 to vector<16xi32>
        %gather3A_283 = tpu.vector_load_idx %arg15[%broadcast_in_dim3A_282] : memref<96xf32, #tpu.memory_space<vmem>>[vector<16xi32>], vector<16xf32>,
        %get3A_284 = arith.index_cast %add3A_281 : i32 to index
        %get3A_285 = arith.constant 0 : index
        %get3A_286 = tpu.vector_load %arg17[%get3A_284, %get3A_285] {strides = array<i32>} : memref<96x64xi32, #tpu.memory_space<vmem>>, vector<16xi32>,
        %shift_left3A_287 = arith.constant 16 : i32
        %shift_left3A_288 = vector.broadcast %shift_left3A_287 : i32 to vector<16xi32>
        %shift_left3A_289 = arith.shli %get3A_286, %shift_left3A_288 : vector<16xi32>
        %bitcast3A_290 = vector.bitcast %shift_left3A_289 : vector<16xi32> to vector<16xf32>
        %and3A_291 = arith.constant -65536 : i32
        %and3A_292 = vector.broadcast %and3A_291 : i32 to vector<16xi32>
        %and3A_293 = arith.andi %get3A_286, %and3A_292 : vector<16xi32>
        %bitcast3A_294 = vector.bitcast %and3A_293 : vector<16xi32> to vector<16xf32>
        %mul3A_295 = arith.mulf %bitcast3A_290, %gather3A_283 : vector<16xf32>
        %swap3A_296 = arith.index_cast %add3A_281 : i32 to index
        %swap3A_297 = arith.constant 0 : index
        %swap3A_298 = tpu.vector_load %arg19[%swap3A_296, %swap3A_297] {strides = array<i32>} : memref<96x128xf32, #tpu.memory_space<vmem>>, vector<16xf32>,
        tpu.vector_store %arg19[%swap3A_296, %swap3A_297], %mul3A_295 {strides = array<i32>} : memref<96x128xf32, #tpu.memory_space<vmem>>, vector<16xf32>,
        %mul3A_299 = arith.mulf %bitcast3A_294, %gather3A_283 : vector<16xf32>
        %swap3A_300 = arith.index_cast %add3A_281 : i32 to index
        %swap3A_301 = arith.constant 64 : index
        %swap3A_302 = tpu.vector_load %arg19[%swap3A_300, %swap3A_301] {strides = array<i32>} : memref<96x128xf32, #tpu.memory_space<vmem>>, vector<16xf32>,
        tpu.vector_store %arg19[%swap3A_300, %swap3A_301], %mul3A_299 {strides = array<i32>} : memref<96x128xf32, #tpu.memory_space<vmem>>, vector<16xf32>,
        %get3A_303 = arith.index_cast %add3A_281 : i32 to index
        %get3A_304 = arith.constant 16 : index
        %get3A_305 = tpu.vector_load %arg17[%get3A_303, %get3A_304] {strides = array<i32>} : memref<96x64xi32, #tpu.memory_space<vmem>>, vector<16xi32>,
        %shift_left3A_306 = arith.constant 16 : i32
        %shift_left3A_307 = vector.broadcast %shift_left3A_306 : i32 to vector<16xi32>
        %shift_left3A_308 = arith.shli %get3A_305, %shift_left3A_307 : vector<16xi32>
        %bitcast3A_309 = vector.bitcast %shift_left3A_308 : vector<16xi32> to vector<16xf32>
        %and3A_310 = arith.constant -65536 : i32
        %and3A_311 = vector.broadcast %and3A_310 : i32 to vector<16xi32>
        %and3A_312 = arith.andi %get3A_305, %and3A_311 : vector<16xi32>
        %bitcast3A_313 = vector.bitcast %and3A_312 : vector<16xi32> to vector<16xf32>
        %mul3A_314 = arith.mulf %bitcast3A_309, %gather3A_283 : vector<16xf32>
        %swap3A_315 = arith.index_cast %add3A_281 : i32 to index
        %swap3A_316 = arith.constant 16 : index
        %swap3A_317 = tpu.vector_load %arg19[%swap3A_315, %swap3A_316] {strides = array<i32>} : memref<96x128xf32, #tpu.memory_space<vmem>>, vector<16xf32>,
        tpu.vector_store %arg19[%swap3A_315, %swap3A_316], %mul3A_314 {strides = array<i32>} : memref<96x128xf32, #tpu.memory_space<vmem>>, vector<16xf32>,
        %mul3A_318 = arith.mulf %bitcast3A_313, %gather3A_283 : vector<16xf32>
        %swap3A_319 = arith.index_cast %add3A_281 : i32 to index
        %swap3A_320 = arith.constant 80 : index
        %swap3A_321 = tpu.vector_load %arg19[%swap3A_319, %swap3A_320] {strides = array<i32>} : memref<96x128xf32, #tpu.memory_space<vmem>>, vector<16xf32>,
        tpu.vector_store %arg19[%swap3A_319, %swap3A_320], %mul3A_318 {strides = array<i32>} : memref<96x128xf32, #tpu.memory_space<vmem>>, vector<16xf32>,
        %get3A_322 = arith.index_cast %add3A_281 : i32 to index
        %get3A_323 = arith.constant 32 : index
        %get3A_324 = tpu.vector_load %arg17[%get3A_322, %get3A_323] {strides = array<i32>} : memref<96x64xi32, #tpu.memory_space<vmem>>, vector<16xi32>,
        %shift_left3A_325 = arith.constant 16 : i32
        %shift_left3A_326 = vector.broadcast %shift_left3A_325 : i32 to vector<16xi32>
        %shift_left3A_327 = arith.shli %get3A_324, %shift_left3A_326 : vector<16xi32>
        %bitcast3A_328 = vector.bitcast %shift_left3A_327 : vector<16xi32> to vector<16xf32>
        %and3A_329 = arith.constant -65536 : i32
        %and3A_330 = vector.broadcast %and3A_329 : i32 to vector<16xi32>
        %and3A_331 = arith.andi %get3A_324, %and3A_330 : vector<16xi32>
        %bitcast3A_332 = vector.bitcast %and3A_331 : vector<16xi32> to vector<16xf32>
        %mul3A_333 = arith.mulf %bitcast3A_328, %gather3A_283 : vector<16xf32>
        %swap3A_334 = arith.index_cast %add3A_281 : i32 to index
        %swap3A_335 = arith.constant 32 : index
        %swap3A_336 = tpu.vector_load %arg19[%swap3A_334, %swap3A_335] {strides = array<i32>} : memref<96x128xf32, #tpu.memory_space<vmem>>, vector<16xf32>,
        tpu.vector_store %arg19[%swap3A_334, %swap3A_335], %mul3A_333 {strides = array<i32>} : memref<96x128xf32, #tpu.memory_space<vmem>>, vector<16xf32>,
        %mul3A_337 = arith.mulf %bitcast3A_332, %gather3A_283 : vector<16xf32>
        %swap3A_338 = arith.index_cast %add3A_281 : i32 to index
        %swap3A_339 = arith.constant 96 : index
        %swap3A_340 = tpu.vector_load %arg19[%swap3A_338, %swap3A_339] {strides = array<i32>} : memref<96x128xf32, #tpu.memory_space<vmem>>, vector<16xf32>,
        tpu.vector_store %arg19[%swap3A_338, %swap3A_339], %mul3A_337 {strides = array<i32>} : memref<96x128xf32, #tpu.memory_space<vmem>>, vector<16xf32>,
        %get3A_341 = arith.index_cast %add3A_281 : i32 to index
        %get3A_342 = arith.constant 48 : index
        %get3A_343 = tpu.vector_load %arg17[%get3A_341, %get3A_342] {strides = array<i32>} : memref<96x64xi32, #tpu.memory_space<vmem>>, vector<16xi32>,
        %shift_left3A_344 = arith.constant 16 : i32
        %shift_left3A_345 = vector.broadcast %shift_left3A_344 : i32 to vector<16xi32>
        %shift_left3A_346 = arith.shli %get3A_343, %shift_left3A_345 : vector<16xi32>
        %bitcast3A_347 = vector.bitcast %shift_left3A_346 : vector<16xi32> to vector<16xf32>
        %and3A_348 = arith.constant -65536 : i32
        %and3A_349 = vector.broadcast %and3A_348 : i32 to vector<16xi32>
        %and3A_350 = arith.andi %get3A_343, %and3A_349 : vector<16xi32>
        %bitcast3A_351 = vector.bitcast %and3A_350 : vector<16xi32> to vector<16xf32>
        %mul3A_352 = arith.mulf %bitcast3A_347, %gather3A_283 : vector<16xf32>
        %swap3A_353 = arith.index_cast %add3A_281 : i32 to index
        %swap3A_354 = arith.constant 48 : index
        %swap3A_355 = tpu.vector_load %arg19[%swap3A_353, %swap3A_354] {strides = array<i32>} : memref<96x128xf32, #tpu.memory_space<vmem>>, vector<16xf32>,
        tpu.vector_store %arg19[%swap3A_353, %swap3A_354], %mul3A_352 {strides = array<i32>} : memref<96x128xf32, #tpu.memory_space<vmem>>, vector<16xf32>,
        %mul3A_356 = arith.mulf %bitcast3A_351, %gather3A_283 : vector<16xf32>
        %swap3A_357 = arith.index_cast %add3A_281 : i32 to index
        %swap3A_358 = arith.constant 112 : index
        %swap3A_359 = tpu.vector_load %arg19[%swap3A_357, %swap3A_358] {strides = array<i32>} : memref<96x128xf32, #tpu.memory_space<vmem>>, vector<16xf32>,
        tpu.vector_store %arg19[%swap3A_357, %swap3A_358], %mul3A_356 {strides = array<i32>} : memref<96x128xf32, #tpu.memory_space<vmem>>, vector<16xf32>,
        %scan3A_360 = arith.constant 2 : i32
        %scan3A_361 = arith.addi %scan3A_198, %scan3A_360 : i32
        %mul3A_362 = arith.constant 1 : i32
        %mul3A_363 = arith.muli %scan3A_361, %mul3A_362 : i32
        %add3A_364 = arith.constant 0 : i32
        %add3A_365 = arith.addi %add3A_364, %mul3A_363 : i32
        %broadcast_in_dim3A_366 = vector.broadcast %add3A_365 : i32 to vector<16xi32>
        %gather3A_367 = tpu.vector_load_idx %arg15[%broadcast_in_dim3A_366] : memref<96xf32, #tpu.memory_space<vmem>>[vector<16xi32>], vector<16xf32>,
        %get3A_368 = arith.index_cast %add3A_365 : i32 to index
        %get3A_369 = arith.constant 0 : index
        %get3A_370 = tpu.vector_load %arg17[%get3A_368, %get3A_369] {strides = array<i32>} : memref<96x64xi32, #tpu.memory_space<vmem>>, vector<16xi32>,
        %shift_left3A_371 = arith.constant 16 : i32
        %shift_left3A_372 = vector.broadcast %shift_left3A_371 : i32 to vector<16xi32>
        %shift_left3A_373 = arith.shli %get3A_370, %shift_left3A_372 : vector<16xi32>
        %bitcast3A_374 = vector.bitcast %shift_left3A_373 : vector<16xi32> to vector<16xf32>
        %and3A_375 = arith.constant -65536 : i32
        %and3A_376 = vector.broadcast %and3A_375 : i32 to vector<16xi32>
        %and3A_377 = arith.andi %get3A_370, %and3A_376 : vector<16xi32>
        %bitcast3A_378 = vector.bitcast %and3A_377 : vector<16xi32> to vector<16xf32>
        %mul3A_379 = arith.mulf %bitcast3A_374, %gather3A_367 : vector<16xf32>
        %swap3A_380 = arith.index_cast %add3A_365 : i32 to index
        %swap3A_381 = arith.constant 0 : index
        %swap3A_382 = tpu.vector_load %arg19[%swap3A_380, %swap3A_381] {strides = array<i32>} : memref<96x128xf32, #tpu.memory_space<vmem>>, vector<16xf32>,
        tpu.vector_store %arg19[%swap3A_380, %swap3A_381], %mul3A_379 {strides = array<i32>} : memref<96x128xf32, #tpu.memory_space<vmem>>, vector<16xf32>,
        %mul3A_383 = arith.mulf %bitcast3A_378, %gather3A_367 : vector<16xf32>
        %swap3A_384 = arith.index_cast %add3A_365 : i32 to index
        %swap3A_385 = arith.constant 64 : index
        %swap3A_386 = tpu.vector_load %arg19[%swap3A_384, %swap3A_385] {strides = array<i32>} : memref<96x128xf32, #tpu.memory_space<vmem>>, vector<16xf32>,
        tpu.vector_store %arg19[%swap3A_384, %swap3A_385], %mul3A_383 {strides = array<i32>} : memref<96x128xf32, #tpu.memory_space<vmem>>, vector<16xf32>,
        %get3A_387 = arith.index_cast %add3A_365 : i32 to index
        %get3A_388 = arith.constant 16 : index
        %get3A_389 = tpu.vector_load %arg17[%get3A_387, %get3A_388] {strides = array<i32>} : memref<96x64xi32, #tpu.memory_space<vmem>>, vector<16xi32>,
        %shift_left3A_390 = arith.constant 16 : i32
        %shift_left3A_391 = vector.broadcast %shift_left3A_390 : i32 to vector<16xi32>
        %shift_left3A_392 = arith.shli %get3A_389, %shift_left3A_391 : vector<16xi32>
        %bitcast3A_393 = vector.bitcast %shift_left3A_392 : vector<16xi32> to vector<16xf32>
        %and3A_394 = arith.constant -65536 : i32
        %and3A_395 = vector.broadcast %and3A_394 : i32 to vector<16xi32>
        %and3A_396 = arith.andi %get3A_389, %and3A_395 : vector<16xi32>
        %bitcast3A_397 = vector.bitcast %and3A_396 : vector<16xi32> to vector<16xf32>
        %mul3A_398 = arith.mulf %bitcast3A_393, %gather3A_367 : vector<16xf32>
        %swap3A_399 = arith.index_cast %add3A_365 : i32 to index
        %swap3A_400 = arith.constant 16 : index
        %swap3A_401 = tpu.vector_load %arg19[%swap3A_399, %swap3A_400] {strides = array<i32>} : memref<96x128xf32, #tpu.memory_space<vmem>>, vector<16xf32>,
        tpu.vector_store %arg19[%swap3A_399, %swap3A_400], %mul3A_398 {strides = array<i32>} : memref<96x128xf32, #tpu.memory_space<vmem>>, vector<16xf32>,
        %mul3A_402 = arith.mulf %bitcast3A_397, %gather3A_367 : vector<16xf32>
        %swap3A_403 = arith.index_cast %add3A_365 : i32 to index
        %swap3A_404 = arith.constant 80 : index
        %swap3A_405 = tpu.vector_load %arg19[%swap3A_403, %swap3A_404] {strides = array<i32>} : memref<96x128xf32, #tpu.memory_space<vmem>>, vector<16xf32>,
        tpu.vector_store %arg19[%swap3A_403, %swap3A_404], %mul3A_402 {strides = array<i32>} : memref<96x128xf32, #tpu.memory_space<vmem>>, vector<16xf32>,
        %get3A_406 = arith.index_cast %add3A_365 : i32 to index
        %get3A_407 = arith.constant 32 : index
        %get3A_408 = tpu.vector_load %arg17[%get3A_406, %get3A_407] {strides = array<i32>} : memref<96x64xi32, #tpu.memory_space<vmem>>, vector<16xi32>,
        %shift_left3A_409 = arith.constant 16 : i32
        %shift_left3A_410 = vector.broadcast %shift_left3A_409 : i32 to vector<16xi32>
        %shift_left3A_411 = arith.shli %get3A_408, %shift_left3A_410 : vector<16xi32>
        %bitcast3A_412 = vector.bitcast %shift_left3A_411 : vector<16xi32> to vector<16xf32>
        %and3A_413 = arith.constant -65536 : i32
        %and3A_414 = vector.broadcast %and3A_413 : i32 to vector<16xi32>
        %and3A_415 = arith.andi %get3A_408, %and3A_414 : vector<16xi32>
        %bitcast3A_416 = vector.bitcast %and3A_415 : vector<16xi32> to vector<16xf32>
        %mul3A_417 = arith.mulf %bitcast3A_412, %gather3A_367 : vector<16xf32>
        %swap3A_418 = arith.index_cast %add3A_365 : i32 to index
        %swap3A_419 = arith.constant 32 : index
        %swap3A_420 = tpu.vector_load %arg19[%swap3A_418, %swap3A_419] {strides = array<i32>} : memref<96x128xf32, #tpu.memory_space<vmem>>, vector<16xf32>,
        tpu.vector_store %arg19[%swap3A_418, %swap3A_419], %mul3A_417 {strides = array<i32>} : memref<96x128xf32, #tpu.memory_space<vmem>>, vector<16xf32>,
        %mul3A_421 = arith.mulf %bitcast3A_416, %gather3A_367 : vector<16xf32>
        %swap3A_422 = arith.index_cast %add3A_365 : i32 to index
        %swap3A_423 = arith.constant 96 : index
        %swap3A_424 = tpu.vector_load %arg19[%swap3A_422, %swap3A_423] {strides = array<i32>} : memref<96x128xf32, #tpu.memory_space<vmem>>, vector<16xf32>,
        tpu.vector_store %arg19[%swap3A_422, %swap3A_423], %mul3A_421 {strides = array<i32>} : memref<96x128xf32, #tpu.memory_space<vmem>>, vector<16xf32>,
        %get3A_425 = arith.index_cast %add3A_365 : i32 to index
        %get3A_426 = arith.constant 48 : index
        %get3A_427 = tpu.vector_load %arg17[%get3A_425, %get3A_426] {strides = array<i32>} : memref<96x64xi32, #tpu.memory_space<vmem>>, vector<16xi32>,
        %shift_left3A_428 = arith.constant 16 : i32
        %shift_left3A_429 = vector.broadcast %shift_left3A_428 : i32 to vector<16xi32>
        %shift_left3A_430 = arith.shli %get3A_427, %shift_left3A_429 : vector<16xi32>
        %bitcast3A_431 = vector.bitcast %shift_left3A_430 : vector<16xi32> to vector<16xf32>
        %and3A_432 = arith.constant -65536 : i32
        %and3A_433 = vector.broadcast %and3A_432 : i32 to vector<16xi32>
        %and3A_434 = arith.andi %get3A_427, %and3A_433 : vector<16xi32>
        %bitcast3A_435 = vector.bitcast %and3A_434 : vector<16xi32> to vector<16xf32>
        %mul3A_436 = arith.mulf %bitcast3A_431, %gather3A_367 : vector<16xf32>
        %swap3A_437 = arith.index_cast %add3A_365 : i32 to index
        %swap3A_438 = arith.constant 48 : index
        %swap3A_439 = tpu.vector_load %arg19[%swap3A_437, %swap3A_438] {strides = array<i32>} : memref<96x128xf32, #tpu.memory_space<vmem>>, vector<16xf32>,
        tpu.vector_store %arg19[%swap3A_437, %swap3A_438], %mul3A_436 {strides = array<i32>} : memref<96x128xf32, #tpu.memory_space<vmem>>, vector<16xf32>,
        %mul3A_440 = arith.mulf %bitcast3A_435, %gather3A_367 : vector<16xf32>
        %swap3A_441 = arith.index_cast %add3A_365 : i32 to index
        %swap3A_442 = arith.constant 112 : index
        %swap3A_443 = tpu.vector_load %arg19[%swap3A_441, %swap3A_442] {strides = array<i32>} : memref<96x128xf32, #tpu.memory_space<vmem>>, vector<16xf32>,
        tpu.vector_store %arg19[%swap3A_441, %swap3A_442], %mul3A_440 {strides = array<i32>} : memref<96x128xf32, #tpu.memory_space<vmem>>, vector<16xf32>,
        %scan3A_444 = arith.constant 3 : i32
        %scan3A_445 = arith.addi %scan3A_198, %scan3A_444 : i32
        %mul3A_446 = arith.constant 1 : i32
        %mul3A_447 = arith.muli %scan3A_445, %mul3A_446 : i32
        %add3A_448 = arith.constant 0 : i32
        %add3A_449 = arith.addi %add3A_448, %mul3A_447 : i32
        %broadcast_in_dim3A_450 = vector.broadcast %add3A_449 : i32 to vector<16xi32>
        %gather3A_451 = tpu.vector_load_idx %arg15[%broadcast_in_dim3A_450] : memref<96xf32, #tpu.memory_space<vmem>>[vector<16xi32>], vector<16xf32>,
        %get3A_452 = arith.index_cast %add3A_449 : i32 to index
        %get3A_453 = arith.constant 0 : index
        %get3A_454 = tpu.vector_load %arg17[%get3A_452, %get3A_453] {strides = array<i32>} : memref<96x64xi32, #tpu.memory_space<vmem>>, vector<16xi32>,
        %shift_left3A_455 = arith.constant 16 : i32
        %shift_left3A_456 = vector.broadcast %shift_left3A_455 : i32 to vector<16xi32>
        %shift_left3A_457 = arith.shli %get3A_454, %shift_left3A_456 : vector<16xi32>
        %bitcast3A_458 = vector.bitcast %shift_left3A_457 : vector<16xi32> to vector<16xf32>
        %and3A_459 = arith.constant -65536 : i32
        %and3A_460 = vector.broadcast %and3A_459 : i32 to vector<16xi32>
        %and3A_461 = arith.andi %get3A_454, %and3A_460 : vector<16xi32>
        %bitcast3A_462 = vector.bitcast %and3A_461 : vector<16xi32> to vector<16xf32>
        %mul3A_463 = arith.mulf %bitcast3A_458, %gather3A_451 : vector<16xf32>
        %swap3A_464 = arith.index_cast %add3A_449 : i32 to index
        %swap3A_465 = arith.constant 0 : index
        %swap3A_466 = tpu.vector_load %arg19[%swap3A_464, %swap3A_465] {strides = array<i32>} : memref<96x128xf32, #tpu.memory_space<vmem>>, vector<16xf32>,
        tpu.vector_store %arg19[%swap3A_464, %swap3A_465], %mul3A_463 {strides = array<i32>} : memref<96x128xf32, #tpu.memory_space<vmem>>, vector<16xf32>,
        %mul3A_467 = arith.mulf %bitcast3A_462, %gather3A_451 : vector<16xf32>
        %swap3A_468 = arith.index_cast %add3A_449 : i32 to index
        %swap3A_469 = arith.constant 64 : index
        %swap3A_470 = tpu.vector_load %arg19[%swap3A_468, %swap3A_469] {strides = array<i32>} : memref<96x128xf32, #tpu.memory_space<vmem>>, vector<16xf32>,
        tpu.vector_store %arg19[%swap3A_468, %swap3A_469], %mul3A_467 {strides = array<i32>} : memref<96x128xf32, #tpu.memory_space<vmem>>, vector<16xf32>,
        %get3A_471 = arith.index_cast %add3A_449 : i32 to index
        %get3A_472 = arith.constant 16 : index
        %get3A_473 = tpu.vector_load %arg17[%get3A_471, %get3A_472] {strides = array<i32>} : memref<96x64xi32, #tpu.memory_space<vmem>>, vector<16xi32>,
        %shift_left3A_474 = arith.constant 16 : i32
        %shift_left3A_475 = vector.broadcast %shift_left3A_474 : i32 to vector<16xi32>
        %shift_left3A_476 = arith.shli %get3A_473, %shift_left3A_475 : vector<16xi32>
        %bitcast3A_477 = vector.bitcast %shift_left3A_476 : vector<16xi32> to vector<16xf32>
        %and3A_478 = arith.constant -65536 : i32
        %and3A_479 = vector.broadcast %and3A_478 : i32 to vector<16xi32>
        %and3A_480 = arith.andi %get3A_473, %and3A_479 : vector<16xi32>
        %bitcast3A_481 = vector.bitcast %and3A_480 : vector<16xi32> to vector<16xf32>
        %mul3A_482 = arith.mulf %bitcast3A_477, %gather3A_451 : vector<16xf32>
        %swap3A_483 = arith.index_cast %add3A_449 : i32 to index
        %swap3A_484 = arith.constant 16 : index
        %swap3A_485 = tpu.vector_load %arg19[%swap3A_483, %swap3A_484] {strides = array<i32>} : memref<96x128xf32, #tpu.memory_space<vmem>>, vector<16xf32>,
        tpu.vector_store %arg19[%swap3A_483, %swap3A_484], %mul3A_482 {strides = array<i32>} : memref<96x128xf32, #tpu.memory_space<vmem>>, vector<16xf32>,
        %mul3A_486 = arith.mulf %bitcast3A_481, %gather3A_451 : vector<16xf32>
        %swap3A_487 = arith.index_cast %add3A_449 : i32 to index
        %swap3A_488 = arith.constant 80 : index
        %swap3A_489 = tpu.vector_load %arg19[%swap3A_487, %swap3A_488] {strides = array<i32>} : memref<96x128xf32, #tpu.memory_space<vmem>>, vector<16xf32>,
        tpu.vector_store %arg19[%swap3A_487, %swap3A_488], %mul3A_486 {strides = array<i32>} : memref<96x128xf32, #tpu.memory_space<vmem>>, vector<16xf32>,
        %get3A_490 = arith.index_cast %add3A_449 : i32 to index
        %get3A_491 = arith.constant 32 : index
        %get3A_492 = tpu.vector_load %arg17[%get3A_490, %get3A_491] {strides = array<i32>} : memref<96x64xi32, #tpu.memory_space<vmem>>, vector<16xi32>,
        %shift_left3A_493 = arith.constant 16 : i32
        %shift_left3A_494 = vector.broadcast %shift_left3A_493 : i32 to vector<16xi32>
        %shift_left3A_495 = arith.shli %get3A_492, %shift_left3A_494 : vector<16xi32>
        %bitcast3A_496 = vector.bitcast %shift_left3A_495 : vector<16xi32> to vector<16xf32>
        %and3A_497 = arith.constant -65536 : i32
        %and3A_498 = vector.broadcast %and3A_497 : i32 to vector<16xi32>
        %and3A_499 = arith.andi %get3A_492, %and3A_498 : vector<16xi32>
        %bitcast3A_500 = vector.bitcast %and3A_499 : vector<16xi32> to vector<16xf32>
        %mul3A_501 = arith.mulf %bitcast3A_496, %gather3A_451 : vector<16xf32>
        %swap3A_502 = arith.index_cast %add3A_449 : i32 to index
        %swap3A_503 = arith.constant 32 : index
        %swap3A_504 = tpu.vector_load %arg19[%swap3A_502, %swap3A_503] {strides = array<i32>} : memref<96x128xf32, #tpu.memory_space<vmem>>, vector<16xf32>,
        tpu.vector_store %arg19[%swap3A_502, %swap3A_503], %mul3A_501 {strides = array<i32>} : memref<96x128xf32, #tpu.memory_space<vmem>>, vector<16xf32>,
        %mul3A_505 = arith.mulf %bitcast3A_500, %gather3A_451 : vector<16xf32>
        %swap3A_506 = arith.index_cast %add3A_449 : i32 to index
        %swap3A_507 = arith.constant 96 : index
        %swap3A_508 = tpu.vector_load %arg19[%swap3A_506, %swap3A_507] {strides = array<i32>} : memref<96x128xf32, #tpu.memory_space<vmem>>, vector<16xf32>,
        tpu.vector_store %arg19[%swap3A_506, %swap3A_507], %mul3A_505 {strides = array<i32>} : memref<96x128xf32, #tpu.memory_space<vmem>>, vector<16xf32>,
        %get3A_509 = arith.index_cast %add3A_449 : i32 to index
        %get3A_510 = arith.constant 48 : index
        %get3A_511 = tpu.vector_load %arg17[%get3A_509, %get3A_510] {strides = array<i32>} : memref<96x64xi32, #tpu.memory_space<vmem>>, vector<16xi32>,
        %shift_left3A_512 = arith.constant 16 : i32
        %shift_left3A_513 = vector.broadcast %shift_left3A_512 : i32 to vector<16xi32>
        %shift_left3A_514 = arith.shli %get3A_511, %shift_left3A_513 : vector<16xi32>
        %bitcast3A_515 = vector.bitcast %shift_left3A_514 : vector<16xi32> to vector<16xf32>
        %and3A_516 = arith.constant -65536 : i32
        %and3A_517 = vector.broadcast %and3A_516 : i32 to vector<16xi32>
        %and3A_518 = arith.andi %get3A_511, %and3A_517 : vector<16xi32>
        %bitcast3A_519 = vector.bitcast %and3A_518 : vector<16xi32> to vector<16xf32>
        %mul3A_520 = arith.mulf %bitcast3A_515, %gather3A_451 : vector<16xf32>
        %swap3A_521 = arith.index_cast %add3A_449 : i32 to index
        %swap3A_522 = arith.constant 48 : index
        %swap3A_523 = tpu.vector_load %arg19[%swap3A_521, %swap3A_522] {strides = array<i32>} : memref<96x128xf32, #tpu.memory_space<vmem>>, vector<16xf32>,
        tpu.vector_store %arg19[%swap3A_521, %swap3A_522], %mul3A_520 {strides = array<i32>} : memref<96x128xf32, #tpu.memory_space<vmem>>, vector<16xf32>,
        %mul3A_524 = arith.mulf %bitcast3A_519, %gather3A_451 : vector<16xf32>
        %swap3A_525 = arith.index_cast %add3A_449 : i32 to index
        %swap3A_526 = arith.constant 112 : index
        %swap3A_527 = tpu.vector_load %arg19[%swap3A_525, %swap3A_526] {strides = array<i32>} : memref<96x128xf32, #tpu.memory_space<vmem>>, vector<16xf32>,
        tpu.vector_store %arg19[%swap3A_525, %swap3A_526], %mul3A_524 {strides = array<i32>} : memref<96x128xf32, #tpu.memory_space<vmem>>, vector<16xf32>,
        %scan3A_528 = arith.constant 4 : i32
        %scan3A_529 = arith.addi %scan3A_198, %scan3A_528 : i32
        %mul3A_530 = arith.constant 1 : i32
        %mul3A_531 = arith.muli %scan3A_529, %mul3A_530 : i32
        %add3A_532 = arith.constant 0 : i32
        %add3A_533 = arith.addi %add3A_532, %mul3A_531 : i32
        %broadcast_in_dim3A_534 = vector.broadcast %add3A_533 : i32 to vector<16xi32>
        %gather3A_535 = tpu.vector_load_idx %arg15[%broadcast_in_dim3A_534] : memref<96xf32, #tpu.memory_space<vmem>>[vector<16xi32>], vector<16xf32>,
        %get3A_536 = arith.index_cast %add3A_533 : i32 to index
        %get3A_537 = arith.constant 0 : index
        %get3A_538 = tpu.vector_load %arg17[%get3A_536, %get3A_537] {strides = array<i32>} : memref<96x64xi32, #tpu.memory_space<vmem>>, vector<16xi32>,
        %shift_left3A_539 = arith.constant 16 : i32
        %shift_left3A_540 = vector.broadcast %shift_left3A_539 : i32 to vector<16xi32>
        %shift_left3A_541 = arith.shli %get3A_538, %shift_left3A_540 : vector<16xi32>
        %bitcast3A_542 = vector.bitcast %shift_left3A_541 : vector<16xi32> to vector<16xf32>
        %and3A_543 = arith.constant -65536 : i32
        %and3A_544 = vector.broadcast %and3A_543 : i32 to vector<16xi32>
        %and3A_545 = arith.andi %get3A_538, %and3A_544 : vector<16xi32>
        %bitcast3A_546 = vector.bitcast %and3A_545 : vector<16xi32> to vector<16xf32>
        %mul3A_547 = arith.mulf %bitcast3A_542, %gather3A_535 : vector<16xf32>
        %swap3A_548 = arith.index_cast %add3A_533 : i32 to index
        %swap3A_549 = arith.constant 0 : index
        %swap3A_550 = tpu.vector_load %arg19[%swap3A_548, %swap3A_549] {strides = array<i32>} : memref<96x128xf32, #tpu.memory_space<vmem>>, vector<16xf32>,
        tpu.vector_store %arg19[%swap3A_548, %swap3A_549], %mul3A_547 {strides = array<i32>} : memref<96x128xf32, #tpu.memory_space<vmem>>, vector<16xf32>,
        %mul3A_551 = arith.mulf %bitcast3A_546, %gather3A_535 : vector<16xf32>
        %swap3A_552 = arith.index_cast %add3A_533 : i32 to index
        %swap3A_553 = arith.constant 64 : index
        %swap3A_554 = tpu.vector_load %arg19[%swap3A_552, %swap3A_553] {strides = array<i32>} : memref<96x128xf32, #tpu.memory_space<vmem>>, vector<16xf32>,
        tpu.vector_store %arg19[%swap3A_552, %swap3A_553], %mul3A_551 {strides = array<i32>} : memref<96x128xf32, #tpu.memory_space<vmem>>, vector<16xf32>,
        %get3A_555 = arith.index_cast %add3A_533 : i32 to index
        %get3A_556 = arith.constant 16 : index
        %get3A_557 = tpu.vector_load %arg17[%get3A_555, %get3A_556] {strides = array<i32>} : memref<96x64xi32, #tpu.memory_space<vmem>>, vector<16xi32>,
        %shift_left3A_558 = arith.constant 16 : i32
        %shift_left3A_559 = vector.broadcast %shift_left3A_558 : i32 to vector<16xi32>
        %shift_left3A_560 = arith.shli %get3A_557, %shift_left3A_559 : vector<16xi32>
        %bitcast3A_561 = vector.bitcast %shift_left3A_560 : vector<16xi32> to vector<16xf32>
        %and3A_562 = arith.constant -65536 : i32
        %and3A_563 = vector.broadcast %and3A_562 : i32 to vector<16xi32>
        %and3A_564 = arith.andi %get3A_557, %and3A_563 : vector<16xi32>
        %bitcast3A_565 = vector.bitcast %and3A_564 : vector<16xi32> to vector<16xf32>
        %mul3A_566 = arith.mulf %bitcast3A_561, %gather3A_535 : vector<16xf32>
        %swap3A_567 = arith.index_cast %add3A_533 : i32 to index
        %swap3A_568 = arith.constant 16 : index
        %swap3A_569 = tpu.vector_load %arg19[%swap3A_567, %swap3A_568] {strides = array<i32>} : memref<96x128xf32, #tpu.memory_space<vmem>>, vector<16xf32>,
        tpu.vector_store %arg19[%swap3A_567, %swap3A_568], %mul3A_566 {strides = array<i32>} : memref<96x128xf32, #tpu.memory_space<vmem>>, vector<16xf32>,
        %mul3A_570 = arith.mulf %bitcast3A_565, %gather3A_535 : vector<16xf32>
        %swap3A_571 = arith.index_cast %add3A_533 : i32 to index
        %swap3A_572 = arith.constant 80 : index
        %swap3A_573 = tpu.vector_load %arg19[%swap3A_571, %swap3A_572] {strides = array<i32>} : memref<96x128xf32, #tpu.memory_space<vmem>>, vector<16xf32>,
        tpu.vector_store %arg19[%swap3A_571, %swap3A_572], %mul3A_570 {strides = array<i32>} : memref<96x128xf32, #tpu.memory_space<vmem>>, vector<16xf32>,
        %get3A_574 = arith.index_cast %add3A_533 : i32 to index
        %get3A_575 = arith.constant 32 : index
        %get3A_576 = tpu.vector_load %arg17[%get3A_574, %get3A_575] {strides = array<i32>} : memref<96x64xi32, #tpu.memory_space<vmem>>, vector<16xi32>,
        %shift_left3A_577 = arith.constant 16 : i32
        %shift_left3A_578 = vector.broadcast %shift_left3A_577 : i32 to vector<16xi32>
        %shift_left3A_579 = arith.shli %get3A_576, %shift_left3A_578 : vector<16xi32>
        %bitcast3A_580 = vector.bitcast %shift_left3A_579 : vector<16xi32> to vector<16xf32>
        %and3A_581 = arith.constant -65536 : i32
        %and3A_582 = vector.broadcast %and3A_581 : i32 to vector<16xi32>
        %and3A_583 = arith.andi %get3A_576, %and3A_582 : vector<16xi32>
        %bitcast3A_584 = vector.bitcast %and3A_583 : vector<16xi32> to vector<16xf32>
        %mul3A_585 = arith.mulf %bitcast3A_580, %gather3A_535 : vector<16xf32>
        %swap3A_586 = arith.index_cast %add3A_533 : i32 to index
        %swap3A_587 = arith.constant 32 : index
        %swap3A_588 = tpu.vector_load %arg19[%swap3A_586, %swap3A_587] {strides = array<i32>} : memref<96x128xf32, #tpu.memory_space<vmem>>, vector<16xf32>,
        tpu.vector_store %arg19[%swap3A_586, %swap3A_587], %mul3A_585 {strides = array<i32>} : memref<96x128xf32, #tpu.memory_space<vmem>>, vector<16xf32>,
        %mul3A_589 = arith.mulf %bitcast3A_584, %gather3A_535 : vector<16xf32>
        %swap3A_590 = arith.index_cast %add3A_533 : i32 to index
        %swap3A_591 = arith.constant 96 : index
        %swap3A_592 = tpu.vector_load %arg19[%swap3A_590, %swap3A_591] {strides = array<i32>} : memref<96x128xf32, #tpu.memory_space<vmem>>, vector<16xf32>,
        tpu.vector_store %arg19[%swap3A_590, %swap3A_591], %mul3A_589 {strides = array<i32>} : memref<96x128xf32, #tpu.memory_space<vmem>>, vector<16xf32>,
        %get3A_593 = arith.index_cast %add3A_533 : i32 to index
        %get3A_594 = arith.constant 48 : index
        %get3A_595 = tpu.vector_load %arg17[%get3A_593, %get3A_594] {strides = array<i32>} : memref<96x64xi32, #tpu.memory_space<vmem>>, vector<16xi32>,
        %shift_left3A_596 = arith.constant 16 : i32
        %shift_left3A_597 = vector.broadcast %shift_left3A_596 : i32 to vector<16xi32>
        %shift_left3A_598 = arith.shli %get3A_595, %shift_left3A_597 : vector<16xi32>
        %bitcast3A_599 = vector.bitcast %shift_left3A_598 : vector<16xi32> to vector<16xf32>
        %and3A_600 = arith.constant -65536 : i32
        %and3A_601 = vector.broadcast %and3A_600 : i32 to vector<16xi32>
        %and3A_602 = arith.andi %get3A_595, %and3A_601 : vector<16xi32>
        %bitcast3A_603 = vector.bitcast %and3A_602 : vector<16xi32> to vector<16xf32>
        %mul3A_604 = arith.mulf %bitcast3A_599, %gather3A_535 : vector<16xf32>
        %swap3A_605 = arith.index_cast %add3A_533 : i32 to index
        %swap3A_606 = arith.constant 48 : index
        %swap3A_607 = tpu.vector_load %arg19[%swap3A_605, %swap3A_606] {strides = array<i32>} : memref<96x128xf32, #tpu.memory_space<vmem>>, vector<16xf32>,
        tpu.vector_store %arg19[%swap3A_605, %swap3A_606], %mul3A_604 {strides = array<i32>} : memref<96x128xf32, #tpu.memory_space<vmem>>, vector<16xf32>,
        %mul3A_608 = arith.mulf %bitcast3A_603, %gather3A_535 : vector<16xf32>
        %swap3A_609 = arith.index_cast %add3A_533 : i32 to index
        %swap3A_610 = arith.constant 112 : index
        %swap3A_611 = tpu.vector_load %arg19[%swap3A_609, %swap3A_610] {strides = array<i32>} : memref<96x128xf32, #tpu.memory_space<vmem>>, vector<16xf32>,
        tpu.vector_store %arg19[%swap3A_609, %swap3A_610], %mul3A_608 {strides = array<i32>} : memref<96x128xf32, #tpu.memory_space<vmem>>, vector<16xf32>,
        %scan3A_612 = arith.constant 5 : i32
        %scan3A_613 = arith.addi %scan3A_198, %scan3A_612 : i32
        %mul3A_614 = arith.constant 1 : i32
        %mul3A_615 = arith.muli %scan3A_613, %mul3A_614 : i32
        %add3A_616 = arith.constant 0 : i32
        %add3A_617 = arith.addi %add3A_616, %mul3A_615 : i32
        %broadcast_in_dim3A_618 = vector.broadcast %add3A_617 : i32 to vector<16xi32>
        %gather3A_619 = tpu.vector_load_idx %arg15[%broadcast_in_dim3A_618] : memref<96xf32, #tpu.memory_space<vmem>>[vector<16xi32>], vector<16xf32>,
        %get3A_620 = arith.index_cast %add3A_617 : i32 to index
        %get3A_621 = arith.constant 0 : index
        %get3A_622 = tpu.vector_load %arg17[%get3A_620, %get3A_621] {strides = array<i32>} : memref<96x64xi32, #tpu.memory_space<vmem>>, vector<16xi32>,
        %shift_left3A_623 = arith.constant 16 : i32
        %shift_left3A_624 = vector.broadcast %shift_left3A_623 : i32 to vector<16xi32>
        %shift_left3A_625 = arith.shli %get3A_622, %shift_left3A_624 : vector<16xi32>
        %bitcast3A_626 = vector.bitcast %shift_left3A_625 : vector<16xi32> to vector<16xf32>
        %and3A_627 = arith.constant -65536 : i32
        %and3A_628 = vector.broadcast %and3A_627 : i32 to vector<16xi32>
        %and3A_629 = arith.andi %get3A_622, %and3A_628 : vector<16xi32>
        %bitcast3A_630 = vector.bitcast %and3A_629 : vector<16xi32> to vector<16xf32>
        %mul3A_631 = arith.mulf %bitcast3A_626, %gather3A_619 : vector<16xf32>
        %swap3A_632 = arith.index_cast %add3A_617 : i32 to index
        %swap3A_633 = arith.constant 0 : index
        %swap3A_634 = tpu.vector_load %arg19[%swap3A_632, %swap3A_633] {strides = array<i32>} : memref<96x128xf32, #tpu.memory_space<vmem>>, vector<16xf32>,
        tpu.vector_store %arg19[%swap3A_632, %swap3A_633], %mul3A_631 {strides = array<i32>} : memref<96x128xf32, #tpu.memory_space<vmem>>, vector<16xf32>,
        %mul3A_635 = arith.mulf %bitcast3A_630, %gather3A_619 : vector<16xf32>
        %swap3A_636 = arith.index_cast %add3A_617 : i32 to index
        %swap3A_637 = arith.constant 64 : index
        %swap3A_638 = tpu.vector_load %arg19[%swap3A_636, %swap3A_637] {strides = array<i32>} : memref<96x128xf32, #tpu.memory_space<vmem>>, vector<16xf32>,
        tpu.vector_store %arg19[%swap3A_636, %swap3A_637], %mul3A_635 {strides = array<i32>} : memref<96x128xf32, #tpu.memory_space<vmem>>, vector<16xf32>,
        %get3A_639 = arith.index_cast %add3A_617 : i32 to index
        %get3A_640 = arith.constant 16 : index
        %get3A_641 = tpu.vector_load %arg17[%get3A_639, %get3A_640] {strides = array<i32>} : memref<96x64xi32, #tpu.memory_space<vmem>>, vector<16xi32>,
        %shift_left3A_642 = arith.constant 16 : i32
        %shift_left3A_643 = vector.broadcast %shift_left3A_642 : i32 to vector<16xi32>
        %shift_left3A_644 = arith.shli %get3A_641, %shift_left3A_643 : vector<16xi32>
        %bitcast3A_645 = vector.bitcast %shift_left3A_644 : vector<16xi32> to vector<16xf32>
        %and3A_646 = arith.constant -65536 : i32
        %and3A_647 = vector.broadcast %and3A_646 : i32 to vector<16xi32>
        %and3A_648 = arith.andi %get3A_641, %and3A_647 : vector<16xi32>
        %bitcast3A_649 = vector.bitcast %and3A_648 : vector<16xi32> to vector<16xf32>
        %mul3A_650 = arith.mulf %bitcast3A_645, %gather3A_619 : vector<16xf32>
        %swap3A_651 = arith.index_cast %add3A_617 : i32 to index
        %swap3A_652 = arith.constant 16 : index
        %swap3A_653 = tpu.vector_load %arg19[%swap3A_651, %swap3A_652] {strides = array<i32>} : memref<96x128xf32, #tpu.memory_space<vmem>>, vector<16xf32>,
        tpu.vector_store %arg19[%swap3A_651, %swap3A_652], %mul3A_650 {strides = array<i32>} : memref<96x128xf32, #tpu.memory_space<vmem>>, vector<16xf32>,
        %mul3A_654 = arith.mulf %bitcast3A_649, %gather3A_619 : vector<16xf32>
        %swap3A_655 = arith.index_cast %add3A_617 : i32 to index
        %swap3A_656 = arith.constant 80 : index
        %swap3A_657 = tpu.vector_load %arg19[%swap3A_655, %swap3A_656] {strides = array<i32>} : memref<96x128xf32, #tpu.memory_space<vmem>>, vector<16xf32>,
        tpu.vector_store %arg19[%swap3A_655, %swap3A_656], %mul3A_654 {strides = array<i32>} : memref<96x128xf32, #tpu.memory_space<vmem>>, vector<16xf32>,
        %get3A_658 = arith.index_cast %add3A_617 : i32 to index
        %get3A_659 = arith.constant 32 : index
        %get3A_660 = tpu.vector_load %arg17[%get3A_658, %get3A_659] {strides = array<i32>} : memref<96x64xi32, #tpu.memory_space<vmem>>, vector<16xi32>,
        %shift_left3A_661 = arith.constant 16 : i32
        %shift_left3A_662 = vector.broadcast %shift_left3A_661 : i32 to vector<16xi32>
        %shift_left3A_663 = arith.shli %get3A_660, %shift_left3A_662 : vector<16xi32>
        %bitcast3A_664 = vector.bitcast %shift_left3A_663 : vector<16xi32> to vector<16xf32>
        %and3A_665 = arith.constant -65536 : i32
        %and3A_666 = vector.broadcast %and3A_665 : i32 to vector<16xi32>
        %and3A_667 = arith.andi %get3A_660, %and3A_666 : vector<16xi32>
        %bitcast3A_668 = vector.bitcast %and3A_667 : vector<16xi32> to vector<16xf32>
        %mul3A_669 = arith.mulf %bitcast3A_664, %gather3A_619 : vector<16xf32>
        %swap3A_670 = arith.index_cast %add3A_617 : i32 to index
        %swap3A_671 = arith.constant 32 : index
        %swap3A_672 = tpu.vector_load %arg19[%swap3A_670, %swap3A_671] {strides = array<i32>} : memref<96x128xf32, #tpu.memory_space<vmem>>, vector<16xf32>,
        tpu.vector_store %arg19[%swap3A_670, %swap3A_671], %mul3A_669 {strides = array<i32>} : memref<96x128xf32, #tpu.memory_space<vmem>>, vector<16xf32>,
        %mul3A_673 = arith.mulf %bitcast3A_668, %gather3A_619 : vector<16xf32>
        %swap3A_674 = arith.index_cast %add3A_617 : i32 to index
        %swap3A_675 = arith.constant 96 : index
        %swap3A_676 = tpu.vector_load %arg19[%swap3A_674, %swap3A_675] {strides = array<i32>} : memref<96x128xf32, #tpu.memory_space<vmem>>, vector<16xf32>,
        tpu.vector_store %arg19[%swap3A_674, %swap3A_675], %mul3A_673 {strides = array<i32>} : memref<96x128xf32, #tpu.memory_space<vmem>>, vector<16xf32>,
        %get3A_677 = arith.index_cast %add3A_617 : i32 to index
        %get3A_678 = arith.constant 48 : index
        %get3A_679 = tpu.vector_load %arg17[%get3A_677, %get3A_678] {strides = array<i32>} : memref<96x64xi32, #tpu.memory_space<vmem>>, vector<16xi32>,
        %shift_left3A_680 = arith.constant 16 : i32
        %shift_left3A_681 = vector.broadcast %shift_left3A_680 : i32 to vector<16xi32>
        %shift_left3A_682 = arith.shli %get3A_679, %shift_left3A_681 : vector<16xi32>
        %bitcast3A_683 = vector.bitcast %shift_left3A_682 : vector<16xi32> to vector<16xf32>
        %and3A_684 = arith.constant -65536 : i32
        %and3A_685 = vector.broadcast %and3A_684 : i32 to vector<16xi32>
        %and3A_686 = arith.andi %get3A_679, %and3A_685 : vector<16xi32>
        %bitcast3A_687 = vector.bitcast %and3A_686 : vector<16xi32> to vector<16xf32>
        %mul3A_688 = arith.mulf %bitcast3A_683, %gather3A_619 : vector<16xf32>
        %swap3A_689 = arith.index_cast %add3A_617 : i32 to index
        %swap3A_690 = arith.constant 48 : index
        %swap3A_691 = tpu.vector_load %arg19[%swap3A_689, %swap3A_690] {strides = array<i32>} : memref<96x128xf32, #tpu.memory_space<vmem>>, vector<16xf32>,
        tpu.vector_store %arg19[%swap3A_689, %swap3A_690], %mul3A_688 {strides = array<i32>} : memref<96x128xf32, #tpu.memory_space<vmem>>, vector<16xf32>,
        %mul3A_692 = arith.mulf %bitcast3A_687, %gather3A_619 : vector<16xf32>
        %swap3A_693 = arith.index_cast %add3A_617 : i32 to index
        %swap3A_694 = arith.constant 112 : index
        %swap3A_695 = tpu.vector_load %arg19[%swap3A_693, %swap3A_694] {strides = array<i32>} : memref<96x128xf32, #tpu.memory_space<vmem>>, vector<16xf32>,
        tpu.vector_store %arg19[%swap3A_693, %swap3A_694], %mul3A_692 {strides = array<i32>} : memref<96x128xf32, #tpu.memory_space<vmem>>, vector<16xf32>,
        %scan3A_696 = arith.constant 6 : i32
        %scan3A_697 = arith.addi %scan3A_198, %scan3A_696 : i32
        %mul3A_698 = arith.constant 1 : i32
        %mul3A_699 = arith.muli %scan3A_697, %mul3A_698 : i32
        %add3A_700 = arith.constant 0 : i32
        %add3A_701 = arith.addi %add3A_700, %mul3A_699 : i32
        %broadcast_in_dim3A_702 = vector.broadcast %add3A_701 : i32 to vector<16xi32>
        %gather3A_703 = tpu.vector_load_idx %arg15[%broadcast_in_dim3A_702] : memref<96xf32, #tpu.memory_space<vmem>>[vector<16xi32>], vector<16xf32>,
        %get3A_704 = arith.index_cast %add3A_701 : i32 to index
        %get3A_705 = arith.constant 0 : index
        %get3A_706 = tpu.vector_load %arg17[%get3A_704, %get3A_705] {strides = array<i32>} : memref<96x64xi32, #tpu.memory_space<vmem>>, vector<16xi32>,
        %shift_left3A_707 = arith.constant 16 : i32
        %shift_left3A_708 = vector.broadcast %shift_left3A_707 : i32 to vector<16xi32>
        %shift_left3A_709 = arith.shli %get3A_706, %shift_left3A_708 : vector<16xi32>
        %bitcast3A_710 = vector.bitcast %shift_left3A_709 : vector<16xi32> to vector<16xf32>
        %and3A_711 = arith.constant -65536 : i32
        %and3A_712 = vector.broadcast %and3A_711 : i32 to vector<16xi32>
        %and3A_713 = arith.andi %get3A_706, %and3A_712 : vector<16xi32>
        %bitcast3A_714 = vector.bitcast %and3A_713 : vector<16xi32> to vector<16xf32>
        %mul3A_715 = arith.mulf %bitcast3A_710, %gather3A_703 : vector<16xf32>
        %swap3A_716 = arith.index_cast %add3A_701 : i32 to index
        %swap3A_717 = arith.constant 0 : index
        %swap3A_718 = tpu.vector_load %arg19[%swap3A_716, %swap3A_717] {strides = array<i32>} : memref<96x128xf32, #tpu.memory_space<vmem>>, vector<16xf32>,
        tpu.vector_store %arg19[%swap3A_716, %swap3A_717], %mul3A_715 {strides = array<i32>} : memref<96x128xf32, #tpu.memory_space<vmem>>, vector<16xf32>,
        %mul3A_719 = arith.mulf %bitcast3A_714, %gather3A_703 : vector<16xf32>
        %swap3A_720 = arith.index_cast %add3A_701 : i32 to index
        %swap3A_721 = arith.constant 64 : index
        %swap3A_722 = tpu.vector_load %arg19[%swap3A_720, %swap3A_721] {strides = array<i32>} : memref<96x128xf32, #tpu.memory_space<vmem>>, vector<16xf32>,
        tpu.vector_store %arg19[%swap3A_720, %swap3A_721], %mul3A_719 {strides = array<i32>} : memref<96x128xf32, #tpu.memory_space<vmem>>, vector<16xf32>,
        %get3A_723 = arith.index_cast %add3A_701 : i32 to index
        %get3A_724 = arith.constant 16 : index
        %get3A_725 = tpu.vector_load %arg17[%get3A_723, %get3A_724] {strides = array<i32>} : memref<96x64xi32, #tpu.memory_space<vmem>>, vector<16xi32>,
        %shift_left3A_726 = arith.constant 16 : i32
        %shift_left3A_727 = vector.broadcast %shift_left3A_726 : i32 to vector<16xi32>
        %shift_left3A_728 = arith.shli %get3A_725, %shift_left3A_727 : vector<16xi32>
        %bitcast3A_729 = vector.bitcast %shift_left3A_728 : vector<16xi32> to vector<16xf32>
        %and3A_730 = arith.constant -65536 : i32
        %and3A_731 = vector.broadcast %and3A_730 : i32 to vector<16xi32>
        %and3A_732 = arith.andi %get3A_725, %and3A_731 : vector<16xi32>
        %bitcast3A_733 = vector.bitcast %and3A_732 : vector<16xi32> to vector<16xf32>
        %mul3A_734 = arith.mulf %bitcast3A_729, %gather3A_703 : vector<16xf32>
        %swap3A_735 = arith.index_cast %add3A_701 : i32 to index
        %swap3A_736 = arith.constant 16 : index
        %swap3A_737 = tpu.vector_load %arg19[%swap3A_735, %swap3A_736] {strides = array<i32>} : memref<96x128xf32, #tpu.memory_space<vmem>>, vector<16xf32>,
        tpu.vector_store %arg19[%swap3A_735, %swap3A_736], %mul3A_734 {strides = array<i32>} : memref<96x128xf32, #tpu.memory_space<vmem>>, vector<16xf32>,
        %mul3A_738 = arith.mulf %bitcast3A_733, %gather3A_703 : vector<16xf32>
        %swap3A_739 = arith.index_cast %add3A_701 : i32 to index
        %swap3A_740 = arith.constant 80 : index
        %swap3A_741 = tpu.vector_load %arg19[%swap3A_739, %swap3A_740] {strides = array<i32>} : memref<96x128xf32, #tpu.memory_space<vmem>>, vector<16xf32>,
        tpu.vector_store %arg19[%swap3A_739, %swap3A_740], %mul3A_738 {strides = array<i32>} : memref<96x128xf32, #tpu.memory_space<vmem>>, vector<16xf32>,
        %get3A_742 = arith.index_cast %add3A_701 : i32 to index
        %get3A_743 = arith.constant 32 : index
        %get3A_744 = tpu.vector_load %arg17[%get3A_742, %get3A_743] {strides = array<i32>} : memref<96x64xi32, #tpu.memory_space<vmem>>, vector<16xi32>,
        %shift_left3A_745 = arith.constant 16 : i32
        %shift_left3A_746 = vector.broadcast %shift_left3A_745 : i32 to vector<16xi32>
        %shift_left3A_747 = arith.shli %get3A_744, %shift_left3A_746 : vector<16xi32>
        %bitcast3A_748 = vector.bitcast %shift_left3A_747 : vector<16xi32> to vector<16xf32>
        %and3A_749 = arith.constant -65536 : i32
        %and3A_750 = vector.broadcast %and3A_749 : i32 to vector<16xi32>
        %and3A_751 = arith.andi %get3A_744, %and3A_750 : vector<16xi32>
        %bitcast3A_752 = vector.bitcast %and3A_751 : vector<16xi32> to vector<16xf32>
        %mul3A_753 = arith.mulf %bitcast3A_748, %gather3A_703 : vector<16xf32>
        %swap3A_754 = arith.index_cast %add3A_701 : i32 to index
        %swap3A_755 = arith.constant 32 : index
        %swap3A_756 = tpu.vector_load %arg19[%swap3A_754, %swap3A_755] {strides = array<i32>} : memref<96x128xf32, #tpu.memory_space<vmem>>, vector<16xf32>,
        tpu.vector_store %arg19[%swap3A_754, %swap3A_755], %mul3A_753 {strides = array<i32>} : memref<96x128xf32, #tpu.memory_space<vmem>>, vector<16xf32>,
        %mul3A_757 = arith.mulf %bitcast3A_752, %gather3A_703 : vector<16xf32>
        %swap3A_758 = arith.index_cast %add3A_701 : i32 to index
        %swap3A_759 = arith.constant 96 : index
        %swap3A_760 = tpu.vector_load %arg19[%swap3A_758, %swap3A_759] {strides = array<i32>} : memref<96x128xf32, #tpu.memory_space<vmem>>, vector<16xf32>,
        tpu.vector_store %arg19[%swap3A_758, %swap3A_759], %mul3A_757 {strides = array<i32>} : memref<96x128xf32, #tpu.memory_space<vmem>>, vector<16xf32>,
        %get3A_761 = arith.index_cast %add3A_701 : i32 to index
        %get3A_762 = arith.constant 48 : index
        %get3A_763 = tpu.vector_load %arg17[%get3A_761, %get3A_762] {strides = array<i32>} : memref<96x64xi32, #tpu.memory_space<vmem>>, vector<16xi32>,
        %shift_left3A_764 = arith.constant 16 : i32
        %shift_left3A_765 = vector.broadcast %shift_left3A_764 : i32 to vector<16xi32>
        %shift_left3A_766 = arith.shli %get3A_763, %shift_left3A_765 : vector<16xi32>
        %bitcast3A_767 = vector.bitcast %shift_left3A_766 : vector<16xi32> to vector<16xf32>
        %and3A_768 = arith.constant -65536 : i32
        %and3A_769 = vector.broadcast %and3A_768 : i32 to vector<16xi32>
        %and3A_770 = arith.andi %get3A_763, %and3A_769 : vector<16xi32>
        %bitcast3A_771 = vector.bitcast %and3A_770 : vector<16xi32> to vector<16xf32>
        %mul3A_772 = arith.mulf %bitcast3A_767, %gather3A_703 : vector<16xf32>
        %swap3A_773 = arith.index_cast %add3A_701 : i32 to index
        %swap3A_774 = arith.constant 48 : index
        %swap3A_775 = tpu.vector_load %arg19[%swap3A_773, %swap3A_774] {strides = array<i32>} : memref<96x128xf32, #tpu.memory_space<vmem>>, vector<16xf32>,
        tpu.vector_store %arg19[%swap3A_773, %swap3A_774], %mul3A_772 {strides = array<i32>} : memref<96x128xf32, #tpu.memory_space<vmem>>, vector<16xf32>,
        %mul3A_776 = arith.mulf %bitcast3A_771, %gather3A_703 : vector<16xf32>
        %swap3A_777 = arith.index_cast %add3A_701 : i32 to index
        %swap3A_778 = arith.constant 112 : index
        %swap3A_779 = tpu.vector_load %arg19[%swap3A_777, %swap3A_778] {strides = array<i32>} : memref<96x128xf32, #tpu.memory_space<vmem>>, vector<16xf32>,
        tpu.vector_store %arg19[%swap3A_777, %swap3A_778], %mul3A_776 {strides = array<i32>} : memref<96x128xf32, #tpu.memory_space<vmem>>, vector<16xf32>,
        %scan3A_780 = arith.constant 7 : i32
        %scan3A_781 = arith.addi %scan3A_198, %scan3A_780 : i32
        %mul3A_782 = arith.constant 1 : i32
        %mul3A_783 = arith.muli %scan3A_781, %mul3A_782 : i32
        %add3A_784 = arith.constant 0 : i32
        %add3A_785 = arith.addi %add3A_784, %mul3A_783 : i32
        %broadcast_in_dim3A_786 = vector.broadcast %add3A_785 : i32 to vector<16xi32>
        %gather3A_787 = tpu.vector_load_idx %arg15[%broadcast_in_dim3A_786] : memref<96xf32, #tpu.memory_space<vmem>>[vector<16xi32>], vector<16xf32>,
        %get3A_788 = arith.index_cast %add3A_785 : i32 to index
        %get3A_789 = arith.constant 0 : index
        %get3A_790 = tpu.vector_load %arg17[%get3A_788, %get3A_789] {strides = array<i32>} : memref<96x64xi32, #tpu.memory_space<vmem>>, vector<16xi32>,
        %shift_left3A_791 = arith.constant 16 : i32
        %shift_left3A_792 = vector.broadcast %shift_left3A_791 : i32 to vector<16xi32>
        %shift_left3A_793 = arith.shli %get3A_790, %shift_left3A_792 : vector<16xi32>
        %bitcast3A_794 = vector.bitcast %shift_left3A_793 : vector<16xi32> to vector<16xf32>
        %and3A_795 = arith.constant -65536 : i32
        %and3A_796 = vector.broadcast %and3A_795 : i32 to vector<16xi32>
        %and3A_797 = arith.andi %get3A_790, %and3A_796 : vector<16xi32>
        %bitcast3A_798 = vector.bitcast %and3A_797 : vector<16xi32> to vector<16xf32>
        %mul3A_799 = arith.mulf %bitcast3A_794, %gather3A_787 : vector<16xf32>
        %swap3A_800 = arith.index_cast %add3A_785 : i32 to index
        %swap3A_801 = arith.constant 0 : index
        %swap3A_802 = tpu.vector_load %arg19[%swap3A_800, %swap3A_801] {strides = array<i32>} : memref<96x128xf32, #tpu.memory_space<vmem>>, vector<16xf32>,
        tpu.vector_store %arg19[%swap3A_800, %swap3A_801], %mul3A_799 {strides = array<i32>} : memref<96x128xf32, #tpu.memory_space<vmem>>, vector<16xf32>,
        %mul3A_803 = arith.mulf %bitcast3A_798, %gather3A_787 : vector<16xf32>
        %swap3A_804 = arith.index_cast %add3A_785 : i32 to index
        %swap3A_805 = arith.constant 64 : index
        %swap3A_806 = tpu.vector_load %arg19[%swap3A_804, %swap3A_805] {strides = array<i32>} : memref<96x128xf32, #tpu.memory_space<vmem>>, vector<16xf32>,
        tpu.vector_store %arg19[%swap3A_804, %swap3A_805], %mul3A_803 {strides = array<i32>} : memref<96x128xf32, #tpu.memory_space<vmem>>, vector<16xf32>,
        %get3A_807 = arith.index_cast %add3A_785 : i32 to index
        %get3A_808 = arith.constant 16 : index
        %get3A_809 = tpu.vector_load %arg17[%get3A_807, %get3A_808] {strides = array<i32>} : memref<96x64xi32, #tpu.memory_space<vmem>>, vector<16xi32>,
        %shift_left3A_810 = arith.constant 16 : i32
        %shift_left3A_811 = vector.broadcast %shift_left3A_810 : i32 to vector<16xi32>
        %shift_left3A_812 = arith.shli %get3A_809, %shift_left3A_811 : vector<16xi32>
        %bitcast3A_813 = vector.bitcast %shift_left3A_812 : vector<16xi32> to vector<16xf32>
        %and3A_814 = arith.constant -65536 : i32
        %and3A_815 = vector.broadcast %and3A_814 : i32 to vector<16xi32>
        %and3A_816 = arith.andi %get3A_809, %and3A_815 : vector<16xi32>
        %bitcast3A_817 = vector.bitcast %and3A_816 : vector<16xi32> to vector<16xf32>
        %mul3A_818 = arith.mulf %bitcast3A_813, %gather3A_787 : vector<16xf32>
        %swap3A_819 = arith.index_cast %add3A_785 : i32 to index
        %swap3A_820 = arith.constant 16 : index
        %swap3A_821 = tpu.vector_load %arg19[%swap3A_819, %swap3A_820] {strides = array<i32>} : memref<96x128xf32, #tpu.memory_space<vmem>>, vector<16xf32>,
        tpu.vector_store %arg19[%swap3A_819, %swap3A_820], %mul3A_818 {strides = array<i32>} : memref<96x128xf32, #tpu.memory_space<vmem>>, vector<16xf32>,
        %mul3A_822 = arith.mulf %bitcast3A_817, %gather3A_787 : vector<16xf32>
        %swap3A_823 = arith.index_cast %add3A_785 : i32 to index
        %swap3A_824 = arith.constant 80 : index
        %swap3A_825 = tpu.vector_load %arg19[%swap3A_823, %swap3A_824] {strides = array<i32>} : memref<96x128xf32, #tpu.memory_space<vmem>>, vector<16xf32>,
        tpu.vector_store %arg19[%swap3A_823, %swap3A_824], %mul3A_822 {strides = array<i32>} : memref<96x128xf32, #tpu.memory_space<vmem>>, vector<16xf32>,
        %get3A_826 = arith.index_cast %add3A_785 : i32 to index
        %get3A_827 = arith.constant 32 : index
        %get3A_828 = tpu.vector_load %arg17[%get3A_826, %get3A_827] {strides = array<i32>} : memref<96x64xi32, #tpu.memory_space<vmem>>, vector<16xi32>,
        %shift_left3A_829 = arith.constant 16 : i32
        %shift_left3A_830 = vector.broadcast %shift_left3A_829 : i32 to vector<16xi32>
        %shift_left3A_831 = arith.shli %get3A_828, %shift_left3A_830 : vector<16xi32>
        %bitcast3A_832 = vector.bitcast %shift_left3A_831 : vector<16xi32> to vector<16xf32>
        %and3A_833 = arith.constant -65536 : i32
        %and3A_834 = vector.broadcast %and3A_833 : i32 to vector<16xi32>
        %and3A_835 = arith.andi %get3A_828, %and3A_834 : vector<16xi32>
        %bitcast3A_836 = vector.bitcast %and3A_835 : vector<16xi32> to vector<16xf32>
        %mul3A_837 = arith.mulf %bitcast3A_832, %gather3A_787 : vector<16xf32>
        %swap3A_838 = arith.index_cast %add3A_785 : i32 to index
        %swap3A_839 = arith.constant 32 : index
        %swap3A_840 = tpu.vector_load %arg19[%swap3A_838, %swap3A_839] {strides = array<i32>} : memref<96x128xf32, #tpu.memory_space<vmem>>, vector<16xf32>,
        tpu.vector_store %arg19[%swap3A_838, %swap3A_839], %mul3A_837 {strides = array<i32>} : memref<96x128xf32, #tpu.memory_space<vmem>>, vector<16xf32>,
        %mul3A_841 = arith.mulf %bitcast3A_836, %gather3A_787 : vector<16xf32>
        %swap3A_842 = arith.index_cast %add3A_785 : i32 to index
        %swap3A_843 = arith.constant 96 : index
        %swap3A_844 = tpu.vector_load %arg19[%swap3A_842, %swap3A_843] {strides = array<i32>} : memref<96x128xf32, #tpu.memory_space<vmem>>, vector<16xf32>,
        tpu.vector_store %arg19[%swap3A_842, %swap3A_843], %mul3A_841 {strides = array<i32>} : memref<96x128xf32, #tpu.memory_space<vmem>>, vector<16xf32>,
        %get3A_845 = arith.index_cast %add3A_785 : i32 to index
        %get3A_846 = arith.constant 48 : index
        %get3A_847 = tpu.vector_load %arg17[%get3A_845, %get3A_846] {strides = array<i32>} : memref<96x64xi32, #tpu.memory_space<vmem>>, vector<16xi32>,
        %shift_left3A_848 = arith.constant 16 : i32
        %shift_left3A_849 = vector.broadcast %shift_left3A_848 : i32 to vector<16xi32>
        %shift_left3A_850 = arith.shli %get3A_847, %shift_left3A_849 : vector<16xi32>
        %bitcast3A_851 = vector.bitcast %shift_left3A_850 : vector<16xi32> to vector<16xf32>
        %and3A_852 = arith.constant -65536 : i32
        %and3A_853 = vector.broadcast %and3A_852 : i32 to vector<16xi32>
        %and3A_854 = arith.andi %get3A_847, %and3A_853 : vector<16xi32>
        %bitcast3A_855 = vector.bitcast %and3A_854 : vector<16xi32> to vector<16xf32>
        %mul3A_856 = arith.mulf %bitcast3A_851, %gather3A_787 : vector<16xf32>
        %swap3A_857 = arith.index_cast %add3A_785 : i32 to index
        %swap3A_858 = arith.constant 48 : index
        %swap3A_859 = tpu.vector_load %arg19[%swap3A_857, %swap3A_858] {strides = array<i32>} : memref<96x128xf32, #tpu.memory_space<vmem>>, vector<16xf32>,
        tpu.vector_store %arg19[%swap3A_857, %swap3A_858], %mul3A_856 {strides = array<i32>} : memref<96x128xf32, #tpu.memory_space<vmem>>, vector<16xf32>,
        %mul3A_860 = arith.mulf %bitcast3A_855, %gather3A_787 : vector<16xf32>
        %swap3A_861 = arith.index_cast %add3A_785 : i32 to index
        %swap3A_862 = arith.constant 112 : index
        %swap3A_863 = tpu.vector_load %arg19[%swap3A_861, %swap3A_862] {strides = array<i32>} : memref<96x128xf32, #tpu.memory_space<vmem>>, vector<16xf32>,
        tpu.vector_store %arg19[%swap3A_861, %swap3A_862], %mul3A_860 {strides = array<i32>} : memref<96x128xf32, #tpu.memory_space<vmem>>, vector<16xf32>,
      }
      %scan3A_142 = arith.constant 96 : i32
      %dma_start3A_143 = arith.constant 0 : i32
      %dma_start3A_144 = tpu.memref_slice %arg21[%dma_start3A_143] : memref<10240xf32, #tpu.memory_space<vmem_shared>> -> memref<10240xf32, #tpu.memory_space<vmem_shared>>
      tpu.enqueue_indirect_dma source(%arg15 : memref<96xf32, #tpu.memory_space<vmem>>) target(%dma_start3A_144 : memref<10240xf32, #tpu.memory_space<vmem_shared>>) offsets(%arg11 : memref<96xi32, #tpu.memory_space<vmem>>) semaphore(%arg26 : memref<!tpu.dma_semaphore, #tpu.memory_space<semaphore_mem>>) {add = true}
      "tpu.region"() ({
        %run_scoped3A = tpu.sem_alloc : memref<!tpu.dma_semaphore, #tpu.memory_space<semaphore_mem>>
        %dma_start3A_198 = arith.constant 0 : i32
        %dma_start3A_199 = arith.constant 0 : i32
        %dma_start3A_200 = tpu.memref_slice %arg20[%dma_start3A_198, %dma_start3A_199] : memref<10240x128xf32, #tpu.memory_space<vmem_shared>> -> memref<10240x128xf32, #tpu.memory_space<vmem_shared>>
        tpu.enqueue_indirect_dma source(%arg19 : memref<96x128xf32, #tpu.memory_space<vmem>>) target(%dma_start3A_200 : memref<10240x128xf32, #tpu.memory_space<vmem_shared>>) offsets(%arg11 : memref<96xi32, #tpu.memory_space<vmem>>) semaphore(%run_scoped3A : memref<!tpu.dma_semaphore, #tpu.memory_space<semaphore_mem>>) {add = true}
        %dma_wait3A_201 = arith.constant 0 : i32
        %dma_wait3A_202 = arith.constant 0 : i32
        %dma_wait3A_203 = tpu.memref_slice %arg20[%dma_wait3A_201, %dma_wait3A_202] : memref<10240x128xf32, #tpu.memory_space<vmem_shared>> -> memref<10240x128xf32, #tpu.memory_space<vmem_shared>>
        tpu.wait_indirect_dma semaphore(%run_scoped3A : memref<!tpu.dma_semaphore, #tpu.memory_space<semaphore_mem>>) src(%arg19 : memref<96x128xf32, #tpu.memory_space<vmem>>) dst(%dma_wait3A_203 : memref<10240x128xf32, #tpu.memory_space<vmem_shared>>)
        tpu.yield
      }) : () -> ()
      %dma_wait3A_145 = arith.constant 0 : i32
      %dma_wait3A_146 = tpu.memref_slice %arg21[%dma_wait3A_145] : memref<10240xf32, #tpu.memory_space<vmem_shared>> -> memref<10240xf32, #tpu.memory_space<vmem_shared>>
      tpu.wait_indirect_dma semaphore(%arg26 : memref<!tpu.dma_semaphore, #tpu.memory_space<semaphore_mem>>) src(%arg15 : memref<96xf32, #tpu.memory_space<vmem>>) dst(%dma_wait3A_146 : memref<10240xf32, #tpu.memory_space<vmem_shared>>)
      %add3A_147 = arith.constant 2 : i32
      %add3A_148 = arith.addi %mul3A_117, %add3A_147 : i32
      %mul3A_149 = arith.constant 96 : i32
      %mul3A_150 = arith.muli %add3A_148, %mul3A_149 : i32
      %add3A_151 = arith.addi %mul3A_30, %mul3A_150 : i32
      %dma_start3A_152 = tpu.memref_slice %arg5[%add3A_151] : memref<325632xi32, #tpu.memory_space<hbm>> -> memref<96xi32, #tpu.memory_space<hbm>>
      %dma_start3A_153 = tpu.memref_slice %arg5[%add3A_151] : memref<325632xi32, #tpu.memory_space<hbm>> -> memref<96xi32, #tpu.memory_space<hbm>>
      tpu.enqueue_dma source(%dma_start3A_153 : memref<96xi32, #tpu.memory_space<hbm>>) target(%arg11 : memref<96xi32, #tpu.memory_space<vmem>>) target_semaphore(%arg22 : memref<!tpu.dma_semaphore, #tpu.memory_space<semaphore_mem>>)
      %dma_start3A_154 = tpu.memref_slice %arg6[%add3A_151] : memref<325632xi32, #tpu.memory_space<hbm>> -> memref<96xi32, #tpu.memory_space<hbm>>
      %dma_start3A_155 = tpu.memref_slice %arg6[%add3A_151] : memref<325632xi32, #tpu.memory_space<hbm>> -> memref<96xi32, #tpu.memory_space<hbm>>
      tpu.enqueue_dma source(%dma_start3A_155 : memref<96xi32, #tpu.memory_space<hbm>>) target(%arg13 : memref<96xi32, #tpu.memory_space<vmem>>) target_semaphore(%arg22 : memref<!tpu.dma_semaphore, #tpu.memory_space<semaphore_mem>>)
      %mul3A_156 = arith.constant 2 : i32
      %mul3A_157 = arith.muli %mul3A_156, %add3A_115 : i32
      %add3A_158 = arith.constant 1 : i32
      %add3A_159 = arith.addi %mul3A_157, %add3A_158 : i32
      %dma_wait3A_160 = arith.constant 0 : i32
      %dma_wait3A_161 = arith.constant 0 : i32
      %dma_wait3A_162 = tpu.memref_slice %arg4[%dma_wait3A_160, %dma_wait3A_161] : memref<10000x64xi32, #tpu.memory_space<hbm>> -> memref<10000x64xi32, #tpu.memory_space<hbm>>
      tpu.wait_indirect_dma semaphore(%arg25 : memref<!tpu.dma_semaphore, #tpu.memory_space<semaphore_mem>>) src(%dma_wait3A_162 : memref<10000x64xi32, #tpu.memory_space<hbm>>) dst(%arg18 : memref<96x64xi32, #tpu.memory_space<vmem>>)
      %add3A_163 = arith.constant 1 : i32
      %add3A_164 = arith.addi %add3A_159, %add3A_163 : i32
      %mul3A_165 = arith.constant 96 : i32
      %mul3A_166 = arith.muli %add3A_164, %mul3A_165 : i32
      %add3A_167 = arith.addi %mul3A_30, %mul3A_166 : i32
      %dma_wait3A_168 = tpu.memref_slice %arg5[%add3A_167] : memref<325632xi32, #tpu.memory_space<hbm>> -> memref<96xi32, #tpu.memory_space<hbm>>
      %dma_wait3A_169 = tpu.memref_slice %arg5[%add3A_167] : memref<325632xi32, #tpu.memory_space<hbm>> -> memref<96xi32, #tpu.memory_space<hbm>>
      tpu.wait_dma2 semaphore(%arg22 : memref<!tpu.dma_semaphore, #tpu.memory_space<semaphore_mem>>) src(%dma_wait3A_169 : memref<96xi32, #tpu.memory_space<hbm>>) dst(%arg11 : memref<96xi32, #tpu.memory_space<vmem>>)
      %dma_wait3A_170 = tpu.memref_slice %arg6[%add3A_167] : memref<325632xi32, #tpu.memory_space<hbm>> -> memref<96xi32, #tpu.memory_space<hbm>>
      %dma_wait3A_171 = tpu.memref_slice %arg6[%add3A_167] : memref<325632xi32, #tpu.memory_space<hbm>> -> memref<96xi32, #tpu.memory_space<hbm>>
      tpu.wait_dma2 semaphore(%arg22 : memref<!tpu.dma_semaphore, #tpu.memory_space<semaphore_mem>>) src(%dma_wait3A_171 : memref<96xi32, #tpu.memory_space<hbm>>) dst(%arg13 : memref<96xi32, #tpu.memory_space<vmem>>)
      %dma_start3A_172 = arith.constant 0 : i32
      %dma_start3A_173 = arith.constant 0 : i32
      %dma_start3A_174 = tpu.memref_slice %arg4[%dma_start3A_172, %dma_start3A_173] : memref<10000x64xi32, #tpu.memory_space<hbm>> -> memref<10000x64xi32, #tpu.memory_space<hbm>>
      tpu.enqueue_indirect_dma source(%dma_start3A_174 : memref<10000x64xi32, #tpu.memory_space<hbm>>) target(%arg17 : memref<96x64xi32, #tpu.memory_space<vmem>>) offsets(%arg13 : memref<96xi32, #tpu.memory_space<vmem>>) semaphore(%arg24 : memref<!tpu.dma_semaphore, #tpu.memory_space<semaphore_mem>>)
      %scan3A_175 = arith.constant 0 : i32
      %scan3A_176 = arith.constant 6 : i32
      %scan3A_177 = arith.addi %scan3A_175, %scan3A_176 : i32
      %scan3A_178 = arith.constant 1 : i32
      scf.for %scan3A_198 = %scan3A_175 to %scan3A_177 step %scan3A_178  : i32 {
        %mul3A_199 = arith.constant 1 : i32
        %mul3A_200 = arith.muli %scan3A_198, %mul3A_199 : i32
        %add3A_201 = arith.constant 0 : i32
        %add3A_202 = arith.addi %add3A_201, %mul3A_200 : i32
        %mul3A_203 = arith.constant 16 : i32
        %mul3A_204 = arith.muli %add3A_202, %mul3A_203 : i32
        %get3A = arith.index_cast %mul3A_204 : i32 to index
        %get3A_205 = tpu.vector_load %arg12[%get3A] {strides = array<i32>} : memref<96xi32, #tpu.memory_space<vmem>>, vector<16xi32>,
        %gather3A = tpu.vector_load_idx %arg9[%get3A_205] : memref<10048xf32, #tpu.memory_space<vmem>>[vector<16xi32>], vector<16xf32>,
        %get3A_206 = arith.index_cast %mul3A_204 : i32 to index
        %get3A_207 = tpu.vector_load %arg14[%get3A_206] {strides = array<i32>} : memref<96xi32, #tpu.memory_space<vmem>>, vector<16xi32>,
        %gather3A_208 = tpu.vector_load_idx %arg10[%get3A_207] : memref<10000xf32, #tpu.memory_space<vmem>>[vector<16xi32>], vector<16xf32>,
        %add3A_209 = arith.addf %gather3A, %gather3A_208 : vector<16xf32>
        %gt3A = arith.constant 0.000000e+00 : f32
        %gt3A_210 = vector.broadcast %gt3A : f32 to vector<16xf32>
        %gt3A_211 = arith.cmpf ogt, %add3A_209, %gt3A_210 : vector<16xf32>
        %mul3A_212 = arith.constant 2.000000e-01 : f32
        %mul3A_213 = vector.broadcast %mul3A_212 : f32 to vector<16xf32>
        %mul3A_214 = arith.mulf %add3A_209, %mul3A_213 : vector<16xf32>
        %select_n3A = arith.select %gt3A_211, %add3A_209, %mul3A_214 : vector<16xi1>, vector<16xf32>
        %jit3A = arith.constant -3.000000e+01 : f32
        %jit3A_215 = arith.constant 3.000000e+01 : f32
        %max3A = vector.broadcast %jit3A : f32 to vector<16xf32>
        %max3A_216 = arith.maximumf %max3A, %select_n3A : vector<16xf32>
        %min3A = vector.broadcast %jit3A_215 : f32 to vector<16xf32>
        %min3A_217 = arith.minimumf %min3A, %max3A_216 : vector<16xf32>
        %exp3A = math.exp %min3A_217 : vector<16xf32>
        %swap3A_218 = arith.index_cast %mul3A_204 : i32 to index
        %swap3A_219 = tpu.vector_load %arg16[%swap3A_218] {strides = array<i32>} : memref<96xf32, #tpu.memory_space<vmem>>, vector<16xf32>,
        tpu.vector_store %arg16[%swap3A_218], %exp3A {strides = array<i32>} : memref<96xf32, #tpu.memory_space<vmem>>, vector<16xf32>,
      }
      %scan3A_179 = arith.constant 6 : i32
      %scan3A_180 = arith.constant 0 : i32
      %scan3A_181 = arith.constant 96 : i32
      %scan3A_182 = arith.addi %scan3A_180, %scan3A_181 : i32
      %scan3A_183 = arith.constant 8 : i32
      scf.for %scan3A_198 = %scan3A_180 to %scan3A_182 step %scan3A_183  : i32 {
        %mul3A_199 = arith.constant 1 : i32
        %mul3A_200 = arith.muli %scan3A_198, %mul3A_199 : i32
        %add3A_201 = arith.constant 0 : i32
        %add3A_202 = arith.addi %add3A_201, %mul3A_200 : i32
        %broadcast_in_dim3A_203 = vector.broadcast %add3A_202 : i32 to vector<16xi32>
        %gather3A = tpu.vector_load_idx %arg16[%broadcast_in_dim3A_203] : memref<96xf32, #tpu.memory_space<vmem>>[vector<16xi32>], vector<16xf32>,
        %get3A = arith.index_cast %add3A_202 : i32 to index
        %get3A_204 = arith.constant 0 : index
        %get3A_205 = tpu.vector_load %arg18[%get3A, %get3A_204] {strides = array<i32>} : memref<96x64xi32, #tpu.memory_space<vmem>>, vector<16xi32>,
        %shift_left3A = arith.constant 16 : i32
        %shift_left3A_206 = vector.broadcast %shift_left3A : i32 to vector<16xi32>
        %shift_left3A_207 = arith.shli %get3A_205, %shift_left3A_206 : vector<16xi32>
        %bitcast3A = vector.bitcast %shift_left3A_207 : vector<16xi32> to vector<16xf32>
        %and3A = arith.constant -65536 : i32
        %and3A_208 = vector.broadcast %and3A : i32 to vector<16xi32>
        %and3A_209 = arith.andi %get3A_205, %and3A_208 : vector<16xi32>
        %bitcast3A_210 = vector.bitcast %and3A_209 : vector<16xi32> to vector<16xf32>
        %mul3A_211 = arith.mulf %bitcast3A, %gather3A : vector<16xf32>
        %swap3A_212 = arith.index_cast %add3A_202 : i32 to index
        %swap3A_213 = arith.constant 0 : index
        %swap3A_214 = tpu.vector_load %arg19[%swap3A_212, %swap3A_213] {strides = array<i32>} : memref<96x128xf32, #tpu.memory_space<vmem>>, vector<16xf32>,
        tpu.vector_store %arg19[%swap3A_212, %swap3A_213], %mul3A_211 {strides = array<i32>} : memref<96x128xf32, #tpu.memory_space<vmem>>, vector<16xf32>,
        %mul3A_215 = arith.mulf %bitcast3A_210, %gather3A : vector<16xf32>
        %swap3A_216 = arith.index_cast %add3A_202 : i32 to index
        %swap3A_217 = arith.constant 64 : index
        %swap3A_218 = tpu.vector_load %arg19[%swap3A_216, %swap3A_217] {strides = array<i32>} : memref<96x128xf32, #tpu.memory_space<vmem>>, vector<16xf32>,
        tpu.vector_store %arg19[%swap3A_216, %swap3A_217], %mul3A_215 {strides = array<i32>} : memref<96x128xf32, #tpu.memory_space<vmem>>, vector<16xf32>,
        %get3A_219 = arith.index_cast %add3A_202 : i32 to index
        %get3A_220 = arith.constant 16 : index
        %get3A_221 = tpu.vector_load %arg18[%get3A_219, %get3A_220] {strides = array<i32>} : memref<96x64xi32, #tpu.memory_space<vmem>>, vector<16xi32>,
        %shift_left3A_222 = arith.constant 16 : i32
        %shift_left3A_223 = vector.broadcast %shift_left3A_222 : i32 to vector<16xi32>
        %shift_left3A_224 = arith.shli %get3A_221, %shift_left3A_223 : vector<16xi32>
        %bitcast3A_225 = vector.bitcast %shift_left3A_224 : vector<16xi32> to vector<16xf32>
        %and3A_226 = arith.constant -65536 : i32
        %and3A_227 = vector.broadcast %and3A_226 : i32 to vector<16xi32>
        %and3A_228 = arith.andi %get3A_221, %and3A_227 : vector<16xi32>
        %bitcast3A_229 = vector.bitcast %and3A_228 : vector<16xi32> to vector<16xf32>
        %mul3A_230 = arith.mulf %bitcast3A_225, %gather3A : vector<16xf32>
        %swap3A_231 = arith.index_cast %add3A_202 : i32 to index
        %swap3A_232 = arith.constant 16 : index
        %swap3A_233 = tpu.vector_load %arg19[%swap3A_231, %swap3A_232] {strides = array<i32>} : memref<96x128xf32, #tpu.memory_space<vmem>>, vector<16xf32>,
        tpu.vector_store %arg19[%swap3A_231, %swap3A_232], %mul3A_230 {strides = array<i32>} : memref<96x128xf32, #tpu.memory_space<vmem>>, vector<16xf32>,
        %mul3A_234 = arith.mulf %bitcast3A_229, %gather3A : vector<16xf32>
        %swap3A_235 = arith.index_cast %add3A_202 : i32 to index
        %swap3A_236 = arith.constant 80 : index
        %swap3A_237 = tpu.vector_load %arg19[%swap3A_235, %swap3A_236] {strides = array<i32>} : memref<96x128xf32, #tpu.memory_space<vmem>>, vector<16xf32>,
        tpu.vector_store %arg19[%swap3A_235, %swap3A_236], %mul3A_234 {strides = array<i32>} : memref<96x128xf32, #tpu.memory_space<vmem>>, vector<16xf32>,
        %get3A_238 = arith.index_cast %add3A_202 : i32 to index
        %get3A_239 = arith.constant 32 : index
        %get3A_240 = tpu.vector_load %arg18[%get3A_238, %get3A_239] {strides = array<i32>} : memref<96x64xi32, #tpu.memory_space<vmem>>, vector<16xi32>,
        %shift_left3A_241 = arith.constant 16 : i32
        %shift_left3A_242 = vector.broadcast %shift_left3A_241 : i32 to vector<16xi32>
        %shift_left3A_243 = arith.shli %get3A_240, %shift_left3A_242 : vector<16xi32>
        %bitcast3A_244 = vector.bitcast %shift_left3A_243 : vector<16xi32> to vector<16xf32>
        %and3A_245 = arith.constant -65536 : i32
        %and3A_246 = vector.broadcast %and3A_245 : i32 to vector<16xi32>
        %and3A_247 = arith.andi %get3A_240, %and3A_246 : vector<16xi32>
        %bitcast3A_248 = vector.bitcast %and3A_247 : vector<16xi32> to vector<16xf32>
        %mul3A_249 = arith.mulf %bitcast3A_244, %gather3A : vector<16xf32>
        %swap3A_250 = arith.index_cast %add3A_202 : i32 to index
        %swap3A_251 = arith.constant 32 : index
        %swap3A_252 = tpu.vector_load %arg19[%swap3A_250, %swap3A_251] {strides = array<i32>} : memref<96x128xf32, #tpu.memory_space<vmem>>, vector<16xf32>,
        tpu.vector_store %arg19[%swap3A_250, %swap3A_251], %mul3A_249 {strides = array<i32>} : memref<96x128xf32, #tpu.memory_space<vmem>>, vector<16xf32>,
        %mul3A_253 = arith.mulf %bitcast3A_248, %gather3A : vector<16xf32>
        %swap3A_254 = arith.index_cast %add3A_202 : i32 to index
        %swap3A_255 = arith.constant 96 : index
        %swap3A_256 = tpu.vector_load %arg19[%swap3A_254, %swap3A_255] {strides = array<i32>} : memref<96x128xf32, #tpu.memory_space<vmem>>, vector<16xf32>,
        tpu.vector_store %arg19[%swap3A_254, %swap3A_255], %mul3A_253 {strides = array<i32>} : memref<96x128xf32, #tpu.memory_space<vmem>>, vector<16xf32>,
        %get3A_257 = arith.index_cast %add3A_202 : i32 to index
        %get3A_258 = arith.constant 48 : index
        %get3A_259 = tpu.vector_load %arg18[%get3A_257, %get3A_258] {strides = array<i32>} : memref<96x64xi32, #tpu.memory_space<vmem>>, vector<16xi32>,
        %shift_left3A_260 = arith.constant 16 : i32
        %shift_left3A_261 = vector.broadcast %shift_left3A_260 : i32 to vector<16xi32>
        %shift_left3A_262 = arith.shli %get3A_259, %shift_left3A_261 : vector<16xi32>
        %bitcast3A_263 = vector.bitcast %shift_left3A_262 : vector<16xi32> to vector<16xf32>
        %and3A_264 = arith.constant -65536 : i32
        %and3A_265 = vector.broadcast %and3A_264 : i32 to vector<16xi32>
        %and3A_266 = arith.andi %get3A_259, %and3A_265 : vector<16xi32>
        %bitcast3A_267 = vector.bitcast %and3A_266 : vector<16xi32> to vector<16xf32>
        %mul3A_268 = arith.mulf %bitcast3A_263, %gather3A : vector<16xf32>
        %swap3A_269 = arith.index_cast %add3A_202 : i32 to index
        %swap3A_270 = arith.constant 48 : index
        %swap3A_271 = tpu.vector_load %arg19[%swap3A_269, %swap3A_270] {strides = array<i32>} : memref<96x128xf32, #tpu.memory_space<vmem>>, vector<16xf32>,
        tpu.vector_store %arg19[%swap3A_269, %swap3A_270], %mul3A_268 {strides = array<i32>} : memref<96x128xf32, #tpu.memory_space<vmem>>, vector<16xf32>,
        %mul3A_272 = arith.mulf %bitcast3A_267, %gather3A : vector<16xf32>
        %swap3A_273 = arith.index_cast %add3A_202 : i32 to index
        %swap3A_274 = arith.constant 112 : index
        %swap3A_275 = tpu.vector_load %arg19[%swap3A_273, %swap3A_274] {strides = array<i32>} : memref<96x128xf32, #tpu.memory_space<vmem>>, vector<16xf32>,
        tpu.vector_store %arg19[%swap3A_273, %swap3A_274], %mul3A_272 {strides = array<i32>} : memref<96x128xf32, #tpu.memory_space<vmem>>, vector<16xf32>,
        %scan3A_276 = arith.constant 1 : i32
        %scan3A_277 = arith.addi %scan3A_198, %scan3A_276 : i32
        %mul3A_278 = arith.constant 1 : i32
        %mul3A_279 = arith.muli %scan3A_277, %mul3A_278 : i32
        %add3A_280 = arith.constant 0 : i32
        %add3A_281 = arith.addi %add3A_280, %mul3A_279 : i32
        %broadcast_in_dim3A_282 = vector.broadcast %add3A_281 : i32 to vector<16xi32>
        %gather3A_283 = tpu.vector_load_idx %arg16[%broadcast_in_dim3A_282] : memref<96xf32, #tpu.memory_space<vmem>>[vector<16xi32>], vector<16xf32>,
        %get3A_284 = arith.index_cast %add3A_281 : i32 to index
        %get3A_285 = arith.constant 0 : index
        %get3A_286 = tpu.vector_load %arg18[%get3A_284, %get3A_285] {strides = array<i32>} : memref<96x64xi32, #tpu.memory_space<vmem>>, vector<16xi32>,
        %shift_left3A_287 = arith.constant 16 : i32
        %shift_left3A_288 = vector.broadcast %shift_left3A_287 : i32 to vector<16xi32>
        %shift_left3A_289 = arith.shli %get3A_286, %shift_left3A_288 : vector<16xi32>
        %bitcast3A_290 = vector.bitcast %shift_left3A_289 : vector<16xi32> to vector<16xf32>
        %and3A_291 = arith.constant -65536 : i32
        %and3A_292 = vector.broadcast %and3A_291 : i32 to vector<16xi32>
        %and3A_293 = arith.andi %get3A_286, %and3A_292 : vector<16xi32>
        %bitcast3A_294 = vector.bitcast %and3A_293 : vector<16xi32> to vector<16xf32>
        %mul3A_295 = arith.mulf %bitcast3A_290, %gather3A_283 : vector<16xf32>
        %swap3A_296 = arith.index_cast %add3A_281 : i32 to index
        %swap3A_297 = arith.constant 0 : index
        %swap3A_298 = tpu.vector_load %arg19[%swap3A_296, %swap3A_297] {strides = array<i32>} : memref<96x128xf32, #tpu.memory_space<vmem>>, vector<16xf32>,
        tpu.vector_store %arg19[%swap3A_296, %swap3A_297], %mul3A_295 {strides = array<i32>} : memref<96x128xf32, #tpu.memory_space<vmem>>, vector<16xf32>,
        %mul3A_299 = arith.mulf %bitcast3A_294, %gather3A_283 : vector<16xf32>
        %swap3A_300 = arith.index_cast %add3A_281 : i32 to index
        %swap3A_301 = arith.constant 64 : index
        %swap3A_302 = tpu.vector_load %arg19[%swap3A_300, %swap3A_301] {strides = array<i32>} : memref<96x128xf32, #tpu.memory_space<vmem>>, vector<16xf32>,
        tpu.vector_store %arg19[%swap3A_300, %swap3A_301], %mul3A_299 {strides = array<i32>} : memref<96x128xf32, #tpu.memory_space<vmem>>, vector<16xf32>,
        %get3A_303 = arith.index_cast %add3A_281 : i32 to index
        %get3A_304 = arith.constant 16 : index
        %get3A_305 = tpu.vector_load %arg18[%get3A_303, %get3A_304] {strides = array<i32>} : memref<96x64xi32, #tpu.memory_space<vmem>>, vector<16xi32>,
        %shift_left3A_306 = arith.constant 16 : i32
        %shift_left3A_307 = vector.broadcast %shift_left3A_306 : i32 to vector<16xi32>
        %shift_left3A_308 = arith.shli %get3A_305, %shift_left3A_307 : vector<16xi32>
        %bitcast3A_309 = vector.bitcast %shift_left3A_308 : vector<16xi32> to vector<16xf32>
        %and3A_310 = arith.constant -65536 : i32
        %and3A_311 = vector.broadcast %and3A_310 : i32 to vector<16xi32>
        %and3A_312 = arith.andi %get3A_305, %and3A_311 : vector<16xi32>
        %bitcast3A_313 = vector.bitcast %and3A_312 : vector<16xi32> to vector<16xf32>
        %mul3A_314 = arith.mulf %bitcast3A_309, %gather3A_283 : vector<16xf32>
        %swap3A_315 = arith.index_cast %add3A_281 : i32 to index
        %swap3A_316 = arith.constant 16 : index
        %swap3A_317 = tpu.vector_load %arg19[%swap3A_315, %swap3A_316] {strides = array<i32>} : memref<96x128xf32, #tpu.memory_space<vmem>>, vector<16xf32>,
        tpu.vector_store %arg19[%swap3A_315, %swap3A_316], %mul3A_314 {strides = array<i32>} : memref<96x128xf32, #tpu.memory_space<vmem>>, vector<16xf32>,
        %mul3A_318 = arith.mulf %bitcast3A_313, %gather3A_283 : vector<16xf32>
        %swap3A_319 = arith.index_cast %add3A_281 : i32 to index
        %swap3A_320 = arith.constant 80 : index
        %swap3A_321 = tpu.vector_load %arg19[%swap3A_319, %swap3A_320] {strides = array<i32>} : memref<96x128xf32, #tpu.memory_space<vmem>>, vector<16xf32>,
        tpu.vector_store %arg19[%swap3A_319, %swap3A_320], %mul3A_318 {strides = array<i32>} : memref<96x128xf32, #tpu.memory_space<vmem>>, vector<16xf32>,
        %get3A_322 = arith.index_cast %add3A_281 : i32 to index
        %get3A_323 = arith.constant 32 : index
        %get3A_324 = tpu.vector_load %arg18[%get3A_322, %get3A_323] {strides = array<i32>} : memref<96x64xi32, #tpu.memory_space<vmem>>, vector<16xi32>,
        %shift_left3A_325 = arith.constant 16 : i32
        %shift_left3A_326 = vector.broadcast %shift_left3A_325 : i32 to vector<16xi32>
        %shift_left3A_327 = arith.shli %get3A_324, %shift_left3A_326 : vector<16xi32>
        %bitcast3A_328 = vector.bitcast %shift_left3A_327 : vector<16xi32> to vector<16xf32>
        %and3A_329 = arith.constant -65536 : i32
        %and3A_330 = vector.broadcast %and3A_329 : i32 to vector<16xi32>
        %and3A_331 = arith.andi %get3A_324, %and3A_330 : vector<16xi32>
        %bitcast3A_332 = vector.bitcast %and3A_331 : vector<16xi32> to vector<16xf32>
        %mul3A_333 = arith.mulf %bitcast3A_328, %gather3A_283 : vector<16xf32>
        %swap3A_334 = arith.index_cast %add3A_281 : i32 to index
        %swap3A_335 = arith.constant 32 : index
        %swap3A_336 = tpu.vector_load %arg19[%swap3A_334, %swap3A_335] {strides = array<i32>} : memref<96x128xf32, #tpu.memory_space<vmem>>, vector<16xf32>,
        tpu.vector_store %arg19[%swap3A_334, %swap3A_335], %mul3A_333 {strides = array<i32>} : memref<96x128xf32, #tpu.memory_space<vmem>>, vector<16xf32>,
        %mul3A_337 = arith.mulf %bitcast3A_332, %gather3A_283 : vector<16xf32>
        %swap3A_338 = arith.index_cast %add3A_281 : i32 to index
        %swap3A_339 = arith.constant 96 : index
        %swap3A_340 = tpu.vector_load %arg19[%swap3A_338, %swap3A_339] {strides = array<i32>} : memref<96x128xf32, #tpu.memory_space<vmem>>, vector<16xf32>,
        tpu.vector_store %arg19[%swap3A_338, %swap3A_339], %mul3A_337 {strides = array<i32>} : memref<96x128xf32, #tpu.memory_space<vmem>>, vector<16xf32>,
        %get3A_341 = arith.index_cast %add3A_281 : i32 to index
        %get3A_342 = arith.constant 48 : index
        %get3A_343 = tpu.vector_load %arg18[%get3A_341, %get3A_342] {strides = array<i32>} : memref<96x64xi32, #tpu.memory_space<vmem>>, vector<16xi32>,
        %shift_left3A_344 = arith.constant 16 : i32
        %shift_left3A_345 = vector.broadcast %shift_left3A_344 : i32 to vector<16xi32>
        %shift_left3A_346 = arith.shli %get3A_343, %shift_left3A_345 : vector<16xi32>
        %bitcast3A_347 = vector.bitcast %shift_left3A_346 : vector<16xi32> to vector<16xf32>
        %and3A_348 = arith.constant -65536 : i32
        %and3A_349 = vector.broadcast %and3A_348 : i32 to vector<16xi32>
        %and3A_350 = arith.andi %get3A_343, %and3A_349 : vector<16xi32>
        %bitcast3A_351 = vector.bitcast %and3A_350 : vector<16xi32> to vector<16xf32>
        %mul3A_352 = arith.mulf %bitcast3A_347, %gather3A_283 : vector<16xf32>
        %swap3A_353 = arith.index_cast %add3A_281 : i32 to index
        %swap3A_354 = arith.constant 48 : index
        %swap3A_355 = tpu.vector_load %arg19[%swap3A_353, %swap3A_354] {strides = array<i32>} : memref<96x128xf32, #tpu.memory_space<vmem>>, vector<16xf32>,
        tpu.vector_store %arg19[%swap3A_353, %swap3A_354], %mul3A_352 {strides = array<i32>} : memref<96x128xf32, #tpu.memory_space<vmem>>, vector<16xf32>,
        %mul3A_356 = arith.mulf %bitcast3A_351, %gather3A_283 : vector<16xf32>
        %swap3A_357 = arith.index_cast %add3A_281 : i32 to index
        %swap3A_358 = arith.constant 112 : index
        %swap3A_359 = tpu.vector_load %arg19[%swap3A_357, %swap3A_358] {strides = array<i32>} : memref<96x128xf32, #tpu.memory_space<vmem>>, vector<16xf32>,
        tpu.vector_store %arg19[%swap3A_357, %swap3A_358], %mul3A_356 {strides = array<i32>} : memref<96x128xf32, #tpu.memory_space<vmem>>, vector<16xf32>,
        %scan3A_360 = arith.constant 2 : i32
        %scan3A_361 = arith.addi %scan3A_198, %scan3A_360 : i32
        %mul3A_362 = arith.constant 1 : i32
        %mul3A_363 = arith.muli %scan3A_361, %mul3A_362 : i32
        %add3A_364 = arith.constant 0 : i32
        %add3A_365 = arith.addi %add3A_364, %mul3A_363 : i32
        %broadcast_in_dim3A_366 = vector.broadcast %add3A_365 : i32 to vector<16xi32>
        %gather3A_367 = tpu.vector_load_idx %arg16[%broadcast_in_dim3A_366] : memref<96xf32, #tpu.memory_space<vmem>>[vector<16xi32>], vector<16xf32>,
        %get3A_368 = arith.index_cast %add3A_365 : i32 to index
        %get3A_369 = arith.constant 0 : index
        %get3A_370 = tpu.vector_load %arg18[%get3A_368, %get3A_369] {strides = array<i32>} : memref<96x64xi32, #tpu.memory_space<vmem>>, vector<16xi32>,
        %shift_left3A_371 = arith.constant 16 : i32
        %shift_left3A_372 = vector.broadcast %shift_left3A_371 : i32 to vector<16xi32>
        %shift_left3A_373 = arith.shli %get3A_370, %shift_left3A_372 : vector<16xi32>
        %bitcast3A_374 = vector.bitcast %shift_left3A_373 : vector<16xi32> to vector<16xf32>
        %and3A_375 = arith.constant -65536 : i32
        %and3A_376 = vector.broadcast %and3A_375 : i32 to vector<16xi32>
        %and3A_377 = arith.andi %get3A_370, %and3A_376 : vector<16xi32>
        %bitcast3A_378 = vector.bitcast %and3A_377 : vector<16xi32> to vector<16xf32>
        %mul3A_379 = arith.mulf %bitcast3A_374, %gather3A_367 : vector<16xf32>
        %swap3A_380 = arith.index_cast %add3A_365 : i32 to index
        %swap3A_381 = arith.constant 0 : index
        %swap3A_382 = tpu.vector_load %arg19[%swap3A_380, %swap3A_381] {strides = array<i32>} : memref<96x128xf32, #tpu.memory_space<vmem>>, vector<16xf32>,
        tpu.vector_store %arg19[%swap3A_380, %swap3A_381], %mul3A_379 {strides = array<i32>} : memref<96x128xf32, #tpu.memory_space<vmem>>, vector<16xf32>,
        %mul3A_383 = arith.mulf %bitcast3A_378, %gather3A_367 : vector<16xf32>
        %swap3A_384 = arith.index_cast %add3A_365 : i32 to index
        %swap3A_385 = arith.constant 64 : index
        %swap3A_386 = tpu.vector_load %arg19[%swap3A_384, %swap3A_385] {strides = array<i32>} : memref<96x128xf32, #tpu.memory_space<vmem>>, vector<16xf32>,
        tpu.vector_store %arg19[%swap3A_384, %swap3A_385], %mul3A_383 {strides = array<i32>} : memref<96x128xf32, #tpu.memory_space<vmem>>, vector<16xf32>,
        %get3A_387 = arith.index_cast %add3A_365 : i32 to index
        %get3A_388 = arith.constant 16 : index
        %get3A_389 = tpu.vector_load %arg18[%get3A_387, %get3A_388] {strides = array<i32>} : memref<96x64xi32, #tpu.memory_space<vmem>>, vector<16xi32>,
        %shift_left3A_390 = arith.constant 16 : i32
        %shift_left3A_391 = vector.broadcast %shift_left3A_390 : i32 to vector<16xi32>
        %shift_left3A_392 = arith.shli %get3A_389, %shift_left3A_391 : vector<16xi32>
        %bitcast3A_393 = vector.bitcast %shift_left3A_392 : vector<16xi32> to vector<16xf32>
        %and3A_394 = arith.constant -65536 : i32
        %and3A_395 = vector.broadcast %and3A_394 : i32 to vector<16xi32>
        %and3A_396 = arith.andi %get3A_389, %and3A_395 : vector<16xi32>
        %bitcast3A_397 = vector.bitcast %and3A_396 : vector<16xi32> to vector<16xf32>
        %mul3A_398 = arith.mulf %bitcast3A_393, %gather3A_367 : vector<16xf32>
        %swap3A_399 = arith.index_cast %add3A_365 : i32 to index
        %swap3A_400 = arith.constant 16 : index
        %swap3A_401 = tpu.vector_load %arg19[%swap3A_399, %swap3A_400] {strides = array<i32>} : memref<96x128xf32, #tpu.memory_space<vmem>>, vector<16xf32>,
        tpu.vector_store %arg19[%swap3A_399, %swap3A_400], %mul3A_398 {strides = array<i32>} : memref<96x128xf32, #tpu.memory_space<vmem>>, vector<16xf32>,
        %mul3A_402 = arith.mulf %bitcast3A_397, %gather3A_367 : vector<16xf32>
        %swap3A_403 = arith.index_cast %add3A_365 : i32 to index
        %swap3A_404 = arith.constant 80 : index
        %swap3A_405 = tpu.vector_load %arg19[%swap3A_403, %swap3A_404] {strides = array<i32>} : memref<96x128xf32, #tpu.memory_space<vmem>>, vector<16xf32>,
        tpu.vector_store %arg19[%swap3A_403, %swap3A_404], %mul3A_402 {strides = array<i32>} : memref<96x128xf32, #tpu.memory_space<vmem>>, vector<16xf32>,
        %get3A_406 = arith.index_cast %add3A_365 : i32 to index
        %get3A_407 = arith.constant 32 : index
        %get3A_408 = tpu.vector_load %arg18[%get3A_406, %get3A_407] {strides = array<i32>} : memref<96x64xi32, #tpu.memory_space<vmem>>, vector<16xi32>,
        %shift_left3A_409 = arith.constant 16 : i32
        %shift_left3A_410 = vector.broadcast %shift_left3A_409 : i32 to vector<16xi32>
        %shift_left3A_411 = arith.shli %get3A_408, %shift_left3A_410 : vector<16xi32>
        %bitcast3A_412 = vector.bitcast %shift_left3A_411 : vector<16xi32> to vector<16xf32>
        %and3A_413 = arith.constant -65536 : i32
        %and3A_414 = vector.broadcast %and3A_413 : i32 to vector<16xi32>
        %and3A_415 = arith.andi %get3A_408, %and3A_414 : vector<16xi32>
        %bitcast3A_416 = vector.bitcast %and3A_415 : vector<16xi32> to vector<16xf32>
        %mul3A_417 = arith.mulf %bitcast3A_412, %gather3A_367 : vector<16xf32>
        %swap3A_418 = arith.index_cast %add3A_365 : i32 to index
        %swap3A_419 = arith.constant 32 : index
        %swap3A_420 = tpu.vector_load %arg19[%swap3A_418, %swap3A_419] {strides = array<i32>} : memref<96x128xf32, #tpu.memory_space<vmem>>, vector<16xf32>,
        tpu.vector_store %arg19[%swap3A_418, %swap3A_419], %mul3A_417 {strides = array<i32>} : memref<96x128xf32, #tpu.memory_space<vmem>>, vector<16xf32>,
        %mul3A_421 = arith.mulf %bitcast3A_416, %gather3A_367 : vector<16xf32>
        %swap3A_422 = arith.index_cast %add3A_365 : i32 to index
        %swap3A_423 = arith.constant 96 : index
        %swap3A_424 = tpu.vector_load %arg19[%swap3A_422, %swap3A_423] {strides = array<i32>} : memref<96x128xf32, #tpu.memory_space<vmem>>, vector<16xf32>,
        tpu.vector_store %arg19[%swap3A_422, %swap3A_423], %mul3A_421 {strides = array<i32>} : memref<96x128xf32, #tpu.memory_space<vmem>>, vector<16xf32>,
        %get3A_425 = arith.index_cast %add3A_365 : i32 to index
        %get3A_426 = arith.constant 48 : index
        %get3A_427 = tpu.vector_load %arg18[%get3A_425, %get3A_426] {strides = array<i32>} : memref<96x64xi32, #tpu.memory_space<vmem>>, vector<16xi32>,
        %shift_left3A_428 = arith.constant 16 : i32
        %shift_left3A_429 = vector.broadcast %shift_left3A_428 : i32 to vector<16xi32>
        %shift_left3A_430 = arith.shli %get3A_427, %shift_left3A_429 : vector<16xi32>
        %bitcast3A_431 = vector.bitcast %shift_left3A_430 : vector<16xi32> to vector<16xf32>
        %and3A_432 = arith.constant -65536 : i32
        %and3A_433 = vector.broadcast %and3A_432 : i32 to vector<16xi32>
        %and3A_434 = arith.andi %get3A_427, %and3A_433 : vector<16xi32>
        %bitcast3A_435 = vector.bitcast %and3A_434 : vector<16xi32> to vector<16xf32>
        %mul3A_436 = arith.mulf %bitcast3A_431, %gather3A_367 : vector<16xf32>
        %swap3A_437 = arith.index_cast %add3A_365 : i32 to index
        %swap3A_438 = arith.constant 48 : index
        %swap3A_439 = tpu.vector_load %arg19[%swap3A_437, %swap3A_438] {strides = array<i32>} : memref<96x128xf32, #tpu.memory_space<vmem>>, vector<16xf32>,
        tpu.vector_store %arg19[%swap3A_437, %swap3A_438], %mul3A_436 {strides = array<i32>} : memref<96x128xf32, #tpu.memory_space<vmem>>, vector<16xf32>,
        %mul3A_440 = arith.mulf %bitcast3A_435, %gather3A_367 : vector<16xf32>
        %swap3A_441 = arith.index_cast %add3A_365 : i32 to index
        %swap3A_442 = arith.constant 112 : index
        %swap3A_443 = tpu.vector_load %arg19[%swap3A_441, %swap3A_442] {strides = array<i32>} : memref<96x128xf32, #tpu.memory_space<vmem>>, vector<16xf32>,
        tpu.vector_store %arg19[%swap3A_441, %swap3A_442], %mul3A_440 {strides = array<i32>} : memref<96x128xf32, #tpu.memory_space<vmem>>, vector<16xf32>,
        %scan3A_444 = arith.constant 3 : i32
        %scan3A_445 = arith.addi %scan3A_198, %scan3A_444 : i32
        %mul3A_446 = arith.constant 1 : i32
        %mul3A_447 = arith.muli %scan3A_445, %mul3A_446 : i32
        %add3A_448 = arith.constant 0 : i32
        %add3A_449 = arith.addi %add3A_448, %mul3A_447 : i32
        %broadcast_in_dim3A_450 = vector.broadcast %add3A_449 : i32 to vector<16xi32>
        %gather3A_451 = tpu.vector_load_idx %arg16[%broadcast_in_dim3A_450] : memref<96xf32, #tpu.memory_space<vmem>>[vector<16xi32>], vector<16xf32>,
        %get3A_452 = arith.index_cast %add3A_449 : i32 to index
        %get3A_453 = arith.constant 0 : index
        %get3A_454 = tpu.vector_load %arg18[%get3A_452, %get3A_453] {strides = array<i32>} : memref<96x64xi32, #tpu.memory_space<vmem>>, vector<16xi32>,
        %shift_left3A_455 = arith.constant 16 : i32
        %shift_left3A_456 = vector.broadcast %shift_left3A_455 : i32 to vector<16xi32>
        %shift_left3A_457 = arith.shli %get3A_454, %shift_left3A_456 : vector<16xi32>
        %bitcast3A_458 = vector.bitcast %shift_left3A_457 : vector<16xi32> to vector<16xf32>
        %and3A_459 = arith.constant -65536 : i32
        %and3A_460 = vector.broadcast %and3A_459 : i32 to vector<16xi32>
        %and3A_461 = arith.andi %get3A_454, %and3A_460 : vector<16xi32>
        %bitcast3A_462 = vector.bitcast %and3A_461 : vector<16xi32> to vector<16xf32>
        %mul3A_463 = arith.mulf %bitcast3A_458, %gather3A_451 : vector<16xf32>
        %swap3A_464 = arith.index_cast %add3A_449 : i32 to index
        %swap3A_465 = arith.constant 0 : index
        %swap3A_466 = tpu.vector_load %arg19[%swap3A_464, %swap3A_465] {strides = array<i32>} : memref<96x128xf32, #tpu.memory_space<vmem>>, vector<16xf32>,
        tpu.vector_store %arg19[%swap3A_464, %swap3A_465], %mul3A_463 {strides = array<i32>} : memref<96x128xf32, #tpu.memory_space<vmem>>, vector<16xf32>,
        %mul3A_467 = arith.mulf %bitcast3A_462, %gather3A_451 : vector<16xf32>
        %swap3A_468 = arith.index_cast %add3A_449 : i32 to index
        %swap3A_469 = arith.constant 64 : index
        %swap3A_470 = tpu.vector_load %arg19[%swap3A_468, %swap3A_469] {strides = array<i32>} : memref<96x128xf32, #tpu.memory_space<vmem>>, vector<16xf32>,
        tpu.vector_store %arg19[%swap3A_468, %swap3A_469], %mul3A_467 {strides = array<i32>} : memref<96x128xf32, #tpu.memory_space<vmem>>, vector<16xf32>,
        %get3A_471 = arith.index_cast %add3A_449 : i32 to index
        %get3A_472 = arith.constant 16 : index
        %get3A_473 = tpu.vector_load %arg18[%get3A_471, %get3A_472] {strides = array<i32>} : memref<96x64xi32, #tpu.memory_space<vmem>>, vector<16xi32>,
        %shift_left3A_474 = arith.constant 16 : i32
        %shift_left3A_475 = vector.broadcast %shift_left3A_474 : i32 to vector<16xi32>
        %shift_left3A_476 = arith.shli %get3A_473, %shift_left3A_475 : vector<16xi32>
        %bitcast3A_477 = vector.bitcast %shift_left3A_476 : vector<16xi32> to vector<16xf32>
        %and3A_478 = arith.constant -65536 : i32
        %and3A_479 = vector.broadcast %and3A_478 : i32 to vector<16xi32>
        %and3A_480 = arith.andi %get3A_473, %and3A_479 : vector<16xi32>
        %bitcast3A_481 = vector.bitcast %and3A_480 : vector<16xi32> to vector<16xf32>
        %mul3A_482 = arith.mulf %bitcast3A_477, %gather3A_451 : vector<16xf32>
        %swap3A_483 = arith.index_cast %add3A_449 : i32 to index
        %swap3A_484 = arith.constant 16 : index
        %swap3A_485 = tpu.vector_load %arg19[%swap3A_483, %swap3A_484] {strides = array<i32>} : memref<96x128xf32, #tpu.memory_space<vmem>>, vector<16xf32>,
        tpu.vector_store %arg19[%swap3A_483, %swap3A_484], %mul3A_482 {strides = array<i32>} : memref<96x128xf32, #tpu.memory_space<vmem>>, vector<16xf32>,
        %mul3A_486 = arith.mulf %bitcast3A_481, %gather3A_451 : vector<16xf32>
        %swap3A_487 = arith.index_cast %add3A_449 : i32 to index
        %swap3A_488 = arith.constant 80 : index
        %swap3A_489 = tpu.vector_load %arg19[%swap3A_487, %swap3A_488] {strides = array<i32>} : memref<96x128xf32, #tpu.memory_space<vmem>>, vector<16xf32>,
        tpu.vector_store %arg19[%swap3A_487, %swap3A_488], %mul3A_486 {strides = array<i32>} : memref<96x128xf32, #tpu.memory_space<vmem>>, vector<16xf32>,
        %get3A_490 = arith.index_cast %add3A_449 : i32 to index
        %get3A_491 = arith.constant 32 : index
        %get3A_492 = tpu.vector_load %arg18[%get3A_490, %get3A_491] {strides = array<i32>} : memref<96x64xi32, #tpu.memory_space<vmem>>, vector<16xi32>,
        %shift_left3A_493 = arith.constant 16 : i32
        %shift_left3A_494 = vector.broadcast %shift_left3A_493 : i32 to vector<16xi32>
        %shift_left3A_495 = arith.shli %get3A_492, %shift_left3A_494 : vector<16xi32>
        %bitcast3A_496 = vector.bitcast %shift_left3A_495 : vector<16xi32> to vector<16xf32>
        %and3A_497 = arith.constant -65536 : i32
        %and3A_498 = vector.broadcast %and3A_497 : i32 to vector<16xi32>
        %and3A_499 = arith.andi %get3A_492, %and3A_498 : vector<16xi32>
        %bitcast3A_500 = vector.bitcast %and3A_499 : vector<16xi32> to vector<16xf32>
        %mul3A_501 = arith.mulf %bitcast3A_496, %gather3A_451 : vector<16xf32>
        %swap3A_502 = arith.index_cast %add3A_449 : i32 to index
        %swap3A_503 = arith.constant 32 : index
        %swap3A_504 = tpu.vector_load %arg19[%swap3A_502, %swap3A_503] {strides = array<i32>} : memref<96x128xf32, #tpu.memory_space<vmem>>, vector<16xf32>,
        tpu.vector_store %arg19[%swap3A_502, %swap3A_503], %mul3A_501 {strides = array<i32>} : memref<96x128xf32, #tpu.memory_space<vmem>>, vector<16xf32>,
        %mul3A_505 = arith.mulf %bitcast3A_500, %gather3A_451 : vector<16xf32>
        %swap3A_506 = arith.index_cast %add3A_449 : i32 to index
        %swap3A_507 = arith.constant 96 : index
        %swap3A_508 = tpu.vector_load %arg19[%swap3A_506, %swap3A_507] {strides = array<i32>} : memref<96x128xf32, #tpu.memory_space<vmem>>, vector<16xf32>,
        tpu.vector_store %arg19[%swap3A_506, %swap3A_507], %mul3A_505 {strides = array<i32>} : memref<96x128xf32, #tpu.memory_space<vmem>>, vector<16xf32>,
        %get3A_509 = arith.index_cast %add3A_449 : i32 to index
        %get3A_510 = arith.constant 48 : index
        %get3A_511 = tpu.vector_load %arg18[%get3A_509, %get3A_510] {strides = array<i32>} : memref<96x64xi32, #tpu.memory_space<vmem>>, vector<16xi32>,
        %shift_left3A_512 = arith.constant 16 : i32
        %shift_left3A_513 = vector.broadcast %shift_left3A_512 : i32 to vector<16xi32>
        %shift_left3A_514 = arith.shli %get3A_511, %shift_left3A_513 : vector<16xi32>
        %bitcast3A_515 = vector.bitcast %shift_left3A_514 : vector<16xi32> to vector<16xf32>
        %and3A_516 = arith.constant -65536 : i32
        %and3A_517 = vector.broadcast %and3A_516 : i32 to vector<16xi32>
        %and3A_518 = arith.andi %get3A_511, %and3A_517 : vector<16xi32>
        %bitcast3A_519 = vector.bitcast %and3A_518 : vector<16xi32> to vector<16xf32>
        %mul3A_520 = arith.mulf %bitcast3A_515, %gather3A_451 : vector<16xf32>
        %swap3A_521 = arith.index_cast %add3A_449 : i32 to index
        %swap3A_522 = arith.constant 48 : index
        %swap3A_523 = tpu.vector_load %arg19[%swap3A_521, %swap3A_522] {strides = array<i32>} : memref<96x128xf32, #tpu.memory_space<vmem>>, vector<16xf32>,
        tpu.vector_store %arg19[%swap3A_521, %swap3A_522], %mul3A_520 {strides = array<i32>} : memref<96x128xf32, #tpu.memory_space<vmem>>, vector<16xf32>,
        %mul3A_524 = arith.mulf %bitcast3A_519, %gather3A_451 : vector<16xf32>
        %swap3A_525 = arith.index_cast %add3A_449 : i32 to index
        %swap3A_526 = arith.constant 112 : index
        %swap3A_527 = tpu.vector_load %arg19[%swap3A_525, %swap3A_526] {strides = array<i32>} : memref<96x128xf32, #tpu.memory_space<vmem>>, vector<16xf32>,
        tpu.vector_store %arg19[%swap3A_525, %swap3A_526], %mul3A_524 {strides = array<i32>} : memref<96x128xf32, #tpu.memory_space<vmem>>, vector<16xf32>,
        %scan3A_528 = arith.constant 4 : i32
        %scan3A_529 = arith.addi %scan3A_198, %scan3A_528 : i32
        %mul3A_530 = arith.constant 1 : i32
        %mul3A_531 = arith.muli %scan3A_529, %mul3A_530 : i32
        %add3A_532 = arith.constant 0 : i32
        %add3A_533 = arith.addi %add3A_532, %mul3A_531 : i32
        %broadcast_in_dim3A_534 = vector.broadcast %add3A_533 : i32 to vector<16xi32>
        %gather3A_535 = tpu.vector_load_idx %arg16[%broadcast_in_dim3A_534] : memref<96xf32, #tpu.memory_space<vmem>>[vector<16xi32>], vector<16xf32>,
        %get3A_536 = arith.index_cast %add3A_533 : i32 to index
        %get3A_537 = arith.constant 0 : index
        %get3A_538 = tpu.vector_load %arg18[%get3A_536, %get3A_537] {strides = array<i32>} : memref<96x64xi32, #tpu.memory_space<vmem>>, vector<16xi32>,
        %shift_left3A_539 = arith.constant 16 : i32
        %shift_left3A_540 = vector.broadcast %shift_left3A_539 : i32 to vector<16xi32>
        %shift_left3A_541 = arith.shli %get3A_538, %shift_left3A_540 : vector<16xi32>
        %bitcast3A_542 = vector.bitcast %shift_left3A_541 : vector<16xi32> to vector<16xf32>
        %and3A_543 = arith.constant -65536 : i32
        %and3A_544 = vector.broadcast %and3A_543 : i32 to vector<16xi32>
        %and3A_545 = arith.andi %get3A_538, %and3A_544 : vector<16xi32>
        %bitcast3A_546 = vector.bitcast %and3A_545 : vector<16xi32> to vector<16xf32>
        %mul3A_547 = arith.mulf %bitcast3A_542, %gather3A_535 : vector<16xf32>
        %swap3A_548 = arith.index_cast %add3A_533 : i32 to index
        %swap3A_549 = arith.constant 0 : index
        %swap3A_550 = tpu.vector_load %arg19[%swap3A_548, %swap3A_549] {strides = array<i32>} : memref<96x128xf32, #tpu.memory_space<vmem>>, vector<16xf32>,
        tpu.vector_store %arg19[%swap3A_548, %swap3A_549], %mul3A_547 {strides = array<i32>} : memref<96x128xf32, #tpu.memory_space<vmem>>, vector<16xf32>,
        %mul3A_551 = arith.mulf %bitcast3A_546, %gather3A_535 : vector<16xf32>
        %swap3A_552 = arith.index_cast %add3A_533 : i32 to index
        %swap3A_553 = arith.constant 64 : index
        %swap3A_554 = tpu.vector_load %arg19[%swap3A_552, %swap3A_553] {strides = array<i32>} : memref<96x128xf32, #tpu.memory_space<vmem>>, vector<16xf32>,
        tpu.vector_store %arg19[%swap3A_552, %swap3A_553], %mul3A_551 {strides = array<i32>} : memref<96x128xf32, #tpu.memory_space<vmem>>, vector<16xf32>,
        %get3A_555 = arith.index_cast %add3A_533 : i32 to index
        %get3A_556 = arith.constant 16 : index
        %get3A_557 = tpu.vector_load %arg18[%get3A_555, %get3A_556] {strides = array<i32>} : memref<96x64xi32, #tpu.memory_space<vmem>>, vector<16xi32>,
        %shift_left3A_558 = arith.constant 16 : i32
        %shift_left3A_559 = vector.broadcast %shift_left3A_558 : i32 to vector<16xi32>
        %shift_left3A_560 = arith.shli %get3A_557, %shift_left3A_559 : vector<16xi32>
        %bitcast3A_561 = vector.bitcast %shift_left3A_560 : vector<16xi32> to vector<16xf32>
        %and3A_562 = arith.constant -65536 : i32
        %and3A_563 = vector.broadcast %and3A_562 : i32 to vector<16xi32>
        %and3A_564 = arith.andi %get3A_557, %and3A_563 : vector<16xi32>
        %bitcast3A_565 = vector.bitcast %and3A_564 : vector<16xi32> to vector<16xf32>
        %mul3A_566 = arith.mulf %bitcast3A_561, %gather3A_535 : vector<16xf32>
        %swap3A_567 = arith.index_cast %add3A_533 : i32 to index
        %swap3A_568 = arith.constant 16 : index
        %swap3A_569 = tpu.vector_load %arg19[%swap3A_567, %swap3A_568] {strides = array<i32>} : memref<96x128xf32, #tpu.memory_space<vmem>>, vector<16xf32>,
        tpu.vector_store %arg19[%swap3A_567, %swap3A_568], %mul3A_566 {strides = array<i32>} : memref<96x128xf32, #tpu.memory_space<vmem>>, vector<16xf32>,
        %mul3A_570 = arith.mulf %bitcast3A_565, %gather3A_535 : vector<16xf32>
        %swap3A_571 = arith.index_cast %add3A_533 : i32 to index
        %swap3A_572 = arith.constant 80 : index
        %swap3A_573 = tpu.vector_load %arg19[%swap3A_571, %swap3A_572] {strides = array<i32>} : memref<96x128xf32, #tpu.memory_space<vmem>>, vector<16xf32>,
        tpu.vector_store %arg19[%swap3A_571, %swap3A_572], %mul3A_570 {strides = array<i32>} : memref<96x128xf32, #tpu.memory_space<vmem>>, vector<16xf32>,
        %get3A_574 = arith.index_cast %add3A_533 : i32 to index
        %get3A_575 = arith.constant 32 : index
        %get3A_576 = tpu.vector_load %arg18[%get3A_574, %get3A_575] {strides = array<i32>} : memref<96x64xi32, #tpu.memory_space<vmem>>, vector<16xi32>,
        %shift_left3A_577 = arith.constant 16 : i32
        %shift_left3A_578 = vector.broadcast %shift_left3A_577 : i32 to vector<16xi32>
        %shift_left3A_579 = arith.shli %get3A_576, %shift_left3A_578 : vector<16xi32>
        %bitcast3A_580 = vector.bitcast %shift_left3A_579 : vector<16xi32> to vector<16xf32>
        %and3A_581 = arith.constant -65536 : i32
        %and3A_582 = vector.broadcast %and3A_581 : i32 to vector<16xi32>
        %and3A_583 = arith.andi %get3A_576, %and3A_582 : vector<16xi32>
        %bitcast3A_584 = vector.bitcast %and3A_583 : vector<16xi32> to vector<16xf32>
        %mul3A_585 = arith.mulf %bitcast3A_580, %gather3A_535 : vector<16xf32>
        %swap3A_586 = arith.index_cast %add3A_533 : i32 to index
        %swap3A_587 = arith.constant 32 : index
        %swap3A_588 = tpu.vector_load %arg19[%swap3A_586, %swap3A_587] {strides = array<i32>} : memref<96x128xf32, #tpu.memory_space<vmem>>, vector<16xf32>,
        tpu.vector_store %arg19[%swap3A_586, %swap3A_587], %mul3A_585 {strides = array<i32>} : memref<96x128xf32, #tpu.memory_space<vmem>>, vector<16xf32>,
        %mul3A_589 = arith.mulf %bitcast3A_584, %gather3A_535 : vector<16xf32>
        %swap3A_590 = arith.index_cast %add3A_533 : i32 to index
        %swap3A_591 = arith.constant 96 : index
        %swap3A_592 = tpu.vector_load %arg19[%swap3A_590, %swap3A_591] {strides = array<i32>} : memref<96x128xf32, #tpu.memory_space<vmem>>, vector<16xf32>,
        tpu.vector_store %arg19[%swap3A_590, %swap3A_591], %mul3A_589 {strides = array<i32>} : memref<96x128xf32, #tpu.memory_space<vmem>>, vector<16xf32>,
        %get3A_593 = arith.index_cast %add3A_533 : i32 to index
        %get3A_594 = arith.constant 48 : index
        %get3A_595 = tpu.vector_load %arg18[%get3A_593, %get3A_594] {strides = array<i32>} : memref<96x64xi32, #tpu.memory_space<vmem>>, vector<16xi32>,
        %shift_left3A_596 = arith.constant 16 : i32
        %shift_left3A_597 = vector.broadcast %shift_left3A_596 : i32 to vector<16xi32>
        %shift_left3A_598 = arith.shli %get3A_595, %shift_left3A_597 : vector<16xi32>
        %bitcast3A_599 = vector.bitcast %shift_left3A_598 : vector<16xi32> to vector<16xf32>
        %and3A_600 = arith.constant -65536 : i32
        %and3A_601 = vector.broadcast %and3A_600 : i32 to vector<16xi32>
        %and3A_602 = arith.andi %get3A_595, %and3A_601 : vector<16xi32>
        %bitcast3A_603 = vector.bitcast %and3A_602 : vector<16xi32> to vector<16xf32>
        %mul3A_604 = arith.mulf %bitcast3A_599, %gather3A_535 : vector<16xf32>
        %swap3A_605 = arith.index_cast %add3A_533 : i32 to index
        %swap3A_606 = arith.constant 48 : index
        %swap3A_607 = tpu.vector_load %arg19[%swap3A_605, %swap3A_606] {strides = array<i32>} : memref<96x128xf32, #tpu.memory_space<vmem>>, vector<16xf32>,
        tpu.vector_store %arg19[%swap3A_605, %swap3A_606], %mul3A_604 {strides = array<i32>} : memref<96x128xf32, #tpu.memory_space<vmem>>, vector<16xf32>,
        %mul3A_608 = arith.mulf %bitcast3A_603, %gather3A_535 : vector<16xf32>
        %swap3A_609 = arith.index_cast %add3A_533 : i32 to index
        %swap3A_610 = arith.constant 112 : index
        %swap3A_611 = tpu.vector_load %arg19[%swap3A_609, %swap3A_610] {strides = array<i32>} : memref<96x128xf32, #tpu.memory_space<vmem>>, vector<16xf32>,
        tpu.vector_store %arg19[%swap3A_609, %swap3A_610], %mul3A_608 {strides = array<i32>} : memref<96x128xf32, #tpu.memory_space<vmem>>, vector<16xf32>,
        %scan3A_612 = arith.constant 5 : i32
        %scan3A_613 = arith.addi %scan3A_198, %scan3A_612 : i32
        %mul3A_614 = arith.constant 1 : i32
        %mul3A_615 = arith.muli %scan3A_613, %mul3A_614 : i32
        %add3A_616 = arith.constant 0 : i32
        %add3A_617 = arith.addi %add3A_616, %mul3A_615 : i32
        %broadcast_in_dim3A_618 = vector.broadcast %add3A_617 : i32 to vector<16xi32>
        %gather3A_619 = tpu.vector_load_idx %arg16[%broadcast_in_dim3A_618] : memref<96xf32, #tpu.memory_space<vmem>>[vector<16xi32>], vector<16xf32>,
        %get3A_620 = arith.index_cast %add3A_617 : i32 to index
        %get3A_621 = arith.constant 0 : index
        %get3A_622 = tpu.vector_load %arg18[%get3A_620, %get3A_621] {strides = array<i32>} : memref<96x64xi32, #tpu.memory_space<vmem>>, vector<16xi32>,
        %shift_left3A_623 = arith.constant 16 : i32
        %shift_left3A_624 = vector.broadcast %shift_left3A_623 : i32 to vector<16xi32>
        %shift_left3A_625 = arith.shli %get3A_622, %shift_left3A_624 : vector<16xi32>
        %bitcast3A_626 = vector.bitcast %shift_left3A_625 : vector<16xi32> to vector<16xf32>
        %and3A_627 = arith.constant -65536 : i32
        %and3A_628 = vector.broadcast %and3A_627 : i32 to vector<16xi32>
        %and3A_629 = arith.andi %get3A_622, %and3A_628 : vector<16xi32>
        %bitcast3A_630 = vector.bitcast %and3A_629 : vector<16xi32> to vector<16xf32>
        %mul3A_631 = arith.mulf %bitcast3A_626, %gather3A_619 : vector<16xf32>
        %swap3A_632 = arith.index_cast %add3A_617 : i32 to index
        %swap3A_633 = arith.constant 0 : index
        %swap3A_634 = tpu.vector_load %arg19[%swap3A_632, %swap3A_633] {strides = array<i32>} : memref<96x128xf32, #tpu.memory_space<vmem>>, vector<16xf32>,
        tpu.vector_store %arg19[%swap3A_632, %swap3A_633], %mul3A_631 {strides = array<i32>} : memref<96x128xf32, #tpu.memory_space<vmem>>, vector<16xf32>,
        %mul3A_635 = arith.mulf %bitcast3A_630, %gather3A_619 : vector<16xf32>
        %swap3A_636 = arith.index_cast %add3A_617 : i32 to index
        %swap3A_637 = arith.constant 64 : index
        %swap3A_638 = tpu.vector_load %arg19[%swap3A_636, %swap3A_637] {strides = array<i32>} : memref<96x128xf32, #tpu.memory_space<vmem>>, vector<16xf32>,
        tpu.vector_store %arg19[%swap3A_636, %swap3A_637], %mul3A_635 {strides = array<i32>} : memref<96x128xf32, #tpu.memory_space<vmem>>, vector<16xf32>,
        %get3A_639 = arith.index_cast %add3A_617 : i32 to index
        %get3A_640 = arith.constant 16 : index
        %get3A_641 = tpu.vector_load %arg18[%get3A_639, %get3A_640] {strides = array<i32>} : memref<96x64xi32, #tpu.memory_space<vmem>>, vector<16xi32>,
        %shift_left3A_642 = arith.constant 16 : i32
        %shift_left3A_643 = vector.broadcast %shift_left3A_642 : i32 to vector<16xi32>
        %shift_left3A_644 = arith.shli %get3A_641, %shift_left3A_643 : vector<16xi32>
        %bitcast3A_645 = vector.bitcast %shift_left3A_644 : vector<16xi32> to vector<16xf32>
        %and3A_646 = arith.constant -65536 : i32
        %and3A_647 = vector.broadcast %and3A_646 : i32 to vector<16xi32>
        %and3A_648 = arith.andi %get3A_641, %and3A_647 : vector<16xi32>
        %bitcast3A_649 = vector.bitcast %and3A_648 : vector<16xi32> to vector<16xf32>
        %mul3A_650 = arith.mulf %bitcast3A_645, %gather3A_619 : vector<16xf32>
        %swap3A_651 = arith.index_cast %add3A_617 : i32 to index
        %swap3A_652 = arith.constant 16 : index
        %swap3A_653 = tpu.vector_load %arg19[%swap3A_651, %swap3A_652] {strides = array<i32>} : memref<96x128xf32, #tpu.memory_space<vmem>>, vector<16xf32>,
        tpu.vector_store %arg19[%swap3A_651, %swap3A_652], %mul3A_650 {strides = array<i32>} : memref<96x128xf32, #tpu.memory_space<vmem>>, vector<16xf32>,
        %mul3A_654 = arith.mulf %bitcast3A_649, %gather3A_619 : vector<16xf32>
        %swap3A_655 = arith.index_cast %add3A_617 : i32 to index
        %swap3A_656 = arith.constant 80 : index
        %swap3A_657 = tpu.vector_load %arg19[%swap3A_655, %swap3A_656] {strides = array<i32>} : memref<96x128xf32, #tpu.memory_space<vmem>>, vector<16xf32>,
        tpu.vector_store %arg19[%swap3A_655, %swap3A_656], %mul3A_654 {strides = array<i32>} : memref<96x128xf32, #tpu.memory_space<vmem>>, vector<16xf32>,
        %get3A_658 = arith.index_cast %add3A_617 : i32 to index
        %get3A_659 = arith.constant 32 : index
        %get3A_660 = tpu.vector_load %arg18[%get3A_658, %get3A_659] {strides = array<i32>} : memref<96x64xi32, #tpu.memory_space<vmem>>, vector<16xi32>,
        %shift_left3A_661 = arith.constant 16 : i32
        %shift_left3A_662 = vector.broadcast %shift_left3A_661 : i32 to vector<16xi32>
        %shift_left3A_663 = arith.shli %get3A_660, %shift_left3A_662 : vector<16xi32>
        %bitcast3A_664 = vector.bitcast %shift_left3A_663 : vector<16xi32> to vector<16xf32>
        %and3A_665 = arith.constant -65536 : i32
        %and3A_666 = vector.broadcast %and3A_665 : i32 to vector<16xi32>
        %and3A_667 = arith.andi %get3A_660, %and3A_666 : vector<16xi32>
        %bitcast3A_668 = vector.bitcast %and3A_667 : vector<16xi32> to vector<16xf32>
        %mul3A_669 = arith.mulf %bitcast3A_664, %gather3A_619 : vector<16xf32>
        %swap3A_670 = arith.index_cast %add3A_617 : i32 to index
        %swap3A_671 = arith.constant 32 : index
        %swap3A_672 = tpu.vector_load %arg19[%swap3A_670, %swap3A_671] {strides = array<i32>} : memref<96x128xf32, #tpu.memory_space<vmem>>, vector<16xf32>,
        tpu.vector_store %arg19[%swap3A_670, %swap3A_671], %mul3A_669 {strides = array<i32>} : memref<96x128xf32, #tpu.memory_space<vmem>>, vector<16xf32>,
        %mul3A_673 = arith.mulf %bitcast3A_668, %gather3A_619 : vector<16xf32>
        %swap3A_674 = arith.index_cast %add3A_617 : i32 to index
        %swap3A_675 = arith.constant 96 : index
        %swap3A_676 = tpu.vector_load %arg19[%swap3A_674, %swap3A_675] {strides = array<i32>} : memref<96x128xf32, #tpu.memory_space<vmem>>, vector<16xf32>,
        tpu.vector_store %arg19[%swap3A_674, %swap3A_675], %mul3A_673 {strides = array<i32>} : memref<96x128xf32, #tpu.memory_space<vmem>>, vector<16xf32>,
        %get3A_677 = arith.index_cast %add3A_617 : i32 to index
        %get3A_678 = arith.constant 48 : index
        %get3A_679 = tpu.vector_load %arg18[%get3A_677, %get3A_678] {strides = array<i32>} : memref<96x64xi32, #tpu.memory_space<vmem>>, vector<16xi32>,
        %shift_left3A_680 = arith.constant 16 : i32
        %shift_left3A_681 = vector.broadcast %shift_left3A_680 : i32 to vector<16xi32>
        %shift_left3A_682 = arith.shli %get3A_679, %shift_left3A_681 : vector<16xi32>
        %bitcast3A_683 = vector.bitcast %shift_left3A_682 : vector<16xi32> to vector<16xf32>
        %and3A_684 = arith.constant -65536 : i32
        %and3A_685 = vector.broadcast %and3A_684 : i32 to vector<16xi32>
        %and3A_686 = arith.andi %get3A_679, %and3A_685 : vector<16xi32>
        %bitcast3A_687 = vector.bitcast %and3A_686 : vector<16xi32> to vector<16xf32>
        %mul3A_688 = arith.mulf %bitcast3A_683, %gather3A_619 : vector<16xf32>
        %swap3A_689 = arith.index_cast %add3A_617 : i32 to index
        %swap3A_690 = arith.constant 48 : index
        %swap3A_691 = tpu.vector_load %arg19[%swap3A_689, %swap3A_690] {strides = array<i32>} : memref<96x128xf32, #tpu.memory_space<vmem>>, vector<16xf32>,
        tpu.vector_store %arg19[%swap3A_689, %swap3A_690], %mul3A_688 {strides = array<i32>} : memref<96x128xf32, #tpu.memory_space<vmem>>, vector<16xf32>,
        %mul3A_692 = arith.mulf %bitcast3A_687, %gather3A_619 : vector<16xf32>
        %swap3A_693 = arith.index_cast %add3A_617 : i32 to index
        %swap3A_694 = arith.constant 112 : index
        %swap3A_695 = tpu.vector_load %arg19[%swap3A_693, %swap3A_694] {strides = array<i32>} : memref<96x128xf32, #tpu.memory_space<vmem>>, vector<16xf32>,
        tpu.vector_store %arg19[%swap3A_693, %swap3A_694], %mul3A_692 {strides = array<i32>} : memref<96x128xf32, #tpu.memory_space<vmem>>, vector<16xf32>,
        %scan3A_696 = arith.constant 6 : i32
        %scan3A_697 = arith.addi %scan3A_198, %scan3A_696 : i32
        %mul3A_698 = arith.constant 1 : i32
        %mul3A_699 = arith.muli %scan3A_697, %mul3A_698 : i32
        %add3A_700 = arith.constant 0 : i32
        %add3A_701 = arith.addi %add3A_700, %mul3A_699 : i32
        %broadcast_in_dim3A_702 = vector.broadcast %add3A_701 : i32 to vector<16xi32>
        %gather3A_703 = tpu.vector_load_idx %arg16[%broadcast_in_dim3A_702] : memref<96xf32, #tpu.memory_space<vmem>>[vector<16xi32>], vector<16xf32>,
        %get3A_704 = arith.index_cast %add3A_701 : i32 to index
        %get3A_705 = arith.constant 0 : index
        %get3A_706 = tpu.vector_load %arg18[%get3A_704, %get3A_705] {strides = array<i32>} : memref<96x64xi32, #tpu.memory_space<vmem>>, vector<16xi32>,
        %shift_left3A_707 = arith.constant 16 : i32
        %shift_left3A_708 = vector.broadcast %shift_left3A_707 : i32 to vector<16xi32>
        %shift_left3A_709 = arith.shli %get3A_706, %shift_left3A_708 : vector<16xi32>
        %bitcast3A_710 = vector.bitcast %shift_left3A_709 : vector<16xi32> to vector<16xf32>
        %and3A_711 = arith.constant -65536 : i32
        %and3A_712 = vector.broadcast %and3A_711 : i32 to vector<16xi32>
        %and3A_713 = arith.andi %get3A_706, %and3A_712 : vector<16xi32>
        %bitcast3A_714 = vector.bitcast %and3A_713 : vector<16xi32> to vector<16xf32>
        %mul3A_715 = arith.mulf %bitcast3A_710, %gather3A_703 : vector<16xf32>
        %swap3A_716 = arith.index_cast %add3A_701 : i32 to index
        %swap3A_717 = arith.constant 0 : index
        %swap3A_718 = tpu.vector_load %arg19[%swap3A_716, %swap3A_717] {strides = array<i32>} : memref<96x128xf32, #tpu.memory_space<vmem>>, vector<16xf32>,
        tpu.vector_store %arg19[%swap3A_716, %swap3A_717], %mul3A_715 {strides = array<i32>} : memref<96x128xf32, #tpu.memory_space<vmem>>, vector<16xf32>,
        %mul3A_719 = arith.mulf %bitcast3A_714, %gather3A_703 : vector<16xf32>
        %swap3A_720 = arith.index_cast %add3A_701 : i32 to index
        %swap3A_721 = arith.constant 64 : index
        %swap3A_722 = tpu.vector_load %arg19[%swap3A_720, %swap3A_721] {strides = array<i32>} : memref<96x128xf32, #tpu.memory_space<vmem>>, vector<16xf32>,
        tpu.vector_store %arg19[%swap3A_720, %swap3A_721], %mul3A_719 {strides = array<i32>} : memref<96x128xf32, #tpu.memory_space<vmem>>, vector<16xf32>,
        %get3A_723 = arith.index_cast %add3A_701 : i32 to index
        %get3A_724 = arith.constant 16 : index
        %get3A_725 = tpu.vector_load %arg18[%get3A_723, %get3A_724] {strides = array<i32>} : memref<96x64xi32, #tpu.memory_space<vmem>>, vector<16xi32>,
        %shift_left3A_726 = arith.constant 16 : i32
        %shift_left3A_727 = vector.broadcast %shift_left3A_726 : i32 to vector<16xi32>
        %shift_left3A_728 = arith.shli %get3A_725, %shift_left3A_727 : vector<16xi32>
        %bitcast3A_729 = vector.bitcast %shift_left3A_728 : vector<16xi32> to vector<16xf32>
        %and3A_730 = arith.constant -65536 : i32
        %and3A_731 = vector.broadcast %and3A_730 : i32 to vector<16xi32>
        %and3A_732 = arith.andi %get3A_725, %and3A_731 : vector<16xi32>
        %bitcast3A_733 = vector.bitcast %and3A_732 : vector<16xi32> to vector<16xf32>
        %mul3A_734 = arith.mulf %bitcast3A_729, %gather3A_703 : vector<16xf32>
        %swap3A_735 = arith.index_cast %add3A_701 : i32 to index
        %swap3A_736 = arith.constant 16 : index
        %swap3A_737 = tpu.vector_load %arg19[%swap3A_735, %swap3A_736] {strides = array<i32>} : memref<96x128xf32, #tpu.memory_space<vmem>>, vector<16xf32>,
        tpu.vector_store %arg19[%swap3A_735, %swap3A_736], %mul3A_734 {strides = array<i32>} : memref<96x128xf32, #tpu.memory_space<vmem>>, vector<16xf32>,
        %mul3A_738 = arith.mulf %bitcast3A_733, %gather3A_703 : vector<16xf32>
        %swap3A_739 = arith.index_cast %add3A_701 : i32 to index
        %swap3A_740 = arith.constant 80 : index
        %swap3A_741 = tpu.vector_load %arg19[%swap3A_739, %swap3A_740] {strides = array<i32>} : memref<96x128xf32, #tpu.memory_space<vmem>>, vector<16xf32>,
        tpu.vector_store %arg19[%swap3A_739, %swap3A_740], %mul3A_738 {strides = array<i32>} : memref<96x128xf32, #tpu.memory_space<vmem>>, vector<16xf32>,
        %get3A_742 = arith.index_cast %add3A_701 : i32 to index
        %get3A_743 = arith.constant 32 : index
        %get3A_744 = tpu.vector_load %arg18[%get3A_742, %get3A_743] {strides = array<i32>} : memref<96x64xi32, #tpu.memory_space<vmem>>, vector<16xi32>,
        %shift_left3A_745 = arith.constant 16 : i32
        %shift_left3A_746 = vector.broadcast %shift_left3A_745 : i32 to vector<16xi32>
        %shift_left3A_747 = arith.shli %get3A_744, %shift_left3A_746 : vector<16xi32>
        %bitcast3A_748 = vector.bitcast %shift_left3A_747 : vector<16xi32> to vector<16xf32>
        %and3A_749 = arith.constant -65536 : i32
        %and3A_750 = vector.broadcast %and3A_749 : i32 to vector<16xi32>
        %and3A_751 = arith.andi %get3A_744, %and3A_750 : vector<16xi32>
        %bitcast3A_752 = vector.bitcast %and3A_751 : vector<16xi32> to vector<16xf32>
        %mul3A_753 = arith.mulf %bitcast3A_748, %gather3A_703 : vector<16xf32>
        %swap3A_754 = arith.index_cast %add3A_701 : i32 to index
        %swap3A_755 = arith.constant 32 : index
        %swap3A_756 = tpu.vector_load %arg19[%swap3A_754, %swap3A_755] {strides = array<i32>} : memref<96x128xf32, #tpu.memory_space<vmem>>, vector<16xf32>,
        tpu.vector_store %arg19[%swap3A_754, %swap3A_755], %mul3A_753 {strides = array<i32>} : memref<96x128xf32, #tpu.memory_space<vmem>>, vector<16xf32>,
        %mul3A_757 = arith.mulf %bitcast3A_752, %gather3A_703 : vector<16xf32>
        %swap3A_758 = arith.index_cast %add3A_701 : i32 to index
        %swap3A_759 = arith.constant 96 : index
        %swap3A_760 = tpu.vector_load %arg19[%swap3A_758, %swap3A_759] {strides = array<i32>} : memref<96x128xf32, #tpu.memory_space<vmem>>, vector<16xf32>,
        tpu.vector_store %arg19[%swap3A_758, %swap3A_759], %mul3A_757 {strides = array<i32>} : memref<96x128xf32, #tpu.memory_space<vmem>>, vector<16xf32>,
        %get3A_761 = arith.index_cast %add3A_701 : i32 to index
        %get3A_762 = arith.constant 48 : index
        %get3A_763 = tpu.vector_load %arg18[%get3A_761, %get3A_762] {strides = array<i32>} : memref<96x64xi32, #tpu.memory_space<vmem>>, vector<16xi32>,
        %shift_left3A_764 = arith.constant 16 : i32
        %shift_left3A_765 = vector.broadcast %shift_left3A_764 : i32 to vector<16xi32>
        %shift_left3A_766 = arith.shli %get3A_763, %shift_left3A_765 : vector<16xi32>
        %bitcast3A_767 = vector.bitcast %shift_left3A_766 : vector<16xi32> to vector<16xf32>
        %and3A_768 = arith.constant -65536 : i32
        %and3A_769 = vector.broadcast %and3A_768 : i32 to vector<16xi32>
        %and3A_770 = arith.andi %get3A_763, %and3A_769 : vector<16xi32>
        %bitcast3A_771 = vector.bitcast %and3A_770 : vector<16xi32> to vector<16xf32>
        %mul3A_772 = arith.mulf %bitcast3A_767, %gather3A_703 : vector<16xf32>
        %swap3A_773 = arith.index_cast %add3A_701 : i32 to index
        %swap3A_774 = arith.constant 48 : index
        %swap3A_775 = tpu.vector_load %arg19[%swap3A_773, %swap3A_774] {strides = array<i32>} : memref<96x128xf32, #tpu.memory_space<vmem>>, vector<16xf32>,
        tpu.vector_store %arg19[%swap3A_773, %swap3A_774], %mul3A_772 {strides = array<i32>} : memref<96x128xf32, #tpu.memory_space<vmem>>, vector<16xf32>,
        %mul3A_776 = arith.mulf %bitcast3A_771, %gather3A_703 : vector<16xf32>
        %swap3A_777 = arith.index_cast %add3A_701 : i32 to index
        %swap3A_778 = arith.constant 112 : index
        %swap3A_779 = tpu.vector_load %arg19[%swap3A_777, %swap3A_778] {strides = array<i32>} : memref<96x128xf32, #tpu.memory_space<vmem>>, vector<16xf32>,
        tpu.vector_store %arg19[%swap3A_777, %swap3A_778], %mul3A_776 {strides = array<i32>} : memref<96x128xf32, #tpu.memory_space<vmem>>, vector<16xf32>,
        %scan3A_780 = arith.constant 7 : i32
        %scan3A_781 = arith.addi %scan3A_198, %scan3A_780 : i32
        %mul3A_782 = arith.constant 1 : i32
        %mul3A_783 = arith.muli %scan3A_781, %mul3A_782 : i32
        %add3A_784 = arith.constant 0 : i32
        %add3A_785 = arith.addi %add3A_784, %mul3A_783 : i32
        %broadcast_in_dim3A_786 = vector.broadcast %add3A_785 : i32 to vector<16xi32>
        %gather3A_787 = tpu.vector_load_idx %arg16[%broadcast_in_dim3A_786] : memref<96xf32, #tpu.memory_space<vmem>>[vector<16xi32>], vector<16xf32>,
        %get3A_788 = arith.index_cast %add3A_785 : i32 to index
        %get3A_789 = arith.constant 0 : index
        %get3A_790 = tpu.vector_load %arg18[%get3A_788, %get3A_789] {strides = array<i32>} : memref<96x64xi32, #tpu.memory_space<vmem>>, vector<16xi32>,
        %shift_left3A_791 = arith.constant 16 : i32
        %shift_left3A_792 = vector.broadcast %shift_left3A_791 : i32 to vector<16xi32>
        %shift_left3A_793 = arith.shli %get3A_790, %shift_left3A_792 : vector<16xi32>
        %bitcast3A_794 = vector.bitcast %shift_left3A_793 : vector<16xi32> to vector<16xf32>
        %and3A_795 = arith.constant -65536 : i32
        %and3A_796 = vector.broadcast %and3A_795 : i32 to vector<16xi32>
        %and3A_797 = arith.andi %get3A_790, %and3A_796 : vector<16xi32>
        %bitcast3A_798 = vector.bitcast %and3A_797 : vector<16xi32> to vector<16xf32>
        %mul3A_799 = arith.mulf %bitcast3A_794, %gather3A_787 : vector<16xf32>
        %swap3A_800 = arith.index_cast %add3A_785 : i32 to index
        %swap3A_801 = arith.constant 0 : index
        %swap3A_802 = tpu.vector_load %arg19[%swap3A_800, %swap3A_801] {strides = array<i32>} : memref<96x128xf32, #tpu.memory_space<vmem>>, vector<16xf32>,
        tpu.vector_store %arg19[%swap3A_800, %swap3A_801], %mul3A_799 {strides = array<i32>} : memref<96x128xf32, #tpu.memory_space<vmem>>, vector<16xf32>,
        %mul3A_803 = arith.mulf %bitcast3A_798, %gather3A_787 : vector<16xf32>
        %swap3A_804 = arith.index_cast %add3A_785 : i32 to index
        %swap3A_805 = arith.constant 64 : index
        %swap3A_806 = tpu.vector_load %arg19[%swap3A_804, %swap3A_805] {strides = array<i32>} : memref<96x128xf32, #tpu.memory_space<vmem>>, vector<16xf32>,
        tpu.vector_store %arg19[%swap3A_804, %swap3A_805], %mul3A_803 {strides = array<i32>} : memref<96x128xf32, #tpu.memory_space<vmem>>, vector<16xf32>,
        %get3A_807 = arith.index_cast %add3A_785 : i32 to index
        %get3A_808 = arith.constant 16 : index
        %get3A_809 = tpu.vector_load %arg18[%get3A_807, %get3A_808] {strides = array<i32>} : memref<96x64xi32, #tpu.memory_space<vmem>>, vector<16xi32>,
        %shift_left3A_810 = arith.constant 16 : i32
        %shift_left3A_811 = vector.broadcast %shift_left3A_810 : i32 to vector<16xi32>
        %shift_left3A_812 = arith.shli %get3A_809, %shift_left3A_811 : vector<16xi32>
        %bitcast3A_813 = vector.bitcast %shift_left3A_812 : vector<16xi32> to vector<16xf32>
        %and3A_814 = arith.constant -65536 : i32
        %and3A_815 = vector.broadcast %and3A_814 : i32 to vector<16xi32>
        %and3A_816 = arith.andi %get3A_809, %and3A_815 : vector<16xi32>
        %bitcast3A_817 = vector.bitcast %and3A_816 : vector<16xi32> to vector<16xf32>
        %mul3A_818 = arith.mulf %bitcast3A_813, %gather3A_787 : vector<16xf32>
        %swap3A_819 = arith.index_cast %add3A_785 : i32 to index
        %swap3A_820 = arith.constant 16 : index
        %swap3A_821 = tpu.vector_load %arg19[%swap3A_819, %swap3A_820] {strides = array<i32>} : memref<96x128xf32, #tpu.memory_space<vmem>>, vector<16xf32>,
        tpu.vector_store %arg19[%swap3A_819, %swap3A_820], %mul3A_818 {strides = array<i32>} : memref<96x128xf32, #tpu.memory_space<vmem>>, vector<16xf32>,
        %mul3A_822 = arith.mulf %bitcast3A_817, %gather3A_787 : vector<16xf32>
        %swap3A_823 = arith.index_cast %add3A_785 : i32 to index
        %swap3A_824 = arith.constant 80 : index
        %swap3A_825 = tpu.vector_load %arg19[%swap3A_823, %swap3A_824] {strides = array<i32>} : memref<96x128xf32, #tpu.memory_space<vmem>>, vector<16xf32>,
        tpu.vector_store %arg19[%swap3A_823, %swap3A_824], %mul3A_822 {strides = array<i32>} : memref<96x128xf32, #tpu.memory_space<vmem>>, vector<16xf32>,
        %get3A_826 = arith.index_cast %add3A_785 : i32 to index
        %get3A_827 = arith.constant 32 : index
        %get3A_828 = tpu.vector_load %arg18[%get3A_826, %get3A_827] {strides = array<i32>} : memref<96x64xi32, #tpu.memory_space<vmem>>, vector<16xi32>,
        %shift_left3A_829 = arith.constant 16 : i32
        %shift_left3A_830 = vector.broadcast %shift_left3A_829 : i32 to vector<16xi32>
        %shift_left3A_831 = arith.shli %get3A_828, %shift_left3A_830 : vector<16xi32>
        %bitcast3A_832 = vector.bitcast %shift_left3A_831 : vector<16xi32> to vector<16xf32>
        %and3A_833 = arith.constant -65536 : i32
        %and3A_834 = vector.broadcast %and3A_833 : i32 to vector<16xi32>
        %and3A_835 = arith.andi %get3A_828, %and3A_834 : vector<16xi32>
        %bitcast3A_836 = vector.bitcast %and3A_835 : vector<16xi32> to vector<16xf32>
        %mul3A_837 = arith.mulf %bitcast3A_832, %gather3A_787 : vector<16xf32>
        %swap3A_838 = arith.index_cast %add3A_785 : i32 to index
        %swap3A_839 = arith.constant 32 : index
        %swap3A_840 = tpu.vector_load %arg19[%swap3A_838, %swap3A_839] {strides = array<i32>} : memref<96x128xf32, #tpu.memory_space<vmem>>, vector<16xf32>,
        tpu.vector_store %arg19[%swap3A_838, %swap3A_839], %mul3A_837 {strides = array<i32>} : memref<96x128xf32, #tpu.memory_space<vmem>>, vector<16xf32>,
        %mul3A_841 = arith.mulf %bitcast3A_836, %gather3A_787 : vector<16xf32>
        %swap3A_842 = arith.index_cast %add3A_785 : i32 to index
        %swap3A_843 = arith.constant 96 : index
        %swap3A_844 = tpu.vector_load %arg19[%swap3A_842, %swap3A_843] {strides = array<i32>} : memref<96x128xf32, #tpu.memory_space<vmem>>, vector<16xf32>,
        tpu.vector_store %arg19[%swap3A_842, %swap3A_843], %mul3A_841 {strides = array<i32>} : memref<96x128xf32, #tpu.memory_space<vmem>>, vector<16xf32>,
        %get3A_845 = arith.index_cast %add3A_785 : i32 to index
        %get3A_846 = arith.constant 48 : index
        %get3A_847 = tpu.vector_load %arg18[%get3A_845, %get3A_846] {strides = array<i32>} : memref<96x64xi32, #tpu.memory_space<vmem>>, vector<16xi32>,
        %shift_left3A_848 = arith.constant 16 : i32
        %shift_left3A_849 = vector.broadcast %shift_left3A_848 : i32 to vector<16xi32>
        %shift_left3A_850 = arith.shli %get3A_847, %shift_left3A_849 : vector<16xi32>
        %bitcast3A_851 = vector.bitcast %shift_left3A_850 : vector<16xi32> to vector<16xf32>
        %and3A_852 = arith.constant -65536 : i32
        %and3A_853 = vector.broadcast %and3A_852 : i32 to vector<16xi32>
        %and3A_854 = arith.andi %get3A_847, %and3A_853 : vector<16xi32>
        %bitcast3A_855 = vector.bitcast %and3A_854 : vector<16xi32> to vector<16xf32>
        %mul3A_856 = arith.mulf %bitcast3A_851, %gather3A_787 : vector<16xf32>
        %swap3A_857 = arith.index_cast %add3A_785 : i32 to index
        %swap3A_858 = arith.constant 48 : index
        %swap3A_859 = tpu.vector_load %arg19[%swap3A_857, %swap3A_858] {strides = array<i32>} : memref<96x128xf32, #tpu.memory_space<vmem>>, vector<16xf32>,
        tpu.vector_store %arg19[%swap3A_857, %swap3A_858], %mul3A_856 {strides = array<i32>} : memref<96x128xf32, #tpu.memory_space<vmem>>, vector<16xf32>,
        %mul3A_860 = arith.mulf %bitcast3A_855, %gather3A_787 : vector<16xf32>
        %swap3A_861 = arith.index_cast %add3A_785 : i32 to index
        %swap3A_862 = arith.constant 112 : index
        %swap3A_863 = tpu.vector_load %arg19[%swap3A_861, %swap3A_862] {strides = array<i32>} : memref<96x128xf32, #tpu.memory_space<vmem>>, vector<16xf32>,
        tpu.vector_store %arg19[%swap3A_861, %swap3A_862], %mul3A_860 {strides = array<i32>} : memref<96x128xf32, #tpu.memory_space<vmem>>, vector<16xf32>,
      }
      %scan3A_184 = arith.constant 96 : i32
      %dma_start3A_185 = arith.constant 0 : i32
      %dma_start3A_186 = tpu.memref_slice %arg21[%dma_start3A_185] : memref<10240xf32, #tpu.memory_space<vmem_shared>> -> memref<10240xf32, #tpu.memory_space<vmem_shared>>
      tpu.enqueue_indirect_dma source(%arg16 : memref<96xf32, #tpu.memory_space<vmem>>) target(%dma_start3A_186 : memref<10240xf32, #tpu.memory_space<vmem_shared>>) offsets(%arg12 : memref<96xi32, #tpu.memory_space<vmem>>) semaphore(%arg27 : memref<!tpu.dma_semaphore, #tpu.memory_space<semaphore_mem>>) {add = true}
      "tpu.region"() ({
        %run_scoped3A = tpu.sem_alloc : memref<!tpu.dma_semaphore, #tpu.memory_space<semaphore_mem>>
        %dma_start3A_198 = arith.constant 0 : i32
        %dma_start3A_199 = arith.constant 0 : i32
        %dma_start3A_200 = tpu.memref_slice %arg20[%dma_start3A_198, %dma_start3A_199] : memref<10240x128xf32, #tpu.memory_space<vmem_shared>> -> memref<10240x128xf32, #tpu.memory_space<vmem_shared>>
        tpu.enqueue_indirect_dma source(%arg19 : memref<96x128xf32, #tpu.memory_space<vmem>>) target(%dma_start3A_200 : memref<10240x128xf32, #tpu.memory_space<vmem_shared>>) offsets(%arg12 : memref<96xi32, #tpu.memory_space<vmem>>) semaphore(%run_scoped3A : memref<!tpu.dma_semaphore, #tpu.memory_space<semaphore_mem>>) {add = true}
        %dma_wait3A_201 = arith.constant 0 : i32
        %dma_wait3A_202 = arith.constant 0 : i32
        %dma_wait3A_203 = tpu.memref_slice %arg20[%dma_wait3A_201, %dma_wait3A_202] : memref<10240x128xf32, #tpu.memory_space<vmem_shared>> -> memref<10240x128xf32, #tpu.memory_space<vmem_shared>>
        tpu.wait_indirect_dma semaphore(%run_scoped3A : memref<!tpu.dma_semaphore, #tpu.memory_space<semaphore_mem>>) src(%arg19 : memref<96x128xf32, #tpu.memory_space<vmem>>) dst(%dma_wait3A_203 : memref<10240x128xf32, #tpu.memory_space<vmem_shared>>)
        tpu.yield
      }) : () -> ()
      %dma_wait3A_187 = arith.constant 0 : i32
      %dma_wait3A_188 = tpu.memref_slice %arg21[%dma_wait3A_187] : memref<10240xf32, #tpu.memory_space<vmem_shared>> -> memref<10240xf32, #tpu.memory_space<vmem_shared>>
      tpu.wait_indirect_dma semaphore(%arg27 : memref<!tpu.dma_semaphore, #tpu.memory_space<semaphore_mem>>) src(%arg16 : memref<96xf32, #tpu.memory_space<vmem>>) dst(%dma_wait3A_188 : memref<10240xf32, #tpu.memory_space<vmem_shared>>)
      %add3A_189 = arith.constant 2 : i32
      %add3A_190 = arith.addi %add3A_159, %add3A_189 : i32
      %mul3A_191 = arith.constant 96 : i32
      %mul3A_192 = arith.muli %add3A_190, %mul3A_191 : i32
      %add3A_193 = arith.addi %mul3A_30, %mul3A_192 : i32
      %dma_start3A_194 = tpu.memref_slice %arg5[%add3A_193] : memref<325632xi32, #tpu.memory_space<hbm>> -> memref<96xi32, #tpu.memory_space<hbm>>
      %dma_start3A_195 = tpu.memref_slice %arg5[%add3A_193] : memref<325632xi32, #tpu.memory_space<hbm>> -> memref<96xi32, #tpu.memory_space<hbm>>
      tpu.enqueue_dma source(%dma_start3A_195 : memref<96xi32, #tpu.memory_space<hbm>>) target(%arg12 : memref<96xi32, #tpu.memory_space<vmem>>) target_semaphore(%arg23 : memref<!tpu.dma_semaphore, #tpu.memory_space<semaphore_mem>>)
      %dma_start3A_196 = tpu.memref_slice %arg6[%add3A_193] : memref<325632xi32, #tpu.memory_space<hbm>> -> memref<96xi32, #tpu.memory_space<hbm>>
      %dma_start3A_197 = tpu.memref_slice %arg6[%add3A_193] : memref<325632xi32, #tpu.memory_space<hbm>> -> memref<96xi32, #tpu.memory_space<hbm>>
      tpu.enqueue_dma source(%dma_start3A_197 : memref<96xi32, #tpu.memory_space<hbm>>) target(%arg14 : memref<96xi32, #tpu.memory_space<vmem>>) target_semaphore(%arg23 : memref<!tpu.dma_semaphore, #tpu.memory_space<semaphore_mem>>)
    }
    %scan3A_56 = arith.constant 52 : i32
    %dma_wait3A_57 = arith.constant 0 : i32
    %dma_wait3A_58 = arith.constant 0 : i32
    %dma_wait3A_59 = tpu.memref_slice %arg4[%dma_wait3A_57, %dma_wait3A_58] : memref<10000x64xi32, #tpu.memory_space<hbm>> -> memref<10000x64xi32, #tpu.memory_space<hbm>>
    tpu.wait_indirect_dma semaphore(%arg24 : memref<!tpu.dma_semaphore, #tpu.memory_space<semaphore_mem>>) src(%dma_wait3A_59 : memref<10000x64xi32, #tpu.memory_space<hbm>>) dst(%arg17 : memref<96x64xi32, #tpu.memory_space<vmem>>)
    %add3A_60 = arith.constant 104 : i32
    %add3A_61 = arith.constant 1 : i32
    %add3A_62 = arith.addi %add3A_60, %add3A_61 : i32
    %mul3A_63 = arith.constant 96 : i32
    %mul3A_64 = arith.muli %add3A_62, %mul3A_63 : i32
    %add3A_65 = arith.addi %mul3A_30, %mul3A_64 : i32
    %dma_wait3A_66 = tpu.memref_slice %arg5[%add3A_65] : memref<325632xi32, #tpu.memory_space<hbm>> -> memref<96xi32, #tpu.memory_space<hbm>>
    %dma_wait3A_67 = tpu.memref_slice %arg5[%add3A_65] : memref<325632xi32, #tpu.memory_space<hbm>> -> memref<96xi32, #tpu.memory_space<hbm>>
    tpu.wait_dma2 semaphore(%arg23 : memref<!tpu.dma_semaphore, #tpu.memory_space<semaphore_mem>>) src(%dma_wait3A_67 : memref<96xi32, #tpu.memory_space<hbm>>) dst(%arg12 : memref<96xi32, #tpu.memory_space<vmem>>)
    %dma_wait3A_68 = tpu.memref_slice %arg6[%add3A_65] : memref<325632xi32, #tpu.memory_space<hbm>> -> memref<96xi32, #tpu.memory_space<hbm>>
    %dma_wait3A_69 = tpu.memref_slice %arg6[%add3A_65] : memref<325632xi32, #tpu.memory_space<hbm>> -> memref<96xi32, #tpu.memory_space<hbm>>
    tpu.wait_dma2 semaphore(%arg23 : memref<!tpu.dma_semaphore, #tpu.memory_space<semaphore_mem>>) src(%dma_wait3A_69 : memref<96xi32, #tpu.memory_space<hbm>>) dst(%arg14 : memref<96xi32, #tpu.memory_space<vmem>>)
    %dma_start3A_70 = arith.constant 0 : i32
    %dma_start3A_71 = arith.constant 0 : i32
    %dma_start3A_72 = tpu.memref_slice %arg4[%dma_start3A_70, %dma_start3A_71] : memref<10000x64xi32, #tpu.memory_space<hbm>> -> memref<10000x64xi32, #tpu.memory_space<hbm>>
    tpu.enqueue_indirect_dma source(%dma_start3A_72 : memref<10000x64xi32, #tpu.memory_space<hbm>>) target(%arg18 : memref<96x64xi32, #tpu.memory_space<vmem>>) offsets(%arg14 : memref<96xi32, #tpu.memory_space<vmem>>) semaphore(%arg25 : memref<!tpu.dma_semaphore, #tpu.memory_space<semaphore_mem>>)
    %scan3A_73 = arith.constant 0 : i32
    %scan3A_74 = arith.constant 6 : i32
    %scan3A_75 = arith.addi %scan3A_73, %scan3A_74 : i32
    %scan3A_76 = arith.constant 1 : i32
    scf.for %scan3A_111 = %scan3A_73 to %scan3A_75 step %scan3A_76  : i32 {
      %mul3A_112 = arith.constant 1 : i32
      %mul3A_113 = arith.muli %scan3A_111, %mul3A_112 : i32
      %add3A_114 = arith.constant 0 : i32
      %add3A_115 = arith.addi %add3A_114, %mul3A_113 : i32
      %mul3A_116 = arith.constant 16 : i32
      %mul3A_117 = arith.muli %add3A_115, %mul3A_116 : i32
      %get3A = arith.index_cast %mul3A_117 : i32 to index
      %get3A_118 = tpu.vector_load %arg11[%get3A] {strides = array<i32>} : memref<96xi32, #tpu.memory_space<vmem>>, vector<16xi32>,
      %gather3A = tpu.vector_load_idx %arg9[%get3A_118] : memref<10048xf32, #tpu.memory_space<vmem>>[vector<16xi32>], vector<16xf32>,
      %get3A_119 = arith.index_cast %mul3A_117 : i32 to index
      %get3A_120 = tpu.vector_load %arg13[%get3A_119] {strides = array<i32>} : memref<96xi32, #tpu.memory_space<vmem>>, vector<16xi32>,
      %gather3A_121 = tpu.vector_load_idx %arg10[%get3A_120] : memref<10000xf32, #tpu.memory_space<vmem>>[vector<16xi32>], vector<16xf32>,
      %add3A_122 = arith.addf %gather3A, %gather3A_121 : vector<16xf32>
      %gt3A = arith.constant 0.000000e+00 : f32
      %gt3A_123 = vector.broadcast %gt3A : f32 to vector<16xf32>
      %gt3A_124 = arith.cmpf ogt, %add3A_122, %gt3A_123 : vector<16xf32>
      %mul3A_125 = arith.constant 2.000000e-01 : f32
      %mul3A_126 = vector.broadcast %mul3A_125 : f32 to vector<16xf32>
      %mul3A_127 = arith.mulf %add3A_122, %mul3A_126 : vector<16xf32>
      %select_n3A = arith.select %gt3A_124, %add3A_122, %mul3A_127 : vector<16xi1>, vector<16xf32>
      %jit3A = arith.constant -3.000000e+01 : f32
      %jit3A_128 = arith.constant 3.000000e+01 : f32
      %max3A = vector.broadcast %jit3A : f32 to vector<16xf32>
      %max3A_129 = arith.maximumf %max3A, %select_n3A : vector<16xf32>
      %min3A = vector.broadcast %jit3A_128 : f32 to vector<16xf32>
      %min3A_130 = arith.minimumf %min3A, %max3A_129 : vector<16xf32>
      %exp3A = math.exp %min3A_130 : vector<16xf32>
      %swap3A_131 = arith.index_cast %mul3A_117 : i32 to index
      %swap3A_132 = tpu.vector_load %arg15[%swap3A_131] {strides = array<i32>} : memref<96xf32, #tpu.memory_space<vmem>>, vector<16xf32>,
      tpu.vector_store %arg15[%swap3A_131], %exp3A {strides = array<i32>} : memref<96xf32, #tpu.memory_space<vmem>>, vector<16xf32>,
    }
    %scan3A_77 = arith.constant 6 : i32
    %scan3A_78 = arith.constant 0 : i32
    %scan3A_79 = arith.constant 96 : i32
    %scan3A_80 = arith.addi %scan3A_78, %scan3A_79 : i32
    %scan3A_81 = arith.constant 8 : i32
    scf.for %scan3A_111 = %scan3A_78 to %scan3A_80 step %scan3A_81  : i32 {
      %mul3A_112 = arith.constant 1 : i32
      %mul3A_113 = arith.muli %scan3A_111, %mul3A_112 : i32
      %add3A_114 = arith.constant 0 : i32
      %add3A_115 = arith.addi %add3A_114, %mul3A_113 : i32
      %broadcast_in_dim3A_116 = vector.broadcast %add3A_115 : i32 to vector<16xi32>
      %gather3A = tpu.vector_load_idx %arg15[%broadcast_in_dim3A_116] : memref<96xf32, #tpu.memory_space<vmem>>[vector<16xi32>], vector<16xf32>,
      %get3A = arith.index_cast %add3A_115 : i32 to index
      %get3A_117 = arith.constant 0 : index
      %get3A_118 = tpu.vector_load %arg17[%get3A, %get3A_117] {strides = array<i32>} : memref<96x64xi32, #tpu.memory_space<vmem>>, vector<16xi32>,
      %shift_left3A = arith.constant 16 : i32
      %shift_left3A_119 = vector.broadcast %shift_left3A : i32 to vector<16xi32>
      %shift_left3A_120 = arith.shli %get3A_118, %shift_left3A_119 : vector<16xi32>
      %bitcast3A = vector.bitcast %shift_left3A_120 : vector<16xi32> to vector<16xf32>
      %and3A = arith.constant -65536 : i32
      %and3A_121 = vector.broadcast %and3A : i32 to vector<16xi32>
      %and3A_122 = arith.andi %get3A_118, %and3A_121 : vector<16xi32>
      %bitcast3A_123 = vector.bitcast %and3A_122 : vector<16xi32> to vector<16xf32>
      %mul3A_124 = arith.mulf %bitcast3A, %gather3A : vector<16xf32>
      %swap3A_125 = arith.index_cast %add3A_115 : i32 to index
      %swap3A_126 = arith.constant 0 : index
      %swap3A_127 = tpu.vector_load %arg19[%swap3A_125, %swap3A_126] {strides = array<i32>} : memref<96x128xf32, #tpu.memory_space<vmem>>, vector<16xf32>,
      tpu.vector_store %arg19[%swap3A_125, %swap3A_126], %mul3A_124 {strides = array<i32>} : memref<96x128xf32, #tpu.memory_space<vmem>>, vector<16xf32>,
      %mul3A_128 = arith.mulf %bitcast3A_123, %gather3A : vector<16xf32>
      %swap3A_129 = arith.index_cast %add3A_115 : i32 to index
      %swap3A_130 = arith.constant 64 : index
      %swap3A_131 = tpu.vector_load %arg19[%swap3A_129, %swap3A_130] {strides = array<i32>} : memref<96x128xf32, #tpu.memory_space<vmem>>, vector<16xf32>,
      tpu.vector_store %arg19[%swap3A_129, %swap3A_130], %mul3A_128 {strides = array<i32>} : memref<96x128xf32, #tpu.memory_space<vmem>>, vector<16xf32>,
      %get3A_132 = arith.index_cast %add3A_115 : i32 to index
      %get3A_133 = arith.constant 16 : index
      %get3A_134 = tpu.vector_load %arg17[%get3A_132, %get3A_133] {strides = array<i32>} : memref<96x64xi32, #tpu.memory_space<vmem>>, vector<16xi32>,
      %shift_left3A_135 = arith.constant 16 : i32
      %shift_left3A_136 = vector.broadcast %shift_left3A_135 : i32 to vector<16xi32>
      %shift_left3A_137 = arith.shli %get3A_134, %shift_left3A_136 : vector<16xi32>
      %bitcast3A_138 = vector.bitcast %shift_left3A_137 : vector<16xi32> to vector<16xf32>
      %and3A_139 = arith.constant -65536 : i32
      %and3A_140 = vector.broadcast %and3A_139 : i32 to vector<16xi32>
      %and3A_141 = arith.andi %get3A_134, %and3A_140 : vector<16xi32>
      %bitcast3A_142 = vector.bitcast %and3A_141 : vector<16xi32> to vector<16xf32>
      %mul3A_143 = arith.mulf %bitcast3A_138, %gather3A : vector<16xf32>
      %swap3A_144 = arith.index_cast %add3A_115 : i32 to index
      %swap3A_145 = arith.constant 16 : index
      %swap3A_146 = tpu.vector_load %arg19[%swap3A_144, %swap3A_145] {strides = array<i32>} : memref<96x128xf32, #tpu.memory_space<vmem>>, vector<16xf32>,
      tpu.vector_store %arg19[%swap3A_144, %swap3A_145], %mul3A_143 {strides = array<i32>} : memref<96x128xf32, #tpu.memory_space<vmem>>, vector<16xf32>,
      %mul3A_147 = arith.mulf %bitcast3A_142, %gather3A : vector<16xf32>
      %swap3A_148 = arith.index_cast %add3A_115 : i32 to index
      %swap3A_149 = arith.constant 80 : index
      %swap3A_150 = tpu.vector_load %arg19[%swap3A_148, %swap3A_149] {strides = array<i32>} : memref<96x128xf32, #tpu.memory_space<vmem>>, vector<16xf32>,
      tpu.vector_store %arg19[%swap3A_148, %swap3A_149], %mul3A_147 {strides = array<i32>} : memref<96x128xf32, #tpu.memory_space<vmem>>, vector<16xf32>,
      %get3A_151 = arith.index_cast %add3A_115 : i32 to index
      %get3A_152 = arith.constant 32 : index
      %get3A_153 = tpu.vector_load %arg17[%get3A_151, %get3A_152] {strides = array<i32>} : memref<96x64xi32, #tpu.memory_space<vmem>>, vector<16xi32>,
      %shift_left3A_154 = arith.constant 16 : i32
      %shift_left3A_155 = vector.broadcast %shift_left3A_154 : i32 to vector<16xi32>
      %shift_left3A_156 = arith.shli %get3A_153, %shift_left3A_155 : vector<16xi32>
      %bitcast3A_157 = vector.bitcast %shift_left3A_156 : vector<16xi32> to vector<16xf32>
      %and3A_158 = arith.constant -65536 : i32
      %and3A_159 = vector.broadcast %and3A_158 : i32 to vector<16xi32>
      %and3A_160 = arith.andi %get3A_153, %and3A_159 : vector<16xi32>
      %bitcast3A_161 = vector.bitcast %and3A_160 : vector<16xi32> to vector<16xf32>
      %mul3A_162 = arith.mulf %bitcast3A_157, %gather3A : vector<16xf32>
      %swap3A_163 = arith.index_cast %add3A_115 : i32 to index
      %swap3A_164 = arith.constant 32 : index
      %swap3A_165 = tpu.vector_load %arg19[%swap3A_163, %swap3A_164] {strides = array<i32>} : memref<96x128xf32, #tpu.memory_space<vmem>>, vector<16xf32>,
      tpu.vector_store %arg19[%swap3A_163, %swap3A_164], %mul3A_162 {strides = array<i32>} : memref<96x128xf32, #tpu.memory_space<vmem>>, vector<16xf32>,
      %mul3A_166 = arith.mulf %bitcast3A_161, %gather3A : vector<16xf32>
      %swap3A_167 = arith.index_cast %add3A_115 : i32 to index
      %swap3A_168 = arith.constant 96 : index
      %swap3A_169 = tpu.vector_load %arg19[%swap3A_167, %swap3A_168] {strides = array<i32>} : memref<96x128xf32, #tpu.memory_space<vmem>>, vector<16xf32>,
      tpu.vector_store %arg19[%swap3A_167, %swap3A_168], %mul3A_166 {strides = array<i32>} : memref<96x128xf32, #tpu.memory_space<vmem>>, vector<16xf32>,
      %get3A_170 = arith.index_cast %add3A_115 : i32 to index
      %get3A_171 = arith.constant 48 : index
      %get3A_172 = tpu.vector_load %arg17[%get3A_170, %get3A_171] {strides = array<i32>} : memref<96x64xi32, #tpu.memory_space<vmem>>, vector<16xi32>,
      %shift_left3A_173 = arith.constant 16 : i32
      %shift_left3A_174 = vector.broadcast %shift_left3A_173 : i32 to vector<16xi32>
      %shift_left3A_175 = arith.shli %get3A_172, %shift_left3A_174 : vector<16xi32>
      %bitcast3A_176 = vector.bitcast %shift_left3A_175 : vector<16xi32> to vector<16xf32>
      %and3A_177 = arith.constant -65536 : i32
      %and3A_178 = vector.broadcast %and3A_177 : i32 to vector<16xi32>
      %and3A_179 = arith.andi %get3A_172, %and3A_178 : vector<16xi32>
      %bitcast3A_180 = vector.bitcast %and3A_179 : vector<16xi32> to vector<16xf32>
      %mul3A_181 = arith.mulf %bitcast3A_176, %gather3A : vector<16xf32>
      %swap3A_182 = arith.index_cast %add3A_115 : i32 to index
      %swap3A_183 = arith.constant 48 : index
      %swap3A_184 = tpu.vector_load %arg19[%swap3A_182, %swap3A_183] {strides = array<i32>} : memref<96x128xf32, #tpu.memory_space<vmem>>, vector<16xf32>,
      tpu.vector_store %arg19[%swap3A_182, %swap3A_183], %mul3A_181 {strides = array<i32>} : memref<96x128xf32, #tpu.memory_space<vmem>>, vector<16xf32>,
      %mul3A_185 = arith.mulf %bitcast3A_180, %gather3A : vector<16xf32>
      %swap3A_186 = arith.index_cast %add3A_115 : i32 to index
      %swap3A_187 = arith.constant 112 : index
      %swap3A_188 = tpu.vector_load %arg19[%swap3A_186, %swap3A_187] {strides = array<i32>} : memref<96x128xf32, #tpu.memory_space<vmem>>, vector<16xf32>,
      tpu.vector_store %arg19[%swap3A_186, %swap3A_187], %mul3A_185 {strides = array<i32>} : memref<96x128xf32, #tpu.memory_space<vmem>>, vector<16xf32>,
      %scan3A_189 = arith.constant 1 : i32
      %scan3A_190 = arith.addi %scan3A_111, %scan3A_189 : i32
      %mul3A_191 = arith.constant 1 : i32
      %mul3A_192 = arith.muli %scan3A_190, %mul3A_191 : i32
      %add3A_193 = arith.constant 0 : i32
      %add3A_194 = arith.addi %add3A_193, %mul3A_192 : i32
      %broadcast_in_dim3A_195 = vector.broadcast %add3A_194 : i32 to vector<16xi32>
      %gather3A_196 = tpu.vector_load_idx %arg15[%broadcast_in_dim3A_195] : memref<96xf32, #tpu.memory_space<vmem>>[vector<16xi32>], vector<16xf32>,
      %get3A_197 = arith.index_cast %add3A_194 : i32 to index
      %get3A_198 = arith.constant 0 : index
      %get3A_199 = tpu.vector_load %arg17[%get3A_197, %get3A_198] {strides = array<i32>} : memref<96x64xi32, #tpu.memory_space<vmem>>, vector<16xi32>,
      %shift_left3A_200 = arith.constant 16 : i32
      %shift_left3A_201 = vector.broadcast %shift_left3A_200 : i32 to vector<16xi32>
      %shift_left3A_202 = arith.shli %get3A_199, %shift_left3A_201 : vector<16xi32>
      %bitcast3A_203 = vector.bitcast %shift_left3A_202 : vector<16xi32> to vector<16xf32>
      %and3A_204 = arith.constant -65536 : i32
      %and3A_205 = vector.broadcast %and3A_204 : i32 to vector<16xi32>
      %and3A_206 = arith.andi %get3A_199, %and3A_205 : vector<16xi32>
      %bitcast3A_207 = vector.bitcast %and3A_206 : vector<16xi32> to vector<16xf32>
      %mul3A_208 = arith.mulf %bitcast3A_203, %gather3A_196 : vector<16xf32>
      %swap3A_209 = arith.index_cast %add3A_194 : i32 to index
      %swap3A_210 = arith.constant 0 : index
      %swap3A_211 = tpu.vector_load %arg19[%swap3A_209, %swap3A_210] {strides = array<i32>} : memref<96x128xf32, #tpu.memory_space<vmem>>, vector<16xf32>,
      tpu.vector_store %arg19[%swap3A_209, %swap3A_210], %mul3A_208 {strides = array<i32>} : memref<96x128xf32, #tpu.memory_space<vmem>>, vector<16xf32>,
      %mul3A_212 = arith.mulf %bitcast3A_207, %gather3A_196 : vector<16xf32>
      %swap3A_213 = arith.index_cast %add3A_194 : i32 to index
      %swap3A_214 = arith.constant 64 : index
      %swap3A_215 = tpu.vector_load %arg19[%swap3A_213, %swap3A_214] {strides = array<i32>} : memref<96x128xf32, #tpu.memory_space<vmem>>, vector<16xf32>,
      tpu.vector_store %arg19[%swap3A_213, %swap3A_214], %mul3A_212 {strides = array<i32>} : memref<96x128xf32, #tpu.memory_space<vmem>>, vector<16xf32>,
      %get3A_216 = arith.index_cast %add3A_194 : i32 to index
      %get3A_217 = arith.constant 16 : index
      %get3A_218 = tpu.vector_load %arg17[%get3A_216, %get3A_217] {strides = array<i32>} : memref<96x64xi32, #tpu.memory_space<vmem>>, vector<16xi32>,
      %shift_left3A_219 = arith.constant 16 : i32
      %shift_left3A_220 = vector.broadcast %shift_left3A_219 : i32 to vector<16xi32>
      %shift_left3A_221 = arith.shli %get3A_218, %shift_left3A_220 : vector<16xi32>
      %bitcast3A_222 = vector.bitcast %shift_left3A_221 : vector<16xi32> to vector<16xf32>
      %and3A_223 = arith.constant -65536 : i32
      %and3A_224 = vector.broadcast %and3A_223 : i32 to vector<16xi32>
      %and3A_225 = arith.andi %get3A_218, %and3A_224 : vector<16xi32>
      %bitcast3A_226 = vector.bitcast %and3A_225 : vector<16xi32> to vector<16xf32>
      %mul3A_227 = arith.mulf %bitcast3A_222, %gather3A_196 : vector<16xf32>
      %swap3A_228 = arith.index_cast %add3A_194 : i32 to index
      %swap3A_229 = arith.constant 16 : index
      %swap3A_230 = tpu.vector_load %arg19[%swap3A_228, %swap3A_229] {strides = array<i32>} : memref<96x128xf32, #tpu.memory_space<vmem>>, vector<16xf32>,
      tpu.vector_store %arg19[%swap3A_228, %swap3A_229], %mul3A_227 {strides = array<i32>} : memref<96x128xf32, #tpu.memory_space<vmem>>, vector<16xf32>,
      %mul3A_231 = arith.mulf %bitcast3A_226, %gather3A_196 : vector<16xf32>
      %swap3A_232 = arith.index_cast %add3A_194 : i32 to index
      %swap3A_233 = arith.constant 80 : index
      %swap3A_234 = tpu.vector_load %arg19[%swap3A_232, %swap3A_233] {strides = array<i32>} : memref<96x128xf32, #tpu.memory_space<vmem>>, vector<16xf32>,
      tpu.vector_store %arg19[%swap3A_232, %swap3A_233], %mul3A_231 {strides = array<i32>} : memref<96x128xf32, #tpu.memory_space<vmem>>, vector<16xf32>,
      %get3A_235 = arith.index_cast %add3A_194 : i32 to index
      %get3A_236 = arith.constant 32 : index
      %get3A_237 = tpu.vector_load %arg17[%get3A_235, %get3A_236] {strides = array<i32>} : memref<96x64xi32, #tpu.memory_space<vmem>>, vector<16xi32>,
      %shift_left3A_238 = arith.constant 16 : i32
      %shift_left3A_239 = vector.broadcast %shift_left3A_238 : i32 to vector<16xi32>
      %shift_left3A_240 = arith.shli %get3A_237, %shift_left3A_239 : vector<16xi32>
      %bitcast3A_241 = vector.bitcast %shift_left3A_240 : vector<16xi32> to vector<16xf32>
      %and3A_242 = arith.constant -65536 : i32
      %and3A_243 = vector.broadcast %and3A_242 : i32 to vector<16xi32>
      %and3A_244 = arith.andi %get3A_237, %and3A_243 : vector<16xi32>
      %bitcast3A_245 = vector.bitcast %and3A_244 : vector<16xi32> to vector<16xf32>
      %mul3A_246 = arith.mulf %bitcast3A_241, %gather3A_196 : vector<16xf32>
      %swap3A_247 = arith.index_cast %add3A_194 : i32 to index
      %swap3A_248 = arith.constant 32 : index
      %swap3A_249 = tpu.vector_load %arg19[%swap3A_247, %swap3A_248] {strides = array<i32>} : memref<96x128xf32, #tpu.memory_space<vmem>>, vector<16xf32>,
      tpu.vector_store %arg19[%swap3A_247, %swap3A_248], %mul3A_246 {strides = array<i32>} : memref<96x128xf32, #tpu.memory_space<vmem>>, vector<16xf32>,
      %mul3A_250 = arith.mulf %bitcast3A_245, %gather3A_196 : vector<16xf32>
      %swap3A_251 = arith.index_cast %add3A_194 : i32 to index
      %swap3A_252 = arith.constant 96 : index
      %swap3A_253 = tpu.vector_load %arg19[%swap3A_251, %swap3A_252] {strides = array<i32>} : memref<96x128xf32, #tpu.memory_space<vmem>>, vector<16xf32>,
      tpu.vector_store %arg19[%swap3A_251, %swap3A_252], %mul3A_250 {strides = array<i32>} : memref<96x128xf32, #tpu.memory_space<vmem>>, vector<16xf32>,
      %get3A_254 = arith.index_cast %add3A_194 : i32 to index
      %get3A_255 = arith.constant 48 : index
      %get3A_256 = tpu.vector_load %arg17[%get3A_254, %get3A_255] {strides = array<i32>} : memref<96x64xi32, #tpu.memory_space<vmem>>, vector<16xi32>,
      %shift_left3A_257 = arith.constant 16 : i32
      %shift_left3A_258 = vector.broadcast %shift_left3A_257 : i32 to vector<16xi32>
      %shift_left3A_259 = arith.shli %get3A_256, %shift_left3A_258 : vector<16xi32>
      %bitcast3A_260 = vector.bitcast %shift_left3A_259 : vector<16xi32> to vector<16xf32>
      %and3A_261 = arith.constant -65536 : i32
      %and3A_262 = vector.broadcast %and3A_261 : i32 to vector<16xi32>
      %and3A_263 = arith.andi %get3A_256, %and3A_262 : vector<16xi32>
      %bitcast3A_264 = vector.bitcast %and3A_263 : vector<16xi32> to vector<16xf32>
      %mul3A_265 = arith.mulf %bitcast3A_260, %gather3A_196 : vector<16xf32>
      %swap3A_266 = arith.index_cast %add3A_194 : i32 to index
      %swap3A_267 = arith.constant 48 : index
      %swap3A_268 = tpu.vector_load %arg19[%swap3A_266, %swap3A_267] {strides = array<i32>} : memref<96x128xf32, #tpu.memory_space<vmem>>, vector<16xf32>,
      tpu.vector_store %arg19[%swap3A_266, %swap3A_267], %mul3A_265 {strides = array<i32>} : memref<96x128xf32, #tpu.memory_space<vmem>>, vector<16xf32>,
      %mul3A_269 = arith.mulf %bitcast3A_264, %gather3A_196 : vector<16xf32>
      %swap3A_270 = arith.index_cast %add3A_194 : i32 to index
      %swap3A_271 = arith.constant 112 : index
      %swap3A_272 = tpu.vector_load %arg19[%swap3A_270, %swap3A_271] {strides = array<i32>} : memref<96x128xf32, #tpu.memory_space<vmem>>, vector<16xf32>,
      tpu.vector_store %arg19[%swap3A_270, %swap3A_271], %mul3A_269 {strides = array<i32>} : memref<96x128xf32, #tpu.memory_space<vmem>>, vector<16xf32>,
      %scan3A_273 = arith.constant 2 : i32
      %scan3A_274 = arith.addi %scan3A_111, %scan3A_273 : i32
      %mul3A_275 = arith.constant 1 : i32
      %mul3A_276 = arith.muli %scan3A_274, %mul3A_275 : i32
      %add3A_277 = arith.constant 0 : i32
      %add3A_278 = arith.addi %add3A_277, %mul3A_276 : i32
      %broadcast_in_dim3A_279 = vector.broadcast %add3A_278 : i32 to vector<16xi32>
      %gather3A_280 = tpu.vector_load_idx %arg15[%broadcast_in_dim3A_279] : memref<96xf32, #tpu.memory_space<vmem>>[vector<16xi32>], vector<16xf32>,
      %get3A_281 = arith.index_cast %add3A_278 : i32 to index
      %get3A_282 = arith.constant 0 : index
      %get3A_283 = tpu.vector_load %arg17[%get3A_281, %get3A_282] {strides = array<i32>} : memref<96x64xi32, #tpu.memory_space<vmem>>, vector<16xi32>,
      %shift_left3A_284 = arith.constant 16 : i32
      %shift_left3A_285 = vector.broadcast %shift_left3A_284 : i32 to vector<16xi32>
      %shift_left3A_286 = arith.shli %get3A_283, %shift_left3A_285 : vector<16xi32>
      %bitcast3A_287 = vector.bitcast %shift_left3A_286 : vector<16xi32> to vector<16xf32>
      %and3A_288 = arith.constant -65536 : i32
      %and3A_289 = vector.broadcast %and3A_288 : i32 to vector<16xi32>
      %and3A_290 = arith.andi %get3A_283, %and3A_289 : vector<16xi32>
      %bitcast3A_291 = vector.bitcast %and3A_290 : vector<16xi32> to vector<16xf32>
      %mul3A_292 = arith.mulf %bitcast3A_287, %gather3A_280 : vector<16xf32>
      %swap3A_293 = arith.index_cast %add3A_278 : i32 to index
      %swap3A_294 = arith.constant 0 : index
      %swap3A_295 = tpu.vector_load %arg19[%swap3A_293, %swap3A_294] {strides = array<i32>} : memref<96x128xf32, #tpu.memory_space<vmem>>, vector<16xf32>,
      tpu.vector_store %arg19[%swap3A_293, %swap3A_294], %mul3A_292 {strides = array<i32>} : memref<96x128xf32, #tpu.memory_space<vmem>>, vector<16xf32>,
      %mul3A_296 = arith.mulf %bitcast3A_291, %gather3A_280 : vector<16xf32>
      %swap3A_297 = arith.index_cast %add3A_278 : i32 to index
      %swap3A_298 = arith.constant 64 : index
      %swap3A_299 = tpu.vector_load %arg19[%swap3A_297, %swap3A_298] {strides = array<i32>} : memref<96x128xf32, #tpu.memory_space<vmem>>, vector<16xf32>,
      tpu.vector_store %arg19[%swap3A_297, %swap3A_298], %mul3A_296 {strides = array<i32>} : memref<96x128xf32, #tpu.memory_space<vmem>>, vector<16xf32>,
      %get3A_300 = arith.index_cast %add3A_278 : i32 to index
      %get3A_301 = arith.constant 16 : index
      %get3A_302 = tpu.vector_load %arg17[%get3A_300, %get3A_301] {strides = array<i32>} : memref<96x64xi32, #tpu.memory_space<vmem>>, vector<16xi32>,
      %shift_left3A_303 = arith.constant 16 : i32
      %shift_left3A_304 = vector.broadcast %shift_left3A_303 : i32 to vector<16xi32>
      %shift_left3A_305 = arith.shli %get3A_302, %shift_left3A_304 : vector<16xi32>
      %bitcast3A_306 = vector.bitcast %shift_left3A_305 : vector<16xi32> to vector<16xf32>
      %and3A_307 = arith.constant -65536 : i32
      %and3A_308 = vector.broadcast %and3A_307 : i32 to vector<16xi32>
      %and3A_309 = arith.andi %get3A_302, %and3A_308 : vector<16xi32>
      %bitcast3A_310 = vector.bitcast %and3A_309 : vector<16xi32> to vector<16xf32>
      %mul3A_311 = arith.mulf %bitcast3A_306, %gather3A_280 : vector<16xf32>
      %swap3A_312 = arith.index_cast %add3A_278 : i32 to index
      %swap3A_313 = arith.constant 16 : index
      %swap3A_314 = tpu.vector_load %arg19[%swap3A_312, %swap3A_313] {strides = array<i32>} : memref<96x128xf32, #tpu.memory_space<vmem>>, vector<16xf32>,
      tpu.vector_store %arg19[%swap3A_312, %swap3A_313], %mul3A_311 {strides = array<i32>} : memref<96x128xf32, #tpu.memory_space<vmem>>, vector<16xf32>,
      %mul3A_315 = arith.mulf %bitcast3A_310, %gather3A_280 : vector<16xf32>
      %swap3A_316 = arith.index_cast %add3A_278 : i32 to index
      %swap3A_317 = arith.constant 80 : index
      %swap3A_318 = tpu.vector_load %arg19[%swap3A_316, %swap3A_317] {strides = array<i32>} : memref<96x128xf32, #tpu.memory_space<vmem>>, vector<16xf32>,
      tpu.vector_store %arg19[%swap3A_316, %swap3A_317], %mul3A_315 {strides = array<i32>} : memref<96x128xf32, #tpu.memory_space<vmem>>, vector<16xf32>,
      %get3A_319 = arith.index_cast %add3A_278 : i32 to index
      %get3A_320 = arith.constant 32 : index
      %get3A_321 = tpu.vector_load %arg17[%get3A_319, %get3A_320] {strides = array<i32>} : memref<96x64xi32, #tpu.memory_space<vmem>>, vector<16xi32>,
      %shift_left3A_322 = arith.constant 16 : i32
      %shift_left3A_323 = vector.broadcast %shift_left3A_322 : i32 to vector<16xi32>
      %shift_left3A_324 = arith.shli %get3A_321, %shift_left3A_323 : vector<16xi32>
      %bitcast3A_325 = vector.bitcast %shift_left3A_324 : vector<16xi32> to vector<16xf32>
      %and3A_326 = arith.constant -65536 : i32
      %and3A_327 = vector.broadcast %and3A_326 : i32 to vector<16xi32>
      %and3A_328 = arith.andi %get3A_321, %and3A_327 : vector<16xi32>
      %bitcast3A_329 = vector.bitcast %and3A_328 : vector<16xi32> to vector<16xf32>
      %mul3A_330 = arith.mulf %bitcast3A_325, %gather3A_280 : vector<16xf32>
      %swap3A_331 = arith.index_cast %add3A_278 : i32 to index
      %swap3A_332 = arith.constant 32 : index
      %swap3A_333 = tpu.vector_load %arg19[%swap3A_331, %swap3A_332] {strides = array<i32>} : memref<96x128xf32, #tpu.memory_space<vmem>>, vector<16xf32>,
      tpu.vector_store %arg19[%swap3A_331, %swap3A_332], %mul3A_330 {strides = array<i32>} : memref<96x128xf32, #tpu.memory_space<vmem>>, vector<16xf32>,
      %mul3A_334 = arith.mulf %bitcast3A_329, %gather3A_280 : vector<16xf32>
      %swap3A_335 = arith.index_cast %add3A_278 : i32 to index
      %swap3A_336 = arith.constant 96 : index
      %swap3A_337 = tpu.vector_load %arg19[%swap3A_335, %swap3A_336] {strides = array<i32>} : memref<96x128xf32, #tpu.memory_space<vmem>>, vector<16xf32>,
      tpu.vector_store %arg19[%swap3A_335, %swap3A_336], %mul3A_334 {strides = array<i32>} : memref<96x128xf32, #tpu.memory_space<vmem>>, vector<16xf32>,
      %get3A_338 = arith.index_cast %add3A_278 : i32 to index
      %get3A_339 = arith.constant 48 : index
      %get3A_340 = tpu.vector_load %arg17[%get3A_338, %get3A_339] {strides = array<i32>} : memref<96x64xi32, #tpu.memory_space<vmem>>, vector<16xi32>,
      %shift_left3A_341 = arith.constant 16 : i32
      %shift_left3A_342 = vector.broadcast %shift_left3A_341 : i32 to vector<16xi32>
      %shift_left3A_343 = arith.shli %get3A_340, %shift_left3A_342 : vector<16xi32>
      %bitcast3A_344 = vector.bitcast %shift_left3A_343 : vector<16xi32> to vector<16xf32>
      %and3A_345 = arith.constant -65536 : i32
      %and3A_346 = vector.broadcast %and3A_345 : i32 to vector<16xi32>
      %and3A_347 = arith.andi %get3A_340, %and3A_346 : vector<16xi32>
      %bitcast3A_348 = vector.bitcast %and3A_347 : vector<16xi32> to vector<16xf32>
      %mul3A_349 = arith.mulf %bitcast3A_344, %gather3A_280 : vector<16xf32>
      %swap3A_350 = arith.index_cast %add3A_278 : i32 to index
      %swap3A_351 = arith.constant 48 : index
      %swap3A_352 = tpu.vector_load %arg19[%swap3A_350, %swap3A_351] {strides = array<i32>} : memref<96x128xf32, #tpu.memory_space<vmem>>, vector<16xf32>,
      tpu.vector_store %arg19[%swap3A_350, %swap3A_351], %mul3A_349 {strides = array<i32>} : memref<96x128xf32, #tpu.memory_space<vmem>>, vector<16xf32>,
      %mul3A_353 = arith.mulf %bitcast3A_348, %gather3A_280 : vector<16xf32>
      %swap3A_354 = arith.index_cast %add3A_278 : i32 to index
      %swap3A_355 = arith.constant 112 : index
      %swap3A_356 = tpu.vector_load %arg19[%swap3A_354, %swap3A_355] {strides = array<i32>} : memref<96x128xf32, #tpu.memory_space<vmem>>, vector<16xf32>,
      tpu.vector_store %arg19[%swap3A_354, %swap3A_355], %mul3A_353 {strides = array<i32>} : memref<96x128xf32, #tpu.memory_space<vmem>>, vector<16xf32>,
      %scan3A_357 = arith.constant 3 : i32
      %scan3A_358 = arith.addi %scan3A_111, %scan3A_357 : i32
      %mul3A_359 = arith.constant 1 : i32
      %mul3A_360 = arith.muli %scan3A_358, %mul3A_359 : i32
      %add3A_361 = arith.constant 0 : i32
      %add3A_362 = arith.addi %add3A_361, %mul3A_360 : i32
      %broadcast_in_dim3A_363 = vector.broadcast %add3A_362 : i32 to vector<16xi32>
      %gather3A_364 = tpu.vector_load_idx %arg15[%broadcast_in_dim3A_363] : memref<96xf32, #tpu.memory_space<vmem>>[vector<16xi32>], vector<16xf32>,
      %get3A_365 = arith.index_cast %add3A_362 : i32 to index
      %get3A_366 = arith.constant 0 : index
      %get3A_367 = tpu.vector_load %arg17[%get3A_365, %get3A_366] {strides = array<i32>} : memref<96x64xi32, #tpu.memory_space<vmem>>, vector<16xi32>,
      %shift_left3A_368 = arith.constant 16 : i32
      %shift_left3A_369 = vector.broadcast %shift_left3A_368 : i32 to vector<16xi32>
      %shift_left3A_370 = arith.shli %get3A_367, %shift_left3A_369 : vector<16xi32>
      %bitcast3A_371 = vector.bitcast %shift_left3A_370 : vector<16xi32> to vector<16xf32>
      %and3A_372 = arith.constant -65536 : i32
      %and3A_373 = vector.broadcast %and3A_372 : i32 to vector<16xi32>
      %and3A_374 = arith.andi %get3A_367, %and3A_373 : vector<16xi32>
      %bitcast3A_375 = vector.bitcast %and3A_374 : vector<16xi32> to vector<16xf32>
      %mul3A_376 = arith.mulf %bitcast3A_371, %gather3A_364 : vector<16xf32>
      %swap3A_377 = arith.index_cast %add3A_362 : i32 to index
      %swap3A_378 = arith.constant 0 : index
      %swap3A_379 = tpu.vector_load %arg19[%swap3A_377, %swap3A_378] {strides = array<i32>} : memref<96x128xf32, #tpu.memory_space<vmem>>, vector<16xf32>,
      tpu.vector_store %arg19[%swap3A_377, %swap3A_378], %mul3A_376 {strides = array<i32>} : memref<96x128xf32, #tpu.memory_space<vmem>>, vector<16xf32>,
      %mul3A_380 = arith.mulf %bitcast3A_375, %gather3A_364 : vector<16xf32>
      %swap3A_381 = arith.index_cast %add3A_362 : i32 to index
      %swap3A_382 = arith.constant 64 : index
      %swap3A_383 = tpu.vector_load %arg19[%swap3A_381, %swap3A_382] {strides = array<i32>} : memref<96x128xf32, #tpu.memory_space<vmem>>, vector<16xf32>,
      tpu.vector_store %arg19[%swap3A_381, %swap3A_382], %mul3A_380 {strides = array<i32>} : memref<96x128xf32, #tpu.memory_space<vmem>>, vector<16xf32>,
      %get3A_384 = arith.index_cast %add3A_362 : i32 to index
      %get3A_385 = arith.constant 16 : index
      %get3A_386 = tpu.vector_load %arg17[%get3A_384, %get3A_385] {strides = array<i32>} : memref<96x64xi32, #tpu.memory_space<vmem>>, vector<16xi32>,
      %shift_left3A_387 = arith.constant 16 : i32
      %shift_left3A_388 = vector.broadcast %shift_left3A_387 : i32 to vector<16xi32>
      %shift_left3A_389 = arith.shli %get3A_386, %shift_left3A_388 : vector<16xi32>
      %bitcast3A_390 = vector.bitcast %shift_left3A_389 : vector<16xi32> to vector<16xf32>
      %and3A_391 = arith.constant -65536 : i32
      %and3A_392 = vector.broadcast %and3A_391 : i32 to vector<16xi32>
      %and3A_393 = arith.andi %get3A_386, %and3A_392 : vector<16xi32>
      %bitcast3A_394 = vector.bitcast %and3A_393 : vector<16xi32> to vector<16xf32>
      %mul3A_395 = arith.mulf %bitcast3A_390, %gather3A_364 : vector<16xf32>
      %swap3A_396 = arith.index_cast %add3A_362 : i32 to index
      %swap3A_397 = arith.constant 16 : index
      %swap3A_398 = tpu.vector_load %arg19[%swap3A_396, %swap3A_397] {strides = array<i32>} : memref<96x128xf32, #tpu.memory_space<vmem>>, vector<16xf32>,
      tpu.vector_store %arg19[%swap3A_396, %swap3A_397], %mul3A_395 {strides = array<i32>} : memref<96x128xf32, #tpu.memory_space<vmem>>, vector<16xf32>,
      %mul3A_399 = arith.mulf %bitcast3A_394, %gather3A_364 : vector<16xf32>
      %swap3A_400 = arith.index_cast %add3A_362 : i32 to index
      %swap3A_401 = arith.constant 80 : index
      %swap3A_402 = tpu.vector_load %arg19[%swap3A_400, %swap3A_401] {strides = array<i32>} : memref<96x128xf32, #tpu.memory_space<vmem>>, vector<16xf32>,
      tpu.vector_store %arg19[%swap3A_400, %swap3A_401], %mul3A_399 {strides = array<i32>} : memref<96x128xf32, #tpu.memory_space<vmem>>, vector<16xf32>,
      %get3A_403 = arith.index_cast %add3A_362 : i32 to index
      %get3A_404 = arith.constant 32 : index
      %get3A_405 = tpu.vector_load %arg17[%get3A_403, %get3A_404] {strides = array<i32>} : memref<96x64xi32, #tpu.memory_space<vmem>>, vector<16xi32>,
      %shift_left3A_406 = arith.constant 16 : i32
      %shift_left3A_407 = vector.broadcast %shift_left3A_406 : i32 to vector<16xi32>
      %shift_left3A_408 = arith.shli %get3A_405, %shift_left3A_407 : vector<16xi32>
      %bitcast3A_409 = vector.bitcast %shift_left3A_408 : vector<16xi32> to vector<16xf32>
      %and3A_410 = arith.constant -65536 : i32
      %and3A_411 = vector.broadcast %and3A_410 : i32 to vector<16xi32>
      %and3A_412 = arith.andi %get3A_405, %and3A_411 : vector<16xi32>
      %bitcast3A_413 = vector.bitcast %and3A_412 : vector<16xi32> to vector<16xf32>
      %mul3A_414 = arith.mulf %bitcast3A_409, %gather3A_364 : vector<16xf32>
      %swap3A_415 = arith.index_cast %add3A_362 : i32 to index
      %swap3A_416 = arith.constant 32 : index
      %swap3A_417 = tpu.vector_load %arg19[%swap3A_415, %swap3A_416] {strides = array<i32>} : memref<96x128xf32, #tpu.memory_space<vmem>>, vector<16xf32>,
      tpu.vector_store %arg19[%swap3A_415, %swap3A_416], %mul3A_414 {strides = array<i32>} : memref<96x128xf32, #tpu.memory_space<vmem>>, vector<16xf32>,
      %mul3A_418 = arith.mulf %bitcast3A_413, %gather3A_364 : vector<16xf32>
      %swap3A_419 = arith.index_cast %add3A_362 : i32 to index
      %swap3A_420 = arith.constant 96 : index
      %swap3A_421 = tpu.vector_load %arg19[%swap3A_419, %swap3A_420] {strides = array<i32>} : memref<96x128xf32, #tpu.memory_space<vmem>>, vector<16xf32>,
      tpu.vector_store %arg19[%swap3A_419, %swap3A_420], %mul3A_418 {strides = array<i32>} : memref<96x128xf32, #tpu.memory_space<vmem>>, vector<16xf32>,
      %get3A_422 = arith.index_cast %add3A_362 : i32 to index
      %get3A_423 = arith.constant 48 : index
      %get3A_424 = tpu.vector_load %arg17[%get3A_422, %get3A_423] {strides = array<i32>} : memref<96x64xi32, #tpu.memory_space<vmem>>, vector<16xi32>,
      %shift_left3A_425 = arith.constant 16 : i32
      %shift_left3A_426 = vector.broadcast %shift_left3A_425 : i32 to vector<16xi32>
      %shift_left3A_427 = arith.shli %get3A_424, %shift_left3A_426 : vector<16xi32>
      %bitcast3A_428 = vector.bitcast %shift_left3A_427 : vector<16xi32> to vector<16xf32>
      %and3A_429 = arith.constant -65536 : i32
      %and3A_430 = vector.broadcast %and3A_429 : i32 to vector<16xi32>
      %and3A_431 = arith.andi %get3A_424, %and3A_430 : vector<16xi32>
      %bitcast3A_432 = vector.bitcast %and3A_431 : vector<16xi32> to vector<16xf32>
      %mul3A_433 = arith.mulf %bitcast3A_428, %gather3A_364 : vector<16xf32>
      %swap3A_434 = arith.index_cast %add3A_362 : i32 to index
      %swap3A_435 = arith.constant 48 : index
      %swap3A_436 = tpu.vector_load %arg19[%swap3A_434, %swap3A_435] {strides = array<i32>} : memref<96x128xf32, #tpu.memory_space<vmem>>, vector<16xf32>,
      tpu.vector_store %arg19[%swap3A_434, %swap3A_435], %mul3A_433 {strides = array<i32>} : memref<96x128xf32, #tpu.memory_space<vmem>>, vector<16xf32>,
      %mul3A_437 = arith.mulf %bitcast3A_432, %gather3A_364 : vector<16xf32>
      %swap3A_438 = arith.index_cast %add3A_362 : i32 to index
      %swap3A_439 = arith.constant 112 : index
      %swap3A_440 = tpu.vector_load %arg19[%swap3A_438, %swap3A_439] {strides = array<i32>} : memref<96x128xf32, #tpu.memory_space<vmem>>, vector<16xf32>,
      tpu.vector_store %arg19[%swap3A_438, %swap3A_439], %mul3A_437 {strides = array<i32>} : memref<96x128xf32, #tpu.memory_space<vmem>>, vector<16xf32>,
      %scan3A_441 = arith.constant 4 : i32
      %scan3A_442 = arith.addi %scan3A_111, %scan3A_441 : i32
      %mul3A_443 = arith.constant 1 : i32
      %mul3A_444 = arith.muli %scan3A_442, %mul3A_443 : i32
      %add3A_445 = arith.constant 0 : i32
      %add3A_446 = arith.addi %add3A_445, %mul3A_444 : i32
      %broadcast_in_dim3A_447 = vector.broadcast %add3A_446 : i32 to vector<16xi32>
      %gather3A_448 = tpu.vector_load_idx %arg15[%broadcast_in_dim3A_447] : memref<96xf32, #tpu.memory_space<vmem>>[vector<16xi32>], vector<16xf32>,
      %get3A_449 = arith.index_cast %add3A_446 : i32 to index
      %get3A_450 = arith.constant 0 : index
      %get3A_451 = tpu.vector_load %arg17[%get3A_449, %get3A_450] {strides = array<i32>} : memref<96x64xi32, #tpu.memory_space<vmem>>, vector<16xi32>,
      %shift_left3A_452 = arith.constant 16 : i32
      %shift_left3A_453 = vector.broadcast %shift_left3A_452 : i32 to vector<16xi32>
      %shift_left3A_454 = arith.shli %get3A_451, %shift_left3A_453 : vector<16xi32>
      %bitcast3A_455 = vector.bitcast %shift_left3A_454 : vector<16xi32> to vector<16xf32>
      %and3A_456 = arith.constant -65536 : i32
      %and3A_457 = vector.broadcast %and3A_456 : i32 to vector<16xi32>
      %and3A_458 = arith.andi %get3A_451, %and3A_457 : vector<16xi32>
      %bitcast3A_459 = vector.bitcast %and3A_458 : vector<16xi32> to vector<16xf32>
      %mul3A_460 = arith.mulf %bitcast3A_455, %gather3A_448 : vector<16xf32>
      %swap3A_461 = arith.index_cast %add3A_446 : i32 to index
      %swap3A_462 = arith.constant 0 : index
      %swap3A_463 = tpu.vector_load %arg19[%swap3A_461, %swap3A_462] {strides = array<i32>} : memref<96x128xf32, #tpu.memory_space<vmem>>, vector<16xf32>,
      tpu.vector_store %arg19[%swap3A_461, %swap3A_462], %mul3A_460 {strides = array<i32>} : memref<96x128xf32, #tpu.memory_space<vmem>>, vector<16xf32>,
      %mul3A_464 = arith.mulf %bitcast3A_459, %gather3A_448 : vector<16xf32>
      %swap3A_465 = arith.index_cast %add3A_446 : i32 to index
      %swap3A_466 = arith.constant 64 : index
      %swap3A_467 = tpu.vector_load %arg19[%swap3A_465, %swap3A_466] {strides = array<i32>} : memref<96x128xf32, #tpu.memory_space<vmem>>, vector<16xf32>,
      tpu.vector_store %arg19[%swap3A_465, %swap3A_466], %mul3A_464 {strides = array<i32>} : memref<96x128xf32, #tpu.memory_space<vmem>>, vector<16xf32>,
      %get3A_468 = arith.index_cast %add3A_446 : i32 to index
      %get3A_469 = arith.constant 16 : index
      %get3A_470 = tpu.vector_load %arg17[%get3A_468, %get3A_469] {strides = array<i32>} : memref<96x64xi32, #tpu.memory_space<vmem>>, vector<16xi32>,
      %shift_left3A_471 = arith.constant 16 : i32
      %shift_left3A_472 = vector.broadcast %shift_left3A_471 : i32 to vector<16xi32>
      %shift_left3A_473 = arith.shli %get3A_470, %shift_left3A_472 : vector<16xi32>
      %bitcast3A_474 = vector.bitcast %shift_left3A_473 : vector<16xi32> to vector<16xf32>
      %and3A_475 = arith.constant -65536 : i32
      %and3A_476 = vector.broadcast %and3A_475 : i32 to vector<16xi32>
      %and3A_477 = arith.andi %get3A_470, %and3A_476 : vector<16xi32>
      %bitcast3A_478 = vector.bitcast %and3A_477 : vector<16xi32> to vector<16xf32>
      %mul3A_479 = arith.mulf %bitcast3A_474, %gather3A_448 : vector<16xf32>
      %swap3A_480 = arith.index_cast %add3A_446 : i32 to index
      %swap3A_481 = arith.constant 16 : index
      %swap3A_482 = tpu.vector_load %arg19[%swap3A_480, %swap3A_481] {strides = array<i32>} : memref<96x128xf32, #tpu.memory_space<vmem>>, vector<16xf32>,
      tpu.vector_store %arg19[%swap3A_480, %swap3A_481], %mul3A_479 {strides = array<i32>} : memref<96x128xf32, #tpu.memory_space<vmem>>, vector<16xf32>,
      %mul3A_483 = arith.mulf %bitcast3A_478, %gather3A_448 : vector<16xf32>
      %swap3A_484 = arith.index_cast %add3A_446 : i32 to index
      %swap3A_485 = arith.constant 80 : index
      %swap3A_486 = tpu.vector_load %arg19[%swap3A_484, %swap3A_485] {strides = array<i32>} : memref<96x128xf32, #tpu.memory_space<vmem>>, vector<16xf32>,
      tpu.vector_store %arg19[%swap3A_484, %swap3A_485], %mul3A_483 {strides = array<i32>} : memref<96x128xf32, #tpu.memory_space<vmem>>, vector<16xf32>,
      %get3A_487 = arith.index_cast %add3A_446 : i32 to index
      %get3A_488 = arith.constant 32 : index
      %get3A_489 = tpu.vector_load %arg17[%get3A_487, %get3A_488] {strides = array<i32>} : memref<96x64xi32, #tpu.memory_space<vmem>>, vector<16xi32>,
      %shift_left3A_490 = arith.constant 16 : i32
      %shift_left3A_491 = vector.broadcast %shift_left3A_490 : i32 to vector<16xi32>
      %shift_left3A_492 = arith.shli %get3A_489, %shift_left3A_491 : vector<16xi32>
      %bitcast3A_493 = vector.bitcast %shift_left3A_492 : vector<16xi32> to vector<16xf32>
      %and3A_494 = arith.constant -65536 : i32
      %and3A_495 = vector.broadcast %and3A_494 : i32 to vector<16xi32>
      %and3A_496 = arith.andi %get3A_489, %and3A_495 : vector<16xi32>
      %bitcast3A_497 = vector.bitcast %and3A_496 : vector<16xi32> to vector<16xf32>
      %mul3A_498 = arith.mulf %bitcast3A_493, %gather3A_448 : vector<16xf32>
      %swap3A_499 = arith.index_cast %add3A_446 : i32 to index
      %swap3A_500 = arith.constant 32 : index
      %swap3A_501 = tpu.vector_load %arg19[%swap3A_499, %swap3A_500] {strides = array<i32>} : memref<96x128xf32, #tpu.memory_space<vmem>>, vector<16xf32>,
      tpu.vector_store %arg19[%swap3A_499, %swap3A_500], %mul3A_498 {strides = array<i32>} : memref<96x128xf32, #tpu.memory_space<vmem>>, vector<16xf32>,
      %mul3A_502 = arith.mulf %bitcast3A_497, %gather3A_448 : vector<16xf32>
      %swap3A_503 = arith.index_cast %add3A_446 : i32 to index
      %swap3A_504 = arith.constant 96 : index
      %swap3A_505 = tpu.vector_load %arg19[%swap3A_503, %swap3A_504] {strides = array<i32>} : memref<96x128xf32, #tpu.memory_space<vmem>>, vector<16xf32>,
      tpu.vector_store %arg19[%swap3A_503, %swap3A_504], %mul3A_502 {strides = array<i32>} : memref<96x128xf32, #tpu.memory_space<vmem>>, vector<16xf32>,
      %get3A_506 = arith.index_cast %add3A_446 : i32 to index
      %get3A_507 = arith.constant 48 : index
      %get3A_508 = tpu.vector_load %arg17[%get3A_506, %get3A_507] {strides = array<i32>} : memref<96x64xi32, #tpu.memory_space<vmem>>, vector<16xi32>,
      %shift_left3A_509 = arith.constant 16 : i32
      %shift_left3A_510 = vector.broadcast %shift_left3A_509 : i32 to vector<16xi32>
      %shift_left3A_511 = arith.shli %get3A_508, %shift_left3A_510 : vector<16xi32>
      %bitcast3A_512 = vector.bitcast %shift_left3A_511 : vector<16xi32> to vector<16xf32>
      %and3A_513 = arith.constant -65536 : i32
      %and3A_514 = vector.broadcast %and3A_513 : i32 to vector<16xi32>
      %and3A_515 = arith.andi %get3A_508, %and3A_514 : vector<16xi32>
      %bitcast3A_516 = vector.bitcast %and3A_515 : vector<16xi32> to vector<16xf32>
      %mul3A_517 = arith.mulf %bitcast3A_512, %gather3A_448 : vector<16xf32>
      %swap3A_518 = arith.index_cast %add3A_446 : i32 to index
      %swap3A_519 = arith.constant 48 : index
      %swap3A_520 = tpu.vector_load %arg19[%swap3A_518, %swap3A_519] {strides = array<i32>} : memref<96x128xf32, #tpu.memory_space<vmem>>, vector<16xf32>,
      tpu.vector_store %arg19[%swap3A_518, %swap3A_519], %mul3A_517 {strides = array<i32>} : memref<96x128xf32, #tpu.memory_space<vmem>>, vector<16xf32>,
      %mul3A_521 = arith.mulf %bitcast3A_516, %gather3A_448 : vector<16xf32>
      %swap3A_522 = arith.index_cast %add3A_446 : i32 to index
      %swap3A_523 = arith.constant 112 : index
      %swap3A_524 = tpu.vector_load %arg19[%swap3A_522, %swap3A_523] {strides = array<i32>} : memref<96x128xf32, #tpu.memory_space<vmem>>, vector<16xf32>,
      tpu.vector_store %arg19[%swap3A_522, %swap3A_523], %mul3A_521 {strides = array<i32>} : memref<96x128xf32, #tpu.memory_space<vmem>>, vector<16xf32>,
      %scan3A_525 = arith.constant 5 : i32
      %scan3A_526 = arith.addi %scan3A_111, %scan3A_525 : i32
      %mul3A_527 = arith.constant 1 : i32
      %mul3A_528 = arith.muli %scan3A_526, %mul3A_527 : i32
      %add3A_529 = arith.constant 0 : i32
      %add3A_530 = arith.addi %add3A_529, %mul3A_528 : i32
      %broadcast_in_dim3A_531 = vector.broadcast %add3A_530 : i32 to vector<16xi32>
      %gather3A_532 = tpu.vector_load_idx %arg15[%broadcast_in_dim3A_531] : memref<96xf32, #tpu.memory_space<vmem>>[vector<16xi32>], vector<16xf32>,
      %get3A_533 = arith.index_cast %add3A_530 : i32 to index
      %get3A_534 = arith.constant 0 : index
      %get3A_535 = tpu.vector_load %arg17[%get3A_533, %get3A_534] {strides = array<i32>} : memref<96x64xi32, #tpu.memory_space<vmem>>, vector<16xi32>,
      %shift_left3A_536 = arith.constant 16 : i32
      %shift_left3A_537 = vector.broadcast %shift_left3A_536 : i32 to vector<16xi32>
      %shift_left3A_538 = arith.shli %get3A_535, %shift_left3A_537 : vector<16xi32>
      %bitcast3A_539 = vector.bitcast %shift_left3A_538 : vector<16xi32> to vector<16xf32>
      %and3A_540 = arith.constant -65536 : i32
      %and3A_541 = vector.broadcast %and3A_540 : i32 to vector<16xi32>
      %and3A_542 = arith.andi %get3A_535, %and3A_541 : vector<16xi32>
      %bitcast3A_543 = vector.bitcast %and3A_542 : vector<16xi32> to vector<16xf32>
      %mul3A_544 = arith.mulf %bitcast3A_539, %gather3A_532 : vector<16xf32>
      %swap3A_545 = arith.index_cast %add3A_530 : i32 to index
      %swap3A_546 = arith.constant 0 : index
      %swap3A_547 = tpu.vector_load %arg19[%swap3A_545, %swap3A_546] {strides = array<i32>} : memref<96x128xf32, #tpu.memory_space<vmem>>, vector<16xf32>,
      tpu.vector_store %arg19[%swap3A_545, %swap3A_546], %mul3A_544 {strides = array<i32>} : memref<96x128xf32, #tpu.memory_space<vmem>>, vector<16xf32>,
      %mul3A_548 = arith.mulf %bitcast3A_543, %gather3A_532 : vector<16xf32>
      %swap3A_549 = arith.index_cast %add3A_530 : i32 to index
      %swap3A_550 = arith.constant 64 : index
      %swap3A_551 = tpu.vector_load %arg19[%swap3A_549, %swap3A_550] {strides = array<i32>} : memref<96x128xf32, #tpu.memory_space<vmem>>, vector<16xf32>,
      tpu.vector_store %arg19[%swap3A_549, %swap3A_550], %mul3A_548 {strides = array<i32>} : memref<96x128xf32, #tpu.memory_space<vmem>>, vector<16xf32>,
      %get3A_552 = arith.index_cast %add3A_530 : i32 to index
      %get3A_553 = arith.constant 16 : index
      %get3A_554 = tpu.vector_load %arg17[%get3A_552, %get3A_553] {strides = array<i32>} : memref<96x64xi32, #tpu.memory_space<vmem>>, vector<16xi32>,
      %shift_left3A_555 = arith.constant 16 : i32
      %shift_left3A_556 = vector.broadcast %shift_left3A_555 : i32 to vector<16xi32>
      %shift_left3A_557 = arith.shli %get3A_554, %shift_left3A_556 : vector<16xi32>
      %bitcast3A_558 = vector.bitcast %shift_left3A_557 : vector<16xi32> to vector<16xf32>
      %and3A_559 = arith.constant -65536 : i32
      %and3A_560 = vector.broadcast %and3A_559 : i32 to vector<16xi32>
      %and3A_561 = arith.andi %get3A_554, %and3A_560 : vector<16xi32>
      %bitcast3A_562 = vector.bitcast %and3A_561 : vector<16xi32> to vector<16xf32>
      %mul3A_563 = arith.mulf %bitcast3A_558, %gather3A_532 : vector<16xf32>
      %swap3A_564 = arith.index_cast %add3A_530 : i32 to index
      %swap3A_565 = arith.constant 16 : index
      %swap3A_566 = tpu.vector_load %arg19[%swap3A_564, %swap3A_565] {strides = array<i32>} : memref<96x128xf32, #tpu.memory_space<vmem>>, vector<16xf32>,
      tpu.vector_store %arg19[%swap3A_564, %swap3A_565], %mul3A_563 {strides = array<i32>} : memref<96x128xf32, #tpu.memory_space<vmem>>, vector<16xf32>,
      %mul3A_567 = arith.mulf %bitcast3A_562, %gather3A_532 : vector<16xf32>
      %swap3A_568 = arith.index_cast %add3A_530 : i32 to index
      %swap3A_569 = arith.constant 80 : index
      %swap3A_570 = tpu.vector_load %arg19[%swap3A_568, %swap3A_569] {strides = array<i32>} : memref<96x128xf32, #tpu.memory_space<vmem>>, vector<16xf32>,
      tpu.vector_store %arg19[%swap3A_568, %swap3A_569], %mul3A_567 {strides = array<i32>} : memref<96x128xf32, #tpu.memory_space<vmem>>, vector<16xf32>,
      %get3A_571 = arith.index_cast %add3A_530 : i32 to index
      %get3A_572 = arith.constant 32 : index
      %get3A_573 = tpu.vector_load %arg17[%get3A_571, %get3A_572] {strides = array<i32>} : memref<96x64xi32, #tpu.memory_space<vmem>>, vector<16xi32>,
      %shift_left3A_574 = arith.constant 16 : i32
      %shift_left3A_575 = vector.broadcast %shift_left3A_574 : i32 to vector<16xi32>
      %shift_left3A_576 = arith.shli %get3A_573, %shift_left3A_575 : vector<16xi32>
      %bitcast3A_577 = vector.bitcast %shift_left3A_576 : vector<16xi32> to vector<16xf32>
      %and3A_578 = arith.constant -65536 : i32
      %and3A_579 = vector.broadcast %and3A_578 : i32 to vector<16xi32>
      %and3A_580 = arith.andi %get3A_573, %and3A_579 : vector<16xi32>
      %bitcast3A_581 = vector.bitcast %and3A_580 : vector<16xi32> to vector<16xf32>
      %mul3A_582 = arith.mulf %bitcast3A_577, %gather3A_532 : vector<16xf32>
      %swap3A_583 = arith.index_cast %add3A_530 : i32 to index
      %swap3A_584 = arith.constant 32 : index
      %swap3A_585 = tpu.vector_load %arg19[%swap3A_583, %swap3A_584] {strides = array<i32>} : memref<96x128xf32, #tpu.memory_space<vmem>>, vector<16xf32>,
      tpu.vector_store %arg19[%swap3A_583, %swap3A_584], %mul3A_582 {strides = array<i32>} : memref<96x128xf32, #tpu.memory_space<vmem>>, vector<16xf32>,
      %mul3A_586 = arith.mulf %bitcast3A_581, %gather3A_532 : vector<16xf32>
      %swap3A_587 = arith.index_cast %add3A_530 : i32 to index
      %swap3A_588 = arith.constant 96 : index
      %swap3A_589 = tpu.vector_load %arg19[%swap3A_587, %swap3A_588] {strides = array<i32>} : memref<96x128xf32, #tpu.memory_space<vmem>>, vector<16xf32>,
      tpu.vector_store %arg19[%swap3A_587, %swap3A_588], %mul3A_586 {strides = array<i32>} : memref<96x128xf32, #tpu.memory_space<vmem>>, vector<16xf32>,
      %get3A_590 = arith.index_cast %add3A_530 : i32 to index
      %get3A_591 = arith.constant 48 : index
      %get3A_592 = tpu.vector_load %arg17[%get3A_590, %get3A_591] {strides = array<i32>} : memref<96x64xi32, #tpu.memory_space<vmem>>, vector<16xi32>,
      %shift_left3A_593 = arith.constant 16 : i32
      %shift_left3A_594 = vector.broadcast %shift_left3A_593 : i32 to vector<16xi32>
      %shift_left3A_595 = arith.shli %get3A_592, %shift_left3A_594 : vector<16xi32>
      %bitcast3A_596 = vector.bitcast %shift_left3A_595 : vector<16xi32> to vector<16xf32>
      %and3A_597 = arith.constant -65536 : i32
      %and3A_598 = vector.broadcast %and3A_597 : i32 to vector<16xi32>
      %and3A_599 = arith.andi %get3A_592, %and3A_598 : vector<16xi32>
      %bitcast3A_600 = vector.bitcast %and3A_599 : vector<16xi32> to vector<16xf32>
      %mul3A_601 = arith.mulf %bitcast3A_596, %gather3A_532 : vector<16xf32>
      %swap3A_602 = arith.index_cast %add3A_530 : i32 to index
      %swap3A_603 = arith.constant 48 : index
      %swap3A_604 = tpu.vector_load %arg19[%swap3A_602, %swap3A_603] {strides = array<i32>} : memref<96x128xf32, #tpu.memory_space<vmem>>, vector<16xf32>,
      tpu.vector_store %arg19[%swap3A_602, %swap3A_603], %mul3A_601 {strides = array<i32>} : memref<96x128xf32, #tpu.memory_space<vmem>>, vector<16xf32>,
      %mul3A_605 = arith.mulf %bitcast3A_600, %gather3A_532 : vector<16xf32>
      %swap3A_606 = arith.index_cast %add3A_530 : i32 to index
      %swap3A_607 = arith.constant 112 : index
      %swap3A_608 = tpu.vector_load %arg19[%swap3A_606, %swap3A_607] {strides = array<i32>} : memref<96x128xf32, #tpu.memory_space<vmem>>, vector<16xf32>,
      tpu.vector_store %arg19[%swap3A_606, %swap3A_607], %mul3A_605 {strides = array<i32>} : memref<96x128xf32, #tpu.memory_space<vmem>>, vector<16xf32>,
      %scan3A_609 = arith.constant 6 : i32
      %scan3A_610 = arith.addi %scan3A_111, %scan3A_609 : i32
      %mul3A_611 = arith.constant 1 : i32
      %mul3A_612 = arith.muli %scan3A_610, %mul3A_611 : i32
      %add3A_613 = arith.constant 0 : i32
      %add3A_614 = arith.addi %add3A_613, %mul3A_612 : i32
      %broadcast_in_dim3A_615 = vector.broadcast %add3A_614 : i32 to vector<16xi32>
      %gather3A_616 = tpu.vector_load_idx %arg15[%broadcast_in_dim3A_615] : memref<96xf32, #tpu.memory_space<vmem>>[vector<16xi32>], vector<16xf32>,
      %get3A_617 = arith.index_cast %add3A_614 : i32 to index
      %get3A_618 = arith.constant 0 : index
      %get3A_619 = tpu.vector_load %arg17[%get3A_617, %get3A_618] {strides = array<i32>} : memref<96x64xi32, #tpu.memory_space<vmem>>, vector<16xi32>,
      %shift_left3A_620 = arith.constant 16 : i32
      %shift_left3A_621 = vector.broadcast %shift_left3A_620 : i32 to vector<16xi32>
      %shift_left3A_622 = arith.shli %get3A_619, %shift_left3A_621 : vector<16xi32>
      %bitcast3A_623 = vector.bitcast %shift_left3A_622 : vector<16xi32> to vector<16xf32>
      %and3A_624 = arith.constant -65536 : i32
      %and3A_625 = vector.broadcast %and3A_624 : i32 to vector<16xi32>
      %and3A_626 = arith.andi %get3A_619, %and3A_625 : vector<16xi32>
      %bitcast3A_627 = vector.bitcast %and3A_626 : vector<16xi32> to vector<16xf32>
      %mul3A_628 = arith.mulf %bitcast3A_623, %gather3A_616 : vector<16xf32>
      %swap3A_629 = arith.index_cast %add3A_614 : i32 to index
      %swap3A_630 = arith.constant 0 : index
      %swap3A_631 = tpu.vector_load %arg19[%swap3A_629, %swap3A_630] {strides = array<i32>} : memref<96x128xf32, #tpu.memory_space<vmem>>, vector<16xf32>,
      tpu.vector_store %arg19[%swap3A_629, %swap3A_630], %mul3A_628 {strides = array<i32>} : memref<96x128xf32, #tpu.memory_space<vmem>>, vector<16xf32>,
      %mul3A_632 = arith.mulf %bitcast3A_627, %gather3A_616 : vector<16xf32>
      %swap3A_633 = arith.index_cast %add3A_614 : i32 to index
      %swap3A_634 = arith.constant 64 : index
      %swap3A_635 = tpu.vector_load %arg19[%swap3A_633, %swap3A_634] {strides = array<i32>} : memref<96x128xf32, #tpu.memory_space<vmem>>, vector<16xf32>,
      tpu.vector_store %arg19[%swap3A_633, %swap3A_634], %mul3A_632 {strides = array<i32>} : memref<96x128xf32, #tpu.memory_space<vmem>>, vector<16xf32>,
      %get3A_636 = arith.index_cast %add3A_614 : i32 to index
      %get3A_637 = arith.constant 16 : index
      %get3A_638 = tpu.vector_load %arg17[%get3A_636, %get3A_637] {strides = array<i32>} : memref<96x64xi32, #tpu.memory_space<vmem>>, vector<16xi32>,
      %shift_left3A_639 = arith.constant 16 : i32
      %shift_left3A_640 = vector.broadcast %shift_left3A_639 : i32 to vector<16xi32>
      %shift_left3A_641 = arith.shli %get3A_638, %shift_left3A_640 : vector<16xi32>
      %bitcast3A_642 = vector.bitcast %shift_left3A_641 : vector<16xi32> to vector<16xf32>
      %and3A_643 = arith.constant -65536 : i32
      %and3A_644 = vector.broadcast %and3A_643 : i32 to vector<16xi32>
      %and3A_645 = arith.andi %get3A_638, %and3A_644 : vector<16xi32>
      %bitcast3A_646 = vector.bitcast %and3A_645 : vector<16xi32> to vector<16xf32>
      %mul3A_647 = arith.mulf %bitcast3A_642, %gather3A_616 : vector<16xf32>
      %swap3A_648 = arith.index_cast %add3A_614 : i32 to index
      %swap3A_649 = arith.constant 16 : index
      %swap3A_650 = tpu.vector_load %arg19[%swap3A_648, %swap3A_649] {strides = array<i32>} : memref<96x128xf32, #tpu.memory_space<vmem>>, vector<16xf32>,
      tpu.vector_store %arg19[%swap3A_648, %swap3A_649], %mul3A_647 {strides = array<i32>} : memref<96x128xf32, #tpu.memory_space<vmem>>, vector<16xf32>,
      %mul3A_651 = arith.mulf %bitcast3A_646, %gather3A_616 : vector<16xf32>
      %swap3A_652 = arith.index_cast %add3A_614 : i32 to index
      %swap3A_653 = arith.constant 80 : index
      %swap3A_654 = tpu.vector_load %arg19[%swap3A_652, %swap3A_653] {strides = array<i32>} : memref<96x128xf32, #tpu.memory_space<vmem>>, vector<16xf32>,
      tpu.vector_store %arg19[%swap3A_652, %swap3A_653], %mul3A_651 {strides = array<i32>} : memref<96x128xf32, #tpu.memory_space<vmem>>, vector<16xf32>,
      %get3A_655 = arith.index_cast %add3A_614 : i32 to index
      %get3A_656 = arith.constant 32 : index
      %get3A_657 = tpu.vector_load %arg17[%get3A_655, %get3A_656] {strides = array<i32>} : memref<96x64xi32, #tpu.memory_space<vmem>>, vector<16xi32>,
      %shift_left3A_658 = arith.constant 16 : i32
      %shift_left3A_659 = vector.broadcast %shift_left3A_658 : i32 to vector<16xi32>
      %shift_left3A_660 = arith.shli %get3A_657, %shift_left3A_659 : vector<16xi32>
      %bitcast3A_661 = vector.bitcast %shift_left3A_660 : vector<16xi32> to vector<16xf32>
      %and3A_662 = arith.constant -65536 : i32
      %and3A_663 = vector.broadcast %and3A_662 : i32 to vector<16xi32>
      %and3A_664 = arith.andi %get3A_657, %and3A_663 : vector<16xi32>
      %bitcast3A_665 = vector.bitcast %and3A_664 : vector<16xi32> to vector<16xf32>
      %mul3A_666 = arith.mulf %bitcast3A_661, %gather3A_616 : vector<16xf32>
      %swap3A_667 = arith.index_cast %add3A_614 : i32 to index
      %swap3A_668 = arith.constant 32 : index
      %swap3A_669 = tpu.vector_load %arg19[%swap3A_667, %swap3A_668] {strides = array<i32>} : memref<96x128xf32, #tpu.memory_space<vmem>>, vector<16xf32>,
      tpu.vector_store %arg19[%swap3A_667, %swap3A_668], %mul3A_666 {strides = array<i32>} : memref<96x128xf32, #tpu.memory_space<vmem>>, vector<16xf32>,
      %mul3A_670 = arith.mulf %bitcast3A_665, %gather3A_616 : vector<16xf32>
      %swap3A_671 = arith.index_cast %add3A_614 : i32 to index
      %swap3A_672 = arith.constant 96 : index
      %swap3A_673 = tpu.vector_load %arg19[%swap3A_671, %swap3A_672] {strides = array<i32>} : memref<96x128xf32, #tpu.memory_space<vmem>>, vector<16xf32>,
      tpu.vector_store %arg19[%swap3A_671, %swap3A_672], %mul3A_670 {strides = array<i32>} : memref<96x128xf32, #tpu.memory_space<vmem>>, vector<16xf32>,
      %get3A_674 = arith.index_cast %add3A_614 : i32 to index
      %get3A_675 = arith.constant 48 : index
      %get3A_676 = tpu.vector_load %arg17[%get3A_674, %get3A_675] {strides = array<i32>} : memref<96x64xi32, #tpu.memory_space<vmem>>, vector<16xi32>,
      %shift_left3A_677 = arith.constant 16 : i32
      %shift_left3A_678 = vector.broadcast %shift_left3A_677 : i32 to vector<16xi32>
      %shift_left3A_679 = arith.shli %get3A_676, %shift_left3A_678 : vector<16xi32>
      %bitcast3A_680 = vector.bitcast %shift_left3A_679 : vector<16xi32> to vector<16xf32>
      %and3A_681 = arith.constant -65536 : i32
      %and3A_682 = vector.broadcast %and3A_681 : i32 to vector<16xi32>
      %and3A_683 = arith.andi %get3A_676, %and3A_682 : vector<16xi32>
      %bitcast3A_684 = vector.bitcast %and3A_683 : vector<16xi32> to vector<16xf32>
      %mul3A_685 = arith.mulf %bitcast3A_680, %gather3A_616 : vector<16xf32>
      %swap3A_686 = arith.index_cast %add3A_614 : i32 to index
      %swap3A_687 = arith.constant 48 : index
      %swap3A_688 = tpu.vector_load %arg19[%swap3A_686, %swap3A_687] {strides = array<i32>} : memref<96x128xf32, #tpu.memory_space<vmem>>, vector<16xf32>,
      tpu.vector_store %arg19[%swap3A_686, %swap3A_687], %mul3A_685 {strides = array<i32>} : memref<96x128xf32, #tpu.memory_space<vmem>>, vector<16xf32>,
      %mul3A_689 = arith.mulf %bitcast3A_684, %gather3A_616 : vector<16xf32>
      %swap3A_690 = arith.index_cast %add3A_614 : i32 to index
      %swap3A_691 = arith.constant 112 : index
      %swap3A_692 = tpu.vector_load %arg19[%swap3A_690, %swap3A_691] {strides = array<i32>} : memref<96x128xf32, #tpu.memory_space<vmem>>, vector<16xf32>,
      tpu.vector_store %arg19[%swap3A_690, %swap3A_691], %mul3A_689 {strides = array<i32>} : memref<96x128xf32, #tpu.memory_space<vmem>>, vector<16xf32>,
      %scan3A_693 = arith.constant 7 : i32
      %scan3A_694 = arith.addi %scan3A_111, %scan3A_693 : i32
      %mul3A_695 = arith.constant 1 : i32
      %mul3A_696 = arith.muli %scan3A_694, %mul3A_695 : i32
      %add3A_697 = arith.constant 0 : i32
      %add3A_698 = arith.addi %add3A_697, %mul3A_696 : i32
      %broadcast_in_dim3A_699 = vector.broadcast %add3A_698 : i32 to vector<16xi32>
      %gather3A_700 = tpu.vector_load_idx %arg15[%broadcast_in_dim3A_699] : memref<96xf32, #tpu.memory_space<vmem>>[vector<16xi32>], vector<16xf32>,
      %get3A_701 = arith.index_cast %add3A_698 : i32 to index
      %get3A_702 = arith.constant 0 : index
      %get3A_703 = tpu.vector_load %arg17[%get3A_701, %get3A_702] {strides = array<i32>} : memref<96x64xi32, #tpu.memory_space<vmem>>, vector<16xi32>,
      %shift_left3A_704 = arith.constant 16 : i32
      %shift_left3A_705 = vector.broadcast %shift_left3A_704 : i32 to vector<16xi32>
      %shift_left3A_706 = arith.shli %get3A_703, %shift_left3A_705 : vector<16xi32>
      %bitcast3A_707 = vector.bitcast %shift_left3A_706 : vector<16xi32> to vector<16xf32>
      %and3A_708 = arith.constant -65536 : i32
      %and3A_709 = vector.broadcast %and3A_708 : i32 to vector<16xi32>
      %and3A_710 = arith.andi %get3A_703, %and3A_709 : vector<16xi32>
      %bitcast3A_711 = vector.bitcast %and3A_710 : vector<16xi32> to vector<16xf32>
      %mul3A_712 = arith.mulf %bitcast3A_707, %gather3A_700 : vector<16xf32>
      %swap3A_713 = arith.index_cast %add3A_698 : i32 to index
      %swap3A_714 = arith.constant 0 : index
      %swap3A_715 = tpu.vector_load %arg19[%swap3A_713, %swap3A_714] {strides = array<i32>} : memref<96x128xf32, #tpu.memory_space<vmem>>, vector<16xf32>,
      tpu.vector_store %arg19[%swap3A_713, %swap3A_714], %mul3A_712 {strides = array<i32>} : memref<96x128xf32, #tpu.memory_space<vmem>>, vector<16xf32>,
      %mul3A_716 = arith.mulf %bitcast3A_711, %gather3A_700 : vector<16xf32>
      %swap3A_717 = arith.index_cast %add3A_698 : i32 to index
      %swap3A_718 = arith.constant 64 : index
      %swap3A_719 = tpu.vector_load %arg19[%swap3A_717, %swap3A_718] {strides = array<i32>} : memref<96x128xf32, #tpu.memory_space<vmem>>, vector<16xf32>,
      tpu.vector_store %arg19[%swap3A_717, %swap3A_718], %mul3A_716 {strides = array<i32>} : memref<96x128xf32, #tpu.memory_space<vmem>>, vector<16xf32>,
      %get3A_720 = arith.index_cast %add3A_698 : i32 to index
      %get3A_721 = arith.constant 16 : index
      %get3A_722 = tpu.vector_load %arg17[%get3A_720, %get3A_721] {strides = array<i32>} : memref<96x64xi32, #tpu.memory_space<vmem>>, vector<16xi32>,
      %shift_left3A_723 = arith.constant 16 : i32
      %shift_left3A_724 = vector.broadcast %shift_left3A_723 : i32 to vector<16xi32>
      %shift_left3A_725 = arith.shli %get3A_722, %shift_left3A_724 : vector<16xi32>
      %bitcast3A_726 = vector.bitcast %shift_left3A_725 : vector<16xi32> to vector<16xf32>
      %and3A_727 = arith.constant -65536 : i32
      %and3A_728 = vector.broadcast %and3A_727 : i32 to vector<16xi32>
      %and3A_729 = arith.andi %get3A_722, %and3A_728 : vector<16xi32>
      %bitcast3A_730 = vector.bitcast %and3A_729 : vector<16xi32> to vector<16xf32>
      %mul3A_731 = arith.mulf %bitcast3A_726, %gather3A_700 : vector<16xf32>
      %swap3A_732 = arith.index_cast %add3A_698 : i32 to index
      %swap3A_733 = arith.constant 16 : index
      %swap3A_734 = tpu.vector_load %arg19[%swap3A_732, %swap3A_733] {strides = array<i32>} : memref<96x128xf32, #tpu.memory_space<vmem>>, vector<16xf32>,
      tpu.vector_store %arg19[%swap3A_732, %swap3A_733], %mul3A_731 {strides = array<i32>} : memref<96x128xf32, #tpu.memory_space<vmem>>, vector<16xf32>,
      %mul3A_735 = arith.mulf %bitcast3A_730, %gather3A_700 : vector<16xf32>
      %swap3A_736 = arith.index_cast %add3A_698 : i32 to index
      %swap3A_737 = arith.constant 80 : index
      %swap3A_738 = tpu.vector_load %arg19[%swap3A_736, %swap3A_737] {strides = array<i32>} : memref<96x128xf32, #tpu.memory_space<vmem>>, vector<16xf32>,
      tpu.vector_store %arg19[%swap3A_736, %swap3A_737], %mul3A_735 {strides = array<i32>} : memref<96x128xf32, #tpu.memory_space<vmem>>, vector<16xf32>,
      %get3A_739 = arith.index_cast %add3A_698 : i32 to index
      %get3A_740 = arith.constant 32 : index
      %get3A_741 = tpu.vector_load %arg17[%get3A_739, %get3A_740] {strides = array<i32>} : memref<96x64xi32, #tpu.memory_space<vmem>>, vector<16xi32>,
      %shift_left3A_742 = arith.constant 16 : i32
      %shift_left3A_743 = vector.broadcast %shift_left3A_742 : i32 to vector<16xi32>
      %shift_left3A_744 = arith.shli %get3A_741, %shift_left3A_743 : vector<16xi32>
      %bitcast3A_745 = vector.bitcast %shift_left3A_744 : vector<16xi32> to vector<16xf32>
      %and3A_746 = arith.constant -65536 : i32
      %and3A_747 = vector.broadcast %and3A_746 : i32 to vector<16xi32>
      %and3A_748 = arith.andi %get3A_741, %and3A_747 : vector<16xi32>
      %bitcast3A_749 = vector.bitcast %and3A_748 : vector<16xi32> to vector<16xf32>
      %mul3A_750 = arith.mulf %bitcast3A_745, %gather3A_700 : vector<16xf32>
      %swap3A_751 = arith.index_cast %add3A_698 : i32 to index
      %swap3A_752 = arith.constant 32 : index
      %swap3A_753 = tpu.vector_load %arg19[%swap3A_751, %swap3A_752] {strides = array<i32>} : memref<96x128xf32, #tpu.memory_space<vmem>>, vector<16xf32>,
      tpu.vector_store %arg19[%swap3A_751, %swap3A_752], %mul3A_750 {strides = array<i32>} : memref<96x128xf32, #tpu.memory_space<vmem>>, vector<16xf32>,
      %mul3A_754 = arith.mulf %bitcast3A_749, %gather3A_700 : vector<16xf32>
      %swap3A_755 = arith.index_cast %add3A_698 : i32 to index
      %swap3A_756 = arith.constant 96 : index
      %swap3A_757 = tpu.vector_load %arg19[%swap3A_755, %swap3A_756] {strides = array<i32>} : memref<96x128xf32, #tpu.memory_space<vmem>>, vector<16xf32>,
      tpu.vector_store %arg19[%swap3A_755, %swap3A_756], %mul3A_754 {strides = array<i32>} : memref<96x128xf32, #tpu.memory_space<vmem>>, vector<16xf32>,
      %get3A_758 = arith.index_cast %add3A_698 : i32 to index
      %get3A_759 = arith.constant 48 : index
      %get3A_760 = tpu.vector_load %arg17[%get3A_758, %get3A_759] {strides = array<i32>} : memref<96x64xi32, #tpu.memory_space<vmem>>, vector<16xi32>,
      %shift_left3A_761 = arith.constant 16 : i32
      %shift_left3A_762 = vector.broadcast %shift_left3A_761 : i32 to vector<16xi32>
      %shift_left3A_763 = arith.shli %get3A_760, %shift_left3A_762 : vector<16xi32>
      %bitcast3A_764 = vector.bitcast %shift_left3A_763 : vector<16xi32> to vector<16xf32>
      %and3A_765 = arith.constant -65536 : i32
      %and3A_766 = vector.broadcast %and3A_765 : i32 to vector<16xi32>
      %and3A_767 = arith.andi %get3A_760, %and3A_766 : vector<16xi32>
      %bitcast3A_768 = vector.bitcast %and3A_767 : vector<16xi32> to vector<16xf32>
      %mul3A_769 = arith.mulf %bitcast3A_764, %gather3A_700 : vector<16xf32>
      %swap3A_770 = arith.index_cast %add3A_698 : i32 to index
      %swap3A_771 = arith.constant 48 : index
      %swap3A_772 = tpu.vector_load %arg19[%swap3A_770, %swap3A_771] {strides = array<i32>} : memref<96x128xf32, #tpu.memory_space<vmem>>, vector<16xf32>,
      tpu.vector_store %arg19[%swap3A_770, %swap3A_771], %mul3A_769 {strides = array<i32>} : memref<96x128xf32, #tpu.memory_space<vmem>>, vector<16xf32>,
      %mul3A_773 = arith.mulf %bitcast3A_768, %gather3A_700 : vector<16xf32>
      %swap3A_774 = arith.index_cast %add3A_698 : i32 to index
      %swap3A_775 = arith.constant 112 : index
      %swap3A_776 = tpu.vector_load %arg19[%swap3A_774, %swap3A_775] {strides = array<i32>} : memref<96x128xf32, #tpu.memory_space<vmem>>, vector<16xf32>,
      tpu.vector_store %arg19[%swap3A_774, %swap3A_775], %mul3A_773 {strides = array<i32>} : memref<96x128xf32, #tpu.memory_space<vmem>>, vector<16xf32>,
    }
    %scan3A_82 = arith.constant 96 : i32
    %dma_start3A_83 = arith.constant 0 : i32
    %dma_start3A_84 = tpu.memref_slice %arg21[%dma_start3A_83] : memref<10240xf32, #tpu.memory_space<vmem_shared>> -> memref<10240xf32, #tpu.memory_space<vmem_shared>>
    tpu.enqueue_indirect_dma source(%arg15 : memref<96xf32, #tpu.memory_space<vmem>>) target(%dma_start3A_84 : memref<10240xf32, #tpu.memory_space<vmem_shared>>) offsets(%arg11 : memref<96xi32, #tpu.memory_space<vmem>>) semaphore(%arg26 : memref<!tpu.dma_semaphore, #tpu.memory_space<semaphore_mem>>) {add = true}
    "tpu.region"() ({
      %run_scoped3A = tpu.sem_alloc : memref<!tpu.dma_semaphore, #tpu.memory_space<semaphore_mem>>
      %dma_start3A_111 = arith.constant 0 : i32
      %dma_start3A_112 = arith.constant 0 : i32
      %dma_start3A_113 = tpu.memref_slice %arg20[%dma_start3A_111, %dma_start3A_112] : memref<10240x128xf32, #tpu.memory_space<vmem_shared>> -> memref<10240x128xf32, #tpu.memory_space<vmem_shared>>
      tpu.enqueue_indirect_dma source(%arg19 : memref<96x128xf32, #tpu.memory_space<vmem>>) target(%dma_start3A_113 : memref<10240x128xf32, #tpu.memory_space<vmem_shared>>) offsets(%arg11 : memref<96xi32, #tpu.memory_space<vmem>>) semaphore(%run_scoped3A : memref<!tpu.dma_semaphore, #tpu.memory_space<semaphore_mem>>) {add = true}
      %dma_wait3A_114 = arith.constant 0 : i32
      %dma_wait3A_115 = arith.constant 0 : i32
      %dma_wait3A_116 = tpu.memref_slice %arg20[%dma_wait3A_114, %dma_wait3A_115] : memref<10240x128xf32, #tpu.memory_space<vmem_shared>> -> memref<10240x128xf32, #tpu.memory_space<vmem_shared>>
      tpu.wait_indirect_dma semaphore(%run_scoped3A : memref<!tpu.dma_semaphore, #tpu.memory_space<semaphore_mem>>) src(%arg19 : memref<96x128xf32, #tpu.memory_space<vmem>>) dst(%dma_wait3A_116 : memref<10240x128xf32, #tpu.memory_space<vmem_shared>>)
      tpu.yield
    }) : () -> ()
    %dma_wait3A_85 = arith.constant 0 : i32
    %dma_wait3A_86 = tpu.memref_slice %arg21[%dma_wait3A_85] : memref<10240xf32, #tpu.memory_space<vmem_shared>> -> memref<10240xf32, #tpu.memory_space<vmem_shared>>
    tpu.wait_indirect_dma semaphore(%arg26 : memref<!tpu.dma_semaphore, #tpu.memory_space<semaphore_mem>>) src(%arg15 : memref<96xf32, #tpu.memory_space<vmem>>) dst(%dma_wait3A_86 : memref<10240xf32, #tpu.memory_space<vmem_shared>>)
    %dma_wait3A_87 = arith.constant 0 : i32
    %dma_wait3A_88 = arith.constant 0 : i32
    %dma_wait3A_89 = tpu.memref_slice %arg4[%dma_wait3A_87, %dma_wait3A_88] : memref<10000x64xi32, #tpu.memory_space<hbm>> -> memref<10000x64xi32, #tpu.memory_space<hbm>>
    tpu.wait_indirect_dma semaphore(%arg25 : memref<!tpu.dma_semaphore, #tpu.memory_space<semaphore_mem>>) src(%dma_wait3A_89 : memref<10000x64xi32, #tpu.memory_space<hbm>>) dst(%arg18 : memref<96x64xi32, #tpu.memory_space<vmem>>)
    %scan3A_90 = arith.constant 0 : i32
    %scan3A_91 = arith.constant 6 : i32
    %scan3A_92 = arith.addi %scan3A_90, %scan3A_91 : i32
    %scan3A_93 = arith.constant 1 : i32
    scf.for %scan3A_111 = %scan3A_90 to %scan3A_92 step %scan3A_93  : i32 {
      %mul3A_112 = arith.constant 1 : i32
      %mul3A_113 = arith.muli %scan3A_111, %mul3A_112 : i32
      %add3A_114 = arith.constant 0 : i32
      %add3A_115 = arith.addi %add3A_114, %mul3A_113 : i32
      %mul3A_116 = arith.constant 16 : i32
      %mul3A_117 = arith.muli %add3A_115, %mul3A_116 : i32
      %get3A = arith.index_cast %mul3A_117 : i32 to index
      %get3A_118 = tpu.vector_load %arg12[%get3A] {strides = array<i32>} : memref<96xi32, #tpu.memory_space<vmem>>, vector<16xi32>,
      %gather3A = tpu.vector_load_idx %arg9[%get3A_118] : memref<10048xf32, #tpu.memory_space<vmem>>[vector<16xi32>], vector<16xf32>,
      %get3A_119 = arith.index_cast %mul3A_117 : i32 to index
      %get3A_120 = tpu.vector_load %arg14[%get3A_119] {strides = array<i32>} : memref<96xi32, #tpu.memory_space<vmem>>, vector<16xi32>,
      %gather3A_121 = tpu.vector_load_idx %arg10[%get3A_120] : memref<10000xf32, #tpu.memory_space<vmem>>[vector<16xi32>], vector<16xf32>,
      %add3A_122 = arith.addf %gather3A, %gather3A_121 : vector<16xf32>
      %gt3A = arith.constant 0.000000e+00 : f32
      %gt3A_123 = vector.broadcast %gt3A : f32 to vector<16xf32>
      %gt3A_124 = arith.cmpf ogt, %add3A_122, %gt3A_123 : vector<16xf32>
      %mul3A_125 = arith.constant 2.000000e-01 : f32
      %mul3A_126 = vector.broadcast %mul3A_125 : f32 to vector<16xf32>
      %mul3A_127 = arith.mulf %add3A_122, %mul3A_126 : vector<16xf32>
      %select_n3A = arith.select %gt3A_124, %add3A_122, %mul3A_127 : vector<16xi1>, vector<16xf32>
      %jit3A = arith.constant -3.000000e+01 : f32
      %jit3A_128 = arith.constant 3.000000e+01 : f32
      %max3A = vector.broadcast %jit3A : f32 to vector<16xf32>
      %max3A_129 = arith.maximumf %max3A, %select_n3A : vector<16xf32>
      %min3A = vector.broadcast %jit3A_128 : f32 to vector<16xf32>
      %min3A_130 = arith.minimumf %min3A, %max3A_129 : vector<16xf32>
      %exp3A = math.exp %min3A_130 : vector<16xf32>
      %swap3A_131 = arith.index_cast %mul3A_117 : i32 to index
      %swap3A_132 = tpu.vector_load %arg16[%swap3A_131] {strides = array<i32>} : memref<96xf32, #tpu.memory_space<vmem>>, vector<16xf32>,
      tpu.vector_store %arg16[%swap3A_131], %exp3A {strides = array<i32>} : memref<96xf32, #tpu.memory_space<vmem>>, vector<16xf32>,
    }
    %scan3A_94 = arith.constant 6 : i32
    %scan3A_95 = arith.constant 0 : i32
    %scan3A_96 = arith.constant 96 : i32
    %scan3A_97 = arith.addi %scan3A_95, %scan3A_96 : i32
    %scan3A_98 = arith.constant 8 : i32
    scf.for %scan3A_111 = %scan3A_95 to %scan3A_97 step %scan3A_98  : i32 {
      %mul3A_112 = arith.constant 1 : i32
      %mul3A_113 = arith.muli %scan3A_111, %mul3A_112 : i32
      %add3A_114 = arith.constant 0 : i32
      %add3A_115 = arith.addi %add3A_114, %mul3A_113 : i32
      %broadcast_in_dim3A_116 = vector.broadcast %add3A_115 : i32 to vector<16xi32>
      %gather3A = tpu.vector_load_idx %arg16[%broadcast_in_dim3A_116] : memref<96xf32, #tpu.memory_space<vmem>>[vector<16xi32>], vector<16xf32>,
      %get3A = arith.index_cast %add3A_115 : i32 to index
      %get3A_117 = arith.constant 0 : index
      %get3A_118 = tpu.vector_load %arg18[%get3A, %get3A_117] {strides = array<i32>} : memref<96x64xi32, #tpu.memory_space<vmem>>, vector<16xi32>,
      %shift_left3A = arith.constant 16 : i32
      %shift_left3A_119 = vector.broadcast %shift_left3A : i32 to vector<16xi32>
      %shift_left3A_120 = arith.shli %get3A_118, %shift_left3A_119 : vector<16xi32>
      %bitcast3A = vector.bitcast %shift_left3A_120 : vector<16xi32> to vector<16xf32>
      %and3A = arith.constant -65536 : i32
      %and3A_121 = vector.broadcast %and3A : i32 to vector<16xi32>
      %and3A_122 = arith.andi %get3A_118, %and3A_121 : vector<16xi32>
      %bitcast3A_123 = vector.bitcast %and3A_122 : vector<16xi32> to vector<16xf32>
      %mul3A_124 = arith.mulf %bitcast3A, %gather3A : vector<16xf32>
      %swap3A_125 = arith.index_cast %add3A_115 : i32 to index
      %swap3A_126 = arith.constant 0 : index
      %swap3A_127 = tpu.vector_load %arg19[%swap3A_125, %swap3A_126] {strides = array<i32>} : memref<96x128xf32, #tpu.memory_space<vmem>>, vector<16xf32>,
      tpu.vector_store %arg19[%swap3A_125, %swap3A_126], %mul3A_124 {strides = array<i32>} : memref<96x128xf32, #tpu.memory_space<vmem>>, vector<16xf32>,
      %mul3A_128 = arith.mulf %bitcast3A_123, %gather3A : vector<16xf32>
      %swap3A_129 = arith.index_cast %add3A_115 : i32 to index
      %swap3A_130 = arith.constant 64 : index
      %swap3A_131 = tpu.vector_load %arg19[%swap3A_129, %swap3A_130] {strides = array<i32>} : memref<96x128xf32, #tpu.memory_space<vmem>>, vector<16xf32>,
      tpu.vector_store %arg19[%swap3A_129, %swap3A_130], %mul3A_128 {strides = array<i32>} : memref<96x128xf32, #tpu.memory_space<vmem>>, vector<16xf32>,
      %get3A_132 = arith.index_cast %add3A_115 : i32 to index
      %get3A_133 = arith.constant 16 : index
      %get3A_134 = tpu.vector_load %arg18[%get3A_132, %get3A_133] {strides = array<i32>} : memref<96x64xi32, #tpu.memory_space<vmem>>, vector<16xi32>,
      %shift_left3A_135 = arith.constant 16 : i32
      %shift_left3A_136 = vector.broadcast %shift_left3A_135 : i32 to vector<16xi32>
      %shift_left3A_137 = arith.shli %get3A_134, %shift_left3A_136 : vector<16xi32>
      %bitcast3A_138 = vector.bitcast %shift_left3A_137 : vector<16xi32> to vector<16xf32>
      %and3A_139 = arith.constant -65536 : i32
      %and3A_140 = vector.broadcast %and3A_139 : i32 to vector<16xi32>
      %and3A_141 = arith.andi %get3A_134, %and3A_140 : vector<16xi32>
      %bitcast3A_142 = vector.bitcast %and3A_141 : vector<16xi32> to vector<16xf32>
      %mul3A_143 = arith.mulf %bitcast3A_138, %gather3A : vector<16xf32>
      %swap3A_144 = arith.index_cast %add3A_115 : i32 to index
      %swap3A_145 = arith.constant 16 : index
      %swap3A_146 = tpu.vector_load %arg19[%swap3A_144, %swap3A_145] {strides = array<i32>} : memref<96x128xf32, #tpu.memory_space<vmem>>, vector<16xf32>,
      tpu.vector_store %arg19[%swap3A_144, %swap3A_145], %mul3A_143 {strides = array<i32>} : memref<96x128xf32, #tpu.memory_space<vmem>>, vector<16xf32>,
      %mul3A_147 = arith.mulf %bitcast3A_142, %gather3A : vector<16xf32>
      %swap3A_148 = arith.index_cast %add3A_115 : i32 to index
      %swap3A_149 = arith.constant 80 : index
      %swap3A_150 = tpu.vector_load %arg19[%swap3A_148, %swap3A_149] {strides = array<i32>} : memref<96x128xf32, #tpu.memory_space<vmem>>, vector<16xf32>,
      tpu.vector_store %arg19[%swap3A_148, %swap3A_149], %mul3A_147 {strides = array<i32>} : memref<96x128xf32, #tpu.memory_space<vmem>>, vector<16xf32>,
      %get3A_151 = arith.index_cast %add3A_115 : i32 to index
      %get3A_152 = arith.constant 32 : index
      %get3A_153 = tpu.vector_load %arg18[%get3A_151, %get3A_152] {strides = array<i32>} : memref<96x64xi32, #tpu.memory_space<vmem>>, vector<16xi32>,
      %shift_left3A_154 = arith.constant 16 : i32
      %shift_left3A_155 = vector.broadcast %shift_left3A_154 : i32 to vector<16xi32>
      %shift_left3A_156 = arith.shli %get3A_153, %shift_left3A_155 : vector<16xi32>
      %bitcast3A_157 = vector.bitcast %shift_left3A_156 : vector<16xi32> to vector<16xf32>
      %and3A_158 = arith.constant -65536 : i32
      %and3A_159 = vector.broadcast %and3A_158 : i32 to vector<16xi32>
      %and3A_160 = arith.andi %get3A_153, %and3A_159 : vector<16xi32>
      %bitcast3A_161 = vector.bitcast %and3A_160 : vector<16xi32> to vector<16xf32>
      %mul3A_162 = arith.mulf %bitcast3A_157, %gather3A : vector<16xf32>
      %swap3A_163 = arith.index_cast %add3A_115 : i32 to index
      %swap3A_164 = arith.constant 32 : index
      %swap3A_165 = tpu.vector_load %arg19[%swap3A_163, %swap3A_164] {strides = array<i32>} : memref<96x128xf32, #tpu.memory_space<vmem>>, vector<16xf32>,
      tpu.vector_store %arg19[%swap3A_163, %swap3A_164], %mul3A_162 {strides = array<i32>} : memref<96x128xf32, #tpu.memory_space<vmem>>, vector<16xf32>,
      %mul3A_166 = arith.mulf %bitcast3A_161, %gather3A : vector<16xf32>
      %swap3A_167 = arith.index_cast %add3A_115 : i32 to index
      %swap3A_168 = arith.constant 96 : index
      %swap3A_169 = tpu.vector_load %arg19[%swap3A_167, %swap3A_168] {strides = array<i32>} : memref<96x128xf32, #tpu.memory_space<vmem>>, vector<16xf32>,
      tpu.vector_store %arg19[%swap3A_167, %swap3A_168], %mul3A_166 {strides = array<i32>} : memref<96x128xf32, #tpu.memory_space<vmem>>, vector<16xf32>,
      %get3A_170 = arith.index_cast %add3A_115 : i32 to index
      %get3A_171 = arith.constant 48 : index
      %get3A_172 = tpu.vector_load %arg18[%get3A_170, %get3A_171] {strides = array<i32>} : memref<96x64xi32, #tpu.memory_space<vmem>>, vector<16xi32>,
      %shift_left3A_173 = arith.constant 16 : i32
      %shift_left3A_174 = vector.broadcast %shift_left3A_173 : i32 to vector<16xi32>
      %shift_left3A_175 = arith.shli %get3A_172, %shift_left3A_174 : vector<16xi32>
      %bitcast3A_176 = vector.bitcast %shift_left3A_175 : vector<16xi32> to vector<16xf32>
      %and3A_177 = arith.constant -65536 : i32
      %and3A_178 = vector.broadcast %and3A_177 : i32 to vector<16xi32>
      %and3A_179 = arith.andi %get3A_172, %and3A_178 : vector<16xi32>
      %bitcast3A_180 = vector.bitcast %and3A_179 : vector<16xi32> to vector<16xf32>
      %mul3A_181 = arith.mulf %bitcast3A_176, %gather3A : vector<16xf32>
      %swap3A_182 = arith.index_cast %add3A_115 : i32 to index
      %swap3A_183 = arith.constant 48 : index
      %swap3A_184 = tpu.vector_load %arg19[%swap3A_182, %swap3A_183] {strides = array<i32>} : memref<96x128xf32, #tpu.memory_space<vmem>>, vector<16xf32>,
      tpu.vector_store %arg19[%swap3A_182, %swap3A_183], %mul3A_181 {strides = array<i32>} : memref<96x128xf32, #tpu.memory_space<vmem>>, vector<16xf32>,
      %mul3A_185 = arith.mulf %bitcast3A_180, %gather3A : vector<16xf32>
      %swap3A_186 = arith.index_cast %add3A_115 : i32 to index
      %swap3A_187 = arith.constant 112 : index
      %swap3A_188 = tpu.vector_load %arg19[%swap3A_186, %swap3A_187] {strides = array<i32>} : memref<96x128xf32, #tpu.memory_space<vmem>>, vector<16xf32>,
      tpu.vector_store %arg19[%swap3A_186, %swap3A_187], %mul3A_185 {strides = array<i32>} : memref<96x128xf32, #tpu.memory_space<vmem>>, vector<16xf32>,
      %scan3A_189 = arith.constant 1 : i32
      %scan3A_190 = arith.addi %scan3A_111, %scan3A_189 : i32
      %mul3A_191 = arith.constant 1 : i32
      %mul3A_192 = arith.muli %scan3A_190, %mul3A_191 : i32
      %add3A_193 = arith.constant 0 : i32
      %add3A_194 = arith.addi %add3A_193, %mul3A_192 : i32
      %broadcast_in_dim3A_195 = vector.broadcast %add3A_194 : i32 to vector<16xi32>
      %gather3A_196 = tpu.vector_load_idx %arg16[%broadcast_in_dim3A_195] : memref<96xf32, #tpu.memory_space<vmem>>[vector<16xi32>], vector<16xf32>,
      %get3A_197 = arith.index_cast %add3A_194 : i32 to index
      %get3A_198 = arith.constant 0 : index
      %get3A_199 = tpu.vector_load %arg18[%get3A_197, %get3A_198] {strides = array<i32>} : memref<96x64xi32, #tpu.memory_space<vmem>>, vector<16xi32>,
      %shift_left3A_200 = arith.constant 16 : i32
      %shift_left3A_201 = vector.broadcast %shift_left3A_200 : i32 to vector<16xi32>
      %shift_left3A_202 = arith.shli %get3A_199, %shift_left3A_201 : vector<16xi32>
      %bitcast3A_203 = vector.bitcast %shift_left3A_202 : vector<16xi32> to vector<16xf32>
      %and3A_204 = arith.constant -65536 : i32
      %and3A_205 = vector.broadcast %and3A_204 : i32 to vector<16xi32>
      %and3A_206 = arith.andi %get3A_199, %and3A_205 : vector<16xi32>
      %bitcast3A_207 = vector.bitcast %and3A_206 : vector<16xi32> to vector<16xf32>
      %mul3A_208 = arith.mulf %bitcast3A_203, %gather3A_196 : vector<16xf32>
      %swap3A_209 = arith.index_cast %add3A_194 : i32 to index
      %swap3A_210 = arith.constant 0 : index
      %swap3A_211 = tpu.vector_load %arg19[%swap3A_209, %swap3A_210] {strides = array<i32>} : memref<96x128xf32, #tpu.memory_space<vmem>>, vector<16xf32>,
      tpu.vector_store %arg19[%swap3A_209, %swap3A_210], %mul3A_208 {strides = array<i32>} : memref<96x128xf32, #tpu.memory_space<vmem>>, vector<16xf32>,
      %mul3A_212 = arith.mulf %bitcast3A_207, %gather3A_196 : vector<16xf32>
      %swap3A_213 = arith.index_cast %add3A_194 : i32 to index
      %swap3A_214 = arith.constant 64 : index
      %swap3A_215 = tpu.vector_load %arg19[%swap3A_213, %swap3A_214] {strides = array<i32>} : memref<96x128xf32, #tpu.memory_space<vmem>>, vector<16xf32>,
      tpu.vector_store %arg19[%swap3A_213, %swap3A_214], %mul3A_212 {strides = array<i32>} : memref<96x128xf32, #tpu.memory_space<vmem>>, vector<16xf32>,
      %get3A_216 = arith.index_cast %add3A_194 : i32 to index
      %get3A_217 = arith.constant 16 : index
      %get3A_218 = tpu.vector_load %arg18[%get3A_216, %get3A_217] {strides = array<i32>} : memref<96x64xi32, #tpu.memory_space<vmem>>, vector<16xi32>,
      %shift_left3A_219 = arith.constant 16 : i32
      %shift_left3A_220 = vector.broadcast %shift_left3A_219 : i32 to vector<16xi32>
      %shift_left3A_221 = arith.shli %get3A_218, %shift_left3A_220 : vector<16xi32>
      %bitcast3A_222 = vector.bitcast %shift_left3A_221 : vector<16xi32> to vector<16xf32>
      %and3A_223 = arith.constant -65536 : i32
      %and3A_224 = vector.broadcast %and3A_223 : i32 to vector<16xi32>
      %and3A_225 = arith.andi %get3A_218, %and3A_224 : vector<16xi32>
      %bitcast3A_226 = vector.bitcast %and3A_225 : vector<16xi32> to vector<16xf32>
      %mul3A_227 = arith.mulf %bitcast3A_222, %gather3A_196 : vector<16xf32>
      %swap3A_228 = arith.index_cast %add3A_194 : i32 to index
      %swap3A_229 = arith.constant 16 : index
      %swap3A_230 = tpu.vector_load %arg19[%swap3A_228, %swap3A_229] {strides = array<i32>} : memref<96x128xf32, #tpu.memory_space<vmem>>, vector<16xf32>,
      tpu.vector_store %arg19[%swap3A_228, %swap3A_229], %mul3A_227 {strides = array<i32>} : memref<96x128xf32, #tpu.memory_space<vmem>>, vector<16xf32>,
      %mul3A_231 = arith.mulf %bitcast3A_226, %gather3A_196 : vector<16xf32>
      %swap3A_232 = arith.index_cast %add3A_194 : i32 to index
      %swap3A_233 = arith.constant 80 : index
      %swap3A_234 = tpu.vector_load %arg19[%swap3A_232, %swap3A_233] {strides = array<i32>} : memref<96x128xf32, #tpu.memory_space<vmem>>, vector<16xf32>,
      tpu.vector_store %arg19[%swap3A_232, %swap3A_233], %mul3A_231 {strides = array<i32>} : memref<96x128xf32, #tpu.memory_space<vmem>>, vector<16xf32>,
      %get3A_235 = arith.index_cast %add3A_194 : i32 to index
      %get3A_236 = arith.constant 32 : index
      %get3A_237 = tpu.vector_load %arg18[%get3A_235, %get3A_236] {strides = array<i32>} : memref<96x64xi32, #tpu.memory_space<vmem>>, vector<16xi32>,
      %shift_left3A_238 = arith.constant 16 : i32
      %shift_left3A_239 = vector.broadcast %shift_left3A_238 : i32 to vector<16xi32>
      %shift_left3A_240 = arith.shli %get3A_237, %shift_left3A_239 : vector<16xi32>
      %bitcast3A_241 = vector.bitcast %shift_left3A_240 : vector<16xi32> to vector<16xf32>
      %and3A_242 = arith.constant -65536 : i32
      %and3A_243 = vector.broadcast %and3A_242 : i32 to vector<16xi32>
      %and3A_244 = arith.andi %get3A_237, %and3A_243 : vector<16xi32>
      %bitcast3A_245 = vector.bitcast %and3A_244 : vector<16xi32> to vector<16xf32>
      %mul3A_246 = arith.mulf %bitcast3A_241, %gather3A_196 : vector<16xf32>
      %swap3A_247 = arith.index_cast %add3A_194 : i32 to index
      %swap3A_248 = arith.constant 32 : index
      %swap3A_249 = tpu.vector_load %arg19[%swap3A_247, %swap3A_248] {strides = array<i32>} : memref<96x128xf32, #tpu.memory_space<vmem>>, vector<16xf32>,
      tpu.vector_store %arg19[%swap3A_247, %swap3A_248], %mul3A_246 {strides = array<i32>} : memref<96x128xf32, #tpu.memory_space<vmem>>, vector<16xf32>,
      %mul3A_250 = arith.mulf %bitcast3A_245, %gather3A_196 : vector<16xf32>
      %swap3A_251 = arith.index_cast %add3A_194 : i32 to index
      %swap3A_252 = arith.constant 96 : index
      %swap3A_253 = tpu.vector_load %arg19[%swap3A_251, %swap3A_252] {strides = array<i32>} : memref<96x128xf32, #tpu.memory_space<vmem>>, vector<16xf32>,
      tpu.vector_store %arg19[%swap3A_251, %swap3A_252], %mul3A_250 {strides = array<i32>} : memref<96x128xf32, #tpu.memory_space<vmem>>, vector<16xf32>,
      %get3A_254 = arith.index_cast %add3A_194 : i32 to index
      %get3A_255 = arith.constant 48 : index
      %get3A_256 = tpu.vector_load %arg18[%get3A_254, %get3A_255] {strides = array<i32>} : memref<96x64xi32, #tpu.memory_space<vmem>>, vector<16xi32>,
      %shift_left3A_257 = arith.constant 16 : i32
      %shift_left3A_258 = vector.broadcast %shift_left3A_257 : i32 to vector<16xi32>
      %shift_left3A_259 = arith.shli %get3A_256, %shift_left3A_258 : vector<16xi32>
      %bitcast3A_260 = vector.bitcast %shift_left3A_259 : vector<16xi32> to vector<16xf32>
      %and3A_261 = arith.constant -65536 : i32
      %and3A_262 = vector.broadcast %and3A_261 : i32 to vector<16xi32>
      %and3A_263 = arith.andi %get3A_256, %and3A_262 : vector<16xi32>
      %bitcast3A_264 = vector.bitcast %and3A_263 : vector<16xi32> to vector<16xf32>
      %mul3A_265 = arith.mulf %bitcast3A_260, %gather3A_196 : vector<16xf32>
      %swap3A_266 = arith.index_cast %add3A_194 : i32 to index
      %swap3A_267 = arith.constant 48 : index
      %swap3A_268 = tpu.vector_load %arg19[%swap3A_266, %swap3A_267] {strides = array<i32>} : memref<96x128xf32, #tpu.memory_space<vmem>>, vector<16xf32>,
      tpu.vector_store %arg19[%swap3A_266, %swap3A_267], %mul3A_265 {strides = array<i32>} : memref<96x128xf32, #tpu.memory_space<vmem>>, vector<16xf32>,
      %mul3A_269 = arith.mulf %bitcast3A_264, %gather3A_196 : vector<16xf32>
      %swap3A_270 = arith.index_cast %add3A_194 : i32 to index
      %swap3A_271 = arith.constant 112 : index
      %swap3A_272 = tpu.vector_load %arg19[%swap3A_270, %swap3A_271] {strides = array<i32>} : memref<96x128xf32, #tpu.memory_space<vmem>>, vector<16xf32>,
      tpu.vector_store %arg19[%swap3A_270, %swap3A_271], %mul3A_269 {strides = array<i32>} : memref<96x128xf32, #tpu.memory_space<vmem>>, vector<16xf32>,
      %scan3A_273 = arith.constant 2 : i32
      %scan3A_274 = arith.addi %scan3A_111, %scan3A_273 : i32
      %mul3A_275 = arith.constant 1 : i32
      %mul3A_276 = arith.muli %scan3A_274, %mul3A_275 : i32
      %add3A_277 = arith.constant 0 : i32
      %add3A_278 = arith.addi %add3A_277, %mul3A_276 : i32
      %broadcast_in_dim3A_279 = vector.broadcast %add3A_278 : i32 to vector<16xi32>
      %gather3A_280 = tpu.vector_load_idx %arg16[%broadcast_in_dim3A_279] : memref<96xf32, #tpu.memory_space<vmem>>[vector<16xi32>], vector<16xf32>,
      %get3A_281 = arith.index_cast %add3A_278 : i32 to index
      %get3A_282 = arith.constant 0 : index
      %get3A_283 = tpu.vector_load %arg18[%get3A_281, %get3A_282] {strides = array<i32>} : memref<96x64xi32, #tpu.memory_space<vmem>>, vector<16xi32>,
      %shift_left3A_284 = arith.constant 16 : i32
      %shift_left3A_285 = vector.broadcast %shift_left3A_284 : i32 to vector<16xi32>
      %shift_left3A_286 = arith.shli %get3A_283, %shift_left3A_285 : vector<16xi32>
      %bitcast3A_287 = vector.bitcast %shift_left3A_286 : vector<16xi32> to vector<16xf32>
      %and3A_288 = arith.constant -65536 : i32
      %and3A_289 = vector.broadcast %and3A_288 : i32 to vector<16xi32>
      %and3A_290 = arith.andi %get3A_283, %and3A_289 : vector<16xi32>
      %bitcast3A_291 = vector.bitcast %and3A_290 : vector<16xi32> to vector<16xf32>
      %mul3A_292 = arith.mulf %bitcast3A_287, %gather3A_280 : vector<16xf32>
      %swap3A_293 = arith.index_cast %add3A_278 : i32 to index
      %swap3A_294 = arith.constant 0 : index
      %swap3A_295 = tpu.vector_load %arg19[%swap3A_293, %swap3A_294] {strides = array<i32>} : memref<96x128xf32, #tpu.memory_space<vmem>>, vector<16xf32>,
      tpu.vector_store %arg19[%swap3A_293, %swap3A_294], %mul3A_292 {strides = array<i32>} : memref<96x128xf32, #tpu.memory_space<vmem>>, vector<16xf32>,
      %mul3A_296 = arith.mulf %bitcast3A_291, %gather3A_280 : vector<16xf32>
      %swap3A_297 = arith.index_cast %add3A_278 : i32 to index
      %swap3A_298 = arith.constant 64 : index
      %swap3A_299 = tpu.vector_load %arg19[%swap3A_297, %swap3A_298] {strides = array<i32>} : memref<96x128xf32, #tpu.memory_space<vmem>>, vector<16xf32>,
      tpu.vector_store %arg19[%swap3A_297, %swap3A_298], %mul3A_296 {strides = array<i32>} : memref<96x128xf32, #tpu.memory_space<vmem>>, vector<16xf32>,
      %get3A_300 = arith.index_cast %add3A_278 : i32 to index
      %get3A_301 = arith.constant 16 : index
      %get3A_302 = tpu.vector_load %arg18[%get3A_300, %get3A_301] {strides = array<i32>} : memref<96x64xi32, #tpu.memory_space<vmem>>, vector<16xi32>,
      %shift_left3A_303 = arith.constant 16 : i32
      %shift_left3A_304 = vector.broadcast %shift_left3A_303 : i32 to vector<16xi32>
      %shift_left3A_305 = arith.shli %get3A_302, %shift_left3A_304 : vector<16xi32>
      %bitcast3A_306 = vector.bitcast %shift_left3A_305 : vector<16xi32> to vector<16xf32>
      %and3A_307 = arith.constant -65536 : i32
      %and3A_308 = vector.broadcast %and3A_307 : i32 to vector<16xi32>
      %and3A_309 = arith.andi %get3A_302, %and3A_308 : vector<16xi32>
      %bitcast3A_310 = vector.bitcast %and3A_309 : vector<16xi32> to vector<16xf32>
      %mul3A_311 = arith.mulf %bitcast3A_306, %gather3A_280 : vector<16xf32>
      %swap3A_312 = arith.index_cast %add3A_278 : i32 to index
      %swap3A_313 = arith.constant 16 : index
      %swap3A_314 = tpu.vector_load %arg19[%swap3A_312, %swap3A_313] {strides = array<i32>} : memref<96x128xf32, #tpu.memory_space<vmem>>, vector<16xf32>,
      tpu.vector_store %arg19[%swap3A_312, %swap3A_313], %mul3A_311 {strides = array<i32>} : memref<96x128xf32, #tpu.memory_space<vmem>>, vector<16xf32>,
      %mul3A_315 = arith.mulf %bitcast3A_310, %gather3A_280 : vector<16xf32>
      %swap3A_316 = arith.index_cast %add3A_278 : i32 to index
      %swap3A_317 = arith.constant 80 : index
      %swap3A_318 = tpu.vector_load %arg19[%swap3A_316, %swap3A_317] {strides = array<i32>} : memref<96x128xf32, #tpu.memory_space<vmem>>, vector<16xf32>,
      tpu.vector_store %arg19[%swap3A_316, %swap3A_317], %mul3A_315 {strides = array<i32>} : memref<96x128xf32, #tpu.memory_space<vmem>>, vector<16xf32>,
      %get3A_319 = arith.index_cast %add3A_278 : i32 to index
      %get3A_320 = arith.constant 32 : index
      %get3A_321 = tpu.vector_load %arg18[%get3A_319, %get3A_320] {strides = array<i32>} : memref<96x64xi32, #tpu.memory_space<vmem>>, vector<16xi32>,
      %shift_left3A_322 = arith.constant 16 : i32
      %shift_left3A_323 = vector.broadcast %shift_left3A_322 : i32 to vector<16xi32>
      %shift_left3A_324 = arith.shli %get3A_321, %shift_left3A_323 : vector<16xi32>
      %bitcast3A_325 = vector.bitcast %shift_left3A_324 : vector<16xi32> to vector<16xf32>
      %and3A_326 = arith.constant -65536 : i32
      %and3A_327 = vector.broadcast %and3A_326 : i32 to vector<16xi32>
      %and3A_328 = arith.andi %get3A_321, %and3A_327 : vector<16xi32>
      %bitcast3A_329 = vector.bitcast %and3A_328 : vector<16xi32> to vector<16xf32>
      %mul3A_330 = arith.mulf %bitcast3A_325, %gather3A_280 : vector<16xf32>
      %swap3A_331 = arith.index_cast %add3A_278 : i32 to index
      %swap3A_332 = arith.constant 32 : index
      %swap3A_333 = tpu.vector_load %arg19[%swap3A_331, %swap3A_332] {strides = array<i32>} : memref<96x128xf32, #tpu.memory_space<vmem>>, vector<16xf32>,
      tpu.vector_store %arg19[%swap3A_331, %swap3A_332], %mul3A_330 {strides = array<i32>} : memref<96x128xf32, #tpu.memory_space<vmem>>, vector<16xf32>,
      %mul3A_334 = arith.mulf %bitcast3A_329, %gather3A_280 : vector<16xf32>
      %swap3A_335 = arith.index_cast %add3A_278 : i32 to index
      %swap3A_336 = arith.constant 96 : index
      %swap3A_337 = tpu.vector_load %arg19[%swap3A_335, %swap3A_336] {strides = array<i32>} : memref<96x128xf32, #tpu.memory_space<vmem>>, vector<16xf32>,
      tpu.vector_store %arg19[%swap3A_335, %swap3A_336], %mul3A_334 {strides = array<i32>} : memref<96x128xf32, #tpu.memory_space<vmem>>, vector<16xf32>,
      %get3A_338 = arith.index_cast %add3A_278 : i32 to index
      %get3A_339 = arith.constant 48 : index
      %get3A_340 = tpu.vector_load %arg18[%get3A_338, %get3A_339] {strides = array<i32>} : memref<96x64xi32, #tpu.memory_space<vmem>>, vector<16xi32>,
      %shift_left3A_341 = arith.constant 16 : i32
      %shift_left3A_342 = vector.broadcast %shift_left3A_341 : i32 to vector<16xi32>
      %shift_left3A_343 = arith.shli %get3A_340, %shift_left3A_342 : vector<16xi32>
      %bitcast3A_344 = vector.bitcast %shift_left3A_343 : vector<16xi32> to vector<16xf32>
      %and3A_345 = arith.constant -65536 : i32
      %and3A_346 = vector.broadcast %and3A_345 : i32 to vector<16xi32>
      %and3A_347 = arith.andi %get3A_340, %and3A_346 : vector<16xi32>
      %bitcast3A_348 = vector.bitcast %and3A_347 : vector<16xi32> to vector<16xf32>
      %mul3A_349 = arith.mulf %bitcast3A_344, %gather3A_280 : vector<16xf32>
      %swap3A_350 = arith.index_cast %add3A_278 : i32 to index
      %swap3A_351 = arith.constant 48 : index
      %swap3A_352 = tpu.vector_load %arg19[%swap3A_350, %swap3A_351] {strides = array<i32>} : memref<96x128xf32, #tpu.memory_space<vmem>>, vector<16xf32>,
      tpu.vector_store %arg19[%swap3A_350, %swap3A_351], %mul3A_349 {strides = array<i32>} : memref<96x128xf32, #tpu.memory_space<vmem>>, vector<16xf32>,
      %mul3A_353 = arith.mulf %bitcast3A_348, %gather3A_280 : vector<16xf32>
      %swap3A_354 = arith.index_cast %add3A_278 : i32 to index
      %swap3A_355 = arith.constant 112 : index
      %swap3A_356 = tpu.vector_load %arg19[%swap3A_354, %swap3A_355] {strides = array<i32>} : memref<96x128xf32, #tpu.memory_space<vmem>>, vector<16xf32>,
      tpu.vector_store %arg19[%swap3A_354, %swap3A_355], %mul3A_353 {strides = array<i32>} : memref<96x128xf32, #tpu.memory_space<vmem>>, vector<16xf32>,
      %scan3A_357 = arith.constant 3 : i32
      %scan3A_358 = arith.addi %scan3A_111, %scan3A_357 : i32
      %mul3A_359 = arith.constant 1 : i32
      %mul3A_360 = arith.muli %scan3A_358, %mul3A_359 : i32
      %add3A_361 = arith.constant 0 : i32
      %add3A_362 = arith.addi %add3A_361, %mul3A_360 : i32
      %broadcast_in_dim3A_363 = vector.broadcast %add3A_362 : i32 to vector<16xi32>
      %gather3A_364 = tpu.vector_load_idx %arg16[%broadcast_in_dim3A_363] : memref<96xf32, #tpu.memory_space<vmem>>[vector<16xi32>], vector<16xf32>,
      %get3A_365 = arith.index_cast %add3A_362 : i32 to index
      %get3A_366 = arith.constant 0 : index
      %get3A_367 = tpu.vector_load %arg18[%get3A_365, %get3A_366] {strides = array<i32>} : memref<96x64xi32, #tpu.memory_space<vmem>>, vector<16xi32>,
      %shift_left3A_368 = arith.constant 16 : i32
      %shift_left3A_369 = vector.broadcast %shift_left3A_368 : i32 to vector<16xi32>
      %shift_left3A_370 = arith.shli %get3A_367, %shift_left3A_369 : vector<16xi32>
      %bitcast3A_371 = vector.bitcast %shift_left3A_370 : vector<16xi32> to vector<16xf32>
      %and3A_372 = arith.constant -65536 : i32
      %and3A_373 = vector.broadcast %and3A_372 : i32 to vector<16xi32>
      %and3A_374 = arith.andi %get3A_367, %and3A_373 : vector<16xi32>
      %bitcast3A_375 = vector.bitcast %and3A_374 : vector<16xi32> to vector<16xf32>
      %mul3A_376 = arith.mulf %bitcast3A_371, %gather3A_364 : vector<16xf32>
      %swap3A_377 = arith.index_cast %add3A_362 : i32 to index
      %swap3A_378 = arith.constant 0 : index
      %swap3A_379 = tpu.vector_load %arg19[%swap3A_377, %swap3A_378] {strides = array<i32>} : memref<96x128xf32, #tpu.memory_space<vmem>>, vector<16xf32>,
      tpu.vector_store %arg19[%swap3A_377, %swap3A_378], %mul3A_376 {strides = array<i32>} : memref<96x128xf32, #tpu.memory_space<vmem>>, vector<16xf32>,
      %mul3A_380 = arith.mulf %bitcast3A_375, %gather3A_364 : vector<16xf32>
      %swap3A_381 = arith.index_cast %add3A_362 : i32 to index
      %swap3A_382 = arith.constant 64 : index
      %swap3A_383 = tpu.vector_load %arg19[%swap3A_381, %swap3A_382] {strides = array<i32>} : memref<96x128xf32, #tpu.memory_space<vmem>>, vector<16xf32>,
      tpu.vector_store %arg19[%swap3A_381, %swap3A_382], %mul3A_380 {strides = array<i32>} : memref<96x128xf32, #tpu.memory_space<vmem>>, vector<16xf32>,
      %get3A_384 = arith.index_cast %add3A_362 : i32 to index
      %get3A_385 = arith.constant 16 : index
      %get3A_386 = tpu.vector_load %arg18[%get3A_384, %get3A_385] {strides = array<i32>} : memref<96x64xi32, #tpu.memory_space<vmem>>, vector<16xi32>,
      %shift_left3A_387 = arith.constant 16 : i32
      %shift_left3A_388 = vector.broadcast %shift_left3A_387 : i32 to vector<16xi32>
      %shift_left3A_389 = arith.shli %get3A_386, %shift_left3A_388 : vector<16xi32>
      %bitcast3A_390 = vector.bitcast %shift_left3A_389 : vector<16xi32> to vector<16xf32>
      %and3A_391 = arith.constant -65536 : i32
      %and3A_392 = vector.broadcast %and3A_391 : i32 to vector<16xi32>
      %and3A_393 = arith.andi %get3A_386, %and3A_392 : vector<16xi32>
      %bitcast3A_394 = vector.bitcast %and3A_393 : vector<16xi32> to vector<16xf32>
      %mul3A_395 = arith.mulf %bitcast3A_390, %gather3A_364 : vector<16xf32>
      %swap3A_396 = arith.index_cast %add3A_362 : i32 to index
      %swap3A_397 = arith.constant 16 : index
      %swap3A_398 = tpu.vector_load %arg19[%swap3A_396, %swap3A_397] {strides = array<i32>} : memref<96x128xf32, #tpu.memory_space<vmem>>, vector<16xf32>,
      tpu.vector_store %arg19[%swap3A_396, %swap3A_397], %mul3A_395 {strides = array<i32>} : memref<96x128xf32, #tpu.memory_space<vmem>>, vector<16xf32>,
      %mul3A_399 = arith.mulf %bitcast3A_394, %gather3A_364 : vector<16xf32>
      %swap3A_400 = arith.index_cast %add3A_362 : i32 to index
      %swap3A_401 = arith.constant 80 : index
      %swap3A_402 = tpu.vector_load %arg19[%swap3A_400, %swap3A_401] {strides = array<i32>} : memref<96x128xf32, #tpu.memory_space<vmem>>, vector<16xf32>,
      tpu.vector_store %arg19[%swap3A_400, %swap3A_401], %mul3A_399 {strides = array<i32>} : memref<96x128xf32, #tpu.memory_space<vmem>>, vector<16xf32>,
      %get3A_403 = arith.index_cast %add3A_362 : i32 to index
      %get3A_404 = arith.constant 32 : index
      %get3A_405 = tpu.vector_load %arg18[%get3A_403, %get3A_404] {strides = array<i32>} : memref<96x64xi32, #tpu.memory_space<vmem>>, vector<16xi32>,
      %shift_left3A_406 = arith.constant 16 : i32
      %shift_left3A_407 = vector.broadcast %shift_left3A_406 : i32 to vector<16xi32>
      %shift_left3A_408 = arith.shli %get3A_405, %shift_left3A_407 : vector<16xi32>
      %bitcast3A_409 = vector.bitcast %shift_left3A_408 : vector<16xi32> to vector<16xf32>
      %and3A_410 = arith.constant -65536 : i32
      %and3A_411 = vector.broadcast %and3A_410 : i32 to vector<16xi32>
      %and3A_412 = arith.andi %get3A_405, %and3A_411 : vector<16xi32>
      %bitcast3A_413 = vector.bitcast %and3A_412 : vector<16xi32> to vector<16xf32>
      %mul3A_414 = arith.mulf %bitcast3A_409, %gather3A_364 : vector<16xf32>
      %swap3A_415 = arith.index_cast %add3A_362 : i32 to index
      %swap3A_416 = arith.constant 32 : index
      %swap3A_417 = tpu.vector_load %arg19[%swap3A_415, %swap3A_416] {strides = array<i32>} : memref<96x128xf32, #tpu.memory_space<vmem>>, vector<16xf32>,
      tpu.vector_store %arg19[%swap3A_415, %swap3A_416], %mul3A_414 {strides = array<i32>} : memref<96x128xf32, #tpu.memory_space<vmem>>, vector<16xf32>,
      %mul3A_418 = arith.mulf %bitcast3A_413, %gather3A_364 : vector<16xf32>
      %swap3A_419 = arith.index_cast %add3A_362 : i32 to index
      %swap3A_420 = arith.constant 96 : index
      %swap3A_421 = tpu.vector_load %arg19[%swap3A_419, %swap3A_420] {strides = array<i32>} : memref<96x128xf32, #tpu.memory_space<vmem>>, vector<16xf32>,
      tpu.vector_store %arg19[%swap3A_419, %swap3A_420], %mul3A_418 {strides = array<i32>} : memref<96x128xf32, #tpu.memory_space<vmem>>, vector<16xf32>,
      %get3A_422 = arith.index_cast %add3A_362 : i32 to index
      %get3A_423 = arith.constant 48 : index
      %get3A_424 = tpu.vector_load %arg18[%get3A_422, %get3A_423] {strides = array<i32>} : memref<96x64xi32, #tpu.memory_space<vmem>>, vector<16xi32>,
      %shift_left3A_425 = arith.constant 16 : i32
      %shift_left3A_426 = vector.broadcast %shift_left3A_425 : i32 to vector<16xi32>
      %shift_left3A_427 = arith.shli %get3A_424, %shift_left3A_426 : vector<16xi32>
      %bitcast3A_428 = vector.bitcast %shift_left3A_427 : vector<16xi32> to vector<16xf32>
      %and3A_429 = arith.constant -65536 : i32
      %and3A_430 = vector.broadcast %and3A_429 : i32 to vector<16xi32>
      %and3A_431 = arith.andi %get3A_424, %and3A_430 : vector<16xi32>
      %bitcast3A_432 = vector.bitcast %and3A_431 : vector<16xi32> to vector<16xf32>
      %mul3A_433 = arith.mulf %bitcast3A_428, %gather3A_364 : vector<16xf32>
      %swap3A_434 = arith.index_cast %add3A_362 : i32 to index
      %swap3A_435 = arith.constant 48 : index
      %swap3A_436 = tpu.vector_load %arg19[%swap3A_434, %swap3A_435] {strides = array<i32>} : memref<96x128xf32, #tpu.memory_space<vmem>>, vector<16xf32>,
      tpu.vector_store %arg19[%swap3A_434, %swap3A_435], %mul3A_433 {strides = array<i32>} : memref<96x128xf32, #tpu.memory_space<vmem>>, vector<16xf32>,
      %mul3A_437 = arith.mulf %bitcast3A_432, %gather3A_364 : vector<16xf32>
      %swap3A_438 = arith.index_cast %add3A_362 : i32 to index
      %swap3A_439 = arith.constant 112 : index
      %swap3A_440 = tpu.vector_load %arg19[%swap3A_438, %swap3A_439] {strides = array<i32>} : memref<96x128xf32, #tpu.memory_space<vmem>>, vector<16xf32>,
      tpu.vector_store %arg19[%swap3A_438, %swap3A_439], %mul3A_437 {strides = array<i32>} : memref<96x128xf32, #tpu.memory_space<vmem>>, vector<16xf32>,
      %scan3A_441 = arith.constant 4 : i32
      %scan3A_442 = arith.addi %scan3A_111, %scan3A_441 : i32
      %mul3A_443 = arith.constant 1 : i32
      %mul3A_444 = arith.muli %scan3A_442, %mul3A_443 : i32
      %add3A_445 = arith.constant 0 : i32
      %add3A_446 = arith.addi %add3A_445, %mul3A_444 : i32
      %broadcast_in_dim3A_447 = vector.broadcast %add3A_446 : i32 to vector<16xi32>
      %gather3A_448 = tpu.vector_load_idx %arg16[%broadcast_in_dim3A_447] : memref<96xf32, #tpu.memory_space<vmem>>[vector<16xi32>], vector<16xf32>,
      %get3A_449 = arith.index_cast %add3A_446 : i32 to index
      %get3A_450 = arith.constant 0 : index
      %get3A_451 = tpu.vector_load %arg18[%get3A_449, %get3A_450] {strides = array<i32>} : memref<96x64xi32, #tpu.memory_space<vmem>>, vector<16xi32>,
      %shift_left3A_452 = arith.constant 16 : i32
      %shift_left3A_453 = vector.broadcast %shift_left3A_452 : i32 to vector<16xi32>
      %shift_left3A_454 = arith.shli %get3A_451, %shift_left3A_453 : vector<16xi32>
      %bitcast3A_455 = vector.bitcast %shift_left3A_454 : vector<16xi32> to vector<16xf32>
      %and3A_456 = arith.constant -65536 : i32
      %and3A_457 = vector.broadcast %and3A_456 : i32 to vector<16xi32>
      %and3A_458 = arith.andi %get3A_451, %and3A_457 : vector<16xi32>
      %bitcast3A_459 = vector.bitcast %and3A_458 : vector<16xi32> to vector<16xf32>
      %mul3A_460 = arith.mulf %bitcast3A_455, %gather3A_448 : vector<16xf32>
      %swap3A_461 = arith.index_cast %add3A_446 : i32 to index
      %swap3A_462 = arith.constant 0 : index
      %swap3A_463 = tpu.vector_load %arg19[%swap3A_461, %swap3A_462] {strides = array<i32>} : memref<96x128xf32, #tpu.memory_space<vmem>>, vector<16xf32>,
      tpu.vector_store %arg19[%swap3A_461, %swap3A_462], %mul3A_460 {strides = array<i32>} : memref<96x128xf32, #tpu.memory_space<vmem>>, vector<16xf32>,
      %mul3A_464 = arith.mulf %bitcast3A_459, %gather3A_448 : vector<16xf32>
      %swap3A_465 = arith.index_cast %add3A_446 : i32 to index
      %swap3A_466 = arith.constant 64 : index
      %swap3A_467 = tpu.vector_load %arg19[%swap3A_465, %swap3A_466] {strides = array<i32>} : memref<96x128xf32, #tpu.memory_space<vmem>>, vector<16xf32>,
      tpu.vector_store %arg19[%swap3A_465, %swap3A_466], %mul3A_464 {strides = array<i32>} : memref<96x128xf32, #tpu.memory_space<vmem>>, vector<16xf32>,
      %get3A_468 = arith.index_cast %add3A_446 : i32 to index
      %get3A_469 = arith.constant 16 : index
      %get3A_470 = tpu.vector_load %arg18[%get3A_468, %get3A_469] {strides = array<i32>} : memref<96x64xi32, #tpu.memory_space<vmem>>, vector<16xi32>,
      %shift_left3A_471 = arith.constant 16 : i32
      %shift_left3A_472 = vector.broadcast %shift_left3A_471 : i32 to vector<16xi32>
      %shift_left3A_473 = arith.shli %get3A_470, %shift_left3A_472 : vector<16xi32>
      %bitcast3A_474 = vector.bitcast %shift_left3A_473 : vector<16xi32> to vector<16xf32>
      %and3A_475 = arith.constant -65536 : i32
      %and3A_476 = vector.broadcast %and3A_475 : i32 to vector<16xi32>
      %and3A_477 = arith.andi %get3A_470, %and3A_476 : vector<16xi32>
      %bitcast3A_478 = vector.bitcast %and3A_477 : vector<16xi32> to vector<16xf32>
      %mul3A_479 = arith.mulf %bitcast3A_474, %gather3A_448 : vector<16xf32>
      %swap3A_480 = arith.index_cast %add3A_446 : i32 to index
      %swap3A_481 = arith.constant 16 : index
      %swap3A_482 = tpu.vector_load %arg19[%swap3A_480, %swap3A_481] {strides = array<i32>} : memref<96x128xf32, #tpu.memory_space<vmem>>, vector<16xf32>,
      tpu.vector_store %arg19[%swap3A_480, %swap3A_481], %mul3A_479 {strides = array<i32>} : memref<96x128xf32, #tpu.memory_space<vmem>>, vector<16xf32>,
      %mul3A_483 = arith.mulf %bitcast3A_478, %gather3A_448 : vector<16xf32>
      %swap3A_484 = arith.index_cast %add3A_446 : i32 to index
      %swap3A_485 = arith.constant 80 : index
      %swap3A_486 = tpu.vector_load %arg19[%swap3A_484, %swap3A_485] {strides = array<i32>} : memref<96x128xf32, #tpu.memory_space<vmem>>, vector<16xf32>,
      tpu.vector_store %arg19[%swap3A_484, %swap3A_485], %mul3A_483 {strides = array<i32>} : memref<96x128xf32, #tpu.memory_space<vmem>>, vector<16xf32>,
      %get3A_487 = arith.index_cast %add3A_446 : i32 to index
      %get3A_488 = arith.constant 32 : index
      %get3A_489 = tpu.vector_load %arg18[%get3A_487, %get3A_488] {strides = array<i32>} : memref<96x64xi32, #tpu.memory_space<vmem>>, vector<16xi32>,
      %shift_left3A_490 = arith.constant 16 : i32
      %shift_left3A_491 = vector.broadcast %shift_left3A_490 : i32 to vector<16xi32>
      %shift_left3A_492 = arith.shli %get3A_489, %shift_left3A_491 : vector<16xi32>
      %bitcast3A_493 = vector.bitcast %shift_left3A_492 : vector<16xi32> to vector<16xf32>
      %and3A_494 = arith.constant -65536 : i32
      %and3A_495 = vector.broadcast %and3A_494 : i32 to vector<16xi32>
      %and3A_496 = arith.andi %get3A_489, %and3A_495 : vector<16xi32>
      %bitcast3A_497 = vector.bitcast %and3A_496 : vector<16xi32> to vector<16xf32>
      %mul3A_498 = arith.mulf %bitcast3A_493, %gather3A_448 : vector<16xf32>
      %swap3A_499 = arith.index_cast %add3A_446 : i32 to index
      %swap3A_500 = arith.constant 32 : index
      %swap3A_501 = tpu.vector_load %arg19[%swap3A_499, %swap3A_500] {strides = array<i32>} : memref<96x128xf32, #tpu.memory_space<vmem>>, vector<16xf32>,
      tpu.vector_store %arg19[%swap3A_499, %swap3A_500], %mul3A_498 {strides = array<i32>} : memref<96x128xf32, #tpu.memory_space<vmem>>, vector<16xf32>,
      %mul3A_502 = arith.mulf %bitcast3A_497, %gather3A_448 : vector<16xf32>
      %swap3A_503 = arith.index_cast %add3A_446 : i32 to index
      %swap3A_504 = arith.constant 96 : index
      %swap3A_505 = tpu.vector_load %arg19[%swap3A_503, %swap3A_504] {strides = array<i32>} : memref<96x128xf32, #tpu.memory_space<vmem>>, vector<16xf32>,
      tpu.vector_store %arg19[%swap3A_503, %swap3A_504], %mul3A_502 {strides = array<i32>} : memref<96x128xf32, #tpu.memory_space<vmem>>, vector<16xf32>,
      %get3A_506 = arith.index_cast %add3A_446 : i32 to index
      %get3A_507 = arith.constant 48 : index
      %get3A_508 = tpu.vector_load %arg18[%get3A_506, %get3A_507] {strides = array<i32>} : memref<96x64xi32, #tpu.memory_space<vmem>>, vector<16xi32>,
      %shift_left3A_509 = arith.constant 16 : i32
      %shift_left3A_510 = vector.broadcast %shift_left3A_509 : i32 to vector<16xi32>
      %shift_left3A_511 = arith.shli %get3A_508, %shift_left3A_510 : vector<16xi32>
      %bitcast3A_512 = vector.bitcast %shift_left3A_511 : vector<16xi32> to vector<16xf32>
      %and3A_513 = arith.constant -65536 : i32
      %and3A_514 = vector.broadcast %and3A_513 : i32 to vector<16xi32>
      %and3A_515 = arith.andi %get3A_508, %and3A_514 : vector<16xi32>
      %bitcast3A_516 = vector.bitcast %and3A_515 : vector<16xi32> to vector<16xf32>
      %mul3A_517 = arith.mulf %bitcast3A_512, %gather3A_448 : vector<16xf32>
      %swap3A_518 = arith.index_cast %add3A_446 : i32 to index
      %swap3A_519 = arith.constant 48 : index
      %swap3A_520 = tpu.vector_load %arg19[%swap3A_518, %swap3A_519] {strides = array<i32>} : memref<96x128xf32, #tpu.memory_space<vmem>>, vector<16xf32>,
      tpu.vector_store %arg19[%swap3A_518, %swap3A_519], %mul3A_517 {strides = array<i32>} : memref<96x128xf32, #tpu.memory_space<vmem>>, vector<16xf32>,
      %mul3A_521 = arith.mulf %bitcast3A_516, %gather3A_448 : vector<16xf32>
      %swap3A_522 = arith.index_cast %add3A_446 : i32 to index
      %swap3A_523 = arith.constant 112 : index
      %swap3A_524 = tpu.vector_load %arg19[%swap3A_522, %swap3A_523] {strides = array<i32>} : memref<96x128xf32, #tpu.memory_space<vmem>>, vector<16xf32>,
      tpu.vector_store %arg19[%swap3A_522, %swap3A_523], %mul3A_521 {strides = array<i32>} : memref<96x128xf32, #tpu.memory_space<vmem>>, vector<16xf32>,
      %scan3A_525 = arith.constant 5 : i32
      %scan3A_526 = arith.addi %scan3A_111, %scan3A_525 : i32
      %mul3A_527 = arith.constant 1 : i32
      %mul3A_528 = arith.muli %scan3A_526, %mul3A_527 : i32
      %add3A_529 = arith.constant 0 : i32
      %add3A_530 = arith.addi %add3A_529, %mul3A_528 : i32
      %broadcast_in_dim3A_531 = vector.broadcast %add3A_530 : i32 to vector<16xi32>
      %gather3A_532 = tpu.vector_load_idx %arg16[%broadcast_in_dim3A_531] : memref<96xf32, #tpu.memory_space<vmem>>[vector<16xi32>], vector<16xf32>,
      %get3A_533 = arith.index_cast %add3A_530 : i32 to index
      %get3A_534 = arith.constant 0 : index
      %get3A_535 = tpu.vector_load %arg18[%get3A_533, %get3A_534] {strides = array<i32>} : memref<96x64xi32, #tpu.memory_space<vmem>>, vector<16xi32>,
      %shift_left3A_536 = arith.constant 16 : i32
      %shift_left3A_537 = vector.broadcast %shift_left3A_536 : i32 to vector<16xi32>
      %shift_left3A_538 = arith.shli %get3A_535, %shift_left3A_537 : vector<16xi32>
      %bitcast3A_539 = vector.bitcast %shift_left3A_538 : vector<16xi32> to vector<16xf32>
      %and3A_540 = arith.constant -65536 : i32
      %and3A_541 = vector.broadcast %and3A_540 : i32 to vector<16xi32>
      %and3A_542 = arith.andi %get3A_535, %and3A_541 : vector<16xi32>
      %bitcast3A_543 = vector.bitcast %and3A_542 : vector<16xi32> to vector<16xf32>
      %mul3A_544 = arith.mulf %bitcast3A_539, %gather3A_532 : vector<16xf32>
      %swap3A_545 = arith.index_cast %add3A_530 : i32 to index
      %swap3A_546 = arith.constant 0 : index
      %swap3A_547 = tpu.vector_load %arg19[%swap3A_545, %swap3A_546] {strides = array<i32>} : memref<96x128xf32, #tpu.memory_space<vmem>>, vector<16xf32>,
      tpu.vector_store %arg19[%swap3A_545, %swap3A_546], %mul3A_544 {strides = array<i32>} : memref<96x128xf32, #tpu.memory_space<vmem>>, vector<16xf32>,
      %mul3A_548 = arith.mulf %bitcast3A_543, %gather3A_532 : vector<16xf32>
      %swap3A_549 = arith.index_cast %add3A_530 : i32 to index
      %swap3A_550 = arith.constant 64 : index
      %swap3A_551 = tpu.vector_load %arg19[%swap3A_549, %swap3A_550] {strides = array<i32>} : memref<96x128xf32, #tpu.memory_space<vmem>>, vector<16xf32>,
      tpu.vector_store %arg19[%swap3A_549, %swap3A_550], %mul3A_548 {strides = array<i32>} : memref<96x128xf32, #tpu.memory_space<vmem>>, vector<16xf32>,
      %get3A_552 = arith.index_cast %add3A_530 : i32 to index
      %get3A_553 = arith.constant 16 : index
      %get3A_554 = tpu.vector_load %arg18[%get3A_552, %get3A_553] {strides = array<i32>} : memref<96x64xi32, #tpu.memory_space<vmem>>, vector<16xi32>,
      %shift_left3A_555 = arith.constant 16 : i32
      %shift_left3A_556 = vector.broadcast %shift_left3A_555 : i32 to vector<16xi32>
      %shift_left3A_557 = arith.shli %get3A_554, %shift_left3A_556 : vector<16xi32>
      %bitcast3A_558 = vector.bitcast %shift_left3A_557 : vector<16xi32> to vector<16xf32>
      %and3A_559 = arith.constant -65536 : i32
      %and3A_560 = vector.broadcast %and3A_559 : i32 to vector<16xi32>
      %and3A_561 = arith.andi %get3A_554, %and3A_560 : vector<16xi32>
      %bitcast3A_562 = vector.bitcast %and3A_561 : vector<16xi32> to vector<16xf32>
      %mul3A_563 = arith.mulf %bitcast3A_558, %gather3A_532 : vector<16xf32>
      %swap3A_564 = arith.index_cast %add3A_530 : i32 to index
      %swap3A_565 = arith.constant 16 : index
      %swap3A_566 = tpu.vector_load %arg19[%swap3A_564, %swap3A_565] {strides = array<i32>} : memref<96x128xf32, #tpu.memory_space<vmem>>, vector<16xf32>,
      tpu.vector_store %arg19[%swap3A_564, %swap3A_565], %mul3A_563 {strides = array<i32>} : memref<96x128xf32, #tpu.memory_space<vmem>>, vector<16xf32>,
      %mul3A_567 = arith.mulf %bitcast3A_562, %gather3A_532 : vector<16xf32>
      %swap3A_568 = arith.index_cast %add3A_530 : i32 to index
      %swap3A_569 = arith.constant 80 : index
      %swap3A_570 = tpu.vector_load %arg19[%swap3A_568, %swap3A_569] {strides = array<i32>} : memref<96x128xf32, #tpu.memory_space<vmem>>, vector<16xf32>,
      tpu.vector_store %arg19[%swap3A_568, %swap3A_569], %mul3A_567 {strides = array<i32>} : memref<96x128xf32, #tpu.memory_space<vmem>>, vector<16xf32>,
      %get3A_571 = arith.index_cast %add3A_530 : i32 to index
      %get3A_572 = arith.constant 32 : index
      %get3A_573 = tpu.vector_load %arg18[%get3A_571, %get3A_572] {strides = array<i32>} : memref<96x64xi32, #tpu.memory_space<vmem>>, vector<16xi32>,
      %shift_left3A_574 = arith.constant 16 : i32
      %shift_left3A_575 = vector.broadcast %shift_left3A_574 : i32 to vector<16xi32>
      %shift_left3A_576 = arith.shli %get3A_573, %shift_left3A_575 : vector<16xi32>
      %bitcast3A_577 = vector.bitcast %shift_left3A_576 : vector<16xi32> to vector<16xf32>
      %and3A_578 = arith.constant -65536 : i32
      %and3A_579 = vector.broadcast %and3A_578 : i32 to vector<16xi32>
      %and3A_580 = arith.andi %get3A_573, %and3A_579 : vector<16xi32>
      %bitcast3A_581 = vector.bitcast %and3A_580 : vector<16xi32> to vector<16xf32>
      %mul3A_582 = arith.mulf %bitcast3A_577, %gather3A_532 : vector<16xf32>
      %swap3A_583 = arith.index_cast %add3A_530 : i32 to index
      %swap3A_584 = arith.constant 32 : index
      %swap3A_585 = tpu.vector_load %arg19[%swap3A_583, %swap3A_584] {strides = array<i32>} : memref<96x128xf32, #tpu.memory_space<vmem>>, vector<16xf32>,
      tpu.vector_store %arg19[%swap3A_583, %swap3A_584], %mul3A_582 {strides = array<i32>} : memref<96x128xf32, #tpu.memory_space<vmem>>, vector<16xf32>,
      %mul3A_586 = arith.mulf %bitcast3A_581, %gather3A_532 : vector<16xf32>
      %swap3A_587 = arith.index_cast %add3A_530 : i32 to index
      %swap3A_588 = arith.constant 96 : index
      %swap3A_589 = tpu.vector_load %arg19[%swap3A_587, %swap3A_588] {strides = array<i32>} : memref<96x128xf32, #tpu.memory_space<vmem>>, vector<16xf32>,
      tpu.vector_store %arg19[%swap3A_587, %swap3A_588], %mul3A_586 {strides = array<i32>} : memref<96x128xf32, #tpu.memory_space<vmem>>, vector<16xf32>,
      %get3A_590 = arith.index_cast %add3A_530 : i32 to index
      %get3A_591 = arith.constant 48 : index
      %get3A_592 = tpu.vector_load %arg18[%get3A_590, %get3A_591] {strides = array<i32>} : memref<96x64xi32, #tpu.memory_space<vmem>>, vector<16xi32>,
      %shift_left3A_593 = arith.constant 16 : i32
      %shift_left3A_594 = vector.broadcast %shift_left3A_593 : i32 to vector<16xi32>
      %shift_left3A_595 = arith.shli %get3A_592, %shift_left3A_594 : vector<16xi32>
      %bitcast3A_596 = vector.bitcast %shift_left3A_595 : vector<16xi32> to vector<16xf32>
      %and3A_597 = arith.constant -65536 : i32
      %and3A_598 = vector.broadcast %and3A_597 : i32 to vector<16xi32>
      %and3A_599 = arith.andi %get3A_592, %and3A_598 : vector<16xi32>
      %bitcast3A_600 = vector.bitcast %and3A_599 : vector<16xi32> to vector<16xf32>
      %mul3A_601 = arith.mulf %bitcast3A_596, %gather3A_532 : vector<16xf32>
      %swap3A_602 = arith.index_cast %add3A_530 : i32 to index
      %swap3A_603 = arith.constant 48 : index
      %swap3A_604 = tpu.vector_load %arg19[%swap3A_602, %swap3A_603] {strides = array<i32>} : memref<96x128xf32, #tpu.memory_space<vmem>>, vector<16xf32>,
      tpu.vector_store %arg19[%swap3A_602, %swap3A_603], %mul3A_601 {strides = array<i32>} : memref<96x128xf32, #tpu.memory_space<vmem>>, vector<16xf32>,
      %mul3A_605 = arith.mulf %bitcast3A_600, %gather3A_532 : vector<16xf32>
      %swap3A_606 = arith.index_cast %add3A_530 : i32 to index
      %swap3A_607 = arith.constant 112 : index
      %swap3A_608 = tpu.vector_load %arg19[%swap3A_606, %swap3A_607] {strides = array<i32>} : memref<96x128xf32, #tpu.memory_space<vmem>>, vector<16xf32>,
      tpu.vector_store %arg19[%swap3A_606, %swap3A_607], %mul3A_605 {strides = array<i32>} : memref<96x128xf32, #tpu.memory_space<vmem>>, vector<16xf32>,
      %scan3A_609 = arith.constant 6 : i32
      %scan3A_610 = arith.addi %scan3A_111, %scan3A_609 : i32
      %mul3A_611 = arith.constant 1 : i32
      %mul3A_612 = arith.muli %scan3A_610, %mul3A_611 : i32
      %add3A_613 = arith.constant 0 : i32
      %add3A_614 = arith.addi %add3A_613, %mul3A_612 : i32
      %broadcast_in_dim3A_615 = vector.broadcast %add3A_614 : i32 to vector<16xi32>
      %gather3A_616 = tpu.vector_load_idx %arg16[%broadcast_in_dim3A_615] : memref<96xf32, #tpu.memory_space<vmem>>[vector<16xi32>], vector<16xf32>,
      %get3A_617 = arith.index_cast %add3A_614 : i32 to index
      %get3A_618 = arith.constant 0 : index
      %get3A_619 = tpu.vector_load %arg18[%get3A_617, %get3A_618] {strides = array<i32>} : memref<96x64xi32, #tpu.memory_space<vmem>>, vector<16xi32>,
      %shift_left3A_620 = arith.constant 16 : i32
      %shift_left3A_621 = vector.broadcast %shift_left3A_620 : i32 to vector<16xi32>
      %shift_left3A_622 = arith.shli %get3A_619, %shift_left3A_621 : vector<16xi32>
      %bitcast3A_623 = vector.bitcast %shift_left3A_622 : vector<16xi32> to vector<16xf32>
      %and3A_624 = arith.constant -65536 : i32
      %and3A_625 = vector.broadcast %and3A_624 : i32 to vector<16xi32>
      %and3A_626 = arith.andi %get3A_619, %and3A_625 : vector<16xi32>
      %bitcast3A_627 = vector.bitcast %and3A_626 : vector<16xi32> to vector<16xf32>
      %mul3A_628 = arith.mulf %bitcast3A_623, %gather3A_616 : vector<16xf32>
      %swap3A_629 = arith.index_cast %add3A_614 : i32 to index
      %swap3A_630 = arith.constant 0 : index
      %swap3A_631 = tpu.vector_load %arg19[%swap3A_629, %swap3A_630] {strides = array<i32>} : memref<96x128xf32, #tpu.memory_space<vmem>>, vector<16xf32>,
      tpu.vector_store %arg19[%swap3A_629, %swap3A_630], %mul3A_628 {strides = array<i32>} : memref<96x128xf32, #tpu.memory_space<vmem>>, vector<16xf32>,
      %mul3A_632 = arith.mulf %bitcast3A_627, %gather3A_616 : vector<16xf32>
      %swap3A_633 = arith.index_cast %add3A_614 : i32 to index
      %swap3A_634 = arith.constant 64 : index
      %swap3A_635 = tpu.vector_load %arg19[%swap3A_633, %swap3A_634] {strides = array<i32>} : memref<96x128xf32, #tpu.memory_space<vmem>>, vector<16xf32>,
      tpu.vector_store %arg19[%swap3A_633, %swap3A_634], %mul3A_632 {strides = array<i32>} : memref<96x128xf32, #tpu.memory_space<vmem>>, vector<16xf32>,
      %get3A_636 = arith.index_cast %add3A_614 : i32 to index
      %get3A_637 = arith.constant 16 : index
      %get3A_638 = tpu.vector_load %arg18[%get3A_636, %get3A_637] {strides = array<i32>} : memref<96x64xi32, #tpu.memory_space<vmem>>, vector<16xi32>,
      %shift_left3A_639 = arith.constant 16 : i32
      %shift_left3A_640 = vector.broadcast %shift_left3A_639 : i32 to vector<16xi32>
      %shift_left3A_641 = arith.shli %get3A_638, %shift_left3A_640 : vector<16xi32>
      %bitcast3A_642 = vector.bitcast %shift_left3A_641 : vector<16xi32> to vector<16xf32>
      %and3A_643 = arith.constant -65536 : i32
      %and3A_644 = vector.broadcast %and3A_643 : i32 to vector<16xi32>
      %and3A_645 = arith.andi %get3A_638, %and3A_644 : vector<16xi32>
      %bitcast3A_646 = vector.bitcast %and3A_645 : vector<16xi32> to vector<16xf32>
      %mul3A_647 = arith.mulf %bitcast3A_642, %gather3A_616 : vector<16xf32>
      %swap3A_648 = arith.index_cast %add3A_614 : i32 to index
      %swap3A_649 = arith.constant 16 : index
      %swap3A_650 = tpu.vector_load %arg19[%swap3A_648, %swap3A_649] {strides = array<i32>} : memref<96x128xf32, #tpu.memory_space<vmem>>, vector<16xf32>,
      tpu.vector_store %arg19[%swap3A_648, %swap3A_649], %mul3A_647 {strides = array<i32>} : memref<96x128xf32, #tpu.memory_space<vmem>>, vector<16xf32>,
      %mul3A_651 = arith.mulf %bitcast3A_646, %gather3A_616 : vector<16xf32>
      %swap3A_652 = arith.index_cast %add3A_614 : i32 to index
      %swap3A_653 = arith.constant 80 : index
      %swap3A_654 = tpu.vector_load %arg19[%swap3A_652, %swap3A_653] {strides = array<i32>} : memref<96x128xf32, #tpu.memory_space<vmem>>, vector<16xf32>,
      tpu.vector_store %arg19[%swap3A_652, %swap3A_653], %mul3A_651 {strides = array<i32>} : memref<96x128xf32, #tpu.memory_space<vmem>>, vector<16xf32>,
      %get3A_655 = arith.index_cast %add3A_614 : i32 to index
      %get3A_656 = arith.constant 32 : index
      %get3A_657 = tpu.vector_load %arg18[%get3A_655, %get3A_656] {strides = array<i32>} : memref<96x64xi32, #tpu.memory_space<vmem>>, vector<16xi32>,
      %shift_left3A_658 = arith.constant 16 : i32
      %shift_left3A_659 = vector.broadcast %shift_left3A_658 : i32 to vector<16xi32>
      %shift_left3A_660 = arith.shli %get3A_657, %shift_left3A_659 : vector<16xi32>
      %bitcast3A_661 = vector.bitcast %shift_left3A_660 : vector<16xi32> to vector<16xf32>
      %and3A_662 = arith.constant -65536 : i32
      %and3A_663 = vector.broadcast %and3A_662 : i32 to vector<16xi32>
      %and3A_664 = arith.andi %get3A_657, %and3A_663 : vector<16xi32>
      %bitcast3A_665 = vector.bitcast %and3A_664 : vector<16xi32> to vector<16xf32>
      %mul3A_666 = arith.mulf %bitcast3A_661, %gather3A_616 : vector<16xf32>
      %swap3A_667 = arith.index_cast %add3A_614 : i32 to index
      %swap3A_668 = arith.constant 32 : index
      %swap3A_669 = tpu.vector_load %arg19[%swap3A_667, %swap3A_668] {strides = array<i32>} : memref<96x128xf32, #tpu.memory_space<vmem>>, vector<16xf32>,
      tpu.vector_store %arg19[%swap3A_667, %swap3A_668], %mul3A_666 {strides = array<i32>} : memref<96x128xf32, #tpu.memory_space<vmem>>, vector<16xf32>,
      %mul3A_670 = arith.mulf %bitcast3A_665, %gather3A_616 : vector<16xf32>
      %swap3A_671 = arith.index_cast %add3A_614 : i32 to index
      %swap3A_672 = arith.constant 96 : index
      %swap3A_673 = tpu.vector_load %arg19[%swap3A_671, %swap3A_672] {strides = array<i32>} : memref<96x128xf32, #tpu.memory_space<vmem>>, vector<16xf32>,
      tpu.vector_store %arg19[%swap3A_671, %swap3A_672], %mul3A_670 {strides = array<i32>} : memref<96x128xf32, #tpu.memory_space<vmem>>, vector<16xf32>,
      %get3A_674 = arith.index_cast %add3A_614 : i32 to index
      %get3A_675 = arith.constant 48 : index
      %get3A_676 = tpu.vector_load %arg18[%get3A_674, %get3A_675] {strides = array<i32>} : memref<96x64xi32, #tpu.memory_space<vmem>>, vector<16xi32>,
      %shift_left3A_677 = arith.constant 16 : i32
      %shift_left3A_678 = vector.broadcast %shift_left3A_677 : i32 to vector<16xi32>
      %shift_left3A_679 = arith.shli %get3A_676, %shift_left3A_678 : vector<16xi32>
      %bitcast3A_680 = vector.bitcast %shift_left3A_679 : vector<16xi32> to vector<16xf32>
      %and3A_681 = arith.constant -65536 : i32
      %and3A_682 = vector.broadcast %and3A_681 : i32 to vector<16xi32>
      %and3A_683 = arith.andi %get3A_676, %and3A_682 : vector<16xi32>
      %bitcast3A_684 = vector.bitcast %and3A_683 : vector<16xi32> to vector<16xf32>
      %mul3A_685 = arith.mulf %bitcast3A_680, %gather3A_616 : vector<16xf32>
      %swap3A_686 = arith.index_cast %add3A_614 : i32 to index
      %swap3A_687 = arith.constant 48 : index
      %swap3A_688 = tpu.vector_load %arg19[%swap3A_686, %swap3A_687] {strides = array<i32>} : memref<96x128xf32, #tpu.memory_space<vmem>>, vector<16xf32>,
      tpu.vector_store %arg19[%swap3A_686, %swap3A_687], %mul3A_685 {strides = array<i32>} : memref<96x128xf32, #tpu.memory_space<vmem>>, vector<16xf32>,
      %mul3A_689 = arith.mulf %bitcast3A_684, %gather3A_616 : vector<16xf32>
      %swap3A_690 = arith.index_cast %add3A_614 : i32 to index
      %swap3A_691 = arith.constant 112 : index
      %swap3A_692 = tpu.vector_load %arg19[%swap3A_690, %swap3A_691] {strides = array<i32>} : memref<96x128xf32, #tpu.memory_space<vmem>>, vector<16xf32>,
      tpu.vector_store %arg19[%swap3A_690, %swap3A_691], %mul3A_689 {strides = array<i32>} : memref<96x128xf32, #tpu.memory_space<vmem>>, vector<16xf32>,
      %scan3A_693 = arith.constant 7 : i32
      %scan3A_694 = arith.addi %scan3A_111, %scan3A_693 : i32
      %mul3A_695 = arith.constant 1 : i32
      %mul3A_696 = arith.muli %scan3A_694, %mul3A_695 : i32
      %add3A_697 = arith.constant 0 : i32
      %add3A_698 = arith.addi %add3A_697, %mul3A_696 : i32
      %broadcast_in_dim3A_699 = vector.broadcast %add3A_698 : i32 to vector<16xi32>
      %gather3A_700 = tpu.vector_load_idx %arg16[%broadcast_in_dim3A_699] : memref<96xf32, #tpu.memory_space<vmem>>[vector<16xi32>], vector<16xf32>,
      %get3A_701 = arith.index_cast %add3A_698 : i32 to index
      %get3A_702 = arith.constant 0 : index
      %get3A_703 = tpu.vector_load %arg18[%get3A_701, %get3A_702] {strides = array<i32>} : memref<96x64xi32, #tpu.memory_space<vmem>>, vector<16xi32>,
      %shift_left3A_704 = arith.constant 16 : i32
      %shift_left3A_705 = vector.broadcast %shift_left3A_704 : i32 to vector<16xi32>
      %shift_left3A_706 = arith.shli %get3A_703, %shift_left3A_705 : vector<16xi32>
      %bitcast3A_707 = vector.bitcast %shift_left3A_706 : vector<16xi32> to vector<16xf32>
      %and3A_708 = arith.constant -65536 : i32
      %and3A_709 = vector.broadcast %and3A_708 : i32 to vector<16xi32>
      %and3A_710 = arith.andi %get3A_703, %and3A_709 : vector<16xi32>
      %bitcast3A_711 = vector.bitcast %and3A_710 : vector<16xi32> to vector<16xf32>
      %mul3A_712 = arith.mulf %bitcast3A_707, %gather3A_700 : vector<16xf32>
      %swap3A_713 = arith.index_cast %add3A_698 : i32 to index
      %swap3A_714 = arith.constant 0 : index
      %swap3A_715 = tpu.vector_load %arg19[%swap3A_713, %swap3A_714] {strides = array<i32>} : memref<96x128xf32, #tpu.memory_space<vmem>>, vector<16xf32>,
      tpu.vector_store %arg19[%swap3A_713, %swap3A_714], %mul3A_712 {strides = array<i32>} : memref<96x128xf32, #tpu.memory_space<vmem>>, vector<16xf32>,
      %mul3A_716 = arith.mulf %bitcast3A_711, %gather3A_700 : vector<16xf32>
      %swap3A_717 = arith.index_cast %add3A_698 : i32 to index
      %swap3A_718 = arith.constant 64 : index
      %swap3A_719 = tpu.vector_load %arg19[%swap3A_717, %swap3A_718] {strides = array<i32>} : memref<96x128xf32, #tpu.memory_space<vmem>>, vector<16xf32>,
      tpu.vector_store %arg19[%swap3A_717, %swap3A_718], %mul3A_716 {strides = array<i32>} : memref<96x128xf32, #tpu.memory_space<vmem>>, vector<16xf32>,
      %get3A_720 = arith.index_cast %add3A_698 : i32 to index
      %get3A_721 = arith.constant 16 : index
      %get3A_722 = tpu.vector_load %arg18[%get3A_720, %get3A_721] {strides = array<i32>} : memref<96x64xi32, #tpu.memory_space<vmem>>, vector<16xi32>,
      %shift_left3A_723 = arith.constant 16 : i32
      %shift_left3A_724 = vector.broadcast %shift_left3A_723 : i32 to vector<16xi32>
      %shift_left3A_725 = arith.shli %get3A_722, %shift_left3A_724 : vector<16xi32>
      %bitcast3A_726 = vector.bitcast %shift_left3A_725 : vector<16xi32> to vector<16xf32>
      %and3A_727 = arith.constant -65536 : i32
      %and3A_728 = vector.broadcast %and3A_727 : i32 to vector<16xi32>
      %and3A_729 = arith.andi %get3A_722, %and3A_728 : vector<16xi32>
      %bitcast3A_730 = vector.bitcast %and3A_729 : vector<16xi32> to vector<16xf32>
      %mul3A_731 = arith.mulf %bitcast3A_726, %gather3A_700 : vector<16xf32>
      %swap3A_732 = arith.index_cast %add3A_698 : i32 to index
      %swap3A_733 = arith.constant 16 : index
      %swap3A_734 = tpu.vector_load %arg19[%swap3A_732, %swap3A_733] {strides = array<i32>} : memref<96x128xf32, #tpu.memory_space<vmem>>, vector<16xf32>,
      tpu.vector_store %arg19[%swap3A_732, %swap3A_733], %mul3A_731 {strides = array<i32>} : memref<96x128xf32, #tpu.memory_space<vmem>>, vector<16xf32>,
      %mul3A_735 = arith.mulf %bitcast3A_730, %gather3A_700 : vector<16xf32>
      %swap3A_736 = arith.index_cast %add3A_698 : i32 to index
      %swap3A_737 = arith.constant 80 : index
      %swap3A_738 = tpu.vector_load %arg19[%swap3A_736, %swap3A_737] {strides = array<i32>} : memref<96x128xf32, #tpu.memory_space<vmem>>, vector<16xf32>,
      tpu.vector_store %arg19[%swap3A_736, %swap3A_737], %mul3A_735 {strides = array<i32>} : memref<96x128xf32, #tpu.memory_space<vmem>>, vector<16xf32>,
      %get3A_739 = arith.index_cast %add3A_698 : i32 to index
      %get3A_740 = arith.constant 32 : index
      %get3A_741 = tpu.vector_load %arg18[%get3A_739, %get3A_740] {strides = array<i32>} : memref<96x64xi32, #tpu.memory_space<vmem>>, vector<16xi32>,
      %shift_left3A_742 = arith.constant 16 : i32
      %shift_left3A_743 = vector.broadcast %shift_left3A_742 : i32 to vector<16xi32>
      %shift_left3A_744 = arith.shli %get3A_741, %shift_left3A_743 : vector<16xi32>
      %bitcast3A_745 = vector.bitcast %shift_left3A_744 : vector<16xi32> to vector<16xf32>
      %and3A_746 = arith.constant -65536 : i32
      %and3A_747 = vector.broadcast %and3A_746 : i32 to vector<16xi32>
      %and3A_748 = arith.andi %get3A_741, %and3A_747 : vector<16xi32>
      %bitcast3A_749 = vector.bitcast %and3A_748 : vector<16xi32> to vector<16xf32>
      %mul3A_750 = arith.mulf %bitcast3A_745, %gather3A_700 : vector<16xf32>
      %swap3A_751 = arith.index_cast %add3A_698 : i32 to index
      %swap3A_752 = arith.constant 32 : index
      %swap3A_753 = tpu.vector_load %arg19[%swap3A_751, %swap3A_752] {strides = array<i32>} : memref<96x128xf32, #tpu.memory_space<vmem>>, vector<16xf32>,
      tpu.vector_store %arg19[%swap3A_751, %swap3A_752], %mul3A_750 {strides = array<i32>} : memref<96x128xf32, #tpu.memory_space<vmem>>, vector<16xf32>,
      %mul3A_754 = arith.mulf %bitcast3A_749, %gather3A_700 : vector<16xf32>
      %swap3A_755 = arith.index_cast %add3A_698 : i32 to index
      %swap3A_756 = arith.constant 96 : index
      %swap3A_757 = tpu.vector_load %arg19[%swap3A_755, %swap3A_756] {strides = array<i32>} : memref<96x128xf32, #tpu.memory_space<vmem>>, vector<16xf32>,
      tpu.vector_store %arg19[%swap3A_755, %swap3A_756], %mul3A_754 {strides = array<i32>} : memref<96x128xf32, #tpu.memory_space<vmem>>, vector<16xf32>,
      %get3A_758 = arith.index_cast %add3A_698 : i32 to index
      %get3A_759 = arith.constant 48 : index
      %get3A_760 = tpu.vector_load %arg18[%get3A_758, %get3A_759] {strides = array<i32>} : memref<96x64xi32, #tpu.memory_space<vmem>>, vector<16xi32>,
      %shift_left3A_761 = arith.constant 16 : i32
      %shift_left3A_762 = vector.broadcast %shift_left3A_761 : i32 to vector<16xi32>
      %shift_left3A_763 = arith.shli %get3A_760, %shift_left3A_762 : vector<16xi32>
      %bitcast3A_764 = vector.bitcast %shift_left3A_763 : vector<16xi32> to vector<16xf32>
      %and3A_765 = arith.constant -65536 : i32
      %and3A_766 = vector.broadcast %and3A_765 : i32 to vector<16xi32>
      %and3A_767 = arith.andi %get3A_760, %and3A_766 : vector<16xi32>
      %bitcast3A_768 = vector.bitcast %and3A_767 : vector<16xi32> to vector<16xf32>
      %mul3A_769 = arith.mulf %bitcast3A_764, %gather3A_700 : vector<16xf32>
      %swap3A_770 = arith.index_cast %add3A_698 : i32 to index
      %swap3A_771 = arith.constant 48 : index
      %swap3A_772 = tpu.vector_load %arg19[%swap3A_770, %swap3A_771] {strides = array<i32>} : memref<96x128xf32, #tpu.memory_space<vmem>>, vector<16xf32>,
      tpu.vector_store %arg19[%swap3A_770, %swap3A_771], %mul3A_769 {strides = array<i32>} : memref<96x128xf32, #tpu.memory_space<vmem>>, vector<16xf32>,
      %mul3A_773 = arith.mulf %bitcast3A_768, %gather3A_700 : vector<16xf32>
      %swap3A_774 = arith.index_cast %add3A_698 : i32 to index
      %swap3A_775 = arith.constant 112 : index
      %swap3A_776 = tpu.vector_load %arg19[%swap3A_774, %swap3A_775] {strides = array<i32>} : memref<96x128xf32, #tpu.memory_space<vmem>>, vector<16xf32>,
      tpu.vector_store %arg19[%swap3A_774, %swap3A_775], %mul3A_773 {strides = array<i32>} : memref<96x128xf32, #tpu.memory_space<vmem>>, vector<16xf32>,
    }
    %scan3A_99 = arith.constant 96 : i32
    %dma_start3A_100 = arith.constant 0 : i32
    %dma_start3A_101 = tpu.memref_slice %arg21[%dma_start3A_100] : memref<10240xf32, #tpu.memory_space<vmem_shared>> -> memref<10240xf32, #tpu.memory_space<vmem_shared>>
    tpu.enqueue_indirect_dma source(%arg16 : memref<96xf32, #tpu.memory_space<vmem>>) target(%dma_start3A_101 : memref<10240xf32, #tpu.memory_space<vmem_shared>>) offsets(%arg12 : memref<96xi32, #tpu.memory_space<vmem>>) semaphore(%arg27 : memref<!tpu.dma_semaphore, #tpu.memory_space<semaphore_mem>>) {add = true}
    "tpu.region"() ({
      %run_scoped3A = tpu.sem_alloc : memref<!tpu.dma_semaphore, #tpu.memory_space<semaphore_mem>>
      %dma_start3A_111 = arith.constant 0 : i32
      %dma_start3A_112 = arith.constant 0 : i32
      %dma_start3A_113 = tpu.memref_slice %arg20[%dma_start3A_111, %dma_start3A_112] : memref<10240x128xf32, #tpu.memory_space<vmem_shared>> -> memref<10240x128xf32, #tpu.memory_space<vmem_shared>>
      tpu.enqueue_indirect_dma source(%arg19 : memref<96x128xf32, #tpu.memory_space<vmem>>) target(%dma_start3A_113 : memref<10240x128xf32, #tpu.memory_space<vmem_shared>>) offsets(%arg12 : memref<96xi32, #tpu.memory_space<vmem>>) semaphore(%run_scoped3A : memref<!tpu.dma_semaphore, #tpu.memory_space<semaphore_mem>>) {add = true}
      %dma_wait3A_114 = arith.constant 0 : i32
      %dma_wait3A_115 = arith.constant 0 : i32
      %dma_wait3A_116 = tpu.memref_slice %arg20[%dma_wait3A_114, %dma_wait3A_115] : memref<10240x128xf32, #tpu.memory_space<vmem_shared>> -> memref<10240x128xf32, #tpu.memory_space<vmem_shared>>
      tpu.wait_indirect_dma semaphore(%run_scoped3A : memref<!tpu.dma_semaphore, #tpu.memory_space<semaphore_mem>>) src(%arg19 : memref<96x128xf32, #tpu.memory_space<vmem>>) dst(%dma_wait3A_116 : memref<10240x128xf32, #tpu.memory_space<vmem_shared>>)
      tpu.yield
    }) : () -> ()
    %dma_wait3A_102 = arith.constant 0 : i32
    %dma_wait3A_103 = tpu.memref_slice %arg21[%dma_wait3A_102] : memref<10240xf32, #tpu.memory_space<vmem_shared>> -> memref<10240xf32, #tpu.memory_space<vmem_shared>>
    tpu.wait_indirect_dma semaphore(%arg27 : memref<!tpu.dma_semaphore, #tpu.memory_space<semaphore_mem>>) src(%arg16 : memref<96xf32, #tpu.memory_space<vmem>>) dst(%dma_wait3A_103 : memref<10240xf32, #tpu.memory_space<vmem_shared>>)
    %barrier3A_104 = arith.constant 0 : index
    tpu.barrier barrier_id(%barrier3A_104)
    %lt3A = arith.constant 15 : i32
    %lt3A_105 = arith.cmpi slt, %arg1, %lt3A : i32
    %convert_element_type3A = arith.extui %lt3A_105 : i1 to i32
    %cond3A = arith.constant 0 : i32
    %cond3A_106 = arith.cmpi ne, %convert_element_type3A, %cond3A : i32
    scf.if %cond3A_106 {
      %mul3A_111 = arith.constant 640 : i32
      %mul3A_112 = arith.muli %arg1, %mul3A_111 : i32
      %dma_start3A_113 = arith.constant 0 : i32
      %dma_start3A_114 = tpu.memref_slice %arg7[%arg0, %mul3A_112, %dma_start3A_113] : memref<2x10000x128xf32, #tpu.memory_space<hbm>> -> memref<1x640x128xf32, #tpu.memory_space<hbm>>
      %dma_start3A_115 = tpu.memref_squeeze %dma_start3A_114 : memref<1x640x128xf32, #tpu.memory_space<hbm>> -> memref<640x128xf32, #tpu.memory_space<hbm>>
      %dma_start3A_116 = arith.constant 0 : i32
      %dma_start3A_117 = tpu.memref_slice %arg20[%mul3A_112, %dma_start3A_116] : memref<10240x128xf32, #tpu.memory_space<vmem_shared>> -> memref<640x128xf32, #tpu.memory_space<vmem_shared>>
      tpu.enqueue_dma source(%dma_start3A_117 : memref<640x128xf32, #tpu.memory_space<vmem_shared>>) target(%dma_start3A_115 : memref<640x128xf32, #tpu.memory_space<hbm>>) target_semaphore(%arg24 : memref<!tpu.dma_semaphore, #tpu.memory_space<semaphore_mem>>)
      %mul3A_118 = arith.constant 10000 : i32
      %mul3A_119 = arith.muli %arg0, %mul3A_118 : i32
      %add3A_120 = arith.addi %mul3A_119, %mul3A_112 : i32
      %dma_start3A_121 = tpu.memref_slice %arg8[%add3A_120] : memref<20000xf32, #tpu.memory_space<hbm>> -> memref<640xf32, #tpu.memory_space<hbm>>
      %dma_start3A_122 = tpu.memref_slice %arg21[%mul3A_112] : memref<10240xf32, #tpu.memory_space<vmem_shared>> -> memref<640xf32, #tpu.memory_space<vmem_shared>>
      tpu.enqueue_dma source(%dma_start3A_122 : memref<640xf32, #tpu.memory_space<vmem_shared>>) target(%dma_start3A_121 : memref<640xf32, #tpu.memory_space<hbm>>) target_semaphore(%arg25 : memref<!tpu.dma_semaphore, #tpu.memory_space<semaphore_mem>>)
      %dma_wait3A_123 = arith.constant 0 : i32
      %dma_wait3A_124 = tpu.memref_slice %arg7[%arg0, %mul3A_112, %dma_wait3A_123] : memref<2x10000x128xf32, #tpu.memory_space<hbm>> -> memref<1x640x128xf32, #tpu.memory_space<hbm>>
      %dma_wait3A_125 = tpu.memref_squeeze %dma_wait3A_124 : memref<1x640x128xf32, #tpu.memory_space<hbm>> -> memref<640x128xf32, #tpu.memory_space<hbm>>
      %dma_wait3A_126 = arith.constant 0 : i32
      %dma_wait3A_127 = tpu.memref_slice %arg20[%mul3A_112, %dma_wait3A_126] : memref<10240x128xf32, #tpu.memory_space<vmem_shared>> -> memref<640x128xf32, #tpu.memory_space<vmem_shared>>
      tpu.wait_dma2 semaphore(%arg24 : memref<!tpu.dma_semaphore, #tpu.memory_space<semaphore_mem>>) src(%dma_wait3A_127 : memref<640x128xf32, #tpu.memory_space<vmem_shared>>) dst(%dma_wait3A_125 : memref<640x128xf32, #tpu.memory_space<hbm>>)
      %mul3A_128 = arith.constant 10000 : i32
      %mul3A_129 = arith.muli %arg0, %mul3A_128 : i32
      %add3A_130 = arith.addi %mul3A_129, %mul3A_112 : i32
      %dma_wait3A_131 = tpu.memref_slice %arg8[%add3A_130] : memref<20000xf32, #tpu.memory_space<hbm>> -> memref<640xf32, #tpu.memory_space<hbm>>
      %dma_wait3A_132 = tpu.memref_slice %arg21[%mul3A_112] : memref<10240xf32, #tpu.memory_space<vmem_shared>> -> memref<640xf32, #tpu.memory_space<vmem_shared>>
      tpu.wait_dma2 semaphore(%arg25 : memref<!tpu.dma_semaphore, #tpu.memory_space<semaphore_mem>>) src(%dma_wait3A_132 : memref<640xf32, #tpu.memory_space<vmem_shared>>) dst(%dma_wait3A_131 : memref<640xf32, #tpu.memory_space<hbm>>)
    } else {
    }
    %eq3A = arith.constant 15 : i32
    %eq3A_107 = arith.cmpi eq, %arg1, %eq3A : i32
    %convert_element_type3A_108 = arith.extui %eq3A_107 : i1 to i32
    %cond3A_109 = arith.constant 0 : i32
    %cond3A_110 = arith.cmpi ne, %convert_element_type3A_108, %cond3A_109 : i32
    scf.if %cond3A_110 {
      %mul3A_111 = arith.constant 640 : i32
      %mul3A_112 = arith.muli %arg1, %mul3A_111 : i32
      %dma_start3A_113 = arith.constant 0 : i32
      %dma_start3A_114 = tpu.memref_slice %arg7[%arg0, %mul3A_112, %dma_start3A_113] : memref<2x10000x128xf32, #tpu.memory_space<hbm>> -> memref<1x400x128xf32, #tpu.memory_space<hbm>>
      %dma_start3A_115 = tpu.memref_squeeze %dma_start3A_114 : memref<1x400x128xf32, #tpu.memory_space<hbm>> -> memref<400x128xf32, #tpu.memory_space<hbm>>
      %dma_start3A_116 = arith.constant 0 : i32
      %dma_start3A_117 = tpu.memref_slice %arg20[%mul3A_112, %dma_start3A_116] : memref<10240x128xf32, #tpu.memory_space<vmem_shared>> -> memref<400x128xf32, #tpu.memory_space<vmem_shared>>
      tpu.enqueue_dma source(%dma_start3A_117 : memref<400x128xf32, #tpu.memory_space<vmem_shared>>) target(%dma_start3A_115 : memref<400x128xf32, #tpu.memory_space<hbm>>) target_semaphore(%arg24 : memref<!tpu.dma_semaphore, #tpu.memory_space<semaphore_mem>>)
      %mul3A_118 = arith.constant 10000 : i32
      %mul3A_119 = arith.muli %arg0, %mul3A_118 : i32
      %add3A_120 = arith.addi %mul3A_119, %mul3A_112 : i32
      %dma_start3A_121 = tpu.memref_slice %arg8[%add3A_120] : memref<20000xf32, #tpu.memory_space<hbm>> -> memref<400xf32, #tpu.memory_space<hbm>>
      %dma_start3A_122 = tpu.memref_slice %arg21[%mul3A_112] : memref<10240xf32, #tpu.memory_space<vmem_shared>> -> memref<400xf32, #tpu.memory_space<vmem_shared>>
      tpu.enqueue_dma source(%dma_start3A_122 : memref<400xf32, #tpu.memory_space<vmem_shared>>) target(%dma_start3A_121 : memref<400xf32, #tpu.memory_space<hbm>>) target_semaphore(%arg25 : memref<!tpu.dma_semaphore, #tpu.memory_space<semaphore_mem>>)
      %dma_wait3A_123 = arith.constant 0 : i32
      %dma_wait3A_124 = tpu.memref_slice %arg7[%arg0, %mul3A_112, %dma_wait3A_123] : memref<2x10000x128xf32, #tpu.memory_space<hbm>> -> memref<1x400x128xf32, #tpu.memory_space<hbm>>
      %dma_wait3A_125 = tpu.memref_squeeze %dma_wait3A_124 : memref<1x400x128xf32, #tpu.memory_space<hbm>> -> memref<400x128xf32, #tpu.memory_space<hbm>>
      %dma_wait3A_126 = arith.constant 0 : i32
      %dma_wait3A_127 = tpu.memref_slice %arg20[%mul3A_112, %dma_wait3A_126] : memref<10240x128xf32, #tpu.memory_space<vmem_shared>> -> memref<400x128xf32, #tpu.memory_space<vmem_shared>>
      tpu.wait_dma2 semaphore(%arg24 : memref<!tpu.dma_semaphore, #tpu.memory_space<semaphore_mem>>) src(%dma_wait3A_127 : memref<400x128xf32, #tpu.memory_space<vmem_shared>>) dst(%dma_wait3A_125 : memref<400x128xf32, #tpu.memory_space<hbm>>)
      %mul3A_128 = arith.constant 10000 : i32
      %mul3A_129 = arith.muli %arg0, %mul3A_128 : i32
      %add3A_130 = arith.addi %mul3A_129, %mul3A_112 : i32
      %dma_wait3A_131 = tpu.memref_slice %arg8[%add3A_130] : memref<20000xf32, #tpu.memory_space<hbm>> -> memref<400xf32, #tpu.memory_space<hbm>>
      %dma_wait3A_132 = tpu.memref_slice %arg21[%mul3A_112] : memref<10240xf32, #tpu.memory_space<vmem_shared>> -> memref<400xf32, #tpu.memory_space<vmem_shared>>
      tpu.wait_dma2 semaphore(%arg25 : memref<!tpu.dma_semaphore, #tpu.memory_space<semaphore_mem>>) src(%dma_wait3A_132 : memref<400xf32, #tpu.memory_space<vmem_shared>>) dst(%dma_wait3A_131 : memref<400xf32, #tpu.memory_space<hbm>>)
    } else {
    }
    return
  }
}

module attributes {stable_mosaic.version = 14 : i64} {
  func.func @_proj_body(%arg0: i32, %arg1: memref<1000x128xf32, #tpu.memory_space<vmem>>, %arg2: memref<1000x128xf32, #tpu.memory_space<vmem>>, %arg3: memref<128x128xf32, #tpu.memory_space<vmem>>, %arg4: memref<128x128xf32, #tpu.memory_space<vmem>>, %arg5: memref<256x1xf32, #tpu.memory_space<vmem>>, %arg6: memref<1000x64xi32, #tpu.memory_space<vmem>>, %arg7: memref<1000x1xf32, #tpu.memory_space<vmem>>, %arg8: memref<1000x1xf32, #tpu.memory_space<vmem>>) attributes {dimension_semantics = [#tpu.dimension_semantics<arbitrary>], iteration_bounds = array<i64: 10>, scalar_prefetch = 0 : i64, scratch_operands = 0 : i64, tpu.core_type = #tpu.core_type<tc>, window_params = [{transform_indices = @transform_0, window_bounds = array<i64: 1000, 128>}, {transform_indices = @transform_1, window_bounds = array<i64: 1000, 128>}, {pipeline_mode = #tpu.pipeline_mode<synchronous>, transform_indices = @transform_2, window_bounds = array<i64: 128, 128>}, {pipeline_mode = #tpu.pipeline_mode<synchronous>, transform_indices = @transform_3, window_bounds = array<i64: 128, 128>}, {pipeline_mode = #tpu.pipeline_mode<synchronous>, transform_indices = @transform_4, window_bounds = array<i64: 256, 1>}, {transform_indices = @transform_5, window_bounds = array<i64: 1000, 64>}, {transform_indices = @transform_6, window_bounds = array<i64: 1000, 1>}, {transform_indices = @transform_7, window_bounds = array<i64: 1000, 1>}]} {
    %get3A = arith.constant 0 : index
    %get3A_0 = arith.constant 0 : index
    %get3A_1 = vector.load %arg5[%get3A, %get3A_0] : memref<256x1xf32, #tpu.memory_space<vmem>>, vector<128x1xf32>
    %get3A_2 = arith.constant 128 : index
    %get3A_3 = arith.constant 0 : index
    %get3A_4 = vector.load %arg5[%get3A_2, %get3A_3] : memref<256x1xf32, #tpu.memory_space<vmem>>, vector<128x1xf32>
    %get3A_5 = arith.constant 0 : index
    %get3A_6 = arith.constant 0 : index
    %get3A_7 = vector.load %arg2[%get3A_5, %get3A_6] : memref<1000x128xf32, #tpu.memory_space<vmem>>, vector<1000x128xf32>
    %get3A_8 = arith.constant 0 : index
    %get3A_9 = arith.constant 0 : index
    %get3A_10 = vector.load %arg4[%get3A_8, %get3A_9] : memref<128x128xf32, #tpu.memory_space<vmem>>, vector<128x128xf32>
    %dot_general3A = arith.constant dense<0.000000e+00> : vector<1000x128xf32>
    %dot_general3A_11 = tpu.matmul %get3A_7, %get3A_10, %dot_general3A {dimension_numbers = #tpu.dot_dimension_numbers<[1], [0], [0], [1], [0, 0, 1, 1], [], []>, transpose_lhs_hint = false} : vector<1000x128xf32>, vector<128x128xf32>, vector<1000x128xf32> -> vector<1000x128xf32>
    %convert_element_type3A = arith.truncf %dot_general3A_11 : vector<1000x128xf32> to vector<1000x128xbf16>
    %convert_element_type3A_12 = arith.extf %convert_element_type3A : vector<1000x128xbf16> to vector<1000x128xf32>
    %bitcast_convert_type3A = tpu.bitcast %convert_element_type3A_12 : vector<1000x128xf32> -> vector<1000x128xi32>
    %shift_right_logical3A = arith.constant 16 : i32
    %shift_right_logical3A_13 = vector.broadcast %shift_right_logical3A : i32 to vector<1000x128xi32>
    %shift_right_logical3A_14 = arith.shrui %bitcast_convert_type3A, %shift_right_logical3A_13 : vector<1000x128xi32>
    %slice3A = vector.extract_strided_slice %shift_right_logical3A_14 {offsets = [0, 0], sizes = [1000, 64], strides = [1, 1]} : vector<1000x128xi32> to vector<1000x64xi32>
    %slice3A_15 = vector.extract_strided_slice %shift_right_logical3A_14 {offsets = [0, 64], sizes = [1000, 64], strides = [1, 1]} : vector<1000x128xi32> to vector<1000x64xi32>
    %shift_left3A = arith.constant 16 : i32
    %shift_left3A_16 = vector.broadcast %shift_left3A : i32 to vector<1000x64xi32>
    %shift_left3A_17 = arith.shli %slice3A_15, %shift_left3A_16 : vector<1000x64xi32>
    %or3A = arith.ori %slice3A, %shift_left3A_17 : vector<1000x64xi32>
    %swap3A = arith.constant 0 : index
    %swap3A_18 = arith.constant 0 : index
    %swap3A_19 = vector.load %arg6[%swap3A, %swap3A_18] : memref<1000x64xi32, #tpu.memory_space<vmem>>, vector<1000x64xi32>
    tpu.vector_store %arg6[%swap3A, %swap3A_18], %or3A {strides = array<i32>} : memref<1000x64xi32, #tpu.memory_space<vmem>>, vector<1000x64xi32>,
    %get3A_20 = arith.constant 0 : index
    %get3A_21 = arith.constant 0 : index
    %get3A_22 = vector.load %arg1[%get3A_20, %get3A_21] : memref<1000x128xf32, #tpu.memory_space<vmem>>, vector<1000x128xf32>
    %get3A_23 = arith.constant 0 : index
    %get3A_24 = arith.constant 0 : index
    %get3A_25 = vector.load %arg3[%get3A_23, %get3A_24] : memref<128x128xf32, #tpu.memory_space<vmem>>, vector<128x128xf32>
    %dot_general3A_26 = arith.constant dense<0.000000e+00> : vector<1000x128xf32>
    %dot_general3A_27 = tpu.matmul %get3A_22, %get3A_25, %dot_general3A_26 {dimension_numbers = #tpu.dot_dimension_numbers<[1], [0], [0], [1], [0, 0, 1, 1], [], []>, transpose_lhs_hint = false} : vector<1000x128xf32>, vector<128x128xf32>, vector<1000x128xf32> -> vector<1000x128xf32>
    %dot_general3A_28 = arith.constant dense<0.000000e+00> : vector<1000x1xf32>
    %dot_general3A_29 = tpu.matmul %dot_general3A_27, %get3A_1, %dot_general3A_28 {dimension_numbers = #tpu.dot_dimension_numbers<[1], [0], [0], [1], [0, 0, 1, 1], [], []>, transpose_lhs_hint = false} : vector<1000x128xf32>, vector<128x1xf32>, vector<1000x1xf32> -> vector<1000x1xf32>
    %swap3A_30 = arith.constant 0 : index
    %swap3A_31 = arith.constant 0 : index
    %swap3A_32 = vector.load %arg7[%swap3A_30, %swap3A_31] : memref<1000x1xf32, #tpu.memory_space<vmem>>, vector<1000x1xf32>
    tpu.vector_store %arg7[%swap3A_30, %swap3A_31], %dot_general3A_29 {strides = array<i32>} : memref<1000x1xf32, #tpu.memory_space<vmem>>, vector<1000x1xf32>,
    %dot_general3A_33 = arith.constant dense<0.000000e+00> : vector<1000x1xf32>
    %dot_general3A_34 = tpu.matmul %dot_general3A_11, %get3A_4, %dot_general3A_33 {dimension_numbers = #tpu.dot_dimension_numbers<[1], [0], [0], [1], [0, 0, 1, 1], [], []>, transpose_lhs_hint = false} : vector<1000x128xf32>, vector<128x1xf32>, vector<1000x1xf32> -> vector<1000x1xf32>
    %swap3A_35 = arith.constant 0 : index
    %swap3A_36 = arith.constant 0 : index
    %swap3A_37 = vector.load %arg8[%swap3A_35, %swap3A_36] : memref<1000x1xf32, #tpu.memory_space<vmem>>, vector<1000x1xf32>
    tpu.vector_store %arg8[%swap3A_35, %swap3A_36], %dot_general3A_34 {strides = array<i32>} : memref<1000x1xf32, #tpu.memory_space<vmem>>, vector<1000x1xf32>,
    return
  }
  func.func @transform_0(%arg0: i32) -> (i32, i32) {
    %c0_i32 = arith.constant 0 : i32
    %c0_i32_0 = arith.constant 0 : i32
    return %arg0, %c0_i32 : i32, i32
  }
  func.func @transform_1(%arg0: i32) -> (i32, i32) {
    %c0_i32 = arith.constant 0 : i32
    %c0_i32_0 = arith.constant 0 : i32
    return %arg0, %c0_i32 : i32, i32
  }
  func.func @transform_2(%arg0: i32) -> (i32, i32) {
    %c0_i32 = arith.constant 0 : i32
    %c0_i32_0 = arith.constant 0 : i32
    %c0_i32_1 = arith.constant 0 : i32
    return %c0_i32, %c0_i32_0 : i32, i32
  }
  func.func @transform_3(%arg0: i32) -> (i32, i32) {
    %c0_i32 = arith.constant 0 : i32
    %c0_i32_0 = arith.constant 0 : i32
    %c0_i32_1 = arith.constant 0 : i32
    return %c0_i32, %c0_i32_0 : i32, i32
  }
  func.func @transform_4(%arg0: i32) -> (i32, i32) {
    %c0_i32 = arith.constant 0 : i32
    %c0_i32_0 = arith.constant 0 : i32
    %c0_i32_1 = arith.constant 0 : i32
    return %c0_i32, %c0_i32_0 : i32, i32
  }
  func.func @transform_5(%arg0: i32) -> (i32, i32) {
    %c0_i32 = arith.constant 0 : i32
    %c0_i32_0 = arith.constant 0 : i32
    return %arg0, %c0_i32 : i32, i32
  }
  func.func @transform_6(%arg0: i32) -> (i32, i32) {
    %c0_i32 = arith.constant 0 : i32
    %c0_i32_0 = arith.constant 0 : i32
    return %arg0, %c0_i32 : i32, i32
  }
  func.func @transform_7(%arg0: i32) -> (i32, i32) {
    %c0_i32 = arith.constant 0 : i32
    %c0_i32_0 = arith.constant 0 : i32
    return %arg0, %c0_i32 : i32, i32
  }
}

module attributes {stable_mosaic.version = 14 : i64} {
  func.func @_combine_body(%arg0: i32, %arg1: memref<2x1000x128xf32, #tpu.memory_space<vmem>>, %arg2: memref<2x1000x1xf32, #tpu.memory_space<vmem>>, %arg3: memref<1000x128xf32, #tpu.memory_space<vmem>>) attributes {dimension_semantics = [#tpu.dimension_semantics<arbitrary>], iteration_bounds = array<i64: 10>, scalar_prefetch = 0 : i64, scratch_operands = 0 : i64, tpu.core_type = #tpu.core_type<tc>, window_params = [{transform_indices = @transform_0, window_bounds = array<i64: 2, 1000, 128>}, {transform_indices = @transform_1, window_bounds = array<i64: 2, 1000, 1>}, {transform_indices = @transform_2, window_bounds = array<i64: 1000, 128>}]} {
    %get3A = arith.constant 0 : index
    %get3A_0 = arith.constant 0 : index
    %get3A_1 = arith.constant 0 : index
    %get3A_2 = vector.load %arg2[%get3A, %get3A_0, %get3A_1] : memref<2x1000x1xf32, #tpu.memory_space<vmem>>, vector<1x1000x1xf32>
    %get3A_3 = vector.shape_cast %get3A_2 : vector<1x1000x1xf32> to vector<1000x1xf32>
    %get3A_4 = arith.constant 1 : index
    %get3A_5 = arith.constant 0 : index
    %get3A_6 = arith.constant 0 : index
    %get3A_7 = vector.load %arg2[%get3A_4, %get3A_5, %get3A_6] : memref<2x1000x1xf32, #tpu.memory_space<vmem>>, vector<1x1000x1xf32>
    %get3A_8 = vector.shape_cast %get3A_7 : vector<1x1000x1xf32> to vector<1000x1xf32>
    %add3A = arith.addf %get3A_3, %get3A_8 : vector<1000x1xf32>
    %add3A_9 = arith.constant 9.99999993E-9 : f32
    %add3A_10 = vector.broadcast %add3A_9 : f32 to vector<1000x1xf32>
    %add3A_11 = arith.addf %add3A, %add3A_10 : vector<1000x1xf32>
    %get3A_12 = arith.constant 0 : index
    %get3A_13 = arith.constant 0 : index
    %get3A_14 = arith.constant 0 : index
    %get3A_15 = vector.load %arg1[%get3A_12, %get3A_13, %get3A_14] : memref<2x1000x128xf32, #tpu.memory_space<vmem>>, vector<1x1000x128xf32>
    %get3A_16 = vector.shape_cast %get3A_15 : vector<1x1000x128xf32> to vector<1000x128xf32>
    %get3A_17 = arith.constant 1 : index
    %get3A_18 = arith.constant 0 : index
    %get3A_19 = arith.constant 0 : index
    %get3A_20 = vector.load %arg1[%get3A_17, %get3A_18, %get3A_19] : memref<2x1000x128xf32, #tpu.memory_space<vmem>>, vector<1x1000x128xf32>
    %get3A_21 = vector.shape_cast %get3A_20 : vector<1x1000x128xf32> to vector<1000x128xf32>
    %add3A_22 = arith.addf %get3A_16, %get3A_21 : vector<1000x128xf32>
    %div3A = vector.broadcast %add3A_11 : vector<1000x1xf32> to vector<1000x128xf32>
    %div3A_23 = arith.divf %add3A_22, %div3A : vector<1000x128xf32>
    %gt3A = arith.constant 0.000000e+00 : f32
    %gt3A_24 = vector.broadcast %gt3A : f32 to vector<1000x128xf32>
    %gt3A_25 = arith.cmpf ogt, %div3A_23, %gt3A_24 : vector<1000x128xf32>
    %exp3A = math.exp %div3A_23 : vector<1000x128xf32>
    %sub3A = arith.constant 1.000000e+00 : f32
    %sub3A_26 = vector.broadcast %sub3A : f32 to vector<1000x128xf32>
    %sub3A_27 = arith.subf %exp3A, %sub3A_26 : vector<1000x128xf32>
    %select_n3A = arith.select %gt3A_25, %div3A_23, %sub3A_27 : vector<1000x128xi1>, vector<1000x128xf32>
    %swap3A = arith.constant 0 : index
    %swap3A_28 = arith.constant 0 : index
    %swap3A_29 = vector.load %arg3[%swap3A, %swap3A_28] : memref<1000x128xf32, #tpu.memory_space<vmem>>, vector<1000x128xf32>
    tpu.vector_store %arg3[%swap3A, %swap3A_28], %select_n3A {strides = array<i32>} : memref<1000x128xf32, #tpu.memory_space<vmem>>, vector<1000x128xf32>,
    return
  }
  func.func @transform_0(%arg0: i32) -> (i32, i32, i32) {
    %c0_i32 = arith.constant 0 : i32
    %c0_i32_0 = arith.constant 0 : i32
    %c0_i32_1 = arith.constant 0 : i32
    return %c0_i32, %arg0, %c0_i32_0 : i32, i32, i32
  }
  func.func @transform_1(%arg0: i32) -> (i32, i32, i32) {
    %c0_i32 = arith.constant 0 : i32
    %c0_i32_0 = arith.constant 0 : i32
    %c0_i32_1 = arith.constant 0 : i32
    return %c0_i32, %arg0, %c0_i32_0 : i32, i32, i32
  }
  func.func @transform_2(%arg0: i32) -> (i32, i32) {
    %c0_i32 = arith.constant 0 : i32
    %c0_i32_0 = arith.constant 0 : i32
    return %arg0, %c0_i32 : i32, i32
  }
}

</mosaic_0001>

<sc_bundles>
// kernel: kernel.5.cloned.1.call-start
scs
__scs_entry_jumppad:
0x0: {  	(pc) =	sbr.rel $0x88, $3  }
0x1: {  	(tag) =	ssettag $0x0;
	lr =	simm.s32 $0x1  }
0x2: {  	[smem:$0x3F9B] =	sst lr;
	_ =	strace $0xD0000000  }
0x3: {  	_ = 	snop  }
0x4: {  	_ = 	snop  }
0x5: {  	_ = 	snop  }
0x6: {  	_ = 	snop  }
0x7: {  	_ = 	snop  }
__scs_overlays_trampoline_lowered:
0x8: {  	[smem:$0x3FAA] =	sst s0  }
0x9: {  	[smem:$0x3FAB] =	sst s1  }
0xa: {  	[smem:$0x3FAC] =	sst s2  }
0xb: {  	[smem:$0x3FAD] =	sst s3  }
0xc: {  	[smem:$0x3FAE] =	sst s4  }
0xd: {  	[smem:$0x3FAF] =	sst s5  }
0xe: {  	[smem:$0x3FB0] =	sst s6  }
0xf: {  	[smem:$0x3FB1] =	sst s7  }
0x10: {  	[smem:$0x3FB2] =	sst s8  }
0x11: {  	[smem:$0x3FB3] =	sst s9;
	s0 =	simm.s32 @!p0 $0x0  }
0x12: {  	s1 =	sld [smem:$0x3F99];
	s0 =	simm.s32 @p0 $0x1  }
0x13: {  	[smem:$0x3FB4] =	sst s0;
	s0 =	simm.s32 @!p1 $0x0  }
0x14: {  	s2 =	sld [smem:$0x3F98];
	s0 =	simm.s32 @p1 $0x1  }
0x15: {  	[smem:$0x3FB5] =	sst s0;
	s0 =	simm.s32 @!p2 $0x0  }
0x16: {  	s3 =	sld [smem:$0x3FDB];
	s0 =	simm.s32 @p2 $0x1  }
0x17: {  	s4 =	simm.s32 $0x1BF5;
	[smem:$0x3FB7] =	sst s0  }
0x18: {  	s0 =	sld [smem:$0x3F9A];
	_ =	swait.ge [sflag:s4], $0x0  }
0x19: {  	s7 =	sld [smem:$0x3F9B]  }
0x1a: {  	s8 =	sadd.s32 $0xFFFFE003, lr  }
0x1b: {  	s9 =	sadd.s32 $0xFFFFFEF7, lr;
	s5 =	simm.s32 $0xFFFFFFFF;
	p2 =	slt.u32 s8, $0xFFFFF086  }
0x1c: {  	p1 =	slt.u32 s9, $0xF7A;
	s5 =	simm.s32 @!p2 $0x0  }
0x1d: {  	s5 =	simm.s32 @p1 $0x1;
	p0 =	seq.s32 s7, s2  }
0x1e: {  	s7 =	smul.u32 @!p0 $0xF7A, s2;
	p2 =	seq.s32 @!p0 s5, $0x0  }
0x1f: {  	s9 =	smul.u32 $0xF7A, s1;
	s8 =	simm.s32 @!p0 $0x1BF5;
	p2 =	por !p2, p0  }
0x20: {  	[sflag:s8] =	ssyncset.s32 @!p0 $0xFFFFF086;
	s6 =	sadd.s32 @!p0 s3, s7;
	s7 =	simm.s32 @!p0 $0x108  }
0x21: {  	s3 =	sadd.s32 s3, s9;
	s6 =	sadd.s32 @!p0 $0x88, s6;
	s7 =	simm.s32 @p2 $0x1082  }
0x22: {  	[simem:s7], [sflag:s8] =	dma.local @!p0 [hbm:s6], $0xF7A  }
0x23: {  	s9 =	sor.u32 $0xD0000000, s2;
	s6 =	simm.s32 $0x108;
	_ =	swait.ge @!p0 [sflag:s8], $0x0  }
0x24: {  	s3 =	sadd.s32 $0x88, s3;
	s6 =	simm.s32 @!p1 $0x1082;
	[sflag:s4] =	ssyncset.s32 $0xFFFFF086  }
0x25: {  	[simem:s6], [sflag:s4] =	dma.local [hbm:s3], $0xF7A  }
0x26: {  	[smem:$0x3F9B] =	sst s1;
	(tag) =	ssettag s2;
	_ =	strace s9  }
0x27: {  	s1 =	sld [smem:$0x3FAB]  }
0x28: {  	s2 =	sld [smem:$0x3FAC]  }
0x29: {  	s4 =	sld [smem:$0x3FAE]  }
0x2a: {  	p0 =	seq.s32 s5, $0x0;
	s5 =	sld [smem:$0x3FAF]  }
0x2b: {  	s6 =	sld [smem:$0x3FB0]  }
0x2c: {  	s7 =	sld [smem:$0x3FB1]  }
0x2d: {  	s3 =	simm.s32 $0x108;
	s8 =	sld [smem:$0x3FB2]  }
0x2e: {  	s3 =	simm.s32 @!p0 $0x1082;
	s9 =	sld [smem:$0x3FB3]  }
0x2f: {  	lr =	sadd.s32 s0, s3;
	s0 =	sld [smem:$0x3FAA]  }
0x30: {  	s3 =	sld [smem:$0x3FAD]  }
0x31: {  	[smem:$0x3FB6] =	sst s10  }
0x32: {  	s10 =	sld [smem:$0x3FB4];
	_ =	sdelay $0x3  }
0x33: {  	p0 =	seq.s32 s10, $0x1;
	s10 =	sld [smem:$0x3FB6];
	_ =	sdelay $0x3  }
0x34: {  	[smem:$0x3FB6] =	sst s10  }
0x35: {  	s10 =	sld [smem:$0x3FB5];
	_ =	sdelay $0x3  }
0x36: {  	p1 =	seq.s32 s10, $0x1;
	s10 =	sld [smem:$0x3FB6];
	_ =	sdelay $0x3  }
0x37: {  	[smem:$0x3FB6] =	sst s10  }
0x38: {  	s10 =	sld [smem:$0x3FB7]  }
0x39: {  	_ = 	snop;
	(pc) =	sbr.ind lr, $3  }
0x3a: {  	_ = 	snop  }
0x3b: {  	_ = 	snop  }
0x3c: {  	p2 =	seq.s32 s10, $0x1;
	s10 =	sld [smem:$0x3FB6]  }
0x3d: {  	_ =	shalt  }
0x3e: {  	_ =	shalt  }
0x3f: {  	_ =	shalt  }
0x40: {  	_ =	shalt  }
0x41: {  	_ =	shalt  }
0x42: {  	_ =	shalt  }
0x43: {  	_ =	shalt  }
0x44: {  	_ =	shalt  }
0x45: {  	_ =	shalt  }
0x46: {  	_ =	shalt  }
0x47: {  	_ =	shalt  }
0x48: {  	_ =	shalt  }
0x49: {  	_ =	shalt  }
0x4a: {  	_ =	shalt  }
0x4b: {  	_ =	shalt  }
0x4c: {  	_ =	shalt  }
0x4d: {  	_ =	shalt  }
0x4e: {  	_ =	shalt  }
0x4f: {  	_ =	shalt  }
0x50: {  	_ =	shalt  }
0x51: {  	_ =	shalt  }
0x52: {  	_ =	shalt  }
0x53: {  	_ =	shalt  }
0x54: {  	_ =	shalt  }
0x55: {  	_ =	shalt  }
0x56: {  	_ =	shalt  }
0x57: {  	_ =	shalt  }
0x58: {  	_ =	shalt  }
0x59: {  	_ =	shalt  }
0x5a: {  	_ =	shalt  }
0x5b: {  	_ =	shalt  }
0x5c: {  	_ =	shalt  }
0x5d: {  	_ =	shalt  }
0x5e: {  	_ =	shalt  }
0x5f: {  	_ =	shalt  }
0x60: {  	_ =	shalt  }
0x61: {  	_ =	shalt  }
0x62: {  	_ =	shalt  }
0x63: {  	_ =	shalt  }
0x64: {  	_ =	shalt  }
0x65: {  	_ =	shalt  }
0x66: {  	_ =	shalt  }
0x67: {  	_ =	shalt  }
0x68: {  	_ =	shalt  }
0x69: {  	_ =	shalt  }
0x6a: {  	_ =	shalt  }
0x6b: {  	_ =	shalt  }
0x6c: {  	_ =	shalt  }
0x6d: {  	_ =	shalt  }
0x6e: {  	_ =	shalt  }
0x6f: {  	_ =	shalt  }
0x70: {  	_ =	shalt  }
0x71: {  	_ =	shalt  }
0x72: {  	_ =	shalt  }
0x73: {  	_ =	shalt  }
0x74: {  	_ =	shalt  }
0x75: {  	_ =	shalt  }
0x76: {  	_ =	shalt  }
0x77: {  	_ =	shalt  }
0x78: {  	_ =	shalt  }
0x79: {  	_ =	shalt  }
0x7a: {  	_ =	shalt  }
0x7b: {  	_ =	shalt  }
0x7c: {  	_ =	shalt  }
0x7d: {  	_ =	shalt  }
0x7e: {  	_ =	shalt  }
0x7f: {  	_ =	shalt  }
0x80: {  	_ =	shalt  }
0x81: {  	_ =	shalt  }
0x82: {  	_ =	shalt  }
0x83: {  	_ =	shalt  }
0x84: {  	_ =	shalt  }
0x85: {  	_ =	shalt  }
0x86: {  	_ =	shalt  }
0x87: {  	_ =	shalt  }
.Lfunc_end0:
.L_simem_size_0:
called_computation_lowered:
.L_overlay_start_0:
0x88: {  	s2 =	sld [smem:$0x3FD9]  }
0x89: {  	s3 =	sld [smem:$0x3FFE];
	_ =	sdelay $0x1  }
0x8a: {  	s1 =	srdreg.scid  }
0x8b: {  	s0 =	sand.u32 $0x1, s1  }
0x8c: {  	s17 =	sshll.u32 s0, $0xA;
	s2 =	sadd.s32 s3, s2  }
0x8d: {  	s2 =	sadd.s32 s2, s17  }
0x8e: {  	[smem:$0x3FC2] =	sst s2  }
0x8f: {  	_ = 	snop  }
0x90: {  	s2 =	sld [smem:$0x3FD0];
	(tm) =	ssettm $0x1  }
0x91: {  	s18 =	sld [smem:$0x3FFB];
	_ =	sdelay $0x3  }
0x92: {  	_ =	strace s18  }
0x93: {  	s3 =	sld [smem:$0x3FFC];
	_ =	sdelay $0x3  }
0x94: {  	_ =	strace s3  }
0x95: {  	s3 =	sld [smem:$0x3FFD];
	_ =	sdelay $0x3  }
0x96: {  	_ =	strace s3  }
0x97: {  	_ =	strace $0x8FFFFFFF  }
0x98: {  	s19 =	sld [smem:$0x3FDB];
	_ =	sdelay $0x1  }
0x99: {  	s4 =	simm.s32 $_scs_section_size  }
0x9a: {  	s5 =	simm.s32 $_size__tile_overlayer_lowered;
	s6 =	simm.s32 $_tile_overlayer_lowered  }
0x9b: {  	s22 =	simm.s32 $0x1BFF;
	s21 =	sshll.u32 s6, $0x1;
	s3 =	sadd.s32 s4, s19  }
0x9c: {  	s7 =	simm.s32 $0x0;
	s20 =	sshll.u32 s5, $0x1;
	s5 =	sadd.s32 s21, s3  }
0x9d: {  	[timem:s7], [sflag:s22] =	dma.local [hbm:s5], s20  }
0x9e: {  	_ =	swait.ge [sflag:s22], s20  }
0x9f: {  	s4 =	ssub.s32 $0x0, s20;
	[sflag:s22] =	ssyncset.done $0x0  }
0xa0: {  	[sflag:s22] =	ssyncadd.s32 s4;
	_ =	sdelay $0x1  }
0xa1: {  	s23 =	simm.s32 $0x1B8B  }
0xa2: {  	_ =	swait.ge [sflag:s23], $0x1  }
0xa3: {  	[sflag:s23] =	ssyncset.done $0x0  }
0xa4: {  	s25 =	simm.s32 $0x1B8E;
	s24 =	sld [smem:$0x3FFE];
	[sflag:s23] =	ssyncadd.s32 $0xFFFFFFFF  }
0xa5: {  	s26 =	simm.s32 $execute0_lowered;
	[smem:$0x3FD2] =	sst s25  }
0xa6: {  	s5 =	sshll.u32 s26, $0x1;
	_ =	strace $0x80000046;
	[dreg:$0x1] =	wrdreg $0xFFFFFFFF  }
0xa7: {  	s28 =	simm.s32 $_size_execute0_lowered;
	s3 =	sadd.s32 s3, s5;
	[dreg:$0x0] =	wrdreg $0x0  }
0xa8: {  	s5 =	sshll.u32 s28, $0x1;
	[dreg:$0x2] =	wrdreg s3  }
0xa9: {  	[dreg:$0x3] =	wrdreg s5  }
0xaa: {  	[dreg:$0x4] =	wrdreg $0xC0  }
0xab: {  	_ =	task [dreg:s7], $0x5FFFF  }
0xac: {  	[dreg:$0x1] =	wrdreg $0xFFFFFFFF  }
0xad: {  	[dreg:$0x0] =	wrdreg $0x60  }
0xae: {  	[dreg:$0x2] =	wrdreg s24  }
0xaf: {  	[dreg:$0x3] =	wrdreg s2  }
0xb0: {  	[dreg:$0x4] =	wrdreg $0xB0900  }
0xb1: {  	[dreg:$0x5] =	wrdreg $0x1F0900  }
0xb2: {  	[dreg:$0x6] =	wrdreg $0x9  }
0xb3: {  	_ =	task.clear_ibuf [dreg:s7], $0x7FFFF;
	_ =	strace $0x90000046  }
0xb4: {  	s29 =	simm.s32 $0x9;
	_ =	strace $0x80000048  }
0xb5: {  	_ =	swait.ge [sflag:s29], $0x1  }
0xb6: {  	[sflag:s29] =	ssyncadd.s32 $0xFFFFFFFF  }
0xb7: {  	_ =	strace $0x90000048  }
0xb8: {  	_ =	sfence  }
0xb9: {  	s30 =	sld [smem:$0x0];
	_ =	sdelay $0x2  }
0xba: {  	s31 =	sshll.u32 s1, $0xD;
	s1 =	sshrl.u32 s1, $0x2  }
0xbb: {  	s3 =	sand.u32 $0x4000, s31;
	s1 =	sadd.s32 s1, s30  }
0xbc: {  	s0 =	sor.u32 s3, s0;
	s1 =	sshll.u32 s1, $0x11  }
0xbd: {  	s0 =	sor.u32 s1, s0  }
0xbe: {  	s0 =	sadd.s32 $0x8F2B, s0  }
0xbf: {  	[sflag:s0] =	ssyncadd.remote.s32 $0x1  }
0xc0: {  	_ =	sfence.sel $0xFFFF  }
0xc1: {  	[dreg:$0x0] =	wrdreg $0xFFFFFFFF;
	(pc) =	sbr.abs _section_cstart, $3  }
0xc2: {  	[dreg:$0x1] =	wrdreg $0xFFFFFFFF  }
0xc3: {  	_ =	task.clear_ibuf [dreg:s7], $0x2FFFF;
	_ =	strace $0x9FFFFFFF  }
0xc4: {  	(tm) =	ssettm $0x7FFFFFFF  }
0xc5: {  	_ =	shalt  }
tec
execute0_lowered:
.L_overlay_start_1:
0x0: {  	(tag) =	ssettag $0x1  }
0x1: {  	s17 =	rddreg [dreg:$0x0]  }
0x2: {  	s2 =	rddreg [dreg:$0x1]  }
0x3: {  	s3 =	rddreg [dreg:$0x2];
	s6 =	simm.s32 $0x0;
	s0 =	srdreg.scid  }
0x4: {  	s18 =	stileid.u32;
	s29 =	simm.s32 $0x4EB0;
	s30 =	simm.s32 $0x4F70  }
0x5: {  	[smem:$0x7FF] =	sst s6;
	s0 =	sand.u32 $0x1, s0;
	s1 =	sshll.u32 s18, $0x1  }
0x6: {  	s7 =	sadd.s32 $0xA600, s17;
	s8 =	sadd.s32 $0x600, s17;
	s12 =	smul.u32 $0x280, s18  }
0x7: {  	s5 =	sadd.s32 $0x15600, s17;
	s10 =	sadd.s32 $0x14C00, s17;
	s16 =	smul.u32 $0x14000, s18  }
0x8: {  	s22 =	smul.u32 $0x50000, s18;
	p0 =	seq.s32 s18, $0xF;
	s18 =	simm.s32 $0x8090  }
0x9: {  	s4 =	rddreg [dreg:$0x3];
	_ =	strace $0x80000047;
	s15 =	smul.u32 $0x138800, s0  }
0xa: {  	s1 =	sor.u32 s0, s1;
	s9 =	ssub.s32 $0x2, s0;
	s0 =	smul.u32 $0x2710, s0  }
0xb: {  	s1 =	smul.u32 $0x27C0, s1;
	s11 =	sshrl.u32 s9, $0x1;
	s23 =	sor.u32 $0x50, s12  }
0xc: {  	s9 =	ssub.s32 s9, s11;
	s31 =	sadd.s32 s16, s15;
	s20 =	sadd.s32 s12, s0  }
0xd: {  	s21 =	sshrl.u32 s15, $0x3;
	s0 =	sshrl.u32 s0, $0x3;
	s24 =	sshrl.u32 s1, $0x3  }
0xe: {  	s14 =	sadd.s32 $0x120, s1;
	s19 =	sshrl.u32 s31, $0x3;
	s0 =	sadd.s32 s10, s0  }
0xf: {  	s31 =	sadd.s32 $0xA0, s12;
	s13 =	sadd.s32 s7, s24;
	s25 =	sadd.s32 $0xC, s24  }
0x10: {  	s11 =	sadd.s32 s8, s24;
	s0 =	sadd.s32 $0x4B0, s0;
	[dreg:$0x5] =	wrdreg s13  }
0x11: {  	s24 =	smax.u32 s9, $0x1;
	s9 =	sshll.u32 s31, $0x7;
	[dreg:$0x6] =	wrdreg s11  }
0x12: {  	s26 =	sadd.s32 s7, s25;
	s28 =	sadd.s32 s8, s25;
	[dreg:$0xc] =	wrdreg s0  }
0x13: {  	s13 =	sadd.s32 $0xC0, s1;
	s1 =	sadd.s32 s5, s19;
	[dreg:$0xd] =	wrdreg s24  }
0x14: {  	s11 =	sshrl.u32 s20, $0x3;
	s5 =	sadd.s32 s5, s21;
	[dreg:$0x7] =	wrdreg s26  }
0x15: {  	s25 =	sshrl.u32 s22, $0x2;
	s0 =	sadd.s32 s23, s4;
	[dreg:$0x8] =	wrdreg s28  }
0x16: {  	s19 =	sadd.s32 $0x190, s12;
	s24 =	sadd.s32 $0x230, s12;
	[dreg:$0x9] =	wrdreg s1  }
0x17: {  	s1 =	sadd.s32 s16, s3;
	s11 =	sadd.s32 s10, s11;
	s5 =	sadd.s32 $0x25800, s5  }
0x18: {  	s26 =	sshll.u32 s23, $0x7;
	[dreg:$0x10] =	wrdreg s0;
	s10 =	sadd.s32 $0xF0, s12  }
0x19: {  	s0 =	sadd.s32 s9, s3;
	s16 =	sadd.s32 $0x140, s12;
	[dreg:$0xa] =	wrdreg s11  }
0x1a: {  	s21 =	sshll.u32 s19, $0x7;
	s23 =	sadd.s32 $0x1E0, s12;
	[dreg:$0xb] =	wrdreg s5  }
0x1b: {  	s5 =	sadd.s32 s25, s3;
	s28 =	sadd.s32 s26, s3;
	[dreg:$0x11] =	wrdreg s0  }
0x1c: {  	s11 =	sadd.s32 s31, s4;
	s15 =	sshll.u32 s10, $0x7;
	[dreg:$0xe] =	wrdreg s5  }
0x1d: {  	s9 =	sadd.s32 s10, s4;
	s20 =	sshll.u32 s16, $0x7;
	[dreg:$0xf] =	wrdreg s28  }
0x1e: {  	s22 =	sadd.s32 s21, s3;
	s25 =	sshll.u32 s23, $0x7;
	[dreg:$0x12] =	wrdreg s11  }
0x1f: {  	s26 =	sshll.u32 s24, $0x7;
	s31 =	sadd.s32 $0x14600, s17;
	[dreg:$0x14] =	wrdreg s9  }
0x20: {  	s17 =	simm.s32 $0x2740;
	s21 =	simm.s32 $0x4;
	[dreg:$0x17] =	wrdreg s22  }
0x21: {  	s10 =	simm.s32 $0x6;
	s0 =	sadd.s32 s15, s3;
	[smem:$0x7FD] =	sst s31  }
0x22: {  	s9 =	sadd.s32 s20, s3;
	s15 =	sadd.s32 s12, s4;
	[dreg:$0x13] =	wrdreg s0  }
0x23: {  	s5 =	sadd.s32 s19, s4;
	s28 =	sadd.s32 s26, s3;
	[dreg:$0x15] =	wrdreg s9  }
0x24: {  	s19 =	simm.s32 $0x4FD0;
	s20 =	simm.s32 $0x3;
	[dreg:$0x19] =	wrdreg s5  }
0x25: {  	s22 =	simm.s32 $0x1;
	s26 =	simm.s32 $0x60;
	[dreg:$0x1c] =	wrdreg s28  }
0x26: {  	s12 =	simm.s32 $0x0;
	s0 =	sadd.s32 s16, s4;
	[dreg:$0x18] =	wrdreg s15  }
0x27: {  	s5 =	sadd.s32 s25, s3;
	s9 =	sadd.s32 s24, s4;
	[dreg:$0x16] =	wrdreg s0  }
0x28: {  	s24 =	simm.s32 $0x4E50;
	[dreg:$0x1a] =	wrdreg s5;
	s0 =	sadd.s32 s23, s4  }
0x29: {  	s25 =	simm.s32 $0x4F10;
	[dreg:$0x1b] =	wrdreg s0;
	s0 =	sadd.s32 $0x12C000, s3  }
0x2a: {  	s5 =	sadd.s32 $0x2580, s4;
	[dreg:$0x1d] =	wrdreg s9;
	s0 =	sshrl.u32 @p0 s0, $0x3  }
0x2b: {  	s23 =	simm.s32 $0x2;
	[dreg:$0x1e] =	wrdreg s0;
	s0 =	sshrl.u32 @p0 s5, $0x3  }
0x2c: {  	v1 =	vimm.s32 $0x0;
	vm0 =	vcmask $0x300;
	s9 =	simm.s32 $0x5030;
	[dreg:$0x1f] =	wrdreg s0;
	s0 =	sshrl.u32 @!p0 s1, $0x3  }
0x2d: {  	v0 =	vimm.f32 $0.0e+00;
	v1 =	vsel vm0, $0x3, v1;
	s5 =	simm.s32 $0x5;
	s1 =	simm.s32 $0x7;
	[smem:$0x7FC] =	sst s0  }
.LBB2_1:
0x2e: {  	[smem:$0x7FB] =	sst s12;
	s11 =	simm.s32 $0x0;
	s12 =	simm.s32 $0x200  }
.LBB2_2:
0x2f: {  	p1 =	sne.s32 s12, $0xBE00;
	[tilespmem:s11+$0x8100] =	vst v0  }
0x30: {  	[tilespmem:s11+$0x8090] =	vst v0  }
0x31: {  	[tilespmem:s11+$0x80A0] =	vst v0  }
.Ltmp0:
0x32: {  	[tilespmem:s11+$0x80B0] =	vst v0;
	(pc) =	sbr.rel @p1 .LBB2_2-.Ltmp0, $4  }
0x33: {  	[tilespmem:s11+$0x80C0] =	vst v0  }
0x34: {  	[tilespmem:s11+$0x80D0] =	vst v0  }
0x35: {  	[tilespmem:s11+$0x80E0] =	vst v0  }
0x36: {  	[tilespmem:s11+$0x80F0] =	vst v0;
	s11 =	sshra.s32 s12, $0x2;
	s12 =	sadd.s32 $0x200, s12  }
0x37: {  	[tilespmem:s11+$0x8100] =	vst v0  }
0x38: {  	[tilespmem:s11+$0x8090] =	vst v0  }
0x39: {  	[tilespmem:s11+$0x80A0] =	vst v0  }
0x3a: {  	[tilespmem:s11+$0x80B0] =	vst v0  }
0x3b: {  	[tilespmem:s11+$0x80C0] =	vst v0  }
0x3c: {  	[tilespmem:s11+$0x80D0] =	vst v0  }
0x3d: {  	[tilespmem:s11+$0x80E0] =	vst v0  }
0x3e: {  	[tilespmem:s11+$0x80F0] =	vst v0  }
0x3f: {  	[tilespmem:$0x4FD0] =	vst v0  }
0x40: {  	[tilespmem:$0x4FE0] =	vst v0  }
0x41: {  	[tilespmem:$0x4FF0] =	vst v0  }
0x42: {  	s0 =	sld [smem:$0x7FD];
	[tilespmem:$0x5000] =	vst v0  }
0x43: {  	[tilespmem:$0x5010] =	vst v0  }
0x44: {  	s12 =	simm.s32 $0x0;
	[tilespmem:$0x5020] =	vst v0  }
0x45: {  	[tilespmem:s12], [sflag:$0x1] =	stream.linear.gather [hbm4b:s0+s12], $0x2740, $0x38;
	[tilespmem:$0x1F310] =	vst v63  }
0x46: {  	s31 =	rddreg [dreg:$0x0]  }
0x47: {  	[tilespmem:s17], [sflag:$0x2] =	stream.linear.gather [hbm4b:s31+s12], $0x2710, $0x38;
	[tilespmem:$0x1F310] =	vst v63  }
0x48: {  	s11 =	rddreg [dreg:$0xe]  }
0x49: {  	[spmem:s11] =	stream.linear.scatter [tilespmem:s18], [sflag:$0x3], $0x2800, $0x38;
	[tilespmem:$0x1F310] =	vst v63  }
0x4a: {  	_ = 	snop  }
0x4b: {  	[spmem:s15] =	stream.linear.scatter [tilespmem:s19], [sflag:$0x4], $0x50, $0x38;
	[tilespmem:$0x1F310] =	vst v63  }
0x4c: {  	s15 =	rddreg [dreg:$0xf]  }
0x4d: {  	[spmem:s15] =	stream.linear.scatter [tilespmem:s18], [sflag:$0x3], $0x2800, $0x38;
	[tilespmem:$0x1F310] =	vst v63  }
0x4e: {  	s16 =	rddreg [dreg:$0x10]  }
0x4f: {  	[spmem:s16] =	stream.linear.scatter [tilespmem:s19], [sflag:$0x4], $0x50, $0x38;
	[tilespmem:$0x1F310] =	vst v63  }
0x50: {  	s28 =	rddreg [dreg:$0x11]  }
0x51: {  	[spmem:s28] =	stream.linear.scatter [tilespmem:s18], [sflag:$0x3], $0x2800, $0x38;
	[tilespmem:$0x1F310] =	vst v63  }
0x52: {  	s31 =	rddreg [dreg:$0x12]  }
0x53: {  	[spmem:s31] =	stream.linear.scatter [tilespmem:s19], [sflag:$0x4], $0x50, $0x38;
	[tilespmem:$0x1F310] =	vst v63  }
0x54: {  	s11 =	rddreg [dreg:$0x13]  }
0x55: {  	[spmem:s11] =	stream.linear.scatter [tilespmem:s18], [sflag:$0x3], $0x2800, $0x38;
	[tilespmem:$0x1F310] =	vst v63  }
0x56: {  	s15 =	rddreg [dreg:$0x14]  }
0x57: {  	[spmem:s15] =	stream.linear.scatter [tilespmem:s19], [sflag:$0x4], $0x50, $0x38;
	[tilespmem:$0x1F310] =	vst v63  }
0x58: {  	s16 =	rddreg [dreg:$0x15]  }
0x59: {  	[spmem:s16] =	stream.linear.scatter [tilespmem:s18], [sflag:$0x3], $0x2800, $0x38;
	[tilespmem:$0x1F310] =	vst v63  }
0x5a: {  	s28 =	rddreg [dreg:$0x16]  }
0x5b: {  	[spmem:s28] =	stream.linear.scatter [tilespmem:s19], [sflag:$0x4], $0x50, $0x38;
	[tilespmem:$0x1F310] =	vst v63  }
0x5c: {  	s31 =	rddreg [dreg:$0x17]  }
0x5d: {  	[spmem:s31] =	stream.linear.scatter [tilespmem:s18], [sflag:$0x3], $0x2800, $0x38;
	[tilespmem:$0x1F310] =	vst v63  }
0x5e: {  	s11 =	rddreg [dreg:$0x19]  }
0x5f: {  	[spmem:s11] =	stream.linear.scatter [tilespmem:s19], [sflag:$0x4], $0x50, $0x38;
	[tilespmem:$0x1F310] =	vst v63  }
0x60: {  	s15 =	rddreg [dreg:$0x1a]  }
0x61: {  	[spmem:s15] =	stream.linear.scatter [tilespmem:s18], [sflag:$0x3], $0x2800, $0x38;
	[tilespmem:$0x1F310] =	vst v63  }
0x62: {  	s16 =	rddreg [dreg:$0x1b]  }
0x63: {  	[spmem:s16] =	stream.linear.scatter [tilespmem:s19], [sflag:$0x4], $0x50, $0x38;
	[tilespmem:$0x1F310] =	vst v63  }
0x64: {  	s28 =	rddreg [dreg:$0x1c]  }
0x65: {  	[spmem:s28] =	stream.linear.scatter [tilespmem:s18], [sflag:$0x3], $0x2800, $0x38;
	[tilespmem:$0x1F310] =	vst v63  }
0x66: {  	s31 =	rddreg [dreg:$0x1d]  }
0x67: {  	[spmem:s31] =	stream.linear.scatter [tilespmem:s19], [sflag:$0x4], $0x50, $0x38;
	[tilespmem:$0x1F310] =	vst v63  }
0x68: {  	_ =	swait.ge [sflag:s20], $0x2800  }
0x69: {  	[sflag:s20] =	ssyncset.done $0x0  }
0x6a: {  	[sflag:s20] =	ssyncadd.s32 $0xFFFFD800  }
0x6b: {  	_ =	swait.ge [sflag:s21], $0x50  }
0x6c: {  	[sflag:s21] =	ssyncset.done $0x0  }
0x6d: {  	[sflag:s21] =	ssyncadd.s32 $0xFFFFFFB0  }
0x6e: {  	_ =	swait.ge [sflag:s20], $0x2800  }
0x6f: {  	[sflag:s20] =	ssyncset.done $0x0  }
0x70: {  	[sflag:s20] =	ssyncadd.s32 $0xFFFFD800  }
0x71: {  	_ =	swait.ge [sflag:s21], $0x50  }
0x72: {  	[sflag:s21] =	ssyncset.done $0x0  }
0x73: {  	[sflag:s21] =	ssyncadd.s32 $0xFFFFFFB0  }
0x74: {  	_ =	swait.ge [sflag:s20], $0x2800  }
0x75: {  	[sflag:s20] =	ssyncset.done $0x0  }
0x76: {  	[sflag:s20] =	ssyncadd.s32 $0xFFFFD800  }
0x77: {  	_ =	swait.ge [sflag:s21], $0x50  }
0x78: {  	[sflag:s21] =	ssyncset.done $0x0  }
0x79: {  	[sflag:s21] =	ssyncadd.s32 $0xFFFFFFB0  }
0x7a: {  	_ =	swait.ge [sflag:s20], $0x2800  }
0x7b: {  	[sflag:s20] =	ssyncset.done $0x0  }
0x7c: {  	[sflag:s20] =	ssyncadd.s32 $0xFFFFD800  }
0x7d: {  	_ =	swait.ge [sflag:s21], $0x50  }
0x7e: {  	[sflag:s21] =	ssyncset.done $0x0  }
0x7f: {  	[sflag:s21] =	ssyncadd.s32 $0xFFFFFFB0  }
0x80: {  	_ =	swait.ge [sflag:s20], $0x2800  }
0x81: {  	[sflag:s20] =	ssyncset.done $0x0  }
0x82: {  	[sflag:s20] =	ssyncadd.s32 $0xFFFFD800  }
0x83: {  	_ =	swait.ge [sflag:s21], $0x50  }
0x84: {  	[sflag:s21] =	ssyncset.done $0x0  }
0x85: {  	[sflag:s21] =	ssyncadd.s32 $0xFFFFFFB0  }
0x86: {  	_ =	swait.ge [sflag:s20], $0x2800  }
0x87: {  	[sflag:s20] =	ssyncset.done $0x0  }
0x88: {  	[sflag:s20] =	ssyncadd.s32 $0xFFFFD800  }
0x89: {  	_ =	swait.ge [sflag:s21], $0x50  }
0x8a: {  	[sflag:s21] =	ssyncset.done $0x0  }
0x8b: {  	[sflag:s21] =	ssyncadd.s32 $0xFFFFFFB0  }
0x8c: {  	_ =	swait.ge [sflag:s20], $0x2800  }
0x8d: {  	[sflag:s20] =	ssyncset.done $0x0  }
0x8e: {  	[sflag:s20] =	ssyncadd.s32 $0xFFFFD800  }
0x8f: {  	_ =	swait.ge [sflag:s21], $0x50  }
0x90: {  	[sflag:s21] =	ssyncset.done $0x0  }
0x91: {  	[sflag:s21] =	ssyncadd.s32 $0xFFFFFFB0  }
0x92: {  	_ =	swait.ge [sflag:s20], $0x2800  }
0x93: {  	[sflag:s20] =	ssyncset.done $0x0  }
0x94: {  	[sflag:s20] =	ssyncadd.s32 $0xFFFFD800  }
0x95: {  	_ =	swait.ge [sflag:s21], $0x50  }
0x96: {  	[sflag:s21] =	ssyncset.done $0x0  }
0x97: {  	[sflag:s21] =	ssyncadd.s32 $0xFFFFFFB0  }
0x98: {  	_ =	swait.ge [sflag:s22], $0x2740  }
0x99: {  	[sflag:s22] =	ssyncset.done $0x0  }
0x9a: {  	[sflag:s22] =	ssyncadd.s32 $0xFFFFD8C0  }
0x9b: {  	_ =	swait.ge [sflag:s23], $0x2710  }
0x9c: {  	[sflag:s23] =	ssyncset.done $0x0  }
0x9d: {  	[sflag:s23] =	ssyncadd.s32 $0xFFFFD8F0  }
0x9e: {  	[bflag:$0x0] =	sbarrier.arrive $0xFFFF  }
0x9f: {  	s11 =	rddreg [dreg:$0x5]  }
0xa0: {  	[tilespmem:s24], [sflag:$0x1] =	stream.linear.gather [hbm4b:s11+s12], $0x60, $0x38;
	[tilespmem:$0x1F310] =	vst v63  }
0xa1: {  	s15 =	rddreg [dreg:$0x6]  }
0xa2: {  	[tilespmem:s25], [sflag:$0x1] =	stream.linear.gather [hbm4b:s15+s12], $0x60, $0x38;
	[tilespmem:$0x1F310] =	vst v63  }
0xa3: {  	_ =	swait.ge [sflag:s22], $0x60  }
0xa4: {  	[sflag:s22] =	ssyncset.done $0x0  }
0xa5: {  	[sflag:s22] =	ssyncadd.s32 $0xFFFFFFA0  }
0xa6: {  	_ =	swait.ge [sflag:s22], $0x60  }
0xa7: {  	[sflag:s22] =	ssyncset.done $0x0  }
0xa8: {  	s16 =	simm.s32 $0x5090;
	[sflag:s22] =	ssyncadd.s32 $0xFFFFFFA0  }
0xa9: {  	[tilespmem:s16], [sflag:$0x3] =	stream.indirect.gather [hbm4b:s2+s26], $0x40, s25, s26, $0xb8;
	[tilespmem:$0x1F310] =	vst v63  }
0xaa: {  	s28 =	rddreg [dreg:$0x7]  }
0xab: {  	[tilespmem:s29], [sflag:$0x2] =	stream.linear.gather [hbm4b:s28+s12], $0x60, $0x38;
	[tilespmem:$0x1F310] =	vst v63  }
0xac: {  	s15 =	simm.s32 $0x0;
	s31 =	rddreg [dreg:$0x8]  }
0xad: {  	[tilespmem:s30], [sflag:$0x2] =	stream.linear.gather [hbm4b:s31+s12], $0x60, $0x38;
	[tilespmem:$0x1F310] =	vst v63  }
.LBB2_4:
0xae: {  	_ =	swait.ge [sflag:s20], $0x1800  }
0xaf: {  	[sflag:s20] =	ssyncset.done $0x0  }
0xb0: {  	[sflag:s20] =	ssyncadd.s32 $0xFFFFE800  }
0xb1: {  	_ =	swait.ge [sflag:s23], $0x60  }
0xb2: {  	[sflag:s23] =	ssyncset.done $0x0  }
0xb3: {  	[sflag:s23] =	ssyncadd.s32 $0xFFFFFFA0  }
0xb4: {  	_ =	swait.ge [sflag:s23], $0x60  }
0xb5: {  	[sflag:s23] =	ssyncset.done $0x0  }
0xb6: {  	s0 =	simm.s32 $0x6890;
	[sflag:s23] =	ssyncadd.s32 $0xFFFFFFA0  }
0xb7: {  	[tilespmem:s0], [sflag:$0x4] =	stream.indirect.gather [hbm4b:s2+s26], $0x40, s30, s26, $0xb8;
	[tilespmem:$0x1F310] =	vst v63  }
0xb8: {  	v2 =	vld [tilespmem:$0x4E50]  }
0xb9: {  	v3 =	vld [tilespmem:$0x4F10];
	_ =	sdelay $0x6  }
0xba: {  	v2 =	vld.idx.msk [tilespmem:v2+s12+$0x0], $0xffff  }
0xbb: {  	v3 =	vld.idx.msk [tilespmem:v3+s17+$0x0], $0xffff;
	_ =	sdelay $0x4  }
0xbc: {  	v2 =	vadd.f32 v3, v2;
	_ =	sdelay $0x1  }
0xbd: {  	v3 =	vmul.f32 $2.000000030e-01, v2  }
0xbe: {  	vm0 =	vgt.f32 v2, $0.0e+00  }
0xbf: {  	v2 =	vsel vm0, v2, v3  }
0xc0: {  	v2 =	vmax.f32 v2, $-3.000000000e+01  }
0xc1: {  	v2 =	vmin.f32 v2, $3.000000000e+01  }
0xc2: {  	v2 =	vmul.f32 $1.442695020e+00, v2;
	_ =	sdelay $0x1  }
0xc3: {  	(erf) = vpow2.f32 v2;
	_ =	sdelay $0x2  }
0xc4: {  	v2 =	vld [tilespmem:$0x4E60]  }
0xc5: {  	v3 =	vld [tilespmem:$0x4F20];
	_ =	sdelay $0x4  }
0xc6: {  	v4 =	vpop (erf)  }
0xc7: {  	[tilespmem:$0x4FD0] =	vst v4  }
0xc8: {  	v2 =	vld.idx.msk [tilespmem:v2+s12+$0x0], $0xffff  }
0xc9: {  	v3 =	vld.idx.msk [tilespmem:v3+s17+$0x0], $0xffff;
	_ =	sdelay $0x4  }
0xca: {  	v2 =	vadd.f32 v3, v2;
	_ =	sdelay $0x1  }
0xcb: {  	v3 =	vmul.f32 $2.000000030e-01, v2  }
0xcc: {  	vm11 =	vgt.f32 v2, $0.0e+00  }
0xcd: {  	v2 =	vsel vm11, v2, v3  }
0xce: {  	v2 =	vmax.f32 v2, $-3.000000000e+01  }
0xcf: {  	v2 =	vmin.f32 v2, $3.000000000e+01  }
0xd0: {  	v2 =	vmul.f32 $1.442695020e+00, v2;
	_ =	sdelay $0x1  }
0xd1: {  	(erf) = vpow2.f32 v2;
	_ =	sdelay $0x2  }
0xd2: {  	v2 =	vld [tilespmem:$0x4E70]  }
0xd3: {  	v3 =	vld [tilespmem:$0x4F30];
	_ =	sdelay $0x4  }
0xd4: {  	v60 =	vpop (erf)  }
0xd5: {  	[tilespmem:$0x4FE0] =	vst v60  }
0xd6: {  	v2 =	vld.idx.msk [tilespmem:v2+s12+$0x0], $0xffff  }
0xd7: {  	v3 =	vld.idx.msk [tilespmem:v3+s17+$0x0], $0xffff;
	_ =	sdelay $0x4  }
0xd8: {  	v2 =	vadd.f32 v3, v2;
	_ =	sdelay $0x1  }
0xd9: {  	v3 =	vmul.f32 $2.000000030e-01, v2  }
0xda: {  	vm12 =	vgt.f32 v2, $0.0e+00  }
0xdb: {  	v2 =	vsel vm12, v2, v3  }
0xdc: {  	v2 =	vmax.f32 v2, $-3.000000000e+01  }
0xdd: {  	v2 =	vmin.f32 v2, $3.000000000e+01  }
0xde: {  	v2 =	vmul.f32 $1.442695020e+00, v2;
	_ =	sdelay $0x1  }
0xdf: {  	(erf) = vpow2.f32 v2;
	_ =	sdelay $0x2  }
0xe0: {  	v2 =	vld [tilespmem:$0x4E80]  }
0xe1: {  	v3 =	vld [tilespmem:$0x4F40];
	_ =	sdelay $0x4  }
0xe2: {  	v61 =	vpop (erf)  }
0xe3: {  	[tilespmem:$0x4FF0] =	vst v61  }
0xe4: {  	v2 =	vld.idx.msk [tilespmem:v2+s12+$0x0], $0xffff  }
0xe5: {  	v3 =	vld.idx.msk [tilespmem:v3+s17+$0x0], $0xffff;
	_ =	sdelay $0x4  }
0xe6: {  	v2 =	vadd.f32 v3, v2;
	_ =	sdelay $0x1  }
0xe7: {  	v3 =	vmul.f32 $2.000000030e-01, v2  }
0xe8: {  	vm13 =	vgt.f32 v2, $0.0e+00  }
0xe9: {  	v2 =	vsel vm13, v2, v3  }
0xea: {  	v2 =	vmax.f32 v2, $-3.000000000e+01  }
0xeb: {  	v2 =	vmin.f32 v2, $3.000000000e+01  }
0xec: {  	v2 =	vmul.f32 $1.442695020e+00, v2;
	_ =	sdelay $0x1  }
0xed: {  	(erf) = vpow2.f32 v2;
	_ =	sdelay $0x2  }
0xee: {  	v2 =	vld [tilespmem:$0x4E90]  }
0xef: {  	v3 =	vld [tilespmem:$0x4F50];
	_ =	sdelay $0x4  }
0xf0: {  	v62 =	vpop (erf)  }
0xf1: {  	[tilespmem:$0x5000] =	vst v62  }
0xf2: {  	v2 =	vld.idx.msk [tilespmem:v2+s12+$0x0], $0xffff  }
0xf3: {  	v3 =	vld.idx.msk [tilespmem:v3+s17+$0x0], $0xffff;
	_ =	sdelay $0x4  }
0xf4: {  	v2 =	vadd.f32 v3, v2;
	_ =	sdelay $0x1  }
0xf5: {  	v3 =	vmul.f32 $2.000000030e-01, v2  }
0xf6: {  	vm14 =	vgt.f32 v2, $0.0e+00  }
0xf7: {  	v2 =	vsel vm14, v2, v3  }
0xf8: {  	v2 =	vmax.f32 v2, $-3.000000000e+01  }
0xf9: {  	v2 =	vmin.f32 v2, $3.000000000e+01  }
0xfa: {  	v2 =	vmul.f32 $1.442695020e+00, v2;
	_ =	sdelay $0x1  }
0xfb: {  	(erf) = vpow2.f32 v2;
	_ =	sdelay $0x2  }
0xfc: {  	v2 =	vld [tilespmem:$0x4EA0]  }
0xfd: {  	v3 =	vld [tilespmem:$0x4F60];
	_ =	sdelay $0x4  }
0xfe: {  	v63 =	vpop (erf)  }
0xff: {  	[tilespmem:$0x5010] =	vst v63  }
0x100: {  	v2 =	vld.idx.msk [tilespmem:v2+s12+$0x0], $0xffff  }
0x101: {  	v3 =	vld.idx.msk [tilespmem:v3+s17+$0x0], $0xffff;
	_ =	sdelay $0x4  }
0x102: {  	v2 =	vadd.f32 v3, v2;
	_ =	sdelay $0x1  }
0x103: {  	v3 =	vmul.f32 $2.000000030e-01, v2  }
0x104: {  	vm15 =	vgt.f32 v2, $0.0e+00  }
0x105: {  	v2 =	vsel vm15, v2, v3  }
0x106: {  	v2 =	vmax.f32 v2, $-3.000000000e+01  }
0x107: {  	v2 =	vmin.f32 v2, $3.000000000e+01  }
0x108: {  	v2 =	vmul.f32 $1.442695020e+00, v2;
	_ =	sdelay $0x1  }
0x109: {  	(erf) = vpow2.f32 v2;
	_ =	sdelay $0x8  }
0x10a: {  	v2 =	vpop (erf)  }
0x10b: {  	s16 =	simm.s32 $0x5190;
	s31 =	simm.s32 $0x8290;
	s11 =	simm.s32 $0x0;
	[tilespmem:$0x5020] =	vst v2  }
.LBB2_5:
0x10c: {  	v2 =	vmov s11  }
0x10d: {  	v2 =	vshrl.u32 v2, $0x3  }
0x10e: {  	v2 =	vshll.u32 v2, v1  }
0x10f: {  	v2 =	vbroadcast v2, $0x0;
	_ =	sdelay $0x4  }
0x110: {  	v3 =	vld [tilespmem:s16+$0xFFFFFF00]  }
0x111: {  	v2 =	vld.idx.msk [tilespmem:v2+s19+$0x0], $0xffff;
	_ =	sdelay $0x3  }
0x112: {  	v4 =	vshll.u32 v3, $0x10  }
0x113: {  	v3 =	vand.u32 $0xFFFF0000, v3;
	v4 =	vmul.f32 v4, v2  }
0x114: {  	v3 =	vmul.f32 v3, v2  }
0x115: {  	[tilespmem:s31+$0xFFFFFE00] =	vst v4  }
0x116: {  	[tilespmem:s31+$0xFFFFFE40] =	vst v3  }
0x117: {  	v3 =	vld [tilespmem:s16+$0xFFFFFF10];
	_ =	sdelay $0x4  }
0x118: {  	v27 =	vshll.u32 v3, $0x10  }
0x119: {  	v3 =	vand.u32 $0xFFFF0000, v3;
	v4 =	vmul.f32 v27, v2  }
0x11a: {  	v3 =	vmul.f32 v3, v2  }
0x11b: {  	[tilespmem:s31+$0xFFFFFE10] =	vst v4  }
0x11c: {  	[tilespmem:s31+$0xFFFFFE50] =	vst v3  }
0x11d: {  	v3 =	vld [tilespmem:s16+$0xFFFFFF20];
	_ =	sdelay $0x4  }
0x11e: {  	v28 =	vshll.u32 v3, $0x10  }
0x11f: {  	v3 =	vand.u32 $0xFFFF0000, v3;
	v4 =	vmul.f32 v28, v2  }
0x120: {  	v3 =	vmul.f32 v3, v2  }
0x121: {  	[tilespmem:s31+$0xFFFFFE20] =	vst v4  }
0x122: {  	[tilespmem:s31+$0xFFFFFE60] =	vst v3  }
0x123: {  	s28 =	sadd.s32 $0x1, s11;
	v3 =	vld [tilespmem:s16+$0xFFFFFF30]  }
0x124: {  	v29 =	vmov s28  }
0x125: {  	v4 =	vshrl.u32 v29, $0x3  }
0x126: {  	v4 =	vshll.u32 v4, v1  }
0x127: {  	v4 =	vadd.s32 $0x1, v4  }
0x128: {  	v4 =	vbroadcast v4, $0x0;
	v5 =	vshll.u32 v3, $0x10  }
0x129: {  	v3 =	vand.u32 $0xFFFF0000, v3;
	v5 =	vmul.f32 v5, v2  }
0x12a: {  	v2 =	vmul.f32 v3, v2  }
0x12b: {  	[tilespmem:s31+$0xFFFFFE30] =	vst v5  }
0x12c: {  	[tilespmem:s31+$0xFFFFFE70] =	vst v2  }
0x12d: {  	v2 =	vld [tilespmem:s16+$0xFFFFFF40]  }
0x12e: {  	v3 =	vld.idx.msk [tilespmem:v4+s19+$0x0], $0xffff;
	_ =	sdelay $0x3  }
0x12f: {  	v30 =	vshll.u32 v2, $0x10  }
0x130: {  	v2 =	vand.u32 $0xFFFF0000, v2;
	v4 =	vmul.f32 v30, v3  }
0x131: {  	v2 =	vmul.f32 v2, v3  }
0x132: {  	[tilespmem:s31+$0xFFFFFE80] =	vst v4  }
0x133: {  	[tilespmem:s31+$0xFFFFFEC0] =	vst v2  }
0x134: {  	v2 =	vld [tilespmem:s16+$0xFFFFFF50];
	_ =	sdelay $0x4  }
0x135: {  	v31 =	vshll.u32 v2, $0x10  }
0x136: {  	v2 =	vand.u32 $0xFFFF0000, v2;
	v4 =	vmul.f32 v31, v3  }
0x137: {  	v2 =	vmul.f32 v2, v3  }
0x138: {  	[tilespmem:s31+$0xFFFFFE90] =	vst v4  }
0x139: {  	[tilespmem:s31+$0xFFFFFED0] =	vst v2  }
0x13a: {  	v2 =	vld [tilespmem:s16+$0xFFFFFF60];
	_ =	sdelay $0x4  }
0x13b: {  	v32 =	vshll.u32 v2, $0x10  }
0x13c: {  	v2 =	vand.u32 $0xFFFF0000, v2;
	v4 =	vmul.f32 v32, v3  }
0x13d: {  	v2 =	vmul.f32 v2, v3  }
0x13e: {  	[tilespmem:s31+$0xFFFFFEA0] =	vst v4  }
0x13f: {  	[tilespmem:s31+$0xFFFFFEE0] =	vst v2  }
0x140: {  	s0 =	sadd.s32 $0x2, s11;
	v2 =	vld [tilespmem:s16+$0xFFFFFF70]  }
0x141: {  	v33 =	vmov s0  }
0x142: {  	v4 =	vshrl.u32 v33, $0x3  }
0x143: {  	v4 =	vshll.u32 v4, v1  }
0x144: {  	v4 =	vadd.s32 $0x2, v4  }
0x145: {  	v4 =	vbroadcast v4, $0x0;
	v34 =	vshll.u32 v2, $0x10  }
0x146: {  	v2 =	vand.u32 $0xFFFF0000, v2;
	v5 =	vmul.f32 v34, v3  }
0x147: {  	v2 =	vmul.f32 v2, v3  }
0x148: {  	[tilespmem:s31+$0xFFFFFEB0] =	vst v5  }
0x149: {  	[tilespmem:s31+$0xFFFFFEF0] =	vst v2  }
0x14a: {  	v2 =	vld [tilespmem:s16+$0xFFFFFF80]  }
0x14b: {  	v3 =	vld.idx.msk [tilespmem:v4+s19+$0x0], $0xffff;
	_ =	sdelay $0x3  }
0x14c: {  	v35 =	vshll.u32 v2, $0x10  }
0x14d: {  	v2 =	vand.u32 $0xFFFF0000, v2;
	v4 =	vmul.f32 v35, v3  }
0x14e: {  	v2 =	vmul.f32 v2, v3  }
0x14f: {  	[tilespmem:s31+$0xFFFFFF00] =	vst v4  }
0x150: {  	[tilespmem:s31+$0xFFFFFF40] =	vst v2  }
0x151: {  	v2 =	vld [tilespmem:s16+$0xFFFFFF90];
	_ =	sdelay $0x4  }
0x152: {  	v36 =	vshll.u32 v2, $0x10  }
0x153: {  	v2 =	vand.u32 $0xFFFF0000, v2;
	v4 =	vmul.f32 v36, v3  }
0x154: {  	v2 =	vmul.f32 v2, v3  }
0x155: {  	[tilespmem:s31+$0xFFFFFF10] =	vst v4  }
0x156: {  	[tilespmem:s31+$0xFFFFFF50] =	vst v2  }
0x157: {  	v2 =	vld [tilespmem:s16+$0xFFFFFFA0];
	_ =	sdelay $0x4  }
0x158: {  	v37 =	vshll.u32 v2, $0x10  }
0x159: {  	v2 =	vand.u32 $0xFFFF0000, v2;
	v4 =	vmul.f32 v37, v3  }
0x15a: {  	v2 =	vmul.f32 v2, v3  }
0x15b: {  	[tilespmem:s31+$0xFFFFFF20] =	vst v4  }
0x15c: {  	[tilespmem:s31+$0xFFFFFF60] =	vst v2  }
0x15d: {  	s0 =	sadd.s32 $0x3, s11;
	v2 =	vld [tilespmem:s16+$0xFFFFFFB0]  }
0x15e: {  	v38 =	vmov s0  }
0x15f: {  	v4 =	vshrl.u32 v38, $0x3  }
0x160: {  	v4 =	vshll.u32 v4, v1  }
0x161: {  	v4 =	vadd.s32 $0x3, v4  }
0x162: {  	v4 =	vbroadcast v4, $0x0;
	v39 =	vshll.u32 v2, $0x10  }
0x163: {  	v2 =	vand.u32 $0xFFFF0000, v2;
	v5 =	vmul.f32 v39, v3  }
0x164: {  	v2 =	vmul.f32 v2, v3  }
0x165: {  	[tilespmem:s31+$0xFFFFFF30] =	vst v5  }
0x166: {  	[tilespmem:s31+$0xFFFFFF70] =	vst v2  }
0x167: {  	v2 =	vld [tilespmem:s16+$0xFFFFFFC0]  }
0x168: {  	v3 =	vld.idx.msk [tilespmem:v4+s19+$0x0], $0xffff;
	_ =	sdelay $0x3  }
0x169: {  	v40 =	vshll.u32 v2, $0x10  }
0x16a: {  	v2 =	vand.u32 $0xFFFF0000, v2;
	v4 =	vmul.f32 v40, v3  }
0x16b: {  	v2 =	vmul.f32 v2, v3  }
0x16c: {  	[tilespmem:s31+$0xFFFFFF80] =	vst v4  }
0x16d: {  	[tilespmem:s31+$0xFFFFFFC0] =	vst v2  }
0x16e: {  	v2 =	vld [tilespmem:s16+$0xFFFFFFD0];
	_ =	sdelay $0x4  }
0x16f: {  	v41 =	vshll.u32 v2, $0x10  }
0x170: {  	v2 =	vand.u32 $0xFFFF0000, v2;
	v4 =	vmul.f32 v41, v3  }
0x171: {  	v2 =	vmul.f32 v2, v3  }
0x172: {  	[tilespmem:s31+$0xFFFFFF90] =	vst v4  }
0x173: {  	[tilespmem:s31+$0xFFFFFFD0] =	vst v2  }
0x174: {  	v2 =	vld [tilespmem:s16+$0xFFFFFFE0];
	_ =	sdelay $0x4  }
0x175: {  	v42 =	vshll.u32 v2, $0x10  }
0x176: {  	v2 =	vand.u32 $0xFFFF0000, v2;
	v4 =	vmul.f32 v42, v3  }
0x177: {  	v2 =	vmul.f32 v2, v3  }
0x178: {  	[tilespmem:s31+$0xFFFFFFA0] =	vst v4  }
0x179: {  	[tilespmem:s31+$0xFFFFFFE0] =	vst v2  }
0x17a: {  	s0 =	sadd.s32 $0x4, s11;
	v2 =	vld [tilespmem:s16+$0xFFFFFFF0]  }
0x17b: {  	v43 =	vmov s0  }
0x17c: {  	v4 =	vshrl.u32 v43, $0x3  }
0x17d: {  	v4 =	vshll.u32 v4, v1  }
0x17e: {  	v4 =	vadd.s32 $0x4, v4  }
0x17f: {  	v4 =	vbroadcast v4, $0x0;
	v44 =	vshll.u32 v2, $0x10  }
0x180: {  	v2 =	vand.u32 $0xFFFF0000, v2;
	v5 =	vmul.f32 v44, v3  }
0x181: {  	v2 =	vmul.f32 v2, v3  }
0x182: {  	[tilespmem:s31+$0xFFFFFFB0] =	vst v5  }
0x183: {  	[tilespmem:s31+$0xFFFFFFF0] =	vst v2  }
0x184: {  	v2 =	vld [tilespmem:s16+$0x0]  }
0x185: {  	v3 =	vld.idx.msk [tilespmem:v4+s19+$0x0], $0xffff;
	_ =	sdelay $0x3  }
0x186: {  	v45 =	vshll.u32 v2, $0x10  }
0x187: {  	v2 =	vand.u32 $0xFFFF0000, v2;
	v4 =	vmul.f32 v45, v3  }
0x188: {  	v2 =	vmul.f32 v2, v3  }
0x189: {  	[tilespmem:s31+$0x0] =	vst v4  }
0x18a: {  	[tilespmem:s31+$0x40] =	vst v2  }
0x18b: {  	v2 =	vld [tilespmem:s16+$0x10];
	_ =	sdelay $0x4  }
0x18c: {  	v46 =	vshll.u32 v2, $0x10  }
0x18d: {  	v2 =	vand.u32 $0xFFFF0000, v2;
	v4 =	vmul.f32 v46, v3  }
0x18e: {  	v2 =	vmul.f32 v2, v3  }
0x18f: {  	[tilespmem:s31+$0x10] =	vst v4  }
0x190: {  	[tilespmem:s31+$0x50] =	vst v2  }
0x191: {  	v2 =	vld [tilespmem:s16+$0x20];
	_ =	sdelay $0x4  }
0x192: {  	v47 =	vshll.u32 v2, $0x10  }
0x193: {  	v2 =	vand.u32 $0xFFFF0000, v2;
	v4 =	vmul.f32 v47, v3  }
0x194: {  	v2 =	vmul.f32 v2, v3  }
0x195: {  	[tilespmem:s31+$0x20] =	vst v4  }
0x196: {  	[tilespmem:s31+$0x60] =	vst v2  }
0x197: {  	s0 =	sadd.s32 $0x5, s11;
	v2 =	vld [tilespmem:s16+$0x30]  }
0x198: {  	v48 =	vmov s0  }
0x199: {  	v4 =	vshrl.u32 v48, $0x3  }
0x19a: {  	v4 =	vshll.u32 v4, v1  }
0x19b: {  	v4 =	vadd.s32 $0x5, v4  }
0x19c: {  	v4 =	vbroadcast v4, $0x0;
	v49 =	vshll.u32 v2, $0x10  }
0x19d: {  	v2 =	vand.u32 $0xFFFF0000, v2;
	v5 =	vmul.f32 v49, v3  }
0x19e: {  	v2 =	vmul.f32 v2, v3  }
0x19f: {  	[tilespmem:s31+$0x30] =	vst v5  }
0x1a0: {  	[tilespmem:s31+$0x70] =	vst v2  }
0x1a1: {  	v2 =	vld [tilespmem:s16+$0x40]  }
0x1a2: {  	v3 =	vld.idx.msk [tilespmem:v4+s19+$0x0], $0xffff;
	_ =	sdelay $0x3  }
0x1a3: {  	v50 =	vshll.u32 v2, $0x10  }
0x1a4: {  	v2 =	vand.u32 $0xFFFF0000, v2;
	v4 =	vmul.f32 v50, v3  }
0x1a5: {  	v2 =	vmul.f32 v2, v3  }
0x1a6: {  	[tilespmem:s31+$0x80] =	vst v4  }
0x1a7: {  	[tilespmem:s31+$0xC0] =	vst v2  }
0x1a8: {  	v2 =	vld [tilespmem:s16+$0x50];
	_ =	sdelay $0x4  }
0x1a9: {  	v51 =	vshll.u32 v2, $0x10  }
0x1aa: {  	v2 =	vand.u32 $0xFFFF0000, v2;
	v4 =	vmul.f32 v51, v3  }
0x1ab: {  	v2 =	vmul.f32 v2, v3  }
0x1ac: {  	[tilespmem:s31+$0x90] =	vst v4  }
0x1ad: {  	[tilespmem:s31+$0xD0] =	vst v2  }
0x1ae: {  	v2 =	vld [tilespmem:s16+$0x60];
	_ =	sdelay $0x4  }
0x1af: {  	v52 =	vshll.u32 v2, $0x10  }
0x1b0: {  	v2 =	vand.u32 $0xFFFF0000, v2;
	v4 =	vmul.f32 v52, v3  }
0x1b1: {  	v2 =	vmul.f32 v2, v3  }
0x1b2: {  	[tilespmem:s31+$0xA0] =	vst v4  }
0x1b3: {  	[tilespmem:s31+$0xE0] =	vst v2  }
0x1b4: {  	s0 =	sadd.s32 $0x6, s11;
	v2 =	vld [tilespmem:s16+$0x70]  }
0x1b5: {  	v53 =	vmov s0  }
0x1b6: {  	v4 =	vshrl.u32 v53, $0x3  }
0x1b7: {  	v4 =	vshll.u32 v4, v1  }
0x1b8: {  	v4 =	vadd.s32 $0x6, v4  }
0x1b9: {  	v4 =	vbroadcast v4, $0x0;
	v54 =	vshll.u32 v2, $0x10  }
0x1ba: {  	v2 =	vand.u32 $0xFFFF0000, v2;
	v5 =	vmul.f32 v54, v3  }
0x1bb: {  	v2 =	vmul.f32 v2, v3  }
0x1bc: {  	[tilespmem:s31+$0xB0] =	vst v5  }
0x1bd: {  	[tilespmem:s31+$0xF0] =	vst v2  }
0x1be: {  	v2 =	vld [tilespmem:s16+$0x80]  }
0x1bf: {  	v3 =	vld.idx.msk [tilespmem:v4+s19+$0x0], $0xffff;
	_ =	sdelay $0x3  }
0x1c0: {  	v55 =	vshll.u32 v2, $0x10  }
0x1c1: {  	v2 =	vand.u32 $0xFFFF0000, v2;
	v4 =	vmul.f32 v55, v3  }
0x1c2: {  	v2 =	vmul.f32 v2, v3  }
0x1c3: {  	[tilespmem:s31+$0x100] =	vst v4  }
0x1c4: {  	[tilespmem:s31+$0x140] =	vst v2  }
0x1c5: {  	v2 =	vld [tilespmem:s16+$0x90];
	_ =	sdelay $0x4  }
0x1c6: {  	v56 =	vshll.u32 v2, $0x10  }
0x1c7: {  	v2 =	vand.u32 $0xFFFF0000, v2;
	v4 =	vmul.f32 v56, v3  }
0x1c8: {  	v2 =	vmul.f32 v2, v3  }
0x1c9: {  	[tilespmem:s31+$0x110] =	vst v4  }
0x1ca: {  	[tilespmem:s31+$0x150] =	vst v2  }
0x1cb: {  	v2 =	vld [tilespmem:s16+$0xA0];
	_ =	sdelay $0x4  }
0x1cc: {  	v57 =	vshll.u32 v2, $0x10  }
0x1cd: {  	v2 =	vand.u32 $0xFFFF0000, v2;
	v4 =	vmul.f32 v57, v3  }
0x1ce: {  	v2 =	vmul.f32 v2, v3  }
0x1cf: {  	[tilespmem:s31+$0x120] =	vst v4  }
0x1d0: {  	[tilespmem:s31+$0x160] =	vst v2  }
0x1d1: {  	s0 =	sadd.s32 $0x7, s11;
	v2 =	vld [tilespmem:s16+$0xB0]  }
0x1d2: {  	v58 =	vmov s0  }
0x1d3: {  	v4 =	vshrl.u32 v58, $0x3  }
0x1d4: {  	v4 =	vshll.u32 v4, v1  }
0x1d5: {  	v4 =	vadd.s32 $0x7, v4  }
0x1d6: {  	v4 =	vbroadcast v4, $0x0;
	v59 =	vshll.u32 v2, $0x10  }
0x1d7: {  	v2 =	vand.u32 $0xFFFF0000, v2;
	v5 =	vmul.f32 v59, v3  }
0x1d8: {  	v2 =	vmul.f32 v2, v3  }
0x1d9: {  	[tilespmem:s31+$0x130] =	vst v5  }
0x1da: {  	[tilespmem:s31+$0x170] =	vst v2  }
0x1db: {  	v2 =	vld [tilespmem:s16+$0xC0]  }
0x1dc: {  	v3 =	vld.idx.msk [tilespmem:v4+s19+$0x0], $0xffff;
	_ =	sdelay $0x3  }
0x1dd: {  	v60 =	vshll.u32 v2, $0x10  }
0x1de: {  	v2 =	vand.u32 $0xFFFF0000, v2;
	v4 =	vmul.f32 v60, v3  }
0x1df: {  	v2 =	vmul.f32 v2, v3  }
0x1e0: {  	[tilespmem:s31+$0x180] =	vst v4  }
0x1e1: {  	[tilespmem:s31+$0x1C0] =	vst v2  }
0x1e2: {  	v2 =	vld [tilespmem:s16+$0xD0];
	_ =	sdelay $0x4  }
0x1e3: {  	v61 =	vshll.u32 v2, $0x10  }
0x1e4: {  	v2 =	vand.u32 $0xFFFF0000, v2;
	v4 =	vmul.f32 v61, v3  }
0x1e5: {  	v2 =	vmul.f32 v2, v3  }
0x1e6: {  	[tilespmem:s31+$0x190] =	vst v4  }
0x1e7: {  	[tilespmem:s31+$0x1D0] =	vst v2  }
0x1e8: {  	v2 =	vld [tilespmem:s16+$0xE0];
	_ =	sdelay $0x4  }
0x1e9: {  	v62 =	vshll.u32 v2, $0x10  }
0x1ea: {  	v2 =	vand.u32 $0xFFFF0000, v2;
	v4 =	vmul.f32 v62, v3  }
0x1eb: {  	v2 =	vmul.f32 v2, v3  }
0x1ec: {  	[tilespmem:s31+$0x1A0] =	vst v4  }
0x1ed: {  	[tilespmem:s31+$0x1E0] =	vst v2  }
0x1ee: {  	v2 =	vld [tilespmem:s16+$0xF0];
	_ =	sdelay $0x3  }
0x1ef: {  	p1 =	slt.u32 s11, $0x58  }
.Ltmp1:
0x1f0: {  	v63 =	vshll.u32 v2, $0x10;
	(pc) =	sbr.rel @p1 .LBB2_5-.Ltmp1, $4  }
0x1f1: {  	v2 =	vand.u32 $0xFFFF0000, v2;
	v4 =	vmul.f32 v63, v3  }
0x1f2: {  	v2 =	vmul.f32 v2, v3  }
0x1f3: {  	[tilespmem:s31+$0x1B0] =	vst v4  }
0x1f4: {  	s11 =	sadd.s32 $0x8, s11;
	s16 =	sadd.s32 $0x200, s16;
	[tilespmem:s31+$0x1F0] =	vst v2;
	s31 =	sadd.s32 $0x400, s31  }
0x1f5: {  	[spmem:s4] =	stream.indirect.scatter.add.f32 [tilespmem:s19], [sflag:$0x5], $0x1, s24, s26, $0xb8;
	[tilespmem:$0x1F310] =	vst v63  }
0x1f6: {  	_ = 	snop  }
0x1f7: {  	[spmem:s3] =	stream.indirect.scatter.add.f32 [tilespmem:s18], [sflag:$0x7], $0x80, s24, s26, $0xb8;
	[tilespmem:$0x1F310] =	vst v63  }
0x1f8: {  	_ =	swait.ge [sflag:s1], $0x3000  }
0x1f9: {  	s16 =	smul.u32 $0xC0, s15;
	[sflag:s1] =	ssyncset.done $0x0  }
0x1fa: {  	[sflag:s1] =	ssyncadd.s32 $0xFFFFD000  }
0x1fb: {  	s11 =	sadd.s32 s16, s13;
	_ =	swait.ge [sflag:s5], $0x60  }
0x1fc: {  	s11 =	sshrl.u32 s11, $0x3;
	[sflag:s5] =	ssyncset.done $0x0  }
0x1fd: {  	s31 =	simm.s32 $0x0;
	s28 =	sadd.s32 s7, s11;
	[sflag:s5] =	ssyncadd.s32 $0xFFFFFFA0  }
0x1fe: {  	[tilespmem:s24], [sflag:$0x1] =	stream.linear.gather [hbm4b:s28+s31], $0x60, $0x38;
	[tilespmem:$0x1F310] =	vst v63  }
0x1ff: {  	s11 =	sadd.s32 s8, s11  }
0x200: {  	[tilespmem:s25], [sflag:$0x1] =	stream.linear.gather [hbm4b:s11+s31], $0x60, $0x38;
	[tilespmem:$0x1F310] =	vst v63  }
0x201: {  	_ =	swait.ge [sflag:s21], $0x1800  }
0x202: {  	[sflag:s21] =	ssyncset.done $0x0  }
0x203: {  	[sflag:s21] =	ssyncadd.s32 $0xFFFFE800  }
0x204: {  	_ =	swait.ge [sflag:s22], $0x60  }
0x205: {  	[sflag:s22] =	ssyncset.done $0x0  }
0x206: {  	[sflag:s22] =	ssyncadd.s32 $0xFFFFFFA0  }
0x207: {  	_ =	swait.ge [sflag:s22], $0x60  }
0x208: {  	[sflag:s22] =	ssyncset.done $0x0  }
0x209: {  	s0 =	simm.s32 $0x5090;
	[sflag:s22] =	ssyncadd.s32 $0xFFFFFFA0  }
0x20a: {  	[tilespmem:s0], [sflag:$0x3] =	stream.indirect.gather [hbm4b:s2+s26], $0x40, s25, s26, $0xb8;
	[tilespmem:$0x1F310] =	vst v63  }
0x20b: {  	v2 =	vld [tilespmem:$0x4EB0]  }
0x20c: {  	v3 =	vld [tilespmem:$0x4F70];
	_ =	sdelay $0x6  }
0x20d: {  	v2 =	vld.idx.msk [tilespmem:v2+s31+$0x0], $0xffff  }
0x20e: {  	v3 =	vld.idx.msk [tilespmem:v3+s17+$0x0], $0xffff;
	_ =	sdelay $0x4  }
0x20f: {  	v2 =	vadd.f32 v3, v2;
	_ =	sdelay $0x1  }
0x210: {  	v3 =	vmul.f32 $2.000000030e-01, v2  }
0x211: {  	vm0 =	vgt.f32 v2, $0.0e+00  }
0x212: {  	v2 =	vsel vm0, v2, v3  }
0x213: {  	v2 =	vmax.f32 v2, $-3.000000000e+01  }
0x214: {  	v2 =	vmin.f32 v2, $3.000000000e+01  }
0x215: {  	v2 =	vmul.f32 $1.442695020e+00, v2;
	_ =	sdelay $0x1  }
0x216: {  	(erf) = vpow2.f32 v2;
	_ =	sdelay $0x2  }
0x217: {  	v2 =	vld [tilespmem:$0x4EC0]  }
0x218: {  	v3 =	vld [tilespmem:$0x4F80];
	_ =	sdelay $0x4  }
0x219: {  	v4 =	vpop (erf)  }
0x21a: {  	[tilespmem:$0x5030] =	vst v4  }
0x21b: {  	v2 =	vld.idx.msk [tilespmem:v2+s31+$0x0], $0xffff  }
0x21c: {  	v3 =	vld.idx.msk [tilespmem:v3+s17+$0x0], $0xffff;
	_ =	sdelay $0x4  }
0x21d: {  	v2 =	vadd.f32 v3, v2;
	_ =	sdelay $0x1  }
0x21e: {  	v3 =	vmul.f32 $2.000000030e-01, v2  }
0x21f: {  	vm11 =	vgt.f32 v2, $0.0e+00  }
0x220: {  	v2 =	vsel vm11, v2, v3  }
0x221: {  	v2 =	vmax.f32 v2, $-3.000000000e+01  }
0x222: {  	v2 =	vmin.f32 v2, $3.000000000e+01  }
0x223: {  	v2 =	vmul.f32 $1.442695020e+00, v2;
	_ =	sdelay $0x1  }
0x224: {  	(erf) = vpow2.f32 v2;
	_ =	sdelay $0x2  }
0x225: {  	v2 =	vld [tilespmem:$0x4ED0]  }
0x226: {  	v3 =	vld [tilespmem:$0x4F90];
	_ =	sdelay $0x4  }
0x227: {  	v60 =	vpop (erf)  }
0x228: {  	[tilespmem:$0x5040] =	vst v60  }
0x229: {  	v2 =	vld.idx.msk [tilespmem:v2+s31+$0x0], $0xffff  }
0x22a: {  	v3 =	vld.idx.msk [tilespmem:v3+s17+$0x0], $0xffff;
	_ =	sdelay $0x4  }
0x22b: {  	v2 =	vadd.f32 v3, v2;
	_ =	sdelay $0x1  }
0x22c: {  	v3 =	vmul.f32 $2.000000030e-01, v2  }
0x22d: {  	vm12 =	vgt.f32 v2, $0.0e+00  }
0x22e: {  	v2 =	vsel vm12, v2, v3  }
0x22f: {  	v2 =	vmax.f32 v2, $-3.000000000e+01  }
0x230: {  	v2 =	vmin.f32 v2, $3.000000000e+01  }
0x231: {  	v2 =	vmul.f32 $1.442695020e+00, v2;
	_ =	sdelay $0x1  }
0x232: {  	(erf) = vpow2.f32 v2;
	_ =	sdelay $0x2  }
0x233: {  	v2 =	vld [tilespmem:$0x4EE0]  }
0x234: {  	v3 =	vld [tilespmem:$0x4FA0];
	_ =	sdelay $0x4  }
0x235: {  	v61 =	vpop (erf)  }
0x236: {  	[tilespmem:$0x5050] =	vst v61  }
0x237: {  	v2 =	vld.idx.msk [tilespmem:v2+s31+$0x0], $0xffff  }
0x238: {  	v3 =	vld.idx.msk [tilespmem:v3+s17+$0x0], $0xffff;
	_ =	sdelay $0x4  }
0x239: {  	v2 =	vadd.f32 v3, v2;
	_ =	sdelay $0x1  }
0x23a: {  	v3 =	vmul.f32 $2.000000030e-01, v2  }
0x23b: {  	vm13 =	vgt.f32 v2, $0.0e+00  }
0x23c: {  	v2 =	vsel vm13, v2, v3  }
0x23d: {  	v2 =	vmax.f32 v2, $-3.000000000e+01  }
0x23e: {  	v2 =	vmin.f32 v2, $3.000000000e+01  }
0x23f: {  	v2 =	vmul.f32 $1.442695020e+00, v2;
	_ =	sdelay $0x1  }
0x240: {  	(erf) = vpow2.f32 v2;
	_ =	sdelay $0x2  }
0x241: {  	v2 =	vld [tilespmem:$0x4EF0]  }
0x242: {  	v3 =	vld [tilespmem:$0x4FB0];
	_ =	sdelay $0x4  }
0x243: {  	v62 =	vpop (erf)  }
0x244: {  	[tilespmem:$0x5060] =	vst v62  }
0x245: {  	v2 =	vld.idx.msk [tilespmem:v2+s31+$0x0], $0xffff  }
0x246: {  	v3 =	vld.idx.msk [tilespmem:v3+s17+$0x0], $0xffff;
	_ =	sdelay $0x4  }
0x247: {  	v2 =	vadd.f32 v3, v2;
	_ =	sdelay $0x1  }
0x248: {  	v3 =	vmul.f32 $2.000000030e-01, v2  }
0x249: {  	vm14 =	vgt.f32 v2, $0.0e+00  }
0x24a: {  	v2 =	vsel vm14, v2, v3  }
0x24b: {  	v2 =	vmax.f32 v2, $-3.000000000e+01  }
0x24c: {  	v2 =	vmin.f32 v2, $3.000000000e+01  }
0x24d: {  	v2 =	vmul.f32 $1.442695020e+00, v2;
	_ =	sdelay $0x1  }
0x24e: {  	(erf) = vpow2.f32 v2;
	_ =	sdelay $0x2  }
0x24f: {  	v2 =	vld [tilespmem:$0x4F00]  }
0x250: {  	v3 =	vld [tilespmem:$0x4FC0];
	_ =	sdelay $0x4  }
0x251: {  	v63 =	vpop (erf)  }
0x252: {  	[tilespmem:$0x5070] =	vst v63  }
0x253: {  	v2 =	vld.idx.msk [tilespmem:v2+s31+$0x0], $0xffff  }
0x254: {  	v3 =	vld.idx.msk [tilespmem:v3+s17+$0x0], $0xffff;
	_ =	sdelay $0x4  }
0x255: {  	v2 =	vadd.f32 v3, v2;
	_ =	sdelay $0x1  }
0x256: {  	v3 =	vmul.f32 $2.000000030e-01, v2  }
0x257: {  	vm15 =	vgt.f32 v2, $0.0e+00  }
0x258: {  	v2 =	vsel vm15, v2, v3  }
0x259: {  	v2 =	vmax.f32 v2, $-3.000000000e+01  }
0x25a: {  	v2 =	vmin.f32 v2, $3.000000000e+01  }
0x25b: {  	v2 =	vmul.f32 $1.442695020e+00, v2;
	_ =	sdelay $0x1  }
0x25c: {  	(erf) = vpow2.f32 v2;
	_ =	sdelay $0x8  }
0x25d: {  	v2 =	vpop (erf)  }
0x25e: {  	s28 =	simm.s32 $0x8290;
	s11 =	simm.s32 $0x6990;
	[tilespmem:$0x5080] =	vst v2  }
.LBB2_7:
0x25f: {  	v2 =	vmov s31  }
0x260: {  	v2 =	vshrl.u32 v2, $0x3  }
0x261: {  	v2 =	vshll.u32 v2, v1  }
0x262: {  	v2 =	vbroadcast v2, $0x0;
	_ =	sdelay $0x4  }
0x263: {  	v3 =	vld [tilespmem:s11+$0xFFFFFF00]  }
0x264: {  	v2 =	vld.idx.msk [tilespmem:v2+s9+$0x0], $0xffff;
	_ =	sdelay $0x3  }
0x265: {  	v4 =	vshll.u32 v3, $0x10  }
0x266: {  	v3 =	vand.u32 $0xFFFF0000, v3;
	v4 =	vmul.f32 v4, v2  }
0x267: {  	v3 =	vmul.f32 v3, v2  }
0x268: {  	[tilespmem:s28+$0xFFFFFE00] =	vst v4  }
0x269: {  	[tilespmem:s28+$0xFFFFFE40] =	vst v3  }
0x26a: {  	v3 =	vld [tilespmem:s11+$0xFFFFFF10];
	_ =	sdelay $0x4  }
0x26b: {  	v27 =	vshll.u32 v3, $0x10  }
0x26c: {  	v3 =	vand.u32 $0xFFFF0000, v3;
	v4 =	vmul.f32 v27, v2  }
0x26d: {  	v3 =	vmul.f32 v3, v2  }
0x26e: {  	[tilespmem:s28+$0xFFFFFE10] =	vst v4  }
0x26f: {  	[tilespmem:s28+$0xFFFFFE50] =	vst v3  }
0x270: {  	v3 =	vld [tilespmem:s11+$0xFFFFFF20];
	_ =	sdelay $0x4  }
0x271: {  	v28 =	vshll.u32 v3, $0x10  }
0x272: {  	v3 =	vand.u32 $0xFFFF0000, v3;
	v4 =	vmul.f32 v28, v2  }
0x273: {  	v3 =	vmul.f32 v3, v2  }
0x274: {  	[tilespmem:s28+$0xFFFFFE20] =	vst v4  }
0x275: {  	[tilespmem:s28+$0xFFFFFE60] =	vst v3  }
0x276: {  	s0 =	sadd.s32 $0x1, s31;
	v3 =	vld [tilespmem:s11+$0xFFFFFF30]  }
0x277: {  	v29 =	vmov s0  }
0x278: {  	v4 =	vshrl.u32 v29, $0x3  }
0x279: {  	v4 =	vshll.u32 v4, v1  }
0x27a: {  	v4 =	vadd.s32 $0x1, v4  }
0x27b: {  	v4 =	vbroadcast v4, $0x0;
	v5 =	vshll.u32 v3, $0x10  }
0x27c: {  	v3 =	vand.u32 $0xFFFF0000, v3;
	v5 =	vmul.f32 v5, v2  }
0x27d: {  	v2 =	vmul.f32 v3, v2  }
0x27e: {  	[tilespmem:s28+$0xFFFFFE30] =	vst v5  }
0x27f: {  	[tilespmem:s28+$0xFFFFFE70] =	vst v2  }
0x280: {  	v2 =	vld [tilespmem:s11+$0xFFFFFF40]  }
0x281: {  	v3 =	vld.idx.msk [tilespmem:v4+s9+$0x0], $0xffff;
	_ =	sdelay $0x3  }
0x282: {  	v30 =	vshll.u32 v2, $0x10  }
0x283: {  	v2 =	vand.u32 $0xFFFF0000, v2;
	v4 =	vmul.f32 v30, v3  }
0x284: {  	v2 =	vmul.f32 v2, v3  }
0x285: {  	[tilespmem:s28+$0xFFFFFE80] =	vst v4  }
0x286: {  	[tilespmem:s28+$0xFFFFFEC0] =	vst v2  }
0x287: {  	v2 =	vld [tilespmem:s11+$0xFFFFFF50];
	_ =	sdelay $0x4  }
0x288: {  	v31 =	vshll.u32 v2, $0x10  }
0x289: {  	v2 =	vand.u32 $0xFFFF0000, v2;
	v4 =	vmul.f32 v31, v3  }
0x28a: {  	v2 =	vmul.f32 v2, v3  }
0x28b: {  	[tilespmem:s28+$0xFFFFFE90] =	vst v4  }
0x28c: {  	[tilespmem:s28+$0xFFFFFED0] =	vst v2  }
0x28d: {  	v2 =	vld [tilespmem:s11+$0xFFFFFF60];
	_ =	sdelay $0x4  }
0x28e: {  	v32 =	vshll.u32 v2, $0x10  }
0x28f: {  	v2 =	vand.u32 $0xFFFF0000, v2;
	v4 =	vmul.f32 v32, v3  }
0x290: {  	v2 =	vmul.f32 v2, v3  }
0x291: {  	[tilespmem:s28+$0xFFFFFEA0] =	vst v4  }
0x292: {  	[tilespmem:s28+$0xFFFFFEE0] =	vst v2  }
0x293: {  	s0 =	sadd.s32 $0x2, s31;
	v2 =	vld [tilespmem:s11+$0xFFFFFF70]  }
0x294: {  	v33 =	vmov s0  }
0x295: {  	v4 =	vshrl.u32 v33, $0x3  }
0x296: {  	v4 =	vshll.u32 v4, v1  }
0x297: {  	v4 =	vadd.s32 $0x2, v4  }
0x298: {  	v4 =	vbroadcast v4, $0x0;
	v34 =	vshll.u32 v2, $0x10  }
0x299: {  	v2 =	vand.u32 $0xFFFF0000, v2;
	v5 =	vmul.f32 v34, v3  }
0x29a: {  	v2 =	vmul.f32 v2, v3  }
0x29b: {  	[tilespmem:s28+$0xFFFFFEB0] =	vst v5  }
0x29c: {  	[tilespmem:s28+$0xFFFFFEF0] =	vst v2  }
0x29d: {  	v2 =	vld [tilespmem:s11+$0xFFFFFF80]  }
0x29e: {  	v3 =	vld.idx.msk [tilespmem:v4+s9+$0x0], $0xffff;
	_ =	sdelay $0x3  }
0x29f: {  	v35 =	vshll.u32 v2, $0x10  }
0x2a0: {  	v2 =	vand.u32 $0xFFFF0000, v2;
	v4 =	vmul.f32 v35, v3  }
0x2a1: {  	v2 =	vmul.f32 v2, v3  }
0x2a2: {  	[tilespmem:s28+$0xFFFFFF00] =	vst v4  }
0x2a3: {  	[tilespmem:s28+$0xFFFFFF40] =	vst v2  }
0x2a4: {  	v2 =	vld [tilespmem:s11+$0xFFFFFF90];
	_ =	sdelay $0x4  }
0x2a5: {  	v36 =	vshll.u32 v2, $0x10  }
0x2a6: {  	v2 =	vand.u32 $0xFFFF0000, v2;
	v4 =	vmul.f32 v36, v3  }
0x2a7: {  	v2 =	vmul.f32 v2, v3  }
0x2a8: {  	[tilespmem:s28+$0xFFFFFF10] =	vst v4  }
0x2a9: {  	[tilespmem:s28+$0xFFFFFF50] =	vst v2  }
0x2aa: {  	v2 =	vld [tilespmem:s11+$0xFFFFFFA0];
	_ =	sdelay $0x4  }
0x2ab: {  	v37 =	vshll.u32 v2, $0x10  }
0x2ac: {  	v2 =	vand.u32 $0xFFFF0000, v2;
	v4 =	vmul.f32 v37, v3  }
0x2ad: {  	v2 =	vmul.f32 v2, v3  }
0x2ae: {  	[tilespmem:s28+$0xFFFFFF20] =	vst v4  }
0x2af: {  	[tilespmem:s28+$0xFFFFFF60] =	vst v2  }
0x2b0: {  	s0 =	sadd.s32 $0x3, s31;
	v2 =	vld [tilespmem:s11+$0xFFFFFFB0]  }
0x2b1: {  	v38 =	vmov s0  }
0x2b2: {  	v4 =	vshrl.u32 v38, $0x3  }
0x2b3: {  	v4 =	vshll.u32 v4, v1  }
0x2b4: {  	v4 =	vadd.s32 $0x3, v4  }
0x2b5: {  	v4 =	vbroadcast v4, $0x0;
	v39 =	vshll.u32 v2, $0x10  }
0x2b6: {  	v2 =	vand.u32 $0xFFFF0000, v2;
	v5 =	vmul.f32 v39, v3  }
0x2b7: {  	v2 =	vmul.f32 v2, v3  }
0x2b8: {  	[tilespmem:s28+$0xFFFFFF30] =	vst v5  }
0x2b9: {  	[tilespmem:s28+$0xFFFFFF70] =	vst v2  }
0x2ba: {  	v2 =	vld [tilespmem:s11+$0xFFFFFFC0]  }
0x2bb: {  	v3 =	vld.idx.msk [tilespmem:v4+s9+$0x0], $0xffff;
	_ =	sdelay $0x3  }
0x2bc: {  	v40 =	vshll.u32 v2, $0x10  }
0x2bd: {  	v2 =	vand.u32 $0xFFFF0000, v2;
	v4 =	vmul.f32 v40, v3  }
0x2be: {  	v2 =	vmul.f32 v2, v3  }
0x2bf: {  	[tilespmem:s28+$0xFFFFFF80] =	vst v4  }
0x2c0: {  	[tilespmem:s28+$0xFFFFFFC0] =	vst v2  }
0x2c1: {  	v2 =	vld [tilespmem:s11+$0xFFFFFFD0];
	_ =	sdelay $0x4  }
0x2c2: {  	v41 =	vshll.u32 v2, $0x10  }
0x2c3: {  	v2 =	vand.u32 $0xFFFF0000, v2;
	v4 =	vmul.f32 v41, v3  }
0x2c4: {  	v2 =	vmul.f32 v2, v3  }
0x2c5: {  	[tilespmem:s28+$0xFFFFFF90] =	vst v4  }
0x2c6: {  	[tilespmem:s28+$0xFFFFFFD0] =	vst v2  }
0x2c7: {  	v2 =	vld [tilespmem:s11+$0xFFFFFFE0];
	_ =	sdelay $0x4  }
0x2c8: {  	v42 =	vshll.u32 v2, $0x10  }
0x2c9: {  	v2 =	vand.u32 $0xFFFF0000, v2;
	v4 =	vmul.f32 v42, v3  }
0x2ca: {  	v2 =	vmul.f32 v2, v3  }
0x2cb: {  	[tilespmem:s28+$0xFFFFFFA0] =	vst v4  }
0x2cc: {  	[tilespmem:s28+$0xFFFFFFE0] =	vst v2  }
0x2cd: {  	s0 =	sadd.s32 $0x4, s31;
	v2 =	vld [tilespmem:s11+$0xFFFFFFF0]  }
0x2ce: {  	v43 =	vmov s0  }
0x2cf: {  	v4 =	vshrl.u32 v43, $0x3  }
0x2d0: {  	v4 =	vshll.u32 v4, v1  }
0x2d1: {  	v4 =	vadd.s32 $0x4, v4  }
0x2d2: {  	v4 =	vbroadcast v4, $0x0;
	v44 =	vshll.u32 v2, $0x10  }
0x2d3: {  	v2 =	vand.u32 $0xFFFF0000, v2;
	v5 =	vmul.f32 v44, v3  }
0x2d4: {  	v2 =	vmul.f32 v2, v3  }
0x2d5: {  	[tilespmem:s28+$0xFFFFFFB0] =	vst v5  }
0x2d6: {  	[tilespmem:s28+$0xFFFFFFF0] =	vst v2  }
0x2d7: {  	v2 =	vld [tilespmem:s11+$0x0]  }
0x2d8: {  	v3 =	vld.idx.msk [tilespmem:v4+s9+$0x0], $0xffff;
	_ =	sdelay $0x3  }
0x2d9: {  	v45 =	vshll.u32 v2, $0x10  }
0x2da: {  	v2 =	vand.u32 $0xFFFF0000, v2;
	v4 =	vmul.f32 v45, v3  }
0x2db: {  	v2 =	vmul.f32 v2, v3  }
0x2dc: {  	[tilespmem:s28+$0x0] =	vst v4  }
0x2dd: {  	[tilespmem:s28+$0x40] =	vst v2  }
0x2de: {  	v2 =	vld [tilespmem:s11+$0x10];
	_ =	sdelay $0x4  }
0x2df: {  	v46 =	vshll.u32 v2, $0x10  }
0x2e0: {  	v2 =	vand.u32 $0xFFFF0000, v2;
	v4 =	vmul.f32 v46, v3  }
0x2e1: {  	v2 =	vmul.f32 v2, v3  }
0x2e2: {  	[tilespmem:s28+$0x10] =	vst v4  }
0x2e3: {  	[tilespmem:s28+$0x50] =	vst v2  }
0x2e4: {  	v2 =	vld [tilespmem:s11+$0x20];
	_ =	sdelay $0x4  }
0x2e5: {  	v47 =	vshll.u32 v2, $0x10  }
0x2e6: {  	v2 =	vand.u32 $0xFFFF0000, v2;
	v4 =	vmul.f32 v47, v3  }
0x2e7: {  	v2 =	vmul.f32 v2, v3  }
0x2e8: {  	[tilespmem:s28+$0x20] =	vst v4  }
0x2e9: {  	[tilespmem:s28+$0x60] =	vst v2  }
0x2ea: {  	s0 =	sadd.s32 $0x5, s31;
	v2 =	vld [tilespmem:s11+$0x30]  }
0x2eb: {  	v48 =	vmov s0  }
0x2ec: {  	v4 =	vshrl.u32 v48, $0x3  }
0x2ed: {  	v4 =	vshll.u32 v4, v1  }
0x2ee: {  	v4 =	vadd.s32 $0x5, v4  }
0x2ef: {  	v4 =	vbroadcast v4, $0x0;
	v49 =	vshll.u32 v2, $0x10  }
0x2f0: {  	v2 =	vand.u32 $0xFFFF0000, v2;
	v5 =	vmul.f32 v49, v3  }
0x2f1: {  	v2 =	vmul.f32 v2, v3  }
0x2f2: {  	[tilespmem:s28+$0x30] =	vst v5  }
0x2f3: {  	[tilespmem:s28+$0x70] =	vst v2  }
0x2f4: {  	v2 =	vld [tilespmem:s11+$0x40]  }
0x2f5: {  	v3 =	vld.idx.msk [tilespmem:v4+s9+$0x0], $0xffff;
	_ =	sdelay $0x3  }
0x2f6: {  	v50 =	vshll.u32 v2, $0x10  }
0x2f7: {  	v2 =	vand.u32 $0xFFFF0000, v2;
	v4 =	vmul.f32 v50, v3  }
0x2f8: {  	v2 =	vmul.f32 v2, v3  }
0x2f9: {  	[tilespmem:s28+$0x80] =	vst v4  }
0x2fa: {  	[tilespmem:s28+$0xC0] =	vst v2  }
0x2fb: {  	v2 =	vld [tilespmem:s11+$0x50];
	_ =	sdelay $0x4  }
0x2fc: {  	v51 =	vshll.u32 v2, $0x10  }
0x2fd: {  	v2 =	vand.u32 $0xFFFF0000, v2;
	v4 =	vmul.f32 v51, v3  }
0x2fe: {  	v2 =	vmul.f32 v2, v3  }
0x2ff: {  	[tilespmem:s28+$0x90] =	vst v4  }
0x300: {  	[tilespmem:s28+$0xD0] =	vst v2  }
0x301: {  	v2 =	vld [tilespmem:s11+$0x60];
	_ =	sdelay $0x4  }
0x302: {  	v52 =	vshll.u32 v2, $0x10  }
0x303: {  	v2 =	vand.u32 $0xFFFF0000, v2;
	v4 =	vmul.f32 v52, v3  }
0x304: {  	v2 =	vmul.f32 v2, v3  }
0x305: {  	[tilespmem:s28+$0xA0] =	vst v4  }
0x306: {  	[tilespmem:s28+$0xE0] =	vst v2  }
0x307: {  	s0 =	sadd.s32 $0x6, s31;
	v2 =	vld [tilespmem:s11+$0x70]  }
0x308: {  	v53 =	vmov s0  }
0x309: {  	v4 =	vshrl.u32 v53, $0x3  }
0x30a: {  	v4 =	vshll.u32 v4, v1  }
0x30b: {  	v4 =	vadd.s32 $0x6, v4  }
0x30c: {  	v4 =	vbroadcast v4, $0x0;
	v54 =	vshll.u32 v2, $0x10  }
0x30d: {  	v2 =	vand.u32 $0xFFFF0000, v2;
	v5 =	vmul.f32 v54, v3  }
0x30e: {  	v2 =	vmul.f32 v2, v3  }
0x30f: {  	[tilespmem:s28+$0xB0] =	vst v5  }
0x310: {  	[tilespmem:s28+$0xF0] =	vst v2  }
0x311: {  	v2 =	vld [tilespmem:s11+$0x80]  }
0x312: {  	v3 =	vld.idx.msk [tilespmem:v4+s9+$0x0], $0xffff;
	_ =	sdelay $0x3  }
0x313: {  	v55 =	vshll.u32 v2, $0x10  }
0x314: {  	v2 =	vand.u32 $0xFFFF0000, v2;
	v4 =	vmul.f32 v55, v3  }
0x315: {  	v2 =	vmul.f32 v2, v3  }
0x316: {  	[tilespmem:s28+$0x100] =	vst v4  }
0x317: {  	[tilespmem:s28+$0x140] =	vst v2  }
0x318: {  	v2 =	vld [tilespmem:s11+$0x90];
	_ =	sdelay $0x4  }
0x319: {  	v56 =	vshll.u32 v2, $0x10  }
0x31a: {  	v2 =	vand.u32 $0xFFFF0000, v2;
	v4 =	vmul.f32 v56, v3  }
0x31b: {  	v2 =	vmul.f32 v2, v3  }
0x31c: {  	[tilespmem:s28+$0x110] =	vst v4  }
0x31d: {  	[tilespmem:s28+$0x150] =	vst v2  }
0x31e: {  	v2 =	vld [tilespmem:s11+$0xA0];
	_ =	sdelay $0x4  }
0x31f: {  	v57 =	vshll.u32 v2, $0x10  }
0x320: {  	v2 =	vand.u32 $0xFFFF0000, v2;
	v4 =	vmul.f32 v57, v3  }
0x321: {  	v2 =	vmul.f32 v2, v3  }
0x322: {  	[tilespmem:s28+$0x120] =	vst v4  }
0x323: {  	[tilespmem:s28+$0x160] =	vst v2  }
0x324: {  	s0 =	sadd.s32 $0x7, s31;
	v2 =	vld [tilespmem:s11+$0xB0]  }
0x325: {  	v58 =	vmov s0  }
0x326: {  	v4 =	vshrl.u32 v58, $0x3  }
0x327: {  	v4 =	vshll.u32 v4, v1  }
0x328: {  	v4 =	vadd.s32 $0x7, v4  }
0x329: {  	v4 =	vbroadcast v4, $0x0;
	v59 =	vshll.u32 v2, $0x10  }
0x32a: {  	v2 =	vand.u32 $0xFFFF0000, v2;
	v5 =	vmul.f32 v59, v3  }
0x32b: {  	v2 =	vmul.f32 v2, v3  }
0x32c: {  	[tilespmem:s28+$0x130] =	vst v5  }
0x32d: {  	[tilespmem:s28+$0x170] =	vst v2  }
0x32e: {  	v2 =	vld [tilespmem:s11+$0xC0]  }
0x32f: {  	v3 =	vld.idx.msk [tilespmem:v4+s9+$0x0], $0xffff;
	_ =	sdelay $0x3  }
0x330: {  	v60 =	vshll.u32 v2, $0x10  }
0x331: {  	v2 =	vand.u32 $0xFFFF0000, v2;
	v4 =	vmul.f32 v60, v3  }
0x332: {  	v2 =	vmul.f32 v2, v3  }
0x333: {  	[tilespmem:s28+$0x180] =	vst v4  }
0x334: {  	[tilespmem:s28+$0x1C0] =	vst v2  }
0x335: {  	v2 =	vld [tilespmem:s11+$0xD0];
	_ =	sdelay $0x4  }
0x336: {  	v61 =	vshll.u32 v2, $0x10  }
0x337: {  	v2 =	vand.u32 $0xFFFF0000, v2;
	v4 =	vmul.f32 v61, v3  }
0x338: {  	v2 =	vmul.f32 v2, v3  }
0x339: {  	[tilespmem:s28+$0x190] =	vst v4  }
0x33a: {  	[tilespmem:s28+$0x1D0] =	vst v2  }
0x33b: {  	v2 =	vld [tilespmem:s11+$0xE0];
	_ =	sdelay $0x4  }
0x33c: {  	v62 =	vshll.u32 v2, $0x10  }
0x33d: {  	v2 =	vand.u32 $0xFFFF0000, v2;
	v4 =	vmul.f32 v62, v3  }
0x33e: {  	v2 =	vmul.f32 v2, v3  }
0x33f: {  	[tilespmem:s28+$0x1A0] =	vst v4  }
0x340: {  	[tilespmem:s28+$0x1E0] =	vst v2  }
0x341: {  	v2 =	vld [tilespmem:s11+$0xF0];
	_ =	sdelay $0x3  }
0x342: {  	p1 =	slt.u32 s31, $0x58  }
.Ltmp2:
0x343: {  	v63 =	vshll.u32 v2, $0x10;
	(pc) =	sbr.rel @p1 .LBB2_7-.Ltmp2, $4  }
0x344: {  	v2 =	vand.u32 $0xFFFF0000, v2;
	v4 =	vmul.f32 v63, v3  }
0x345: {  	v2 =	vmul.f32 v2, v3  }
0x346: {  	[tilespmem:s28+$0x1B0] =	vst v4  }
0x347: {  	s31 =	sadd.s32 $0x8, s31;
	s11 =	sadd.s32 $0x200, s11;
	[tilespmem:s28+$0x1F0] =	vst v2;
	s28 =	sadd.s32 $0x400, s28  }
0x348: {  	[spmem:s4] =	stream.indirect.scatter.add.f32 [tilespmem:s9], [sflag:$0x6], $0x1, s29, s26, $0xb8;
	[tilespmem:$0x1F310] =	vst v63  }
0x349: {  	_ = 	snop  }
0x34a: {  	[spmem:s3] =	stream.indirect.scatter.add.f32 [tilespmem:s18], [sflag:$0x7], $0x80, s29, s26, $0xb8;
	[tilespmem:$0x1F310] =	vst v63  }
0x34b: {  	_ =	swait.ge [sflag:s1], $0x3000  }
0x34c: {  	[sflag:s1] =	ssyncset.done $0x0  }
0x34d: {  	s15 =	sadd.s32 $0x1, s15;
	[sflag:s1] =	ssyncadd.s32 $0xFFFFD000  }
0x34e: {  	s0 =	sadd.s32 s16, s14;
	p1 =	sne.s32 s15, $0x34;
	_ =	swait.ge [sflag:s10], $0x60  }
.Ltmp3:
0x34f: {  	s0 =	sshrl.u32 s0, $0x3;
	[sflag:s10] =	ssyncset.done $0x0;
	(pc) =	sbr.rel @p1 .LBB2_4-.Ltmp3, $4  }
0x350: {  	s11 =	sadd.s32 s7, s0;
	[sflag:s10] =	ssyncadd.s32 $0xFFFFFFA0  }
0x351: {  	[tilespmem:s29], [sflag:$0x2] =	stream.linear.gather [hbm4b:s11+s6], $0x60, $0x38;
	[tilespmem:$0x1F310] =	vst v63  }
0x352: {  	s0 =	sadd.s32 s8, s0  }
0x353: {  	[tilespmem:s30], [sflag:$0x2] =	stream.linear.gather [hbm4b:s0+s6], $0x60, $0x38;
	[tilespmem:$0x1F310] =	vst v63  }
0x354: {  	_ =	swait.ge [sflag:s20], $0x1800  }
0x355: {  	[sflag:s20] =	ssyncset.done $0x0  }
0x356: {  	[sflag:s20] =	ssyncadd.s32 $0xFFFFE800  }
0x357: {  	_ =	swait.ge [sflag:s23], $0x60  }
0x358: {  	[sflag:s23] =	ssyncset.done $0x0  }
0x359: {  	[sflag:s23] =	ssyncadd.s32 $0xFFFFFFA0  }
0x35a: {  	_ =	swait.ge [sflag:s23], $0x60  }
0x35b: {  	[sflag:s23] =	ssyncset.done $0x0  }
0x35c: {  	s0 =	simm.s32 $0x6890;
	[sflag:s23] =	ssyncadd.s32 $0xFFFFFFA0  }
0x35d: {  	[tilespmem:s0], [sflag:$0x4] =	stream.indirect.gather [hbm4b:s2+s26], $0x40, s30, s26, $0xb8;
	[tilespmem:$0x1F310] =	vst v63  }
0x35e: {  	v2 =	vld [tilespmem:$0x4E50]  }
0x35f: {  	v3 =	vld [tilespmem:$0x4F10];
	_ =	sdelay $0x5  }
0x360: {  	s12 =	simm.s32 $0x0  }
0x361: {  	v2 =	vld.idx.msk [tilespmem:v2+s12+$0x0], $0xffff  }
0x362: {  	v3 =	vld.idx.msk [tilespmem:v3+s17+$0x0], $0xffff;
	_ =	sdelay $0x4  }
0x363: {  	v2 =	vadd.f32 v3, v2;
	_ =	sdelay $0x1  }
0x364: {  	v3 =	vmul.f32 $2.000000030e-01, v2  }
0x365: {  	vm0 =	vgt.f32 v2, $0.0e+00  }
0x366: {  	v2 =	vsel vm0, v2, v3  }
0x367: {  	v2 =	vmax.f32 v2, $-3.000000000e+01  }
0x368: {  	v2 =	vmin.f32 v2, $3.000000000e+01  }
0x369: {  	v2 =	vmul.f32 $1.442695020e+00, v2;
	_ =	sdelay $0x1  }
0x36a: {  	(erf) = vpow2.f32 v2;
	_ =	sdelay $0x2  }
0x36b: {  	v2 =	vld [tilespmem:$0x4E60]  }
0x36c: {  	v3 =	vld [tilespmem:$0x4F20];
	_ =	sdelay $0x4  }
0x36d: {  	v4 =	vpop (erf)  }
0x36e: {  	[tilespmem:$0x4FD0] =	vst v4  }
0x36f: {  	v2 =	vld.idx.msk [tilespmem:v2+s12+$0x0], $0xffff  }
0x370: {  	v3 =	vld.idx.msk [tilespmem:v3+s17+$0x0], $0xffff;
	_ =	sdelay $0x4  }
0x371: {  	v2 =	vadd.f32 v3, v2;
	_ =	sdelay $0x1  }
0x372: {  	v3 =	vmul.f32 $2.000000030e-01, v2  }
0x373: {  	vm11 =	vgt.f32 v2, $0.0e+00  }
0x374: {  	v2 =	vsel vm11, v2, v3  }
0x375: {  	v2 =	vmax.f32 v2, $-3.000000000e+01  }
0x376: {  	v2 =	vmin.f32 v2, $3.000000000e+01  }
0x377: {  	v2 =	vmul.f32 $1.442695020e+00, v2;
	_ =	sdelay $0x1  }
0x378: {  	(erf) = vpow2.f32 v2;
	_ =	sdelay $0x2  }
0x379: {  	v2 =	vld [tilespmem:$0x4E70]  }
0x37a: {  	v3 =	vld [tilespmem:$0x4F30];
	_ =	sdelay $0x4  }
0x37b: {  	v60 =	vpop (erf)  }
0x37c: {  	[tilespmem:$0x4FE0] =	vst v60  }
0x37d: {  	v2 =	vld.idx.msk [tilespmem:v2+s12+$0x0], $0xffff  }
0x37e: {  	v3 =	vld.idx.msk [tilespmem:v3+s17+$0x0], $0xffff;
	_ =	sdelay $0x4  }
0x37f: {  	v2 =	vadd.f32 v3, v2;
	_ =	sdelay $0x1  }
0x380: {  	v3 =	vmul.f32 $2.000000030e-01, v2  }
0x381: {  	vm12 =	vgt.f32 v2, $0.0e+00  }
0x382: {  	v2 =	vsel vm12, v2, v3  }
0x383: {  	v2 =	vmax.f32 v2, $-3.000000000e+01  }
0x384: {  	v2 =	vmin.f32 v2, $3.000000000e+01  }
0x385: {  	v2 =	vmul.f32 $1.442695020e+00, v2;
	_ =	sdelay $0x1  }
0x386: {  	(erf) = vpow2.f32 v2;
	_ =	sdelay $0x2  }
0x387: {  	v2 =	vld [tilespmem:$0x4E80]  }
0x388: {  	v3 =	vld [tilespmem:$0x4F40];
	_ =	sdelay $0x4  }
0x389: {  	v61 =	vpop (erf)  }
0x38a: {  	[tilespmem:$0x4FF0] =	vst v61  }
0x38b: {  	v2 =	vld.idx.msk [tilespmem:v2+s12+$0x0], $0xffff  }
0x38c: {  	v3 =	vld.idx.msk [tilespmem:v3+s17+$0x0], $0xffff;
	_ =	sdelay $0x4  }
0x38d: {  	v2 =	vadd.f32 v3, v2;
	_ =	sdelay $0x1  }
0x38e: {  	v3 =	vmul.f32 $2.000000030e-01, v2  }
0x38f: {  	vm13 =	vgt.f32 v2, $0.0e+00  }
0x390: {  	v2 =	vsel vm13, v2, v3  }
0x391: {  	v2 =	vmax.f32 v2, $-3.000000000e+01  }
0x392: {  	v2 =	vmin.f32 v2, $3.000000000e+01  }
0x393: {  	v2 =	vmul.f32 $1.442695020e+00, v2;
	_ =	sdelay $0x1  }
0x394: {  	(erf) = vpow2.f32 v2;
	_ =	sdelay $0x2  }
0x395: {  	v2 =	vld [tilespmem:$0x4E90]  }
0x396: {  	v3 =	vld [tilespmem:$0x4F50];
	_ =	sdelay $0x4  }
0x397: {  	v62 =	vpop (erf)  }
0x398: {  	[tilespmem:$0x5000] =	vst v62  }
0x399: {  	v2 =	vld.idx.msk [tilespmem:v2+s12+$0x0], $0xffff  }
0x39a: {  	v3 =	vld.idx.msk [tilespmem:v3+s17+$0x0], $0xffff;
	_ =	sdelay $0x4  }
0x39b: {  	v2 =	vadd.f32 v3, v2;
	_ =	sdelay $0x1  }
0x39c: {  	v3 =	vmul.f32 $2.000000030e-01, v2  }
0x39d: {  	vm14 =	vgt.f32 v2, $0.0e+00  }
0x39e: {  	v2 =	vsel vm14, v2, v3  }
0x39f: {  	v2 =	vmax.f32 v2, $-3.000000000e+01  }
0x3a0: {  	v2 =	vmin.f32 v2, $3.000000000e+01  }
0x3a1: {  	v2 =	vmul.f32 $1.442695020e+00, v2;
	_ =	sdelay $0x1  }
0x3a2: {  	(erf) = vpow2.f32 v2;
	_ =	sdelay $0x2  }
0x3a3: {  	v2 =	vld [tilespmem:$0x4EA0]  }
0x3a4: {  	v3 =	vld [tilespmem:$0x4F60];
	_ =	sdelay $0x4  }
0x3a5: {  	v63 =	vpop (erf)  }
0x3a6: {  	[tilespmem:$0x5010] =	vst v63  }
0x3a7: {  	v2 =	vld.idx.msk [tilespmem:v2+s12+$0x0], $0xffff  }
0x3a8: {  	v3 =	vld.idx.msk [tilespmem:v3+s17+$0x0], $0xffff;
	_ =	sdelay $0x4  }
0x3a9: {  	v2 =	vadd.f32 v3, v2;
	_ =	sdelay $0x1  }
0x3aa: {  	v3 =	vmul.f32 $2.000000030e-01, v2  }
0x3ab: {  	vm15 =	vgt.f32 v2, $0.0e+00  }
0x3ac: {  	v2 =	vsel vm15, v2, v3  }
0x3ad: {  	v2 =	vmax.f32 v2, $-3.000000000e+01  }
0x3ae: {  	v2 =	vmin.f32 v2, $3.000000000e+01  }
0x3af: {  	v2 =	vmul.f32 $1.442695020e+00, v2;
	_ =	sdelay $0x1  }
0x3b0: {  	(erf) = vpow2.f32 v2;
	_ =	sdelay $0x8  }
0x3b1: {  	v2 =	vpop (erf)  }
0x3b2: {  	s11 =	simm.s32 $0x5190;
	s15 =	simm.s32 $0x8290;
	[tilespmem:$0x5020] =	vst v2  }
.LBB2_10:
0x3b3: {  	v2 =	vmov s12  }
0x3b4: {  	v2 =	vshrl.u32 v2, $0x3  }
0x3b5: {  	v2 =	vshll.u32 v2, v1  }
0x3b6: {  	v2 =	vbroadcast v2, $0x0;
	_ =	sdelay $0x4  }
0x3b7: {  	v3 =	vld [tilespmem:s11+$0xFFFFFF00]  }
0x3b8: {  	v2 =	vld.idx.msk [tilespmem:v2+s19+$0x0], $0xffff;
	_ =	sdelay $0x3  }
0x3b9: {  	v4 =	vshll.u32 v3, $0x10  }
0x3ba: {  	v3 =	vand.u32 $0xFFFF0000, v3;
	v4 =	vmul.f32 v4, v2  }
0x3bb: {  	v3 =	vmul.f32 v3, v2  }
0x3bc: {  	[tilespmem:s15+$0xFFFFFE00] =	vst v4  }
0x3bd: {  	[tilespmem:s15+$0xFFFFFE40] =	vst v3  }
0x3be: {  	v3 =	vld [tilespmem:s11+$0xFFFFFF10];
	_ =	sdelay $0x4  }
0x3bf: {  	v27 =	vshll.u32 v3, $0x10  }
0x3c0: {  	v3 =	vand.u32 $0xFFFF0000, v3;
	v4 =	vmul.f32 v27, v2  }
0x3c1: {  	v3 =	vmul.f32 v3, v2  }
0x3c2: {  	[tilespmem:s15+$0xFFFFFE10] =	vst v4  }
0x3c3: {  	[tilespmem:s15+$0xFFFFFE50] =	vst v3  }
0x3c4: {  	v3 =	vld [tilespmem:s11+$0xFFFFFF20];
	_ =	sdelay $0x4  }
0x3c5: {  	v28 =	vshll.u32 v3, $0x10  }
0x3c6: {  	v3 =	vand.u32 $0xFFFF0000, v3;
	v4 =	vmul.f32 v28, v2  }
0x3c7: {  	v3 =	vmul.f32 v3, v2  }
0x3c8: {  	[tilespmem:s15+$0xFFFFFE20] =	vst v4  }
0x3c9: {  	[tilespmem:s15+$0xFFFFFE60] =	vst v3  }
0x3ca: {  	s0 =	sadd.s32 $0x1, s12;
	v3 =	vld [tilespmem:s11+$0xFFFFFF30]  }
0x3cb: {  	v29 =	vmov s0  }
0x3cc: {  	v4 =	vshrl.u32 v29, $0x3  }
0x3cd: {  	v4 =	vshll.u32 v4, v1  }
0x3ce: {  	v4 =	vadd.s32 $0x1, v4  }
0x3cf: {  	v4 =	vbroadcast v4, $0x0;
	v5 =	vshll.u32 v3, $0x10  }
0x3d0: {  	v3 =	vand.u32 $0xFFFF0000, v3;
	v5 =	vmul.f32 v5, v2  }
0x3d1: {  	v2 =	vmul.f32 v3, v2  }
0x3d2: {  	[tilespmem:s15+$0xFFFFFE30] =	vst v5  }
0x3d3: {  	[tilespmem:s15+$0xFFFFFE70] =	vst v2  }
0x3d4: {  	v2 =	vld [tilespmem:s11+$0xFFFFFF40]  }
0x3d5: {  	v3 =	vld.idx.msk [tilespmem:v4+s19+$0x0], $0xffff;
	_ =	sdelay $0x3  }
0x3d6: {  	v30 =	vshll.u32 v2, $0x10  }
0x3d7: {  	v2 =	vand.u32 $0xFFFF0000, v2;
	v4 =	vmul.f32 v30, v3  }
0x3d8: {  	v2 =	vmul.f32 v2, v3  }
0x3d9: {  	[tilespmem:s15+$0xFFFFFE80] =	vst v4  }
0x3da: {  	[tilespmem:s15+$0xFFFFFEC0] =	vst v2  }
0x3db: {  	v2 =	vld [tilespmem:s11+$0xFFFFFF50];
	_ =	sdelay $0x4  }
0x3dc: {  	v31 =	vshll.u32 v2, $0x10  }
0x3dd: {  	v2 =	vand.u32 $0xFFFF0000, v2;
	v4 =	vmul.f32 v31, v3  }
0x3de: {  	v2 =	vmul.f32 v2, v3  }
0x3df: {  	[tilespmem:s15+$0xFFFFFE90] =	vst v4  }
0x3e0: {  	[tilespmem:s15+$0xFFFFFED0] =	vst v2  }
0x3e1: {  	v2 =	vld [tilespmem:s11+$0xFFFFFF60];
	_ =	sdelay $0x4  }
0x3e2: {  	v32 =	vshll.u32 v2, $0x10  }
0x3e3: {  	v2 =	vand.u32 $0xFFFF0000, v2;
	v4 =	vmul.f32 v32, v3  }
0x3e4: {  	v2 =	vmul.f32 v2, v3  }
0x3e5: {  	[tilespmem:s15+$0xFFFFFEA0] =	vst v4  }
0x3e6: {  	[tilespmem:s15+$0xFFFFFEE0] =	vst v2  }
0x3e7: {  	s16 =	sadd.s32 $0x2, s12;
	v2 =	vld [tilespmem:s11+$0xFFFFFF70]  }
0x3e8: {  	v33 =	vmov s16  }
0x3e9: {  	v4 =	vshrl.u32 v33, $0x3  }
0x3ea: {  	v4 =	vshll.u32 v4, v1  }
0x3eb: {  	v4 =	vadd.s32 $0x2, v4  }
0x3ec: {  	v4 =	vbroadcast v4, $0x0;
	v34 =	vshll.u32 v2, $0x10  }
0x3ed: {  	v2 =	vand.u32 $0xFFFF0000, v2;
	v5 =	vmul.f32 v34, v3  }
0x3ee: {  	v2 =	vmul.f32 v2, v3  }
0x3ef: {  	[tilespmem:s15+$0xFFFFFEB0] =	vst v5  }
0x3f0: {  	[tilespmem:s15+$0xFFFFFEF0] =	vst v2  }
0x3f1: {  	v2 =	vld [tilespmem:s11+$0xFFFFFF80]  }
0x3f2: {  	v3 =	vld.idx.msk [tilespmem:v4+s19+$0x0], $0xffff;
	_ =	sdelay $0x3  }
0x3f3: {  	v35 =	vshll.u32 v2, $0x10  }
0x3f4: {  	v2 =	vand.u32 $0xFFFF0000, v2;
	v4 =	vmul.f32 v35, v3  }
0x3f5: {  	v2 =	vmul.f32 v2, v3  }
0x3f6: {  	[tilespmem:s15+$0xFFFFFF00] =	vst v4  }
0x3f7: {  	[tilespmem:s15+$0xFFFFFF40] =	vst v2  }
0x3f8: {  	v2 =	vld [tilespmem:s11+$0xFFFFFF90];
	_ =	sdelay $0x4  }
0x3f9: {  	v36 =	vshll.u32 v2, $0x10  }
0x3fa: {  	v2 =	vand.u32 $0xFFFF0000, v2;
	v4 =	vmul.f32 v36, v3  }
0x3fb: {  	v2 =	vmul.f32 v2, v3  }
0x3fc: {  	[tilespmem:s15+$0xFFFFFF10] =	vst v4  }
0x3fd: {  	[tilespmem:s15+$0xFFFFFF50] =	vst v2  }
0x3fe: {  	v2 =	vld [tilespmem:s11+$0xFFFFFFA0];
	_ =	sdelay $0x4  }
0x3ff: {  	v37 =	vshll.u32 v2, $0x10  }
0x400: {  	v2 =	vand.u32 $0xFFFF0000, v2;
	v4 =	vmul.f32 v37, v3  }
0x401: {  	v2 =	vmul.f32 v2, v3  }
0x402: {  	[tilespmem:s15+$0xFFFFFF20] =	vst v4  }
0x403: {  	[tilespmem:s15+$0xFFFFFF60] =	vst v2  }
0x404: {  	s28 =	sadd.s32 $0x3, s12;
	v2 =	vld [tilespmem:s11+$0xFFFFFFB0]  }
0x405: {  	v38 =	vmov s28  }
0x406: {  	v4 =	vshrl.u32 v38, $0x3  }
0x407: {  	v4 =	vshll.u32 v4, v1  }
0x408: {  	v4 =	vadd.s32 $0x3, v4  }
0x409: {  	v4 =	vbroadcast v4, $0x0;
	v39 =	vshll.u32 v2, $0x10  }
0x40a: {  	v2 =	vand.u32 $0xFFFF0000, v2;
	v5 =	vmul.f32 v39, v3  }
0x40b: {  	v2 =	vmul.f32 v2, v3  }
0x40c: {  	[tilespmem:s15+$0xFFFFFF30] =	vst v5  }
0x40d: {  	[tilespmem:s15+$0xFFFFFF70] =	vst v2  }
0x40e: {  	v2 =	vld [tilespmem:s11+$0xFFFFFFC0]  }
0x40f: {  	v3 =	vld.idx.msk [tilespmem:v4+s19+$0x0], $0xffff;
	_ =	sdelay $0x3  }
0x410: {  	v40 =	vshll.u32 v2, $0x10  }
0x411: {  	v2 =	vand.u32 $0xFFFF0000, v2;
	v4 =	vmul.f32 v40, v3  }
0x412: {  	v2 =	vmul.f32 v2, v3  }
0x413: {  	[tilespmem:s15+$0xFFFFFF80] =	vst v4  }
0x414: {  	[tilespmem:s15+$0xFFFFFFC0] =	vst v2  }
0x415: {  	v2 =	vld [tilespmem:s11+$0xFFFFFFD0];
	_ =	sdelay $0x4  }
0x416: {  	v41 =	vshll.u32 v2, $0x10  }
0x417: {  	v2 =	vand.u32 $0xFFFF0000, v2;
	v4 =	vmul.f32 v41, v3  }
0x418: {  	v2 =	vmul.f32 v2, v3  }
0x419: {  	[tilespmem:s15+$0xFFFFFF90] =	vst v4  }
0x41a: {  	[tilespmem:s15+$0xFFFFFFD0] =	vst v2  }
0x41b: {  	v2 =	vld [tilespmem:s11+$0xFFFFFFE0];
	_ =	sdelay $0x4  }
0x41c: {  	v42 =	vshll.u32 v2, $0x10  }
0x41d: {  	v2 =	vand.u32 $0xFFFF0000, v2;
	v4 =	vmul.f32 v42, v3  }
0x41e: {  	v2 =	vmul.f32 v2, v3  }
0x41f: {  	[tilespmem:s15+$0xFFFFFFA0] =	vst v4  }
0x420: {  	[tilespmem:s15+$0xFFFFFFE0] =	vst v2  }
0x421: {  	s31 =	sadd.s32 $0x4, s12;
	v2 =	vld [tilespmem:s11+$0xFFFFFFF0]  }
0x422: {  	v43 =	vmov s31  }
0x423: {  	v4 =	vshrl.u32 v43, $0x3  }
0x424: {  	v4 =	vshll.u32 v4, v1  }
0x425: {  	v4 =	vadd.s32 $0x4, v4  }
0x426: {  	v4 =	vbroadcast v4, $0x0;
	v44 =	vshll.u32 v2, $0x10  }
0x427: {  	v2 =	vand.u32 $0xFFFF0000, v2;
	v5 =	vmul.f32 v44, v3  }
0x428: {  	v2 =	vmul.f32 v2, v3  }
0x429: {  	[tilespmem:s15+$0xFFFFFFB0] =	vst v5  }
0x42a: {  	[tilespmem:s15+$0xFFFFFFF0] =	vst v2  }
0x42b: {  	v2 =	vld [tilespmem:s11+$0x0]  }
0x42c: {  	v3 =	vld.idx.msk [tilespmem:v4+s19+$0x0], $0xffff;
	_ =	sdelay $0x3  }
0x42d: {  	v45 =	vshll.u32 v2, $0x10  }
0x42e: {  	v2 =	vand.u32 $0xFFFF0000, v2;
	v4 =	vmul.f32 v45, v3  }
0x42f: {  	v2 =	vmul.f32 v2, v3  }
0x430: {  	[tilespmem:s15+$0x0] =	vst v4  }
0x431: {  	[tilespmem:s15+$0x40] =	vst v2  }
0x432: {  	v2 =	vld [tilespmem:s11+$0x10];
	_ =	sdelay $0x4  }
0x433: {  	v46 =	vshll.u32 v2, $0x10  }
0x434: {  	v2 =	vand.u32 $0xFFFF0000, v2;
	v4 =	vmul.f32 v46, v3  }
0x435: {  	v2 =	vmul.f32 v2, v3  }
0x436: {  	[tilespmem:s15+$0x10] =	vst v4  }
0x437: {  	[tilespmem:s15+$0x50] =	vst v2  }
0x438: {  	v2 =	vld [tilespmem:s11+$0x20];
	_ =	sdelay $0x4  }
0x439: {  	v47 =	vshll.u32 v2, $0x10  }
0x43a: {  	v2 =	vand.u32 $0xFFFF0000, v2;
	v4 =	vmul.f32 v47, v3  }
0x43b: {  	v2 =	vmul.f32 v2, v3  }
0x43c: {  	[tilespmem:s15+$0x20] =	vst v4  }
0x43d: {  	[tilespmem:s15+$0x60] =	vst v2  }
0x43e: {  	s16 =	sadd.s32 $0x5, s12;
	v2 =	vld [tilespmem:s11+$0x30]  }
0x43f: {  	v48 =	vmov s16  }
0x440: {  	v4 =	vshrl.u32 v48, $0x3  }
0x441: {  	v4 =	vshll.u32 v4, v1  }
0x442: {  	v4 =	vadd.s32 $0x5, v4  }
0x443: {  	v4 =	vbroadcast v4, $0x0;
	v49 =	vshll.u32 v2, $0x10  }
0x444: {  	v2 =	vand.u32 $0xFFFF0000, v2;
	v5 =	vmul.f32 v49, v3  }
0x445: {  	v2 =	vmul.f32 v2, v3  }
0x446: {  	[tilespmem:s15+$0x30] =	vst v5  }
0x447: {  	[tilespmem:s15+$0x70] =	vst v2  }
0x448: {  	v2 =	vld [tilespmem:s11+$0x40]  }
0x449: {  	v3 =	vld.idx.msk [tilespmem:v4+s19+$0x0], $0xffff;
	_ =	sdelay $0x3  }
0x44a: {  	v50 =	vshll.u32 v2, $0x10  }
0x44b: {  	v2 =	vand.u32 $0xFFFF0000, v2;
	v4 =	vmul.f32 v50, v3  }
0x44c: {  	v2 =	vmul.f32 v2, v3  }
0x44d: {  	[tilespmem:s15+$0x80] =	vst v4  }
0x44e: {  	[tilespmem:s15+$0xC0] =	vst v2  }
0x44f: {  	v2 =	vld [tilespmem:s11+$0x50];
	_ =	sdelay $0x4  }
0x450: {  	v51 =	vshll.u32 v2, $0x10  }
0x451: {  	v2 =	vand.u32 $0xFFFF0000, v2;
	v4 =	vmul.f32 v51, v3  }
0x452: {  	v2 =	vmul.f32 v2, v3  }
0x453: {  	[tilespmem:s15+$0x90] =	vst v4  }
0x454: {  	[tilespmem:s15+$0xD0] =	vst v2  }
0x455: {  	v2 =	vld [tilespmem:s11+$0x60];
	_ =	sdelay $0x4  }
0x456: {  	v52 =	vshll.u32 v2, $0x10  }
0x457: {  	v2 =	vand.u32 $0xFFFF0000, v2;
	v4 =	vmul.f32 v52, v3  }
0x458: {  	v2 =	vmul.f32 v2, v3  }
0x459: {  	[tilespmem:s15+$0xA0] =	vst v4  }
0x45a: {  	[tilespmem:s15+$0xE0] =	vst v2  }
0x45b: {  	s28 =	sadd.s32 $0x6, s12;
	v2 =	vld [tilespmem:s11+$0x70]  }
0x45c: {  	v53 =	vmov s28  }
0x45d: {  	v4 =	vshrl.u32 v53, $0x3  }
0x45e: {  	v4 =	vshll.u32 v4, v1  }
0x45f: {  	v4 =	vadd.s32 $0x6, v4  }
0x460: {  	v4 =	vbroadcast v4, $0x0;
	v54 =	vshll.u32 v2, $0x10  }
0x461: {  	v2 =	vand.u32 $0xFFFF0000, v2;
	v5 =	vmul.f32 v54, v3  }
0x462: {  	v2 =	vmul.f32 v2, v3  }
0x463: {  	[tilespmem:s15+$0xB0] =	vst v5  }
0x464: {  	[tilespmem:s15+$0xF0] =	vst v2  }
0x465: {  	v2 =	vld [tilespmem:s11+$0x80]  }
0x466: {  	v3 =	vld.idx.msk [tilespmem:v4+s19+$0x0], $0xffff;
	_ =	sdelay $0x3  }
0x467: {  	v55 =	vshll.u32 v2, $0x10  }
0x468: {  	v2 =	vand.u32 $0xFFFF0000, v2;
	v4 =	vmul.f32 v55, v3  }
0x469: {  	v2 =	vmul.f32 v2, v3  }
0x46a: {  	[tilespmem:s15+$0x100] =	vst v4  }
0x46b: {  	[tilespmem:s15+$0x140] =	vst v2  }
0x46c: {  	v2 =	vld [tilespmem:s11+$0x90];
	_ =	sdelay $0x4  }
0x46d: {  	v56 =	vshll.u32 v2, $0x10  }
0x46e: {  	v2 =	vand.u32 $0xFFFF0000, v2;
	v4 =	vmul.f32 v56, v3  }
0x46f: {  	v2 =	vmul.f32 v2, v3  }
0x470: {  	[tilespmem:s15+$0x110] =	vst v4  }
0x471: {  	[tilespmem:s15+$0x150] =	vst v2  }
0x472: {  	v2 =	vld [tilespmem:s11+$0xA0];
	_ =	sdelay $0x4  }
0x473: {  	v57 =	vshll.u32 v2, $0x10  }
0x474: {  	v2 =	vand.u32 $0xFFFF0000, v2;
	v4 =	vmul.f32 v57, v3  }
0x475: {  	v2 =	vmul.f32 v2, v3  }
0x476: {  	[tilespmem:s15+$0x120] =	vst v4  }
0x477: {  	[tilespmem:s15+$0x160] =	vst v2  }
0x478: {  	s31 =	sadd.s32 $0x7, s12;
	v2 =	vld [tilespmem:s11+$0xB0]  }
0x479: {  	v58 =	vmov s31  }
0x47a: {  	v4 =	vshrl.u32 v58, $0x3  }
0x47b: {  	v4 =	vshll.u32 v4, v1  }
0x47c: {  	v4 =	vadd.s32 $0x7, v4  }
0x47d: {  	v4 =	vbroadcast v4, $0x0;
	v59 =	vshll.u32 v2, $0x10  }
0x47e: {  	v2 =	vand.u32 $0xFFFF0000, v2;
	v5 =	vmul.f32 v59, v3  }
0x47f: {  	v2 =	vmul.f32 v2, v3  }
0x480: {  	[tilespmem:s15+$0x130] =	vst v5  }
0x481: {  	[tilespmem:s15+$0x170] =	vst v2  }
0x482: {  	v2 =	vld [tilespmem:s11+$0xC0]  }
0x483: {  	v3 =	vld.idx.msk [tilespmem:v4+s19+$0x0], $0xffff;
	_ =	sdelay $0x3  }
0x484: {  	v60 =	vshll.u32 v2, $0x10  }
0x485: {  	v2 =	vand.u32 $0xFFFF0000, v2;
	v4 =	vmul.f32 v60, v3  }
0x486: {  	v2 =	vmul.f32 v2, v3  }
0x487: {  	[tilespmem:s15+$0x180] =	vst v4  }
0x488: {  	[tilespmem:s15+$0x1C0] =	vst v2  }
0x489: {  	v2 =	vld [tilespmem:s11+$0xD0];
	_ =	sdelay $0x4  }
0x48a: {  	v61 =	vshll.u32 v2, $0x10  }
0x48b: {  	v2 =	vand.u32 $0xFFFF0000, v2;
	v4 =	vmul.f32 v61, v3  }
0x48c: {  	v2 =	vmul.f32 v2, v3  }
0x48d: {  	[tilespmem:s15+$0x190] =	vst v4  }
0x48e: {  	[tilespmem:s15+$0x1D0] =	vst v2  }
0x48f: {  	v2 =	vld [tilespmem:s11+$0xE0];
	_ =	sdelay $0x4  }
0x490: {  	v62 =	vshll.u32 v2, $0x10  }
0x491: {  	v2 =	vand.u32 $0xFFFF0000, v2;
	v4 =	vmul.f32 v62, v3  }
0x492: {  	v2 =	vmul.f32 v2, v3  }
0x493: {  	[tilespmem:s15+$0x1A0] =	vst v4  }
0x494: {  	[tilespmem:s15+$0x1E0] =	vst v2  }
0x495: {  	v2 =	vld [tilespmem:s11+$0xF0];
	_ =	sdelay $0x3  }
0x496: {  	p1 =	slt.u32 s12, $0x58  }
.Ltmp4:
0x497: {  	v63 =	vshll.u32 v2, $0x10;
	(pc) =	sbr.rel @p1 .LBB2_10-.Ltmp4, $4  }
0x498: {  	v2 =	vand.u32 $0xFFFF0000, v2;
	v4 =	vmul.f32 v63, v3  }
0x499: {  	v2 =	vmul.f32 v2, v3  }
0x49a: {  	[tilespmem:s15+$0x1B0] =	vst v4  }
0x49b: {  	s12 =	sadd.s32 $0x8, s12;
	s11 =	sadd.s32 $0x200, s11;
	[tilespmem:s15+$0x1F0] =	vst v2;
	s15 =	sadd.s32 $0x400, s15  }
0x49c: {  	[spmem:s4] =	stream.indirect.scatter.add.f32 [tilespmem:s19], [sflag:$0x5], $0x1, s24, s26, $0xb8;
	[tilespmem:$0x1F310] =	vst v63  }
0x49d: {  	_ = 	snop  }
0x49e: {  	[spmem:s3] =	stream.indirect.scatter.add.f32 [tilespmem:s18], [sflag:$0x7], $0x80, s24, s26, $0xb8;
	[tilespmem:$0x1F310] =	vst v63  }
0x49f: {  	_ =	swait.ge [sflag:s1], $0x3000  }
0x4a0: {  	[sflag:s1] =	ssyncset.done $0x0  }
0x4a1: {  	[sflag:s1] =	ssyncadd.s32 $0xFFFFD000  }
0x4a2: {  	_ =	swait.ge [sflag:s5], $0x60  }
0x4a3: {  	[sflag:s5] =	ssyncset.done $0x0  }
0x4a4: {  	[sflag:s5] =	ssyncadd.s32 $0xFFFFFFA0  }
0x4a5: {  	_ =	swait.ge [sflag:s21], $0x1800  }
0x4a6: {  	[sflag:s21] =	ssyncset.done $0x0  }
0x4a7: {  	[sflag:s21] =	ssyncadd.s32 $0xFFFFE800  }
0x4a8: {  	v2 =	vld [tilespmem:$0x4EB0]  }
0x4a9: {  	v3 =	vld [tilespmem:$0x4F70];
	_ =	sdelay $0x5  }
0x4aa: {  	s12 =	simm.s32 $0x0  }
0x4ab: {  	v2 =	vld.idx.msk [tilespmem:v2+s12+$0x0], $0xffff  }
0x4ac: {  	v3 =	vld.idx.msk [tilespmem:v3+s17+$0x0], $0xffff;
	_ =	sdelay $0x4  }
0x4ad: {  	v2 =	vadd.f32 v3, v2;
	_ =	sdelay $0x1  }
0x4ae: {  	v3 =	vmul.f32 $2.000000030e-01, v2  }
0x4af: {  	vm0 =	vgt.f32 v2, $0.0e+00  }
0x4b0: {  	v2 =	vsel vm0, v2, v3  }
0x4b1: {  	v2 =	vmax.f32 v2, $-3.000000000e+01  }
0x4b2: {  	v2 =	vmin.f32 v2, $3.000000000e+01  }
0x4b3: {  	v2 =	vmul.f32 $1.442695020e+00, v2;
	_ =	sdelay $0x1  }
0x4b4: {  	(erf) = vpow2.f32 v2;
	_ =	sdelay $0x2  }
0x4b5: {  	v2 =	vld [tilespmem:$0x4EC0]  }
0x4b6: {  	v3 =	vld [tilespmem:$0x4F80];
	_ =	sdelay $0x4  }
0x4b7: {  	v4 =	vpop (erf)  }
0x4b8: {  	[tilespmem:$0x5030] =	vst v4  }
0x4b9: {  	v2 =	vld.idx.msk [tilespmem:v2+s12+$0x0], $0xffff  }
0x4ba: {  	v3 =	vld.idx.msk [tilespmem:v3+s17+$0x0], $0xffff;
	_ =	sdelay $0x4  }
0x4bb: {  	v2 =	vadd.f32 v3, v2;
	_ =	sdelay $0x1  }
0x4bc: {  	v3 =	vmul.f32 $2.000000030e-01, v2  }
0x4bd: {  	vm11 =	vgt.f32 v2, $0.0e+00  }
0x4be: {  	v2 =	vsel vm11, v2, v3  }
0x4bf: {  	v2 =	vmax.f32 v2, $-3.000000000e+01  }
0x4c0: {  	v2 =	vmin.f32 v2, $3.000000000e+01  }
0x4c1: {  	v2 =	vmul.f32 $1.442695020e+00, v2;
	_ =	sdelay $0x1  }
0x4c2: {  	(erf) = vpow2.f32 v2;
	_ =	sdelay $0x2  }
0x4c3: {  	v2 =	vld [tilespmem:$0x4ED0]  }
0x4c4: {  	v3 =	vld [tilespmem:$0x4F90];
	_ =	sdelay $0x4  }
0x4c5: {  	v60 =	vpop (erf)  }
0x4c6: {  	[tilespmem:$0x5040] =	vst v60  }
0x4c7: {  	v2 =	vld.idx.msk [tilespmem:v2+s12+$0x0], $0xffff  }
0x4c8: {  	v3 =	vld.idx.msk [tilespmem:v3+s17+$0x0], $0xffff;
	_ =	sdelay $0x4  }
0x4c9: {  	v2 =	vadd.f32 v3, v2;
	_ =	sdelay $0x1  }
0x4ca: {  	v3 =	vmul.f32 $2.000000030e-01, v2  }
0x4cb: {  	vm12 =	vgt.f32 v2, $0.0e+00  }
0x4cc: {  	v2 =	vsel vm12, v2, v3  }
0x4cd: {  	v2 =	vmax.f32 v2, $-3.000000000e+01  }
0x4ce: {  	v2 =	vmin.f32 v2, $3.000000000e+01  }
0x4cf: {  	v2 =	vmul.f32 $1.442695020e+00, v2;
	_ =	sdelay $0x1  }
0x4d0: {  	(erf) = vpow2.f32 v2;
	_ =	sdelay $0x2  }
0x4d1: {  	v2 =	vld [tilespmem:$0x4EE0]  }
0x4d2: {  	v3 =	vld [tilespmem:$0x4FA0];
	_ =	sdelay $0x4  }
0x4d3: {  	v61 =	vpop (erf)  }
0x4d4: {  	[tilespmem:$0x5050] =	vst v61  }
0x4d5: {  	v2 =	vld.idx.msk [tilespmem:v2+s12+$0x0], $0xffff  }
0x4d6: {  	v3 =	vld.idx.msk [tilespmem:v3+s17+$0x0], $0xffff;
	_ =	sdelay $0x4  }
0x4d7: {  	v2 =	vadd.f32 v3, v2;
	_ =	sdelay $0x1  }
0x4d8: {  	v3 =	vmul.f32 $2.000000030e-01, v2  }
0x4d9: {  	vm13 =	vgt.f32 v2, $0.0e+00  }
0x4da: {  	v2 =	vsel vm13, v2, v3  }
0x4db: {  	v2 =	vmax.f32 v2, $-3.000000000e+01  }
0x4dc: {  	v2 =	vmin.f32 v2, $3.000000000e+01  }
0x4dd: {  	v2 =	vmul.f32 $1.442695020e+00, v2;
	_ =	sdelay $0x1  }
0x4de: {  	(erf) = vpow2.f32 v2;
	_ =	sdelay $0x2  }
0x4df: {  	v2 =	vld [tilespmem:$0x4EF0]  }
0x4e0: {  	v3 =	vld [tilespmem:$0x4FB0];
	_ =	sdelay $0x4  }
0x4e1: {  	v62 =	vpop (erf)  }
0x4e2: {  	[tilespmem:$0x5060] =	vst v62  }
0x4e3: {  	v2 =	vld.idx.msk [tilespmem:v2+s12+$0x0], $0xffff  }
0x4e4: {  	v3 =	vld.idx.msk [tilespmem:v3+s17+$0x0], $0xffff;
	_ =	sdelay $0x4  }
0x4e5: {  	v2 =	vadd.f32 v3, v2;
	_ =	sdelay $0x1  }
0x4e6: {  	v3 =	vmul.f32 $2.000000030e-01, v2  }
0x4e7: {  	vm14 =	vgt.f32 v2, $0.0e+00  }
0x4e8: {  	v2 =	vsel vm14, v2, v3  }
0x4e9: {  	v2 =	vmax.f32 v2, $-3.000000000e+01  }
0x4ea: {  	v2 =	vmin.f32 v2, $3.000000000e+01  }
0x4eb: {  	v2 =	vmul.f32 $1.442695020e+00, v2;
	_ =	sdelay $0x1  }
0x4ec: {  	(erf) = vpow2.f32 v2;
	_ =	sdelay $0x2  }
0x4ed: {  	v2 =	vld [tilespmem:$0x4F00]  }
0x4ee: {  	v3 =	vld [tilespmem:$0x4FC0];
	_ =	sdelay $0x4  }
0x4ef: {  	v63 =	vpop (erf)  }
0x4f0: {  	[tilespmem:$0x5070] =	vst v63  }
0x4f1: {  	v2 =	vld.idx.msk [tilespmem:v2+s12+$0x0], $0xffff  }
0x4f2: {  	v3 =	vld.idx.msk [tilespmem:v3+s17+$0x0], $0xffff;
	_ =	sdelay $0x4  }
0x4f3: {  	v2 =	vadd.f32 v3, v2;
	_ =	sdelay $0x1  }
0x4f4: {  	v3 =	vmul.f32 $2.000000030e-01, v2  }
0x4f5: {  	vm15 =	vgt.f32 v2, $0.0e+00  }
0x4f6: {  	v2 =	vsel vm15, v2, v3  }
0x4f7: {  	v2 =	vmax.f32 v2, $-3.000000000e+01  }
0x4f8: {  	v2 =	vmin.f32 v2, $3.000000000e+01  }
0x4f9: {  	v2 =	vmul.f32 $1.442695020e+00, v2;
	_ =	sdelay $0x1  }
0x4fa: {  	(erf) = vpow2.f32 v2;
	_ =	sdelay $0x8  }
0x4fb: {  	v2 =	vpop (erf)  }
0x4fc: {  	s11 =	simm.s32 $0x6990;
	s15 =	simm.s32 $0x8290;
	[tilespmem:$0x5080] =	vst v2  }
.LBB2_12:
0x4fd: {  	v2 =	vmov s12  }
0x4fe: {  	v2 =	vshrl.u32 v2, $0x3  }
0x4ff: {  	v2 =	vshll.u32 v2, v1  }
0x500: {  	v2 =	vbroadcast v2, $0x0;
	_ =	sdelay $0x4  }
0x501: {  	v3 =	vld [tilespmem:s11+$0xFFFFFF00]  }
0x502: {  	v2 =	vld.idx.msk [tilespmem:v2+s9+$0x0], $0xffff;
	_ =	sdelay $0x3  }
0x503: {  	v4 =	vshll.u32 v3, $0x10  }
0x504: {  	v3 =	vand.u32 $0xFFFF0000, v3;
	v4 =	vmul.f32 v4, v2  }
0x505: {  	v3 =	vmul.f32 v3, v2  }
0x506: {  	[tilespmem:s15+$0xFFFFFE00] =	vst v4  }
0x507: {  	[tilespmem:s15+$0xFFFFFE40] =	vst v3  }
0x508: {  	v3 =	vld [tilespmem:s11+$0xFFFFFF10];
	_ =	sdelay $0x4  }
0x509: {  	v27 =	vshll.u32 v3, $0x10  }
0x50a: {  	v3 =	vand.u32 $0xFFFF0000, v3;
	v4 =	vmul.f32 v27, v2  }
0x50b: {  	v3 =	vmul.f32 v3, v2  }
0x50c: {  	[tilespmem:s15+$0xFFFFFE10] =	vst v4  }
0x50d: {  	[tilespmem:s15+$0xFFFFFE50] =	vst v3  }
0x50e: {  	v3 =	vld [tilespmem:s11+$0xFFFFFF20];
	_ =	sdelay $0x4  }
0x50f: {  	v28 =	vshll.u32 v3, $0x10  }
0x510: {  	v3 =	vand.u32 $0xFFFF0000, v3;
	v4 =	vmul.f32 v28, v2  }
0x511: {  	v3 =	vmul.f32 v3, v2  }
0x512: {  	[tilespmem:s15+$0xFFFFFE20] =	vst v4  }
0x513: {  	[tilespmem:s15+$0xFFFFFE60] =	vst v3  }
0x514: {  	s0 =	sadd.s32 $0x1, s12;
	v3 =	vld [tilespmem:s11+$0xFFFFFF30]  }
0x515: {  	v29 =	vmov s0  }
0x516: {  	v4 =	vshrl.u32 v29, $0x3  }
0x517: {  	v4 =	vshll.u32 v4, v1  }
0x518: {  	v4 =	vadd.s32 $0x1, v4  }
0x519: {  	v4 =	vbroadcast v4, $0x0;
	v5 =	vshll.u32 v3, $0x10  }
0x51a: {  	v3 =	vand.u32 $0xFFFF0000, v3;
	v5 =	vmul.f32 v5, v2  }
0x51b: {  	v2 =	vmul.f32 v3, v2  }
0x51c: {  	[tilespmem:s15+$0xFFFFFE30] =	vst v5  }
0x51d: {  	[tilespmem:s15+$0xFFFFFE70] =	vst v2  }
0x51e: {  	v2 =	vld [tilespmem:s11+$0xFFFFFF40]  }
0x51f: {  	v3 =	vld.idx.msk [tilespmem:v4+s9+$0x0], $0xffff;
	_ =	sdelay $0x3  }
0x520: {  	v30 =	vshll.u32 v2, $0x10  }
0x521: {  	v2 =	vand.u32 $0xFFFF0000, v2;
	v4 =	vmul.f32 v30, v3  }
0x522: {  	v2 =	vmul.f32 v2, v3  }
0x523: {  	[tilespmem:s15+$0xFFFFFE80] =	vst v4  }
0x524: {  	[tilespmem:s15+$0xFFFFFEC0] =	vst v2  }
0x525: {  	v2 =	vld [tilespmem:s11+$0xFFFFFF50];
	_ =	sdelay $0x4  }
0x526: {  	v31 =	vshll.u32 v2, $0x10  }
0x527: {  	v2 =	vand.u32 $0xFFFF0000, v2;
	v4 =	vmul.f32 v31, v3  }
0x528: {  	v2 =	vmul.f32 v2, v3  }
0x529: {  	[tilespmem:s15+$0xFFFFFE90] =	vst v4  }
0x52a: {  	[tilespmem:s15+$0xFFFFFED0] =	vst v2  }
0x52b: {  	v2 =	vld [tilespmem:s11+$0xFFFFFF60];
	_ =	sdelay $0x4  }
0x52c: {  	v32 =	vshll.u32 v2, $0x10  }
0x52d: {  	v2 =	vand.u32 $0xFFFF0000, v2;
	v4 =	vmul.f32 v32, v3  }
0x52e: {  	v2 =	vmul.f32 v2, v3  }
0x52f: {  	[tilespmem:s15+$0xFFFFFEA0] =	vst v4  }
0x530: {  	[tilespmem:s15+$0xFFFFFEE0] =	vst v2  }
0x531: {  	s16 =	sadd.s32 $0x2, s12;
	v2 =	vld [tilespmem:s11+$0xFFFFFF70]  }
0x532: {  	v33 =	vmov s16  }
0x533: {  	v4 =	vshrl.u32 v33, $0x3  }
0x534: {  	v4 =	vshll.u32 v4, v1  }
0x535: {  	v4 =	vadd.s32 $0x2, v4  }
0x536: {  	v4 =	vbroadcast v4, $0x0;
	v34 =	vshll.u32 v2, $0x10  }
0x537: {  	v2 =	vand.u32 $0xFFFF0000, v2;
	v5 =	vmul.f32 v34, v3  }
0x538: {  	v2 =	vmul.f32 v2, v3  }
0x539: {  	[tilespmem:s15+$0xFFFFFEB0] =	vst v5  }
0x53a: {  	[tilespmem:s15+$0xFFFFFEF0] =	vst v2  }
0x53b: {  	v2 =	vld [tilespmem:s11+$0xFFFFFF80]  }
0x53c: {  	v3 =	vld.idx.msk [tilespmem:v4+s9+$0x0], $0xffff;
	_ =	sdelay $0x3  }
0x53d: {  	v35 =	vshll.u32 v2, $0x10  }
0x53e: {  	v2 =	vand.u32 $0xFFFF0000, v2;
	v4 =	vmul.f32 v35, v3  }
0x53f: {  	v2 =	vmul.f32 v2, v3  }
0x540: {  	[tilespmem:s15+$0xFFFFFF00] =	vst v4  }
0x541: {  	[tilespmem:s15+$0xFFFFFF40] =	vst v2  }
0x542: {  	v2 =	vld [tilespmem:s11+$0xFFFFFF90];
	_ =	sdelay $0x4  }
0x543: {  	v36 =	vshll.u32 v2, $0x10  }
0x544: {  	v2 =	vand.u32 $0xFFFF0000, v2;
	v4 =	vmul.f32 v36, v3  }
0x545: {  	v2 =	vmul.f32 v2, v3  }
0x546: {  	[tilespmem:s15+$0xFFFFFF10] =	vst v4  }
0x547: {  	[tilespmem:s15+$0xFFFFFF50] =	vst v2  }
0x548: {  	v2 =	vld [tilespmem:s11+$0xFFFFFFA0];
	_ =	sdelay $0x4  }
0x549: {  	v37 =	vshll.u32 v2, $0x10  }
0x54a: {  	v2 =	vand.u32 $0xFFFF0000, v2;
	v4 =	vmul.f32 v37, v3  }
0x54b: {  	v2 =	vmul.f32 v2, v3  }
0x54c: {  	[tilespmem:s15+$0xFFFFFF20] =	vst v4  }
0x54d: {  	[tilespmem:s15+$0xFFFFFF60] =	vst v2  }
0x54e: {  	s28 =	sadd.s32 $0x3, s12;
	v2 =	vld [tilespmem:s11+$0xFFFFFFB0]  }
0x54f: {  	v38 =	vmov s28  }
0x550: {  	v4 =	vshrl.u32 v38, $0x3  }
0x551: {  	v4 =	vshll.u32 v4, v1  }
0x552: {  	v4 =	vadd.s32 $0x3, v4  }
0x553: {  	v4 =	vbroadcast v4, $0x0;
	v39 =	vshll.u32 v2, $0x10  }
0x554: {  	v2 =	vand.u32 $0xFFFF0000, v2;
	v5 =	vmul.f32 v39, v3  }
0x555: {  	v2 =	vmul.f32 v2, v3  }
0x556: {  	[tilespmem:s15+$0xFFFFFF30] =	vst v5  }
0x557: {  	[tilespmem:s15+$0xFFFFFF70] =	vst v2  }
0x558: {  	v2 =	vld [tilespmem:s11+$0xFFFFFFC0]  }
0x559: {  	v3 =	vld.idx.msk [tilespmem:v4+s9+$0x0], $0xffff;
	_ =	sdelay $0x3  }
0x55a: {  	v40 =	vshll.u32 v2, $0x10  }
0x55b: {  	v2 =	vand.u32 $0xFFFF0000, v2;
	v4 =	vmul.f32 v40, v3  }
0x55c: {  	v2 =	vmul.f32 v2, v3  }
0x55d: {  	[tilespmem:s15+$0xFFFFFF80] =	vst v4  }
0x55e: {  	[tilespmem:s15+$0xFFFFFFC0] =	vst v2  }
0x55f: {  	v2 =	vld [tilespmem:s11+$0xFFFFFFD0];
	_ =	sdelay $0x4  }
0x560: {  	v41 =	vshll.u32 v2, $0x10  }
0x561: {  	v2 =	vand.u32 $0xFFFF0000, v2;
	v4 =	vmul.f32 v41, v3  }
0x562: {  	v2 =	vmul.f32 v2, v3  }
0x563: {  	[tilespmem:s15+$0xFFFFFF90] =	vst v4  }
0x564: {  	[tilespmem:s15+$0xFFFFFFD0] =	vst v2  }
0x565: {  	v2 =	vld [tilespmem:s11+$0xFFFFFFE0];
	_ =	sdelay $0x4  }
0x566: {  	v42 =	vshll.u32 v2, $0x10  }
0x567: {  	v2 =	vand.u32 $0xFFFF0000, v2;
	v4 =	vmul.f32 v42, v3  }
0x568: {  	v2 =	vmul.f32 v2, v3  }
0x569: {  	[tilespmem:s15+$0xFFFFFFA0] =	vst v4  }
0x56a: {  	[tilespmem:s15+$0xFFFFFFE0] =	vst v2  }
0x56b: {  	s31 =	sadd.s32 $0x4, s12;
	v2 =	vld [tilespmem:s11+$0xFFFFFFF0]  }
0x56c: {  	v43 =	vmov s31  }
0x56d: {  	v4 =	vshrl.u32 v43, $0x3  }
0x56e: {  	v4 =	vshll.u32 v4, v1  }
0x56f: {  	v4 =	vadd.s32 $0x4, v4  }
0x570: {  	v4 =	vbroadcast v4, $0x0;
	v44 =	vshll.u32 v2, $0x10  }
0x571: {  	v2 =	vand.u32 $0xFFFF0000, v2;
	v5 =	vmul.f32 v44, v3  }
0x572: {  	v2 =	vmul.f32 v2, v3  }
0x573: {  	[tilespmem:s15+$0xFFFFFFB0] =	vst v5  }
0x574: {  	[tilespmem:s15+$0xFFFFFFF0] =	vst v2  }
0x575: {  	v2 =	vld [tilespmem:s11+$0x0]  }
0x576: {  	v3 =	vld.idx.msk [tilespmem:v4+s9+$0x0], $0xffff;
	_ =	sdelay $0x3  }
0x577: {  	v45 =	vshll.u32 v2, $0x10  }
0x578: {  	v2 =	vand.u32 $0xFFFF0000, v2;
	v4 =	vmul.f32 v45, v3  }
0x579: {  	v2 =	vmul.f32 v2, v3  }
0x57a: {  	[tilespmem:s15+$0x0] =	vst v4  }
0x57b: {  	[tilespmem:s15+$0x40] =	vst v2  }
0x57c: {  	v2 =	vld [tilespmem:s11+$0x10];
	_ =	sdelay $0x4  }
0x57d: {  	v46 =	vshll.u32 v2, $0x10  }
0x57e: {  	v2 =	vand.u32 $0xFFFF0000, v2;
	v4 =	vmul.f32 v46, v3  }
0x57f: {  	v2 =	vmul.f32 v2, v3  }
0x580: {  	[tilespmem:s15+$0x10] =	vst v4  }
0x581: {  	[tilespmem:s15+$0x50] =	vst v2  }
0x582: {  	v2 =	vld [tilespmem:s11+$0x20];
	_ =	sdelay $0x4  }
0x583: {  	v47 =	vshll.u32 v2, $0x10  }
0x584: {  	v2 =	vand.u32 $0xFFFF0000, v2;
	v4 =	vmul.f32 v47, v3  }
0x585: {  	v2 =	vmul.f32 v2, v3  }
0x586: {  	[tilespmem:s15+$0x20] =	vst v4  }
0x587: {  	[tilespmem:s15+$0x60] =	vst v2  }
0x588: {  	s16 =	sadd.s32 $0x5, s12;
	v2 =	vld [tilespmem:s11+$0x30]  }
0x589: {  	v48 =	vmov s16  }
0x58a: {  	v4 =	vshrl.u32 v48, $0x3  }
0x58b: {  	v4 =	vshll.u32 v4, v1  }
0x58c: {  	v4 =	vadd.s32 $0x5, v4  }
0x58d: {  	v4 =	vbroadcast v4, $0x0;
	v49 =	vshll.u32 v2, $0x10  }
0x58e: {  	v2 =	vand.u32 $0xFFFF0000, v2;
	v5 =	vmul.f32 v49, v3  }
0x58f: {  	v2 =	vmul.f32 v2, v3  }
0x590: {  	[tilespmem:s15+$0x30] =	vst v5  }
0x591: {  	[tilespmem:s15+$0x70] =	vst v2  }
0x592: {  	v2 =	vld [tilespmem:s11+$0x40]  }
0x593: {  	v3 =	vld.idx.msk [tilespmem:v4+s9+$0x0], $0xffff;
	_ =	sdelay $0x3  }
0x594: {  	v50 =	vshll.u32 v2, $0x10  }
0x595: {  	v2 =	vand.u32 $0xFFFF0000, v2;
	v4 =	vmul.f32 v50, v3  }
0x596: {  	v2 =	vmul.f32 v2, v3  }
0x597: {  	[tilespmem:s15+$0x80] =	vst v4  }
0x598: {  	[tilespmem:s15+$0xC0] =	vst v2  }
0x599: {  	v2 =	vld [tilespmem:s11+$0x50];
	_ =	sdelay $0x4  }
0x59a: {  	v51 =	vshll.u32 v2, $0x10  }
0x59b: {  	v2 =	vand.u32 $0xFFFF0000, v2;
	v4 =	vmul.f32 v51, v3  }
0x59c: {  	v2 =	vmul.f32 v2, v3  }
0x59d: {  	[tilespmem:s15+$0x90] =	vst v4  }
0x59e: {  	[tilespmem:s15+$0xD0] =	vst v2  }
0x59f: {  	v2 =	vld [tilespmem:s11+$0x60];
	_ =	sdelay $0x4  }
0x5a0: {  	v52 =	vshll.u32 v2, $0x10  }
0x5a1: {  	v2 =	vand.u32 $0xFFFF0000, v2;
	v4 =	vmul.f32 v52, v3  }
0x5a2: {  	v2 =	vmul.f32 v2, v3  }
0x5a3: {  	[tilespmem:s15+$0xA0] =	vst v4  }
0x5a4: {  	[tilespmem:s15+$0xE0] =	vst v2  }
0x5a5: {  	s28 =	sadd.s32 $0x6, s12;
	v2 =	vld [tilespmem:s11+$0x70]  }
0x5a6: {  	v53 =	vmov s28  }
0x5a7: {  	v4 =	vshrl.u32 v53, $0x3  }
0x5a8: {  	v4 =	vshll.u32 v4, v1  }
0x5a9: {  	v4 =	vadd.s32 $0x6, v4  }
0x5aa: {  	v4 =	vbroadcast v4, $0x0;
	v54 =	vshll.u32 v2, $0x10  }
0x5ab: {  	v2 =	vand.u32 $0xFFFF0000, v2;
	v5 =	vmul.f32 v54, v3  }
0x5ac: {  	v2 =	vmul.f32 v2, v3  }
0x5ad: {  	[tilespmem:s15+$0xB0] =	vst v5  }
0x5ae: {  	[tilespmem:s15+$0xF0] =	vst v2  }
0x5af: {  	v2 =	vld [tilespmem:s11+$0x80]  }
0x5b0: {  	v3 =	vld.idx.msk [tilespmem:v4+s9+$0x0], $0xffff;
	_ =	sdelay $0x3  }
0x5b1: {  	v55 =	vshll.u32 v2, $0x10  }
0x5b2: {  	v2 =	vand.u32 $0xFFFF0000, v2;
	v4 =	vmul.f32 v55, v3  }
0x5b3: {  	v2 =	vmul.f32 v2, v3  }
0x5b4: {  	[tilespmem:s15+$0x100] =	vst v4  }
0x5b5: {  	[tilespmem:s15+$0x140] =	vst v2  }
0x5b6: {  	v2 =	vld [tilespmem:s11+$0x90];
	_ =	sdelay $0x4  }
0x5b7: {  	v56 =	vshll.u32 v2, $0x10  }
0x5b8: {  	v2 =	vand.u32 $0xFFFF0000, v2;
	v4 =	vmul.f32 v56, v3  }
0x5b9: {  	v2 =	vmul.f32 v2, v3  }
0x5ba: {  	[tilespmem:s15+$0x110] =	vst v4  }
0x5bb: {  	[tilespmem:s15+$0x150] =	vst v2  }
0x5bc: {  	v2 =	vld [tilespmem:s11+$0xA0];
	_ =	sdelay $0x4  }
0x5bd: {  	v57 =	vshll.u32 v2, $0x10  }
0x5be: {  	v2 =	vand.u32 $0xFFFF0000, v2;
	v4 =	vmul.f32 v57, v3  }
0x5bf: {  	v2 =	vmul.f32 v2, v3  }
0x5c0: {  	[tilespmem:s15+$0x120] =	vst v4  }
0x5c1: {  	[tilespmem:s15+$0x160] =	vst v2  }
0x5c2: {  	s31 =	sadd.s32 $0x7, s12;
	v2 =	vld [tilespmem:s11+$0xB0]  }
0x5c3: {  	v58 =	vmov s31  }
0x5c4: {  	v4 =	vshrl.u32 v58, $0x3  }
0x5c5: {  	v4 =	vshll.u32 v4, v1  }
0x5c6: {  	v4 =	vadd.s32 $0x7, v4  }
0x5c7: {  	v4 =	vbroadcast v4, $0x0;
	v59 =	vshll.u32 v2, $0x10  }
0x5c8: {  	v2 =	vand.u32 $0xFFFF0000, v2;
	v5 =	vmul.f32 v59, v3  }
0x5c9: {  	v2 =	vmul.f32 v2, v3  }
0x5ca: {  	[tilespmem:s15+$0x130] =	vst v5  }
0x5cb: {  	[tilespmem:s15+$0x170] =	vst v2  }
0x5cc: {  	v2 =	vld [tilespmem:s11+$0xC0]  }
0x5cd: {  	v3 =	vld.idx.msk [tilespmem:v4+s9+$0x0], $0xffff;
	_ =	sdelay $0x3  }
0x5ce: {  	v60 =	vshll.u32 v2, $0x10  }
0x5cf: {  	v2 =	vand.u32 $0xFFFF0000, v2;
	v4 =	vmul.f32 v60, v3  }
0x5d0: {  	v2 =	vmul.f32 v2, v3  }
0x5d1: {  	[tilespmem:s15+$0x180] =	vst v4  }
0x5d2: {  	[tilespmem:s15+$0x1C0] =	vst v2  }
0x5d3: {  	v2 =	vld [tilespmem:s11+$0xD0];
	_ =	sdelay $0x4  }
0x5d4: {  	v61 =	vshll.u32 v2, $0x10  }
0x5d5: {  	v2 =	vand.u32 $0xFFFF0000, v2;
	v4 =	vmul.f32 v61, v3  }
0x5d6: {  	v2 =	vmul.f32 v2, v3  }
0x5d7: {  	[tilespmem:s15+$0x190] =	vst v4  }
0x5d8: {  	[tilespmem:s15+$0x1D0] =	vst v2  }
0x5d9: {  	v2 =	vld [tilespmem:s11+$0xE0];
	_ =	sdelay $0x4  }
0x5da: {  	v62 =	vshll.u32 v2, $0x10  }
0x5db: {  	v2 =	vand.u32 $0xFFFF0000, v2;
	v4 =	vmul.f32 v62, v3  }
0x5dc: {  	v2 =	vmul.f32 v2, v3  }
0x5dd: {  	[tilespmem:s15+$0x1A0] =	vst v4  }
0x5de: {  	[tilespmem:s15+$0x1E0] =	vst v2  }
0x5df: {  	v2 =	vld [tilespmem:s11+$0xF0];
	_ =	sdelay $0x3  }
0x5e0: {  	p1 =	slt.u32 s12, $0x58  }
.Ltmp5:
0x5e1: {  	v63 =	vshll.u32 v2, $0x10;
	(pc) =	sbr.rel @p1 .LBB2_12-.Ltmp5, $4  }
0x5e2: {  	v2 =	vand.u32 $0xFFFF0000, v2;
	v4 =	vmul.f32 v63, v3  }
0x5e3: {  	v2 =	vmul.f32 v2, v3  }
0x5e4: {  	[tilespmem:s15+$0x1B0] =	vst v4  }
0x5e5: {  	s12 =	sadd.s32 $0x8, s12;
	s11 =	sadd.s32 $0x200, s11;
	[tilespmem:s15+$0x1F0] =	vst v2;
	s15 =	sadd.s32 $0x400, s15  }
0x5e6: {  	[spmem:s4] =	stream.indirect.scatter.add.f32 [tilespmem:s9], [sflag:$0x6], $0x1, s29, s26, $0xb8;
	[tilespmem:$0x1F310] =	vst v63  }
0x5e7: {  	_ = 	snop  }
0x5e8: {  	[spmem:s3] =	stream.indirect.scatter.add.f32 [tilespmem:s18], [sflag:$0x7], $0x80, s29, s26, $0xb8;
	[tilespmem:$0x1F310] =	vst v63  }
0x5e9: {  	_ =	swait.ge [sflag:s1], $0x3000  }
0x5ea: {  	[sflag:s1] =	ssyncset.done $0x0  }
0x5eb: {  	[sflag:s1] =	ssyncadd.s32 $0xFFFFD000  }
0x5ec: {  	_ =	swait.ge [sflag:s10], $0x60  }
0x5ed: {  	[sflag:s10] =	ssyncset.done $0x0  }
0x5ee: {  	[sflag:s10] =	ssyncadd.s32 $0xFFFFFFA0  }
0x5ef: {  	[bflag:$0x0] =	sbarrier.arrive $0xFFFF  }
0x5f0: {  	s11 =	rddreg [dreg:$0xb]  }
0x5f1: {  	s0 =	simm.s32 @p0 $0x1FC3;
	s12 =	rddreg [dreg:$0x1e]  }
0x5f2: {  	[hbm:s11], [sflag:s0] =	dma.local @p0 [spmem:s12], $0x1900  }
0x5f3: {  	s11 =	rddreg [dreg:$0xc]  }
0x5f4: {  	s0 =	simm.s32 @p0 $0x1FC4;
	s12 =	rddreg [dreg:$0x1f]  }
0x5f5: {  	[hbm:s11], [sflag:s0] =	dma.local @p0 [spmem:s12], $0x32  }
0x5f6: {  	s0 =	simm.s32 @p0 $0x3  }
0x5f7: {  	_ =	swait.ge @p0 [sflag:s0], $0x1900  }
0x5f8: {  	[sflag:s0] =	ssyncset.done @p0 $0x0  }
0x5f9: {  	[sflag:s0] =	ssyncadd.s32 @p0 $0xFFFFE700;
	s0 =	simm.s32 @p0 $0x4  }
0x5fa: {  	_ =	swait.ge @p0 [sflag:s0], $0x32  }
0x5fb: {  	s11 =	stileid.u32;
	s15 =	sld [smem:$0x7FC]  }
0x5fc: {  	s11 =	sshll.u32 @!p0 s11, $0x6;
	[sflag:s0] =	ssyncset.done @p0 $0x0  }
0x5fd: {  	s12 =	rddreg [dreg:$0x9];
	[sflag:s0] =	ssyncadd.s32 @p0 $0xFFFFFFCE;
	s0 =	sor.u32 @!p0 $0x1C03, s11  }
0x5fe: {  	[hbm:s12], [sflag:s0] =	dma.local @!p0 [spmem:s15], $0x2800  }
0x5ff: {  	s15 =	rddreg [dreg:$0x18]  }
0x600: {  	s0 =	sor.u32 @!p0 $0x1C04, s11;
	s12 =	rddreg [dreg:$0xa];
	s11 =	sshrl.u32 @!p0 s15, $0x3  }
0x601: {  	[hbm:s12], [sflag:s0] =	dma.local @!p0 [spmem:s11], $0x50  }
0x602: {  	s0 =	simm.s32 @!p0 $0x3  }
0x603: {  	_ =	swait.ge @!p0 [sflag:s0], $0x2800  }
0x604: {  	[sflag:s0] =	ssyncset.done @!p0 $0x0  }
0x605: {  	[sflag:s0] =	ssyncadd.s32 @!p0 $0xFFFFD800;
	s0 =	simm.s32 @!p0 $0x4  }
0x606: {  	_ =	swait.ge @!p0 [sflag:s0], $0x50  }
0x607: {  	s28 =	sld [smem:$0x7FB];
	_ =	sdelay $0x2  }
0x608: {  	s31 =	rddreg [dreg:$0xd];
	s12 =	sadd.s32 $0x1, s28  }
0x609: {  	p1 =	sne.s32 s12, s31  }
.Ltmp6:
0x60a: {  	_ = 	snop;
	(pc) =	sbr.rel @p1 .LBB2_1-.Ltmp6, $3  }
0x60b: {  	_ =	sdelay $0x1  }
0x60c: {  	[sflag:s0] =	ssyncset.done @!p0 $0x0  }
0x60d: {  	[sflag:s0] =	ssyncadd.s32 @!p0 $0xFFFFFFB0  }
0x60e: {  	_ =	sfence.sel $0x180000  }
0x60f: {  	[bflag:$0x0] =	sbarrier.arrive $0xFFFF  }
0x610: {  	_ =	strace $0x90000047  }
0x611: {  	s0 =	stileid.u32;
	[bflag:$0x2] =	sbarrier.arrive $0xFFFF  }
0x612: {  	p0 =	sne.s32 s0, $0x0;
	s0 =	rddreg [dreg:$0x4]  }
0x613: {  	s0 =	sadd.s32 @!p0 $0x100000, s0  }
0x614: {  	[sflag:s0] =	ssyncadd.tile.s32 @!p0 $0x1;
	_ =	shalt  }
.Lfunc_end2:
_tile_overlayer_lowered:
.L_overlay_start_2:
0x615: {  	(tag) =	ssettag $0x2  }
0x616: {  	s0 =	rddreg [dreg:$0x0];
	s2 =	stileid.u32  }
0x617: {  	s1 =	rddreg [dreg:$0x1];
	p0 =	sne.s32 s2, $0x0  }
0x618: {  	s3 =	rddreg [dreg:$0x2];
	[bflag:$0x3] =	sbarrier.arrive $0xFFFF;
	s2 =	simm.s32 @!p0 $0x1C07  }
0x619: {  	[timem:s3], [sflag:s2] =	dma.local @!p0 [hbm:s0], s1  }
0x61a: {  	s0 =	simm.s32 @!p0 $0x7  }
0x61b: {  	_ =	swait.ge @!p0 [sflag:s0], s1  }
0x61c: {  	s1 =	ssub.s32 @!p0 $0x0, s1;
	[sflag:s0] =	ssyncset.done @!p0 $0x0  }
0x61d: {  	[sflag:s0] =	ssyncadd.s32 @!p0 s1  }
0x61e: {  	[bflag:$0x3] =	sbarrier.arrive $0xFFFF  }
0x61f: {  	_ =	shalt  }

</sc_bundles>
